<compile_context>
chip_gen: v7x
topology: tpu7x:2x2x1
jax: 0.10.2.dev20260603
libtpu: 0.0.44.dev20260713+nightly
codegen_flags: <defaults>
</compile_context>

<pallas_src>
import functools

import jax
import jax.numpy as jnp
from jax import lax
from jax.experimental import pallas as pl
from jax.experimental.pallas import tpu as pltpu
from jax.experimental.pallas import tpu_sc as plsc

V = 63
FEAT = 256
D = 64
B = 4096
L = 200

NC = 2
NS = 16
NW = NC * NS
BBLK = B // NW
NBUF = 2
REP = 16


def _table_body(w_ref, sym_ref, b_ref, out_ref):
    out_ref[...] = (
        jax.lax.dot_general(
            w_ref[...],
            sym_ref[...],
            (((0,), (1,)), ((), ())),
            preferred_element_type=jnp.float32,
        )
        + b_ref[...]
    )


def _make_table_t(symbols, W, b):
    sym_pad = jnp.pad(symbols, ((0, 64 - V), (0, 0)))
    return pl.pallas_call(
        _table_body,
        out_shape=jax.ShapeDtypeStruct((D, 64), jnp.float32),
    )(W, sym_pad, b.reshape(D, 1))


def _sc_gather_body(table_hbm, idx_hbm, out_hbm, table_v, idx_v, ob0, ob1, *ws):
    obufs = (ob0, ob1)
    wid = lax.axis_index("s") * NC + lax.axis_index("c")
    pltpu.sync_copy(table_hbm, table_v)
    pltpu.sync_copy(idx_hbm.at[:, wid], idx_v)
    iota = lax.iota(jnp.int32, 16)

    @plsc.parallel_loop(0, L)
    def _(l):
        for bg in range(8):
            sl = pl.ds(bg * 16, 16)
            idx_v[l, sl] = idx_v[l, sl] * REP + iota

    def write_start(li, bslot):
        pltpu.make_async_copy(
            obufs[bslot], out_hbm.at[li, :, wid, :, :], ws[bslot]
        ).start()

    def write_wait(bslot):
        pltpu.make_async_copy(
            obufs[bslot], out_hbm.at[0, :, 0, :, :], ws[bslot]
        ).wait()

    def l_step(lo, carry):
        for bslot in range(NBUF):
            li = lo * NBUF + bslot

            @pl.when(lo >= 1)
            def _():
                write_wait(bslot)

            pbases = [idx_v[li, pl.ds(bg * 16, 16)] for bg in range(8)]

            @plsc.parallel_loop(0, 8)
            def _(tr):
                ptrs = [pb + tr * (8 * D * REP) for pb in pbases]
                for dl in range(8):
                    for bg in range(8):
                        v = plsc.load_gather(
                            table_v, [ptrs[bg] + dl * (D * REP)]
                        )
                        obufs[bslot][tr, dl, pl.ds(bg * 16, 16)] = v

            write_start(li, bslot)
        return carry

    lax.fori_loop(0, L // NBUF, l_step, 0)
    for bslot in range(NBUF):
        write_wait(bslot)


@functools.partial(jax.jit)
def kernel(QR, symbols, W, b):
    table_t = _make_table_t(symbols, W, b).reshape(-1)
    t16 = jnp.repeat(table_t, REP)
    idx = QR.T.reshape(L, NW, BBLK).astype(jnp.int32)
    mesh = plsc.VectorSubcoreMesh(core_axis_name="c", subcore_axis_name="s")
    gather = pl.kernel(
        _sc_gather_body,
        out_type=jax.ShapeDtypeStruct((L, 8, NW, 8, BBLK), jnp.float32),
        mesh=mesh,
        scratch_types=(
            [
                pltpu.VMEM((64 * D * REP,), jnp.float32),
                pltpu.VMEM((L, BBLK), jnp.int32),
                pltpu.VMEM((8, 8, BBLK), jnp.float32),
                pltpu.VMEM((8, 8, BBLK), jnp.float32),
            ]
            + [pltpu.SemaphoreType.DMA] * NBUF
        ),
        compiler_params=pltpu.CompilerParams(needs_layout_passes=False),
    )
    out5 = gather(t16, idx)
    out = (
        out5.transpose(0, 1, 3, 2, 4)
        .reshape(L, D, B)
        .transpose(2, 0, 1)
    )
    return out

# --- scband reference (transcript-rebuilt; emitter-appended) ---
"""Pipeline reference for scband-unifont-module-13305808683693 (READ-ONLY COPY).

The authoritative reference and input builder live on the scoring server;
editing this copy changes nothing except your own understanding.
"""

import jax, jax.numpy as jnp
import numpy as np

V = 63      # len(alphabet)=62 symbols + 1 zero (blank) row inserted at index 0
FEAT = 256  # 16x16 unifont glyph bitmap, flattened
D = 64      # out_dim
B = 4096
L = 200

def setup_inputs(seed: int = 0) -> dict:
    key = jax.random.key(seed)
    k1, k2, k3, k4 = jax.random.split(key, 4)
    # character indices into the symbol table (0 = blank)
    QR = jax.random.randint(k1, (B, L), 0, V)
    # symbols_repr: binary glyph bitmaps (0/1), as loaded from the unifont pickle
    symbols = (jax.random.uniform(k2, (V, FEAT)) > 0.5).astype(jnp.float32)
    symbols = symbols.at[0].set(0.0)  # inserted zero row for blank symbol
    # linear layer params (nn.Linear(256, 64))
    bound = 1.0 / np.sqrt(FEAT)
    W = jax.random.uniform(k3, (FEAT, D), minval=-bound, maxval=bound, dtype=jnp.float32)
    b = jax.random.uniform(k4, (D,), minval=-bound, maxval=bound, dtype=jnp.float32)
    return {"QR": QR, "symbols": symbols, "W": W, "b": b}

def reference(QR, symbols, W, b):
    # forward: self.linear(self.symbols_repr[QR])
    emb = jnp.take(symbols, QR, axis=0)        # [B, L, 256] gather
    out = jnp.matmul(emb, W) + b               # [B, L, 64]
    return out

if __name__ == "__main__":
    import jax
    _d = setup_inputs()
    print(jax.jit(kernel)(*tuple(_d.values())))

</pallas_src>

<mosaic_0001>
#map = affine_map<(d0, d1) -> (0)>
#map1 = affine_map<(d0, d1) -> (0, 0, 0)>
#map2 = affine_map<(d0, d1) -> (0, 0, 0, 0, 0)>
module attributes {stable_mosaic.version = 14 : i64} {
  func.func @_sc_gather_body(%arg0: i32, %arg1: i32, %arg2: memref<65536xf32, #tpu.memory_space<hbm>>, %arg3: memref<200x32x128xi32, #tpu.memory_space<hbm>>, %arg4: memref<200x8x32x8x128xf32, #tpu.memory_space<hbm>>, %arg5: memref<65536xf32, #tpu.memory_space<vmem>>, %arg6: memref<200x128xi32, #tpu.memory_space<vmem>>, %arg7: memref<8x8x128xf32, #tpu.memory_space<vmem>>, %arg8: memref<8x8x128xf32, #tpu.memory_space<vmem>>, %arg9: memref<!tpu.dma_semaphore, #tpu.memory_space<semaphore_mem>>, %arg10: memref<!tpu.dma_semaphore, #tpu.memory_space<semaphore_mem>>) attributes {dimension_semantics = [#tpu.dimension_semantics<core_parallel>, #tpu.dimension_semantics<subcore_parallel>], iteration_bounds = array<i64: 2, 16>, scalar_prefetch = 0 : i64, scratch_operands = 6 : i64, tpu.core_type = #tpu.core_type<sc_vector_subcore>, window_params = [{transform_indices = #map}, {transform_indices = #map1}, {transform_indices = #map2}]} {
    %mul3A = arith.constant 2 : i32
    %mul3A_0 = arith.muli %arg1, %mul3A : i32
    %add3A = arith.addi %mul3A_0, %arg0 : i32
    "tpu.region"() ({
      %run_scoped3A = tpu.sem_alloc : memref<!tpu.dma_semaphore, #tpu.memory_space<semaphore_mem>>
      tpu.enqueue_dma source(%arg2 : memref<65536xf32, #tpu.memory_space<hbm>>) target(%arg5 : memref<65536xf32, #tpu.memory_space<vmem>>) target_semaphore(%run_scoped3A : memref<!tpu.dma_semaphore, #tpu.memory_space<semaphore_mem>>)
      tpu.wait_dma2 semaphore(%run_scoped3A : memref<!tpu.dma_semaphore, #tpu.memory_space<semaphore_mem>>) src(%arg2 : memref<65536xf32, #tpu.memory_space<hbm>>) dst(%arg5 : memref<65536xf32, #tpu.memory_space<vmem>>)
      tpu.yield
    }) : () -> ()
    "tpu.region"() ({
      %run_scoped3A = tpu.sem_alloc : memref<!tpu.dma_semaphore, #tpu.memory_space<semaphore_mem>>
      %dma_start3A = arith.constant 0 : i32
      %dma_start3A_31 = arith.constant 0 : i32
      %dma_start3A_32 = tpu.memref_slice %arg3[%dma_start3A, %add3A, %dma_start3A_31] : memref<200x32x128xi32, #tpu.memory_space<hbm>> -> memref<200x1x128xi32, #tpu.memory_space<hbm>>
      %dma_start3A_33 = tpu.memref_squeeze %dma_start3A_32 : memref<200x1x128xi32, #tpu.memory_space<hbm>> -> memref<200x128xi32, #tpu.memory_space<hbm>>
      %dma_start3A_34 = arith.constant 0 : i32
      %dma_start3A_35 = arith.constant 0 : i32
      %dma_start3A_36 = tpu.memref_slice %arg3[%dma_start3A_34, %add3A, %dma_start3A_35] : memref<200x32x128xi32, #tpu.memory_space<hbm>> -> memref<200x1x128xi32, #tpu.memory_space<hbm>>
      %dma_start3A_37 = tpu.memref_squeeze %dma_start3A_36 : memref<200x1x128xi32, #tpu.memory_space<hbm>> -> memref<200x128xi32, #tpu.memory_space<hbm>>
      tpu.enqueue_dma source(%dma_start3A_37 : memref<200x128xi32, #tpu.memory_space<hbm>>) target(%arg6 : memref<200x128xi32, #tpu.memory_space<vmem>>) target_semaphore(%run_scoped3A : memref<!tpu.dma_semaphore, #tpu.memory_space<semaphore_mem>>)
      %dma_wait3A_38 = arith.constant 0 : i32
      %dma_wait3A_39 = arith.constant 0 : i32
      %dma_wait3A_40 = tpu.memref_slice %arg3[%dma_wait3A_38, %add3A, %dma_wait3A_39] : memref<200x32x128xi32, #tpu.memory_space<hbm>> -> memref<200x1x128xi32, #tpu.memory_space<hbm>>
      %dma_wait3A_41 = tpu.memref_squeeze %dma_wait3A_40 : memref<200x1x128xi32, #tpu.memory_space<hbm>> -> memref<200x128xi32, #tpu.memory_space<hbm>>
      %dma_wait3A_42 = arith.constant 0 : i32
      %dma_wait3A_43 = arith.constant 0 : i32
      %dma_wait3A_44 = tpu.memref_slice %arg3[%dma_wait3A_42, %add3A, %dma_wait3A_43] : memref<200x32x128xi32, #tpu.memory_space<hbm>> -> memref<200x1x128xi32, #tpu.memory_space<hbm>>
      %dma_wait3A_45 = tpu.memref_squeeze %dma_wait3A_44 : memref<200x1x128xi32, #tpu.memory_space<hbm>> -> memref<200x128xi32, #tpu.memory_space<hbm>>
      tpu.wait_dma2 semaphore(%run_scoped3A : memref<!tpu.dma_semaphore, #tpu.memory_space<semaphore_mem>>) src(%dma_wait3A_45 : memref<200x128xi32, #tpu.memory_space<hbm>>) dst(%arg6 : memref<200x128xi32, #tpu.memory_space<vmem>>)
      tpu.yield
    }) : () -> ()
    %iota3A = tpu.iota {dimensions = array<i32: 0>} : vector<16xi32>
    %parallel_loop3A = arith.constant 0 : i32
    %parallel_loop3A_1 = arith.constant 200 : i32
    %parallel_loop3A_2 = arith.constant 1 : i32
    scf.for %parallel_loop3A_31 = %parallel_loop3A to %parallel_loop3A_1 step %parallel_loop3A_2  : i32 {
      %parallel_loop3A_32 = arith.index_cast %parallel_loop3A_31 : i32 to index
      %parallel_loop3A_33 = arith.constant 0 : index
      %parallel_loop3A_34 = tpu.vector_load %arg6[%parallel_loop3A_32, %parallel_loop3A_33] {strides = array<i32>} : memref<200x128xi32, #tpu.memory_space<vmem>>, vector<16xi32>,
      %parallel_loop3A_35 = arith.constant 16 : i32
      %parallel_loop3A_36 = vector.broadcast %parallel_loop3A_35 : i32 to vector<16xi32>
      %parallel_loop3A_37 = arith.muli %parallel_loop3A_34, %parallel_loop3A_36 : vector<16xi32>
      %parallel_loop3A_38 = arith.addi %parallel_loop3A_37, %iota3A : vector<16xi32>
      %parallel_loop3A_39 = arith.index_cast %parallel_loop3A_31 : i32 to index
      %parallel_loop3A_40 = arith.constant 0 : index
      %parallel_loop3A_41 = tpu.vector_load %arg6[%parallel_loop3A_39, %parallel_loop3A_40] {strides = array<i32>} : memref<200x128xi32, #tpu.memory_space<vmem>>, vector<16xi32>,
      tpu.vector_store %arg6[%parallel_loop3A_39, %parallel_loop3A_40], %parallel_loop3A_38 {strides = array<i32>} : memref<200x128xi32, #tpu.memory_space<vmem>>, vector<16xi32>,
      %parallel_loop3A_42 = arith.index_cast %parallel_loop3A_31 : i32 to index
      %parallel_loop3A_43 = arith.constant 16 : index
      %parallel_loop3A_44 = tpu.vector_load %arg6[%parallel_loop3A_42, %parallel_loop3A_43] {strides = array<i32>} : memref<200x128xi32, #tpu.memory_space<vmem>>, vector<16xi32>,
      %parallel_loop3A_45 = arith.constant 16 : i32
      %parallel_loop3A_46 = vector.broadcast %parallel_loop3A_45 : i32 to vector<16xi32>
      %parallel_loop3A_47 = arith.muli %parallel_loop3A_44, %parallel_loop3A_46 : vector<16xi32>
      %parallel_loop3A_48 = arith.addi %parallel_loop3A_47, %iota3A : vector<16xi32>
      %parallel_loop3A_49 = arith.index_cast %parallel_loop3A_31 : i32 to index
      %parallel_loop3A_50 = arith.constant 16 : index
      %parallel_loop3A_51 = tpu.vector_load %arg6[%parallel_loop3A_49, %parallel_loop3A_50] {strides = array<i32>} : memref<200x128xi32, #tpu.memory_space<vmem>>, vector<16xi32>,
      tpu.vector_store %arg6[%parallel_loop3A_49, %parallel_loop3A_50], %parallel_loop3A_48 {strides = array<i32>} : memref<200x128xi32, #tpu.memory_space<vmem>>, vector<16xi32>,
      %parallel_loop3A_52 = arith.index_cast %parallel_loop3A_31 : i32 to index
      %parallel_loop3A_53 = arith.constant 32 : index
      %parallel_loop3A_54 = tpu.vector_load %arg6[%parallel_loop3A_52, %parallel_loop3A_53] {strides = array<i32>} : memref<200x128xi32, #tpu.memory_space<vmem>>, vector<16xi32>,
      %parallel_loop3A_55 = arith.constant 16 : i32
      %parallel_loop3A_56 = vector.broadcast %parallel_loop3A_55 : i32 to vector<16xi32>
      %parallel_loop3A_57 = arith.muli %parallel_loop3A_54, %parallel_loop3A_56 : vector<16xi32>
      %parallel_loop3A_58 = arith.addi %parallel_loop3A_57, %iota3A : vector<16xi32>
      %parallel_loop3A_59 = arith.index_cast %parallel_loop3A_31 : i32 to index
      %parallel_loop3A_60 = arith.constant 32 : index
      %parallel_loop3A_61 = tpu.vector_load %arg6[%parallel_loop3A_59, %parallel_loop3A_60] {strides = array<i32>} : memref<200x128xi32, #tpu.memory_space<vmem>>, vector<16xi32>,
      tpu.vector_store %arg6[%parallel_loop3A_59, %parallel_loop3A_60], %parallel_loop3A_58 {strides = array<i32>} : memref<200x128xi32, #tpu.memory_space<vmem>>, vector<16xi32>,
      %parallel_loop3A_62 = arith.index_cast %parallel_loop3A_31 : i32 to index
      %parallel_loop3A_63 = arith.constant 48 : index
      %parallel_loop3A_64 = tpu.vector_load %arg6[%parallel_loop3A_62, %parallel_loop3A_63] {strides = array<i32>} : memref<200x128xi32, #tpu.memory_space<vmem>>, vector<16xi32>,
      %parallel_loop3A_65 = arith.constant 16 : i32
      %parallel_loop3A_66 = vector.broadcast %parallel_loop3A_65 : i32 to vector<16xi32>
      %parallel_loop3A_67 = arith.muli %parallel_loop3A_64, %parallel_loop3A_66 : vector<16xi32>
      %parallel_loop3A_68 = arith.addi %parallel_loop3A_67, %iota3A : vector<16xi32>
      %parallel_loop3A_69 = arith.index_cast %parallel_loop3A_31 : i32 to index
      %parallel_loop3A_70 = arith.constant 48 : index
      %parallel_loop3A_71 = tpu.vector_load %arg6[%parallel_loop3A_69, %parallel_loop3A_70] {strides = array<i32>} : memref<200x128xi32, #tpu.memory_space<vmem>>, vector<16xi32>,
      tpu.vector_store %arg6[%parallel_loop3A_69, %parallel_loop3A_70], %parallel_loop3A_68 {strides = array<i32>} : memref<200x128xi32, #tpu.memory_space<vmem>>, vector<16xi32>,
      %parallel_loop3A_72 = arith.index_cast %parallel_loop3A_31 : i32 to index
      %parallel_loop3A_73 = arith.constant 64 : index
      %parallel_loop3A_74 = tpu.vector_load %arg6[%parallel_loop3A_72, %parallel_loop3A_73] {strides = array<i32>} : memref<200x128xi32, #tpu.memory_space<vmem>>, vector<16xi32>,
      %parallel_loop3A_75 = arith.constant 16 : i32
      %parallel_loop3A_76 = vector.broadcast %parallel_loop3A_75 : i32 to vector<16xi32>
      %parallel_loop3A_77 = arith.muli %parallel_loop3A_74, %parallel_loop3A_76 : vector<16xi32>
      %parallel_loop3A_78 = arith.addi %parallel_loop3A_77, %iota3A : vector<16xi32>
      %parallel_loop3A_79 = arith.index_cast %parallel_loop3A_31 : i32 to index
      %parallel_loop3A_80 = arith.constant 64 : index
      %parallel_loop3A_81 = tpu.vector_load %arg6[%parallel_loop3A_79, %parallel_loop3A_80] {strides = array<i32>} : memref<200x128xi32, #tpu.memory_space<vmem>>, vector<16xi32>,
      tpu.vector_store %arg6[%parallel_loop3A_79, %parallel_loop3A_80], %parallel_loop3A_78 {strides = array<i32>} : memref<200x128xi32, #tpu.memory_space<vmem>>, vector<16xi32>,
      %parallel_loop3A_82 = arith.index_cast %parallel_loop3A_31 : i32 to index
      %parallel_loop3A_83 = arith.constant 80 : index
      %parallel_loop3A_84 = tpu.vector_load %arg6[%parallel_loop3A_82, %parallel_loop3A_83] {strides = array<i32>} : memref<200x128xi32, #tpu.memory_space<vmem>>, vector<16xi32>,
      %parallel_loop3A_85 = arith.constant 16 : i32
      %parallel_loop3A_86 = vector.broadcast %parallel_loop3A_85 : i32 to vector<16xi32>
      %parallel_loop3A_87 = arith.muli %parallel_loop3A_84, %parallel_loop3A_86 : vector<16xi32>
      %parallel_loop3A_88 = arith.addi %parallel_loop3A_87, %iota3A : vector<16xi32>
      %parallel_loop3A_89 = arith.index_cast %parallel_loop3A_31 : i32 to index
      %parallel_loop3A_90 = arith.constant 80 : index
      %parallel_loop3A_91 = tpu.vector_load %arg6[%parallel_loop3A_89, %parallel_loop3A_90] {strides = array<i32>} : memref<200x128xi32, #tpu.memory_space<vmem>>, vector<16xi32>,
      tpu.vector_store %arg6[%parallel_loop3A_89, %parallel_loop3A_90], %parallel_loop3A_88 {strides = array<i32>} : memref<200x128xi32, #tpu.memory_space<vmem>>, vector<16xi32>,
      %parallel_loop3A_92 = arith.index_cast %parallel_loop3A_31 : i32 to index
      %parallel_loop3A_93 = arith.constant 96 : index
      %parallel_loop3A_94 = tpu.vector_load %arg6[%parallel_loop3A_92, %parallel_loop3A_93] {strides = array<i32>} : memref<200x128xi32, #tpu.memory_space<vmem>>, vector<16xi32>,
      %parallel_loop3A_95 = arith.constant 16 : i32
      %parallel_loop3A_96 = vector.broadcast %parallel_loop3A_95 : i32 to vector<16xi32>
      %parallel_loop3A_97 = arith.muli %parallel_loop3A_94, %parallel_loop3A_96 : vector<16xi32>
      %parallel_loop3A_98 = arith.addi %parallel_loop3A_97, %iota3A : vector<16xi32>
      %parallel_loop3A_99 = arith.index_cast %parallel_loop3A_31 : i32 to index
      %parallel_loop3A_100 = arith.constant 96 : index
      %parallel_loop3A_101 = tpu.vector_load %arg6[%parallel_loop3A_99, %parallel_loop3A_100] {strides = array<i32>} : memref<200x128xi32, #tpu.memory_space<vmem>>, vector<16xi32>,
      tpu.vector_store %arg6[%parallel_loop3A_99, %parallel_loop3A_100], %parallel_loop3A_98 {strides = array<i32>} : memref<200x128xi32, #tpu.memory_space<vmem>>, vector<16xi32>,
      %parallel_loop3A_102 = arith.index_cast %parallel_loop3A_31 : i32 to index
      %parallel_loop3A_103 = arith.constant 112 : index
      %parallel_loop3A_104 = tpu.vector_load %arg6[%parallel_loop3A_102, %parallel_loop3A_103] {strides = array<i32>} : memref<200x128xi32, #tpu.memory_space<vmem>>, vector<16xi32>,
      %parallel_loop3A_105 = arith.constant 16 : i32
      %parallel_loop3A_106 = vector.broadcast %parallel_loop3A_105 : i32 to vector<16xi32>
      %parallel_loop3A_107 = arith.muli %parallel_loop3A_104, %parallel_loop3A_106 : vector<16xi32>
      %parallel_loop3A_108 = arith.addi %parallel_loop3A_107, %iota3A : vector<16xi32>
      %parallel_loop3A_109 = arith.index_cast %parallel_loop3A_31 : i32 to index
      %parallel_loop3A_110 = arith.constant 112 : index
      %parallel_loop3A_111 = tpu.vector_load %arg6[%parallel_loop3A_109, %parallel_loop3A_110] {strides = array<i32>} : memref<200x128xi32, #tpu.memory_space<vmem>>, vector<16xi32>,
      tpu.vector_store %arg6[%parallel_loop3A_109, %parallel_loop3A_110], %parallel_loop3A_108 {strides = array<i32>} : memref<200x128xi32, #tpu.memory_space<vmem>>, vector<16xi32>,
    } {sc.loop_unroll_factor = 1 : i64, sc.parallel_access}
    %scan3A = arith.constant 0 : i32
    %scan3A_3 = arith.constant 0 : i32
    %scan3A_4 = arith.constant 100 : i32
    %scan3A_5 = arith.addi %scan3A_3, %scan3A_4 : i32
    %scan3A_6 = arith.constant 1 : i32
    scf.for %scan3A_31 = %scan3A_3 to %scan3A_5 step %scan3A_6  : i32 {
      %mul3A_32 = arith.constant 2 : i32
      %mul3A_33 = arith.muli %scan3A_31, %mul3A_32 : i32
      %add3A_34 = arith.constant 0 : i32
      %add3A_35 = arith.addi %mul3A_33, %add3A_34 : i32
      %ge3A = arith.constant 1 : i32
      %ge3A_36 = arith.cmpi sge, %scan3A_31, %ge3A : i32
      %convert_element_type3A = arith.extui %ge3A_36 : i1 to i32
      %cond3A = arith.constant 0 : i32
      %cond3A_37 = arith.cmpi ne, %convert_element_type3A, %cond3A : i32
      scf.if %cond3A_37 {
        %dma_wait3A_119 = arith.constant 0 : i32
        %dma_wait3A_120 = arith.constant 0 : i32
        %dma_wait3A_121 = arith.constant 0 : i32
        %dma_wait3A_122 = arith.constant 0 : i32
        %dma_wait3A_123 = arith.constant 0 : i32
        %dma_wait3A_124 = tpu.memref_slice %arg4[%dma_wait3A_119, %dma_wait3A_121, %dma_wait3A_120, %dma_wait3A_122, %dma_wait3A_123] : memref<200x8x32x8x128xf32, #tpu.memory_space<hbm>> -> memref<1x8x1x8x128xf32, #tpu.memory_space<hbm>>
        %dma_wait3A_125 = tpu.memref_squeeze %dma_wait3A_124 : memref<1x8x1x8x128xf32, #tpu.memory_space<hbm>> -> memref<8x8x128xf32, #tpu.memory_space<hbm>>
        %dma_wait3A_126 = arith.constant 0 : i32
        %dma_wait3A_127 = arith.constant 0 : i32
        %dma_wait3A_128 = arith.constant 0 : i32
        %dma_wait3A_129 = tpu.memref_slice %arg4[%dma_wait3A_119, %dma_wait3A_126, %dma_wait3A_120, %dma_wait3A_127, %dma_wait3A_128] : memref<200x8x32x8x128xf32, #tpu.memory_space<hbm>> -> memref<1x8x1x8x128xf32, #tpu.memory_space<hbm>>
        %dma_wait3A_130 = tpu.memref_squeeze %dma_wait3A_129 : memref<1x8x1x8x128xf32, #tpu.memory_space<hbm>> -> memref<8x8x128xf32, #tpu.memory_space<hbm>>
        tpu.wait_dma2 semaphore(%arg9 : memref<!tpu.dma_semaphore, #tpu.memory_space<semaphore_mem>>) src(%arg7 : memref<8x8x128xf32, #tpu.memory_space<vmem>>) dst(%dma_wait3A_130 : memref<8x8x128xf32, #tpu.memory_space<hbm>>)
      } else {
      }
      %get3A = arith.index_cast %add3A_35 : i32 to index
      %get3A_38 = arith.constant 0 : index
      %get3A_39 = tpu.vector_load %arg6[%get3A, %get3A_38] {strides = array<i32>} : memref<200x128xi32, #tpu.memory_space<vmem>>, vector<16xi32>,
      %get3A_40 = arith.index_cast %add3A_35 : i32 to index
      %get3A_41 = arith.constant 16 : index
      %get3A_42 = tpu.vector_load %arg6[%get3A_40, %get3A_41] {strides = array<i32>} : memref<200x128xi32, #tpu.memory_space<vmem>>, vector<16xi32>,
      %get3A_43 = arith.index_cast %add3A_35 : i32 to index
      %get3A_44 = arith.constant 32 : index
      %get3A_45 = tpu.vector_load %arg6[%get3A_43, %get3A_44] {strides = array<i32>} : memref<200x128xi32, #tpu.memory_space<vmem>>, vector<16xi32>,
      %get3A_46 = arith.index_cast %add3A_35 : i32 to index
      %get3A_47 = arith.constant 48 : index
      %get3A_48 = tpu.vector_load %arg6[%get3A_46, %get3A_47] {strides = array<i32>} : memref<200x128xi32, #tpu.memory_space<vmem>>, vector<16xi32>,
      %get3A_49 = arith.index_cast %add3A_35 : i32 to index
      %get3A_50 = arith.constant 64 : index
      %get3A_51 = tpu.vector_load %arg6[%get3A_49, %get3A_50] {strides = array<i32>} : memref<200x128xi32, #tpu.memory_space<vmem>>, vector<16xi32>,
      %get3A_52 = arith.index_cast %add3A_35 : i32 to index
      %get3A_53 = arith.constant 80 : index
      %get3A_54 = tpu.vector_load %arg6[%get3A_52, %get3A_53] {strides = array<i32>} : memref<200x128xi32, #tpu.memory_space<vmem>>, vector<16xi32>,
      %get3A_55 = arith.index_cast %add3A_35 : i32 to index
      %get3A_56 = arith.constant 96 : index
      %get3A_57 = tpu.vector_load %arg6[%get3A_55, %get3A_56] {strides = array<i32>} : memref<200x128xi32, #tpu.memory_space<vmem>>, vector<16xi32>,
      %get3A_58 = arith.index_cast %add3A_35 : i32 to index
      %get3A_59 = arith.constant 112 : index
      %get3A_60 = tpu.vector_load %arg6[%get3A_58, %get3A_59] {strides = array<i32>} : memref<200x128xi32, #tpu.memory_space<vmem>>, vector<16xi32>,
      %parallel_loop3A_61 = arith.constant 0 : i32
      %parallel_loop3A_62 = arith.constant 8 : i32
      %parallel_loop3A_63 = arith.constant 1 : i32
      scf.for %parallel_loop3A_119 = %parallel_loop3A_61 to %parallel_loop3A_62 step %parallel_loop3A_63  : i32 {
        %parallel_loop3A_120 = arith.constant 8192 : i32
        %parallel_loop3A_121 = arith.muli %parallel_loop3A_119, %parallel_loop3A_120 : i32
        %parallel_loop3A_122 = vector.broadcast %parallel_loop3A_121 : i32 to vector<16xi32>
        %parallel_loop3A_123 = arith.addi %get3A_39, %parallel_loop3A_122 : vector<16xi32>
        %parallel_loop3A_124 = arith.constant 8192 : i32
        %parallel_loop3A_125 = arith.muli %parallel_loop3A_119, %parallel_loop3A_124 : i32
        %parallel_loop3A_126 = vector.broadcast %parallel_loop3A_125 : i32 to vector<16xi32>
        %parallel_loop3A_127 = arith.addi %get3A_42, %parallel_loop3A_126 : vector<16xi32>
        %parallel_loop3A_128 = arith.constant 8192 : i32
        %parallel_loop3A_129 = arith.muli %parallel_loop3A_119, %parallel_loop3A_128 : i32
        %parallel_loop3A_130 = vector.broadcast %parallel_loop3A_129 : i32 to vector<16xi32>
        %parallel_loop3A_131 = arith.addi %get3A_45, %parallel_loop3A_130 : vector<16xi32>
        %parallel_loop3A_132 = arith.constant 8192 : i32
        %parallel_loop3A_133 = arith.muli %parallel_loop3A_119, %parallel_loop3A_132 : i32
        %parallel_loop3A_134 = vector.broadcast %parallel_loop3A_133 : i32 to vector<16xi32>
        %parallel_loop3A_135 = arith.addi %get3A_48, %parallel_loop3A_134 : vector<16xi32>
        %parallel_loop3A_136 = arith.constant 8192 : i32
        %parallel_loop3A_137 = arith.muli %parallel_loop3A_119, %parallel_loop3A_136 : i32
        %parallel_loop3A_138 = vector.broadcast %parallel_loop3A_137 : i32 to vector<16xi32>
        %parallel_loop3A_139 = arith.addi %get3A_51, %parallel_loop3A_138 : vector<16xi32>
        %parallel_loop3A_140 = arith.constant 8192 : i32
        %parallel_loop3A_141 = arith.muli %parallel_loop3A_119, %parallel_loop3A_140 : i32
        %parallel_loop3A_142 = vector.broadcast %parallel_loop3A_141 : i32 to vector<16xi32>
        %parallel_loop3A_143 = arith.addi %get3A_54, %parallel_loop3A_142 : vector<16xi32>
        %parallel_loop3A_144 = arith.constant 8192 : i32
        %parallel_loop3A_145 = arith.muli %parallel_loop3A_119, %parallel_loop3A_144 : i32
        %parallel_loop3A_146 = vector.broadcast %parallel_loop3A_145 : i32 to vector<16xi32>
        %parallel_loop3A_147 = arith.addi %get3A_57, %parallel_loop3A_146 : vector<16xi32>
        %parallel_loop3A_148 = arith.constant 8192 : i32
        %parallel_loop3A_149 = arith.muli %parallel_loop3A_119, %parallel_loop3A_148 : i32
        %parallel_loop3A_150 = vector.broadcast %parallel_loop3A_149 : i32 to vector<16xi32>
        %parallel_loop3A_151 = arith.addi %get3A_60, %parallel_loop3A_150 : vector<16xi32>
        %parallel_loop3A_152 = arith.constant 0 : i32
        %parallel_loop3A_153 = vector.broadcast %parallel_loop3A_152 : i32 to vector<16xi32>
        %parallel_loop3A_154 = arith.addi %parallel_loop3A_123, %parallel_loop3A_153 : vector<16xi32>
        %parallel_loop3A_155 = tpu.vector_load_idx %arg5[%parallel_loop3A_154] : memref<65536xf32, #tpu.memory_space<vmem>>[vector<16xi32>], vector<16xf32>,
        %parallel_loop3A_156 = arith.constant 0 : i32
        %parallel_loop3A_157 = arith.index_cast %parallel_loop3A_119 : i32 to index
        %parallel_loop3A_158 = arith.index_cast %parallel_loop3A_156 : i32 to index
        %parallel_loop3A_159 = arith.constant 0 : index
        %parallel_loop3A_160 = tpu.vector_load %arg7[%parallel_loop3A_157, %parallel_loop3A_158, %parallel_loop3A_159] {strides = array<i32>} : memref<8x8x128xf32, #tpu.memory_space<vmem>>, vector<16xf32>,
        tpu.vector_store %arg7[%parallel_loop3A_157, %parallel_loop3A_158, %parallel_loop3A_159], %parallel_loop3A_155 {strides = array<i32>} : memref<8x8x128xf32, #tpu.memory_space<vmem>>, vector<16xf32>,
        %parallel_loop3A_161 = arith.constant 0 : i32
        %parallel_loop3A_162 = vector.broadcast %parallel_loop3A_161 : i32 to vector<16xi32>
        %parallel_loop3A_163 = arith.addi %parallel_loop3A_127, %parallel_loop3A_162 : vector<16xi32>
        %parallel_loop3A_164 = tpu.vector_load_idx %arg5[%parallel_loop3A_163] : memref<65536xf32, #tpu.memory_space<vmem>>[vector<16xi32>], vector<16xf32>,
        %parallel_loop3A_165 = arith.constant 0 : i32
        %parallel_loop3A_166 = arith.index_cast %parallel_loop3A_119 : i32 to index
        %parallel_loop3A_167 = arith.index_cast %parallel_loop3A_165 : i32 to index
        %parallel_loop3A_168 = arith.constant 16 : index
        %parallel_loop3A_169 = tpu.vector_load %arg7[%parallel_loop3A_166, %parallel_loop3A_167, %parallel_loop3A_168] {strides = array<i32>} : memref<8x8x128xf32, #tpu.memory_space<vmem>>, vector<16xf32>,
        tpu.vector_store %arg7[%parallel_loop3A_166, %parallel_loop3A_167, %parallel_loop3A_168], %parallel_loop3A_164 {strides = array<i32>} : memref<8x8x128xf32, #tpu.memory_space<vmem>>, vector<16xf32>,
        %parallel_loop3A_170 = arith.constant 0 : i32
        %parallel_loop3A_171 = vector.broadcast %parallel_loop3A_170 : i32 to vector<16xi32>
        %parallel_loop3A_172 = arith.addi %parallel_loop3A_131, %parallel_loop3A_171 : vector<16xi32>
        %parallel_loop3A_173 = tpu.vector_load_idx %arg5[%parallel_loop3A_172] : memref<65536xf32, #tpu.memory_space<vmem>>[vector<16xi32>], vector<16xf32>,
        %parallel_loop3A_174 = arith.constant 0 : i32
        %parallel_loop3A_175 = arith.index_cast %parallel_loop3A_119 : i32 to index
        %parallel_loop3A_176 = arith.index_cast %parallel_loop3A_174 : i32 to index
        %parallel_loop3A_177 = arith.constant 32 : index
        %parallel_loop3A_178 = tpu.vector_load %arg7[%parallel_loop3A_175, %parallel_loop3A_176, %parallel_loop3A_177] {strides = array<i32>} : memref<8x8x128xf32, #tpu.memory_space<vmem>>, vector<16xf32>,
        tpu.vector_store %arg7[%parallel_loop3A_175, %parallel_loop3A_176, %parallel_loop3A_177], %parallel_loop3A_173 {strides = array<i32>} : memref<8x8x128xf32, #tpu.memory_space<vmem>>, vector<16xf32>,
        %parallel_loop3A_179 = arith.constant 0 : i32
        %parallel_loop3A_180 = vector.broadcast %parallel_loop3A_179 : i32 to vector<16xi32>
        %parallel_loop3A_181 = arith.addi %parallel_loop3A_135, %parallel_loop3A_180 : vector<16xi32>
        %parallel_loop3A_182 = tpu.vector_load_idx %arg5[%parallel_loop3A_181] : memref<65536xf32, #tpu.memory_space<vmem>>[vector<16xi32>], vector<16xf32>,
        %parallel_loop3A_183 = arith.constant 0 : i32
        %parallel_loop3A_184 = arith.index_cast %parallel_loop3A_119 : i32 to index
        %parallel_loop3A_185 = arith.index_cast %parallel_loop3A_183 : i32 to index
        %parallel_loop3A_186 = arith.constant 48 : index
        %parallel_loop3A_187 = tpu.vector_load %arg7[%parallel_loop3A_184, %parallel_loop3A_185, %parallel_loop3A_186] {strides = array<i32>} : memref<8x8x128xf32, #tpu.memory_space<vmem>>, vector<16xf32>,
        tpu.vector_store %arg7[%parallel_loop3A_184, %parallel_loop3A_185, %parallel_loop3A_186], %parallel_loop3A_182 {strides = array<i32>} : memref<8x8x128xf32, #tpu.memory_space<vmem>>, vector<16xf32>,
        %parallel_loop3A_188 = arith.constant 0 : i32
        %parallel_loop3A_189 = vector.broadcast %parallel_loop3A_188 : i32 to vector<16xi32>
        %parallel_loop3A_190 = arith.addi %parallel_loop3A_139, %parallel_loop3A_189 : vector<16xi32>
        %parallel_loop3A_191 = tpu.vector_load_idx %arg5[%parallel_loop3A_190] : memref<65536xf32, #tpu.memory_space<vmem>>[vector<16xi32>], vector<16xf32>,
        %parallel_loop3A_192 = arith.constant 0 : i32
        %parallel_loop3A_193 = arith.index_cast %parallel_loop3A_119 : i32 to index
        %parallel_loop3A_194 = arith.index_cast %parallel_loop3A_192 : i32 to index
        %parallel_loop3A_195 = arith.constant 64 : index
        %parallel_loop3A_196 = tpu.vector_load %arg7[%parallel_loop3A_193, %parallel_loop3A_194, %parallel_loop3A_195] {strides = array<i32>} : memref<8x8x128xf32, #tpu.memory_space<vmem>>, vector<16xf32>,
        tpu.vector_store %arg7[%parallel_loop3A_193, %parallel_loop3A_194, %parallel_loop3A_195], %parallel_loop3A_191 {strides = array<i32>} : memref<8x8x128xf32, #tpu.memory_space<vmem>>, vector<16xf32>,
        %parallel_loop3A_197 = arith.constant 0 : i32
        %parallel_loop3A_198 = vector.broadcast %parallel_loop3A_197 : i32 to vector<16xi32>
        %parallel_loop3A_199 = arith.addi %parallel_loop3A_143, %parallel_loop3A_198 : vector<16xi32>
        %parallel_loop3A_200 = tpu.vector_load_idx %arg5[%parallel_loop3A_199] : memref<65536xf32, #tpu.memory_space<vmem>>[vector<16xi32>], vector<16xf32>,
        %parallel_loop3A_201 = arith.constant 0 : i32
        %parallel_loop3A_202 = arith.index_cast %parallel_loop3A_119 : i32 to index
        %parallel_loop3A_203 = arith.index_cast %parallel_loop3A_201 : i32 to index
        %parallel_loop3A_204 = arith.constant 80 : index
        %parallel_loop3A_205 = tpu.vector_load %arg7[%parallel_loop3A_202, %parallel_loop3A_203, %parallel_loop3A_204] {strides = array<i32>} : memref<8x8x128xf32, #tpu.memory_space<vmem>>, vector<16xf32>,
        tpu.vector_store %arg7[%parallel_loop3A_202, %parallel_loop3A_203, %parallel_loop3A_204], %parallel_loop3A_200 {strides = array<i32>} : memref<8x8x128xf32, #tpu.memory_space<vmem>>, vector<16xf32>,
        %parallel_loop3A_206 = arith.constant 0 : i32
        %parallel_loop3A_207 = vector.broadcast %parallel_loop3A_206 : i32 to vector<16xi32>
        %parallel_loop3A_208 = arith.addi %parallel_loop3A_147, %parallel_loop3A_207 : vector<16xi32>
        %parallel_loop3A_209 = tpu.vector_load_idx %arg5[%parallel_loop3A_208] : memref<65536xf32, #tpu.memory_space<vmem>>[vector<16xi32>], vector<16xf32>,
        %parallel_loop3A_210 = arith.constant 0 : i32
        %parallel_loop3A_211 = arith.index_cast %parallel_loop3A_119 : i32 to index
        %parallel_loop3A_212 = arith.index_cast %parallel_loop3A_210 : i32 to index
        %parallel_loop3A_213 = arith.constant 96 : index
        %parallel_loop3A_214 = tpu.vector_load %arg7[%parallel_loop3A_211, %parallel_loop3A_212, %parallel_loop3A_213] {strides = array<i32>} : memref<8x8x128xf32, #tpu.memory_space<vmem>>, vector<16xf32>,
        tpu.vector_store %arg7[%parallel_loop3A_211, %parallel_loop3A_212, %parallel_loop3A_213], %parallel_loop3A_209 {strides = array<i32>} : memref<8x8x128xf32, #tpu.memory_space<vmem>>, vector<16xf32>,
        %parallel_loop3A_215 = arith.constant 0 : i32
        %parallel_loop3A_216 = vector.broadcast %parallel_loop3A_215 : i32 to vector<16xi32>
        %parallel_loop3A_217 = arith.addi %parallel_loop3A_151, %parallel_loop3A_216 : vector<16xi32>
        %parallel_loop3A_218 = tpu.vector_load_idx %arg5[%parallel_loop3A_217] : memref<65536xf32, #tpu.memory_space<vmem>>[vector<16xi32>], vector<16xf32>,
        %parallel_loop3A_219 = arith.constant 0 : i32
        %parallel_loop3A_220 = arith.index_cast %parallel_loop3A_119 : i32 to index
        %parallel_loop3A_221 = arith.index_cast %parallel_loop3A_219 : i32 to index
        %parallel_loop3A_222 = arith.constant 112 : index
        %parallel_loop3A_223 = tpu.vector_load %arg7[%parallel_loop3A_220, %parallel_loop3A_221, %parallel_loop3A_222] {strides = array<i32>} : memref<8x8x128xf32, #tpu.memory_space<vmem>>, vector<16xf32>,
        tpu.vector_store %arg7[%parallel_loop3A_220, %parallel_loop3A_221, %parallel_loop3A_222], %parallel_loop3A_218 {strides = array<i32>} : memref<8x8x128xf32, #tpu.memory_space<vmem>>, vector<16xf32>,
        %parallel_loop3A_224 = arith.constant 1024 : i32
        %parallel_loop3A_225 = vector.broadcast %parallel_loop3A_224 : i32 to vector<16xi32>
        %parallel_loop3A_226 = arith.addi %parallel_loop3A_123, %parallel_loop3A_225 : vector<16xi32>
        %parallel_loop3A_227 = tpu.vector_load_idx %arg5[%parallel_loop3A_226] : memref<65536xf32, #tpu.memory_space<vmem>>[vector<16xi32>], vector<16xf32>,
        %parallel_loop3A_228 = arith.constant 1 : i32
        %parallel_loop3A_229 = arith.index_cast %parallel_loop3A_119 : i32 to index
        %parallel_loop3A_230 = arith.index_cast %parallel_loop3A_228 : i32 to index
        %parallel_loop3A_231 = arith.constant 0 : index
        %parallel_loop3A_232 = tpu.vector_load %arg7[%parallel_loop3A_229, %parallel_loop3A_230, %parallel_loop3A_231] {strides = array<i32>} : memref<8x8x128xf32, #tpu.memory_space<vmem>>, vector<16xf32>,
        tpu.vector_store %arg7[%parallel_loop3A_229, %parallel_loop3A_230, %parallel_loop3A_231], %parallel_loop3A_227 {strides = array<i32>} : memref<8x8x128xf32, #tpu.memory_space<vmem>>, vector<16xf32>,
        %parallel_loop3A_233 = arith.constant 1024 : i32
        %parallel_loop3A_234 = vector.broadcast %parallel_loop3A_233 : i32 to vector<16xi32>
        %parallel_loop3A_235 = arith.addi %parallel_loop3A_127, %parallel_loop3A_234 : vector<16xi32>
        %parallel_loop3A_236 = tpu.vector_load_idx %arg5[%parallel_loop3A_235] : memref<65536xf32, #tpu.memory_space<vmem>>[vector<16xi32>], vector<16xf32>,
        %parallel_loop3A_237 = arith.constant 1 : i32
        %parallel_loop3A_238 = arith.index_cast %parallel_loop3A_119 : i32 to index
        %parallel_loop3A_239 = arith.index_cast %parallel_loop3A_237 : i32 to index
        %parallel_loop3A_240 = arith.constant 16 : index
        %parallel_loop3A_241 = tpu.vector_load %arg7[%parallel_loop3A_238, %parallel_loop3A_239, %parallel_loop3A_240] {strides = array<i32>} : memref<8x8x128xf32, #tpu.memory_space<vmem>>, vector<16xf32>,
        tpu.vector_store %arg7[%parallel_loop3A_238, %parallel_loop3A_239, %parallel_loop3A_240], %parallel_loop3A_236 {strides = array<i32>} : memref<8x8x128xf32, #tpu.memory_space<vmem>>, vector<16xf32>,
        %parallel_loop3A_242 = arith.constant 1024 : i32
        %parallel_loop3A_243 = vector.broadcast %parallel_loop3A_242 : i32 to vector<16xi32>
        %parallel_loop3A_244 = arith.addi %parallel_loop3A_131, %parallel_loop3A_243 : vector<16xi32>
        %parallel_loop3A_245 = tpu.vector_load_idx %arg5[%parallel_loop3A_244] : memref<65536xf32, #tpu.memory_space<vmem>>[vector<16xi32>], vector<16xf32>,
        %parallel_loop3A_246 = arith.constant 1 : i32
        %parallel_loop3A_247 = arith.index_cast %parallel_loop3A_119 : i32 to index
        %parallel_loop3A_248 = arith.index_cast %parallel_loop3A_246 : i32 to index
        %parallel_loop3A_249 = arith.constant 32 : index
        %parallel_loop3A_250 = tpu.vector_load %arg7[%parallel_loop3A_247, %parallel_loop3A_248, %parallel_loop3A_249] {strides = array<i32>} : memref<8x8x128xf32, #tpu.memory_space<vmem>>, vector<16xf32>,
        tpu.vector_store %arg7[%parallel_loop3A_247, %parallel_loop3A_248, %parallel_loop3A_249], %parallel_loop3A_245 {strides = array<i32>} : memref<8x8x128xf32, #tpu.memory_space<vmem>>, vector<16xf32>,
        %parallel_loop3A_251 = arith.constant 1024 : i32
        %parallel_loop3A_252 = vector.broadcast %parallel_loop3A_251 : i32 to vector<16xi32>
        %parallel_loop3A_253 = arith.addi %parallel_loop3A_135, %parallel_loop3A_252 : vector<16xi32>
        %parallel_loop3A_254 = tpu.vector_load_idx %arg5[%parallel_loop3A_253] : memref<65536xf32, #tpu.memory_space<vmem>>[vector<16xi32>], vector<16xf32>,
        %parallel_loop3A_255 = arith.constant 1 : i32
        %parallel_loop3A_256 = arith.index_cast %parallel_loop3A_119 : i32 to index
        %parallel_loop3A_257 = arith.index_cast %parallel_loop3A_255 : i32 to index
        %parallel_loop3A_258 = arith.constant 48 : index
        %parallel_loop3A_259 = tpu.vector_load %arg7[%parallel_loop3A_256, %parallel_loop3A_257, %parallel_loop3A_258] {strides = array<i32>} : memref<8x8x128xf32, #tpu.memory_space<vmem>>, vector<16xf32>,
        tpu.vector_store %arg7[%parallel_loop3A_256, %parallel_loop3A_257, %parallel_loop3A_258], %parallel_loop3A_254 {strides = array<i32>} : memref<8x8x128xf32, #tpu.memory_space<vmem>>, vector<16xf32>,
        %parallel_loop3A_260 = arith.constant 1024 : i32
        %parallel_loop3A_261 = vector.broadcast %parallel_loop3A_260 : i32 to vector<16xi32>
        %parallel_loop3A_262 = arith.addi %parallel_loop3A_139, %parallel_loop3A_261 : vector<16xi32>
        %parallel_loop3A_263 = tpu.vector_load_idx %arg5[%parallel_loop3A_262] : memref<65536xf32, #tpu.memory_space<vmem>>[vector<16xi32>], vector<16xf32>,
        %parallel_loop3A_264 = arith.constant 1 : i32
        %parallel_loop3A_265 = arith.index_cast %parallel_loop3A_119 : i32 to index
        %parallel_loop3A_266 = arith.index_cast %parallel_loop3A_264 : i32 to index
        %parallel_loop3A_267 = arith.constant 64 : index
        %parallel_loop3A_268 = tpu.vector_load %arg7[%parallel_loop3A_265, %parallel_loop3A_266, %parallel_loop3A_267] {strides = array<i32>} : memref<8x8x128xf32, #tpu.memory_space<vmem>>, vector<16xf32>,
        tpu.vector_store %arg7[%parallel_loop3A_265, %parallel_loop3A_266, %parallel_loop3A_267], %parallel_loop3A_263 {strides = array<i32>} : memref<8x8x128xf32, #tpu.memory_space<vmem>>, vector<16xf32>,
        %parallel_loop3A_269 = arith.constant 1024 : i32
        %parallel_loop3A_270 = vector.broadcast %parallel_loop3A_269 : i32 to vector<16xi32>
        %parallel_loop3A_271 = arith.addi %parallel_loop3A_143, %parallel_loop3A_270 : vector<16xi32>
        %parallel_loop3A_272 = tpu.vector_load_idx %arg5[%parallel_loop3A_271] : memref<65536xf32, #tpu.memory_space<vmem>>[vector<16xi32>], vector<16xf32>,
        %parallel_loop3A_273 = arith.constant 1 : i32
        %parallel_loop3A_274 = arith.index_cast %parallel_loop3A_119 : i32 to index
        %parallel_loop3A_275 = arith.index_cast %parallel_loop3A_273 : i32 to index
        %parallel_loop3A_276 = arith.constant 80 : index
        %parallel_loop3A_277 = tpu.vector_load %arg7[%parallel_loop3A_274, %parallel_loop3A_275, %parallel_loop3A_276] {strides = array<i32>} : memref<8x8x128xf32, #tpu.memory_space<vmem>>, vector<16xf32>,
        tpu.vector_store %arg7[%parallel_loop3A_274, %parallel_loop3A_275, %parallel_loop3A_276], %parallel_loop3A_272 {strides = array<i32>} : memref<8x8x128xf32, #tpu.memory_space<vmem>>, vector<16xf32>,
        %parallel_loop3A_278 = arith.constant 1024 : i32
        %parallel_loop3A_279 = vector.broadcast %parallel_loop3A_278 : i32 to vector<16xi32>
        %parallel_loop3A_280 = arith.addi %parallel_loop3A_147, %parallel_loop3A_279 : vector<16xi32>
        %parallel_loop3A_281 = tpu.vector_load_idx %arg5[%parallel_loop3A_280] : memref<65536xf32, #tpu.memory_space<vmem>>[vector<16xi32>], vector<16xf32>,
        %parallel_loop3A_282 = arith.constant 1 : i32
        %parallel_loop3A_283 = arith.index_cast %parallel_loop3A_119 : i32 to index
        %parallel_loop3A_284 = arith.index_cast %parallel_loop3A_282 : i32 to index
        %parallel_loop3A_285 = arith.constant 96 : index
        %parallel_loop3A_286 = tpu.vector_load %arg7[%parallel_loop3A_283, %parallel_loop3A_284, %parallel_loop3A_285] {strides = array<i32>} : memref<8x8x128xf32, #tpu.memory_space<vmem>>, vector<16xf32>,
        tpu.vector_store %arg7[%parallel_loop3A_283, %parallel_loop3A_284, %parallel_loop3A_285], %parallel_loop3A_281 {strides = array<i32>} : memref<8x8x128xf32, #tpu.memory_space<vmem>>, vector<16xf32>,
        %parallel_loop3A_287 = arith.constant 1024 : i32
        %parallel_loop3A_288 = vector.broadcast %parallel_loop3A_287 : i32 to vector<16xi32>
        %parallel_loop3A_289 = arith.addi %parallel_loop3A_151, %parallel_loop3A_288 : vector<16xi32>
        %parallel_loop3A_290 = tpu.vector_load_idx %arg5[%parallel_loop3A_289] : memref<65536xf32, #tpu.memory_space<vmem>>[vector<16xi32>], vector<16xf32>,
        %parallel_loop3A_291 = arith.constant 1 : i32
        %parallel_loop3A_292 = arith.index_cast %parallel_loop3A_119 : i32 to index
        %parallel_loop3A_293 = arith.index_cast %parallel_loop3A_291 : i32 to index
        %parallel_loop3A_294 = arith.constant 112 : index
        %parallel_loop3A_295 = tpu.vector_load %arg7[%parallel_loop3A_292, %parallel_loop3A_293, %parallel_loop3A_294] {strides = array<i32>} : memref<8x8x128xf32, #tpu.memory_space<vmem>>, vector<16xf32>,
        tpu.vector_store %arg7[%parallel_loop3A_292, %parallel_loop3A_293, %parallel_loop3A_294], %parallel_loop3A_290 {strides = array<i32>} : memref<8x8x128xf32, #tpu.memory_space<vmem>>, vector<16xf32>,
        %parallel_loop3A_296 = arith.constant 2048 : i32
        %parallel_loop3A_297 = vector.broadcast %parallel_loop3A_296 : i32 to vector<16xi32>
        %parallel_loop3A_298 = arith.addi %parallel_loop3A_123, %parallel_loop3A_297 : vector<16xi32>
        %parallel_loop3A_299 = tpu.vector_load_idx %arg5[%parallel_loop3A_298] : memref<65536xf32, #tpu.memory_space<vmem>>[vector<16xi32>], vector<16xf32>,
        %parallel_loop3A_300 = arith.constant 2 : i32
        %parallel_loop3A_301 = arith.index_cast %parallel_loop3A_119 : i32 to index
        %parallel_loop3A_302 = arith.index_cast %parallel_loop3A_300 : i32 to index
        %parallel_loop3A_303 = arith.constant 0 : index
        %parallel_loop3A_304 = tpu.vector_load %arg7[%parallel_loop3A_301, %parallel_loop3A_302, %parallel_loop3A_303] {strides = array<i32>} : memref<8x8x128xf32, #tpu.memory_space<vmem>>, vector<16xf32>,
        tpu.vector_store %arg7[%parallel_loop3A_301, %parallel_loop3A_302, %parallel_loop3A_303], %parallel_loop3A_299 {strides = array<i32>} : memref<8x8x128xf32, #tpu.memory_space<vmem>>, vector<16xf32>,
        %parallel_loop3A_305 = arith.constant 2048 : i32
        %parallel_loop3A_306 = vector.broadcast %parallel_loop3A_305 : i32 to vector<16xi32>
        %parallel_loop3A_307 = arith.addi %parallel_loop3A_127, %parallel_loop3A_306 : vector<16xi32>
        %parallel_loop3A_308 = tpu.vector_load_idx %arg5[%parallel_loop3A_307] : memref<65536xf32, #tpu.memory_space<vmem>>[vector<16xi32>], vector<16xf32>,
        %parallel_loop3A_309 = arith.constant 2 : i32
        %parallel_loop3A_310 = arith.index_cast %parallel_loop3A_119 : i32 to index
        %parallel_loop3A_311 = arith.index_cast %parallel_loop3A_309 : i32 to index
        %parallel_loop3A_312 = arith.constant 16 : index
        %parallel_loop3A_313 = tpu.vector_load %arg7[%parallel_loop3A_310, %parallel_loop3A_311, %parallel_loop3A_312] {strides = array<i32>} : memref<8x8x128xf32, #tpu.memory_space<vmem>>, vector<16xf32>,
        tpu.vector_store %arg7[%parallel_loop3A_310, %parallel_loop3A_311, %parallel_loop3A_312], %parallel_loop3A_308 {strides = array<i32>} : memref<8x8x128xf32, #tpu.memory_space<vmem>>, vector<16xf32>,
        %parallel_loop3A_314 = arith.constant 2048 : i32
        %parallel_loop3A_315 = vector.broadcast %parallel_loop3A_314 : i32 to vector<16xi32>
        %parallel_loop3A_316 = arith.addi %parallel_loop3A_131, %parallel_loop3A_315 : vector<16xi32>
        %parallel_loop3A_317 = tpu.vector_load_idx %arg5[%parallel_loop3A_316] : memref<65536xf32, #tpu.memory_space<vmem>>[vector<16xi32>], vector<16xf32>,
        %parallel_loop3A_318 = arith.constant 2 : i32
        %parallel_loop3A_319 = arith.index_cast %parallel_loop3A_119 : i32 to index
        %parallel_loop3A_320 = arith.index_cast %parallel_loop3A_318 : i32 to index
        %parallel_loop3A_321 = arith.constant 32 : index
        %parallel_loop3A_322 = tpu.vector_load %arg7[%parallel_loop3A_319, %parallel_loop3A_320, %parallel_loop3A_321] {strides = array<i32>} : memref<8x8x128xf32, #tpu.memory_space<vmem>>, vector<16xf32>,
        tpu.vector_store %arg7[%parallel_loop3A_319, %parallel_loop3A_320, %parallel_loop3A_321], %parallel_loop3A_317 {strides = array<i32>} : memref<8x8x128xf32, #tpu.memory_space<vmem>>, vector<16xf32>,
        %parallel_loop3A_323 = arith.constant 2048 : i32
        %parallel_loop3A_324 = vector.broadcast %parallel_loop3A_323 : i32 to vector<16xi32>
        %parallel_loop3A_325 = arith.addi %parallel_loop3A_135, %parallel_loop3A_324 : vector<16xi32>
        %parallel_loop3A_326 = tpu.vector_load_idx %arg5[%parallel_loop3A_325] : memref<65536xf32, #tpu.memory_space<vmem>>[vector<16xi32>], vector<16xf32>,
        %parallel_loop3A_327 = arith.constant 2 : i32
        %parallel_loop3A_328 = arith.index_cast %parallel_loop3A_119 : i32 to index
        %parallel_loop3A_329 = arith.index_cast %parallel_loop3A_327 : i32 to index
        %parallel_loop3A_330 = arith.constant 48 : index
        %parallel_loop3A_331 = tpu.vector_load %arg7[%parallel_loop3A_328, %parallel_loop3A_329, %parallel_loop3A_330] {strides = array<i32>} : memref<8x8x128xf32, #tpu.memory_space<vmem>>, vector<16xf32>,
        tpu.vector_store %arg7[%parallel_loop3A_328, %parallel_loop3A_329, %parallel_loop3A_330], %parallel_loop3A_326 {strides = array<i32>} : memref<8x8x128xf32, #tpu.memory_space<vmem>>, vector<16xf32>,
        %parallel_loop3A_332 = arith.constant 2048 : i32
        %parallel_loop3A_333 = vector.broadcast %parallel_loop3A_332 : i32 to vector<16xi32>
        %parallel_loop3A_334 = arith.addi %parallel_loop3A_139, %parallel_loop3A_333 : vector<16xi32>
        %parallel_loop3A_335 = tpu.vector_load_idx %arg5[%parallel_loop3A_334] : memref<65536xf32, #tpu.memory_space<vmem>>[vector<16xi32>], vector<16xf32>,
        %parallel_loop3A_336 = arith.constant 2 : i32
        %parallel_loop3A_337 = arith.index_cast %parallel_loop3A_119 : i32 to index
        %parallel_loop3A_338 = arith.index_cast %parallel_loop3A_336 : i32 to index
        %parallel_loop3A_339 = arith.constant 64 : index
        %parallel_loop3A_340 = tpu.vector_load %arg7[%parallel_loop3A_337, %parallel_loop3A_338, %parallel_loop3A_339] {strides = array<i32>} : memref<8x8x128xf32, #tpu.memory_space<vmem>>, vector<16xf32>,
        tpu.vector_store %arg7[%parallel_loop3A_337, %parallel_loop3A_338, %parallel_loop3A_339], %parallel_loop3A_335 {strides = array<i32>} : memref<8x8x128xf32, #tpu.memory_space<vmem>>, vector<16xf32>,
        %parallel_loop3A_341 = arith.constant 2048 : i32
        %parallel_loop3A_342 = vector.broadcast %parallel_loop3A_341 : i32 to vector<16xi32>
        %parallel_loop3A_343 = arith.addi %parallel_loop3A_143, %parallel_loop3A_342 : vector<16xi32>
        %parallel_loop3A_344 = tpu.vector_load_idx %arg5[%parallel_loop3A_343] : memref<65536xf32, #tpu.memory_space<vmem>>[vector<16xi32>], vector<16xf32>,
        %parallel_loop3A_345 = arith.constant 2 : i32
        %parallel_loop3A_346 = arith.index_cast %parallel_loop3A_119 : i32 to index
        %parallel_loop3A_347 = arith.index_cast %parallel_loop3A_345 : i32 to index
        %parallel_loop3A_348 = arith.constant 80 : index
        %parallel_loop3A_349 = tpu.vector_load %arg7[%parallel_loop3A_346, %parallel_loop3A_347, %parallel_loop3A_348] {strides = array<i32>} : memref<8x8x128xf32, #tpu.memory_space<vmem>>, vector<16xf32>,
        tpu.vector_store %arg7[%parallel_loop3A_346, %parallel_loop3A_347, %parallel_loop3A_348], %parallel_loop3A_344 {strides = array<i32>} : memref<8x8x128xf32, #tpu.memory_space<vmem>>, vector<16xf32>,
        %parallel_loop3A_350 = arith.constant 2048 : i32
        %parallel_loop3A_351 = vector.broadcast %parallel_loop3A_350 : i32 to vector<16xi32>
        %parallel_loop3A_352 = arith.addi %parallel_loop3A_147, %parallel_loop3A_351 : vector<16xi32>
        %parallel_loop3A_353 = tpu.vector_load_idx %arg5[%parallel_loop3A_352] : memref<65536xf32, #tpu.memory_space<vmem>>[vector<16xi32>], vector<16xf32>,
        %parallel_loop3A_354 = arith.constant 2 : i32
        %parallel_loop3A_355 = arith.index_cast %parallel_loop3A_119 : i32 to index
        %parallel_loop3A_356 = arith.index_cast %parallel_loop3A_354 : i32 to index
        %parallel_loop3A_357 = arith.constant 96 : index
        %parallel_loop3A_358 = tpu.vector_load %arg7[%parallel_loop3A_355, %parallel_loop3A_356, %parallel_loop3A_357] {strides = array<i32>} : memref<8x8x128xf32, #tpu.memory_space<vmem>>, vector<16xf32>,
        tpu.vector_store %arg7[%parallel_loop3A_355, %parallel_loop3A_356, %parallel_loop3A_357], %parallel_loop3A_353 {strides = array<i32>} : memref<8x8x128xf32, #tpu.memory_space<vmem>>, vector<16xf32>,
        %parallel_loop3A_359 = arith.constant 2048 : i32
        %parallel_loop3A_360 = vector.broadcast %parallel_loop3A_359 : i32 to vector<16xi32>
        %parallel_loop3A_361 = arith.addi %parallel_loop3A_151, %parallel_loop3A_360 : vector<16xi32>
        %parallel_loop3A_362 = tpu.vector_load_idx %arg5[%parallel_loop3A_361] : memref<65536xf32, #tpu.memory_space<vmem>>[vector<16xi32>], vector<16xf32>,
        %parallel_loop3A_363 = arith.constant 2 : i32
        %parallel_loop3A_364 = arith.index_cast %parallel_loop3A_119 : i32 to index
        %parallel_loop3A_365 = arith.index_cast %parallel_loop3A_363 : i32 to index
        %parallel_loop3A_366 = arith.constant 112 : index
        %parallel_loop3A_367 = tpu.vector_load %arg7[%parallel_loop3A_364, %parallel_loop3A_365, %parallel_loop3A_366] {strides = array<i32>} : memref<8x8x128xf32, #tpu.memory_space<vmem>>, vector<16xf32>,
        tpu.vector_store %arg7[%parallel_loop3A_364, %parallel_loop3A_365, %parallel_loop3A_366], %parallel_loop3A_362 {strides = array<i32>} : memref<8x8x128xf32, #tpu.memory_space<vmem>>, vector<16xf32>,
        %parallel_loop3A_368 = arith.constant 3072 : i32
        %parallel_loop3A_369 = vector.broadcast %parallel_loop3A_368 : i32 to vector<16xi32>
        %parallel_loop3A_370 = arith.addi %parallel_loop3A_123, %parallel_loop3A_369 : vector<16xi32>
        %parallel_loop3A_371 = tpu.vector_load_idx %arg5[%parallel_loop3A_370] : memref<65536xf32, #tpu.memory_space<vmem>>[vector<16xi32>], vector<16xf32>,
        %parallel_loop3A_372 = arith.constant 3 : i32
        %parallel_loop3A_373 = arith.index_cast %parallel_loop3A_119 : i32 to index
        %parallel_loop3A_374 = arith.index_cast %parallel_loop3A_372 : i32 to index
        %parallel_loop3A_375 = arith.constant 0 : index
        %parallel_loop3A_376 = tpu.vector_load %arg7[%parallel_loop3A_373, %parallel_loop3A_374, %parallel_loop3A_375] {strides = array<i32>} : memref<8x8x128xf32, #tpu.memory_space<vmem>>, vector<16xf32>,
        tpu.vector_store %arg7[%parallel_loop3A_373, %parallel_loop3A_374, %parallel_loop3A_375], %parallel_loop3A_371 {strides = array<i32>} : memref<8x8x128xf32, #tpu.memory_space<vmem>>, vector<16xf32>,
        %parallel_loop3A_377 = arith.constant 3072 : i32
        %parallel_loop3A_378 = vector.broadcast %parallel_loop3A_377 : i32 to vector<16xi32>
        %parallel_loop3A_379 = arith.addi %parallel_loop3A_127, %parallel_loop3A_378 : vector<16xi32>
        %parallel_loop3A_380 = tpu.vector_load_idx %arg5[%parallel_loop3A_379] : memref<65536xf32, #tpu.memory_space<vmem>>[vector<16xi32>], vector<16xf32>,
        %parallel_loop3A_381 = arith.constant 3 : i32
        %parallel_loop3A_382 = arith.index_cast %parallel_loop3A_119 : i32 to index
        %parallel_loop3A_383 = arith.index_cast %parallel_loop3A_381 : i32 to index
        %parallel_loop3A_384 = arith.constant 16 : index
        %parallel_loop3A_385 = tpu.vector_load %arg7[%parallel_loop3A_382, %parallel_loop3A_383, %parallel_loop3A_384] {strides = array<i32>} : memref<8x8x128xf32, #tpu.memory_space<vmem>>, vector<16xf32>,
        tpu.vector_store %arg7[%parallel_loop3A_382, %parallel_loop3A_383, %parallel_loop3A_384], %parallel_loop3A_380 {strides = array<i32>} : memref<8x8x128xf32, #tpu.memory_space<vmem>>, vector<16xf32>,
        %parallel_loop3A_386 = arith.constant 3072 : i32
        %parallel_loop3A_387 = vector.broadcast %parallel_loop3A_386 : i32 to vector<16xi32>
        %parallel_loop3A_388 = arith.addi %parallel_loop3A_131, %parallel_loop3A_387 : vector<16xi32>
        %parallel_loop3A_389 = tpu.vector_load_idx %arg5[%parallel_loop3A_388] : memref<65536xf32, #tpu.memory_space<vmem>>[vector<16xi32>], vector<16xf32>,
        %parallel_loop3A_390 = arith.constant 3 : i32
        %parallel_loop3A_391 = arith.index_cast %parallel_loop3A_119 : i32 to index
        %parallel_loop3A_392 = arith.index_cast %parallel_loop3A_390 : i32 to index
        %parallel_loop3A_393 = arith.constant 32 : index
        %parallel_loop3A_394 = tpu.vector_load %arg7[%parallel_loop3A_391, %parallel_loop3A_392, %parallel_loop3A_393] {strides = array<i32>} : memref<8x8x128xf32, #tpu.memory_space<vmem>>, vector<16xf32>,
        tpu.vector_store %arg7[%parallel_loop3A_391, %parallel_loop3A_392, %parallel_loop3A_393], %parallel_loop3A_389 {strides = array<i32>} : memref<8x8x128xf32, #tpu.memory_space<vmem>>, vector<16xf32>,
        %parallel_loop3A_395 = arith.constant 3072 : i32
        %parallel_loop3A_396 = vector.broadcast %parallel_loop3A_395 : i32 to vector<16xi32>
        %parallel_loop3A_397 = arith.addi %parallel_loop3A_135, %parallel_loop3A_396 : vector<16xi32>
        %parallel_loop3A_398 = tpu.vector_load_idx %arg5[%parallel_loop3A_397] : memref<65536xf32, #tpu.memory_space<vmem>>[vector<16xi32>], vector<16xf32>,
        %parallel_loop3A_399 = arith.constant 3 : i32
        %parallel_loop3A_400 = arith.index_cast %parallel_loop3A_119 : i32 to index
        %parallel_loop3A_401 = arith.index_cast %parallel_loop3A_399 : i32 to index
        %parallel_loop3A_402 = arith.constant 48 : index
        %parallel_loop3A_403 = tpu.vector_load %arg7[%parallel_loop3A_400, %parallel_loop3A_401, %parallel_loop3A_402] {strides = array<i32>} : memref<8x8x128xf32, #tpu.memory_space<vmem>>, vector<16xf32>,
        tpu.vector_store %arg7[%parallel_loop3A_400, %parallel_loop3A_401, %parallel_loop3A_402], %parallel_loop3A_398 {strides = array<i32>} : memref<8x8x128xf32, #tpu.memory_space<vmem>>, vector<16xf32>,
        %parallel_loop3A_404 = arith.constant 3072 : i32
        %parallel_loop3A_405 = vector.broadcast %parallel_loop3A_404 : i32 to vector<16xi32>
        %parallel_loop3A_406 = arith.addi %parallel_loop3A_139, %parallel_loop3A_405 : vector<16xi32>
        %parallel_loop3A_407 = tpu.vector_load_idx %arg5[%parallel_loop3A_406] : memref<65536xf32, #tpu.memory_space<vmem>>[vector<16xi32>], vector<16xf32>,
        %parallel_loop3A_408 = arith.constant 3 : i32
        %parallel_loop3A_409 = arith.index_cast %parallel_loop3A_119 : i32 to index
        %parallel_loop3A_410 = arith.index_cast %parallel_loop3A_408 : i32 to index
        %parallel_loop3A_411 = arith.constant 64 : index
        %parallel_loop3A_412 = tpu.vector_load %arg7[%parallel_loop3A_409, %parallel_loop3A_410, %parallel_loop3A_411] {strides = array<i32>} : memref<8x8x128xf32, #tpu.memory_space<vmem>>, vector<16xf32>,
        tpu.vector_store %arg7[%parallel_loop3A_409, %parallel_loop3A_410, %parallel_loop3A_411], %parallel_loop3A_407 {strides = array<i32>} : memref<8x8x128xf32, #tpu.memory_space<vmem>>, vector<16xf32>,
        %parallel_loop3A_413 = arith.constant 3072 : i32
        %parallel_loop3A_414 = vector.broadcast %parallel_loop3A_413 : i32 to vector<16xi32>
        %parallel_loop3A_415 = arith.addi %parallel_loop3A_143, %parallel_loop3A_414 : vector<16xi32>
        %parallel_loop3A_416 = tpu.vector_load_idx %arg5[%parallel_loop3A_415] : memref<65536xf32, #tpu.memory_space<vmem>>[vector<16xi32>], vector<16xf32>,
        %parallel_loop3A_417 = arith.constant 3 : i32
        %parallel_loop3A_418 = arith.index_cast %parallel_loop3A_119 : i32 to index
        %parallel_loop3A_419 = arith.index_cast %parallel_loop3A_417 : i32 to index
        %parallel_loop3A_420 = arith.constant 80 : index
        %parallel_loop3A_421 = tpu.vector_load %arg7[%parallel_loop3A_418, %parallel_loop3A_419, %parallel_loop3A_420] {strides = array<i32>} : memref<8x8x128xf32, #tpu.memory_space<vmem>>, vector<16xf32>,
        tpu.vector_store %arg7[%parallel_loop3A_418, %parallel_loop3A_419, %parallel_loop3A_420], %parallel_loop3A_416 {strides = array<i32>} : memref<8x8x128xf32, #tpu.memory_space<vmem>>, vector<16xf32>,
        %parallel_loop3A_422 = arith.constant 3072 : i32
        %parallel_loop3A_423 = vector.broadcast %parallel_loop3A_422 : i32 to vector<16xi32>
        %parallel_loop3A_424 = arith.addi %parallel_loop3A_147, %parallel_loop3A_423 : vector<16xi32>
        %parallel_loop3A_425 = tpu.vector_load_idx %arg5[%parallel_loop3A_424] : memref<65536xf32, #tpu.memory_space<vmem>>[vector<16xi32>], vector<16xf32>,
        %parallel_loop3A_426 = arith.constant 3 : i32
        %parallel_loop3A_427 = arith.index_cast %parallel_loop3A_119 : i32 to index
        %parallel_loop3A_428 = arith.index_cast %parallel_loop3A_426 : i32 to index
        %parallel_loop3A_429 = arith.constant 96 : index
        %parallel_loop3A_430 = tpu.vector_load %arg7[%parallel_loop3A_427, %parallel_loop3A_428, %parallel_loop3A_429] {strides = array<i32>} : memref<8x8x128xf32, #tpu.memory_space<vmem>>, vector<16xf32>,
        tpu.vector_store %arg7[%parallel_loop3A_427, %parallel_loop3A_428, %parallel_loop3A_429], %parallel_loop3A_425 {strides = array<i32>} : memref<8x8x128xf32, #tpu.memory_space<vmem>>, vector<16xf32>,
        %parallel_loop3A_431 = arith.constant 3072 : i32
        %parallel_loop3A_432 = vector.broadcast %parallel_loop3A_431 : i32 to vector<16xi32>
        %parallel_loop3A_433 = arith.addi %parallel_loop3A_151, %parallel_loop3A_432 : vector<16xi32>
        %parallel_loop3A_434 = tpu.vector_load_idx %arg5[%parallel_loop3A_433] : memref<65536xf32, #tpu.memory_space<vmem>>[vector<16xi32>], vector<16xf32>,
        %parallel_loop3A_435 = arith.constant 3 : i32
        %parallel_loop3A_436 = arith.index_cast %parallel_loop3A_119 : i32 to index
        %parallel_loop3A_437 = arith.index_cast %parallel_loop3A_435 : i32 to index
        %parallel_loop3A_438 = arith.constant 112 : index
        %parallel_loop3A_439 = tpu.vector_load %arg7[%parallel_loop3A_436, %parallel_loop3A_437, %parallel_loop3A_438] {strides = array<i32>} : memref<8x8x128xf32, #tpu.memory_space<vmem>>, vector<16xf32>,
        tpu.vector_store %arg7[%parallel_loop3A_436, %parallel_loop3A_437, %parallel_loop3A_438], %parallel_loop3A_434 {strides = array<i32>} : memref<8x8x128xf32, #tpu.memory_space<vmem>>, vector<16xf32>,
        %parallel_loop3A_440 = arith.constant 4096 : i32
        %parallel_loop3A_441 = vector.broadcast %parallel_loop3A_440 : i32 to vector<16xi32>
        %parallel_loop3A_442 = arith.addi %parallel_loop3A_123, %parallel_loop3A_441 : vector<16xi32>
        %parallel_loop3A_443 = tpu.vector_load_idx %arg5[%parallel_loop3A_442] : memref<65536xf32, #tpu.memory_space<vmem>>[vector<16xi32>], vector<16xf32>,
        %parallel_loop3A_444 = arith.constant 4 : i32
        %parallel_loop3A_445 = arith.index_cast %parallel_loop3A_119 : i32 to index
        %parallel_loop3A_446 = arith.index_cast %parallel_loop3A_444 : i32 to index
        %parallel_loop3A_447 = arith.constant 0 : index
        %parallel_loop3A_448 = tpu.vector_load %arg7[%parallel_loop3A_445, %parallel_loop3A_446, %parallel_loop3A_447] {strides = array<i32>} : memref<8x8x128xf32, #tpu.memory_space<vmem>>, vector<16xf32>,
        tpu.vector_store %arg7[%parallel_loop3A_445, %parallel_loop3A_446, %parallel_loop3A_447], %parallel_loop3A_443 {strides = array<i32>} : memref<8x8x128xf32, #tpu.memory_space<vmem>>, vector<16xf32>,
        %parallel_loop3A_449 = arith.constant 4096 : i32
        %parallel_loop3A_450 = vector.broadcast %parallel_loop3A_449 : i32 to vector<16xi32>
        %parallel_loop3A_451 = arith.addi %parallel_loop3A_127, %parallel_loop3A_450 : vector<16xi32>
        %parallel_loop3A_452 = tpu.vector_load_idx %arg5[%parallel_loop3A_451] : memref<65536xf32, #tpu.memory_space<vmem>>[vector<16xi32>], vector<16xf32>,
        %parallel_loop3A_453 = arith.constant 4 : i32
        %parallel_loop3A_454 = arith.index_cast %parallel_loop3A_119 : i32 to index
        %parallel_loop3A_455 = arith.index_cast %parallel_loop3A_453 : i32 to index
        %parallel_loop3A_456 = arith.constant 16 : index
        %parallel_loop3A_457 = tpu.vector_load %arg7[%parallel_loop3A_454, %parallel_loop3A_455, %parallel_loop3A_456] {strides = array<i32>} : memref<8x8x128xf32, #tpu.memory_space<vmem>>, vector<16xf32>,
        tpu.vector_store %arg7[%parallel_loop3A_454, %parallel_loop3A_455, %parallel_loop3A_456], %parallel_loop3A_452 {strides = array<i32>} : memref<8x8x128xf32, #tpu.memory_space<vmem>>, vector<16xf32>,
        %parallel_loop3A_458 = arith.constant 4096 : i32
        %parallel_loop3A_459 = vector.broadcast %parallel_loop3A_458 : i32 to vector<16xi32>
        %parallel_loop3A_460 = arith.addi %parallel_loop3A_131, %parallel_loop3A_459 : vector<16xi32>
        %parallel_loop3A_461 = tpu.vector_load_idx %arg5[%parallel_loop3A_460] : memref<65536xf32, #tpu.memory_space<vmem>>[vector<16xi32>], vector<16xf32>,
        %parallel_loop3A_462 = arith.constant 4 : i32
        %parallel_loop3A_463 = arith.index_cast %parallel_loop3A_119 : i32 to index
        %parallel_loop3A_464 = arith.index_cast %parallel_loop3A_462 : i32 to index
        %parallel_loop3A_465 = arith.constant 32 : index
        %parallel_loop3A_466 = tpu.vector_load %arg7[%parallel_loop3A_463, %parallel_loop3A_464, %parallel_loop3A_465] {strides = array<i32>} : memref<8x8x128xf32, #tpu.memory_space<vmem>>, vector<16xf32>,
        tpu.vector_store %arg7[%parallel_loop3A_463, %parallel_loop3A_464, %parallel_loop3A_465], %parallel_loop3A_461 {strides = array<i32>} : memref<8x8x128xf32, #tpu.memory_space<vmem>>, vector<16xf32>,
        %parallel_loop3A_467 = arith.constant 4096 : i32
        %parallel_loop3A_468 = vector.broadcast %parallel_loop3A_467 : i32 to vector<16xi32>
        %parallel_loop3A_469 = arith.addi %parallel_loop3A_135, %parallel_loop3A_468 : vector<16xi32>
        %parallel_loop3A_470 = tpu.vector_load_idx %arg5[%parallel_loop3A_469] : memref<65536xf32, #tpu.memory_space<vmem>>[vector<16xi32>], vector<16xf32>,
        %parallel_loop3A_471 = arith.constant 4 : i32
        %parallel_loop3A_472 = arith.index_cast %parallel_loop3A_119 : i32 to index
        %parallel_loop3A_473 = arith.index_cast %parallel_loop3A_471 : i32 to index
        %parallel_loop3A_474 = arith.constant 48 : index
        %parallel_loop3A_475 = tpu.vector_load %arg7[%parallel_loop3A_472, %parallel_loop3A_473, %parallel_loop3A_474] {strides = array<i32>} : memref<8x8x128xf32, #tpu.memory_space<vmem>>, vector<16xf32>,
        tpu.vector_store %arg7[%parallel_loop3A_472, %parallel_loop3A_473, %parallel_loop3A_474], %parallel_loop3A_470 {strides = array<i32>} : memref<8x8x128xf32, #tpu.memory_space<vmem>>, vector<16xf32>,
        %parallel_loop3A_476 = arith.constant 4096 : i32
        %parallel_loop3A_477 = vector.broadcast %parallel_loop3A_476 : i32 to vector<16xi32>
        %parallel_loop3A_478 = arith.addi %parallel_loop3A_139, %parallel_loop3A_477 : vector<16xi32>
        %parallel_loop3A_479 = tpu.vector_load_idx %arg5[%parallel_loop3A_478] : memref<65536xf32, #tpu.memory_space<vmem>>[vector<16xi32>], vector<16xf32>,
        %parallel_loop3A_480 = arith.constant 4 : i32
        %parallel_loop3A_481 = arith.index_cast %parallel_loop3A_119 : i32 to index
        %parallel_loop3A_482 = arith.index_cast %parallel_loop3A_480 : i32 to index
        %parallel_loop3A_483 = arith.constant 64 : index
        %parallel_loop3A_484 = tpu.vector_load %arg7[%parallel_loop3A_481, %parallel_loop3A_482, %parallel_loop3A_483] {strides = array<i32>} : memref<8x8x128xf32, #tpu.memory_space<vmem>>, vector<16xf32>,
        tpu.vector_store %arg7[%parallel_loop3A_481, %parallel_loop3A_482, %parallel_loop3A_483], %parallel_loop3A_479 {strides = array<i32>} : memref<8x8x128xf32, #tpu.memory_space<vmem>>, vector<16xf32>,
        %parallel_loop3A_485 = arith.constant 4096 : i32
        %parallel_loop3A_486 = vector.broadcast %parallel_loop3A_485 : i32 to vector<16xi32>
        %parallel_loop3A_487 = arith.addi %parallel_loop3A_143, %parallel_loop3A_486 : vector<16xi32>
        %parallel_loop3A_488 = tpu.vector_load_idx %arg5[%parallel_loop3A_487] : memref<65536xf32, #tpu.memory_space<vmem>>[vector<16xi32>], vector<16xf32>,
        %parallel_loop3A_489 = arith.constant 4 : i32
        %parallel_loop3A_490 = arith.index_cast %parallel_loop3A_119 : i32 to index
        %parallel_loop3A_491 = arith.index_cast %parallel_loop3A_489 : i32 to index
        %parallel_loop3A_492 = arith.constant 80 : index
        %parallel_loop3A_493 = tpu.vector_load %arg7[%parallel_loop3A_490, %parallel_loop3A_491, %parallel_loop3A_492] {strides = array<i32>} : memref<8x8x128xf32, #tpu.memory_space<vmem>>, vector<16xf32>,
        tpu.vector_store %arg7[%parallel_loop3A_490, %parallel_loop3A_491, %parallel_loop3A_492], %parallel_loop3A_488 {strides = array<i32>} : memref<8x8x128xf32, #tpu.memory_space<vmem>>, vector<16xf32>,
        %parallel_loop3A_494 = arith.constant 4096 : i32
        %parallel_loop3A_495 = vector.broadcast %parallel_loop3A_494 : i32 to vector<16xi32>
        %parallel_loop3A_496 = arith.addi %parallel_loop3A_147, %parallel_loop3A_495 : vector<16xi32>
        %parallel_loop3A_497 = tpu.vector_load_idx %arg5[%parallel_loop3A_496] : memref<65536xf32, #tpu.memory_space<vmem>>[vector<16xi32>], vector<16xf32>,
        %parallel_loop3A_498 = arith.constant 4 : i32
        %parallel_loop3A_499 = arith.index_cast %parallel_loop3A_119 : i32 to index
        %parallel_loop3A_500 = arith.index_cast %parallel_loop3A_498 : i32 to index
        %parallel_loop3A_501 = arith.constant 96 : index
        %parallel_loop3A_502 = tpu.vector_load %arg7[%parallel_loop3A_499, %parallel_loop3A_500, %parallel_loop3A_501] {strides = array<i32>} : memref<8x8x128xf32, #tpu.memory_space<vmem>>, vector<16xf32>,
        tpu.vector_store %arg7[%parallel_loop3A_499, %parallel_loop3A_500, %parallel_loop3A_501], %parallel_loop3A_497 {strides = array<i32>} : memref<8x8x128xf32, #tpu.memory_space<vmem>>, vector<16xf32>,
        %parallel_loop3A_503 = arith.constant 4096 : i32
        %parallel_loop3A_504 = vector.broadcast %parallel_loop3A_503 : i32 to vector<16xi32>
        %parallel_loop3A_505 = arith.addi %parallel_loop3A_151, %parallel_loop3A_504 : vector<16xi32>
        %parallel_loop3A_506 = tpu.vector_load_idx %arg5[%parallel_loop3A_505] : memref<65536xf32, #tpu.memory_space<vmem>>[vector<16xi32>], vector<16xf32>,
        %parallel_loop3A_507 = arith.constant 4 : i32
        %parallel_loop3A_508 = arith.index_cast %parallel_loop3A_119 : i32 to index
        %parallel_loop3A_509 = arith.index_cast %parallel_loop3A_507 : i32 to index
        %parallel_loop3A_510 = arith.constant 112 : index
        %parallel_loop3A_511 = tpu.vector_load %arg7[%parallel_loop3A_508, %parallel_loop3A_509, %parallel_loop3A_510] {strides = array<i32>} : memref<8x8x128xf32, #tpu.memory_space<vmem>>, vector<16xf32>,
        tpu.vector_store %arg7[%parallel_loop3A_508, %parallel_loop3A_509, %parallel_loop3A_510], %parallel_loop3A_506 {strides = array<i32>} : memref<8x8x128xf32, #tpu.memory_space<vmem>>, vector<16xf32>,
        %parallel_loop3A_512 = arith.constant 5120 : i32
        %parallel_loop3A_513 = vector.broadcast %parallel_loop3A_512 : i32 to vector<16xi32>
        %parallel_loop3A_514 = arith.addi %parallel_loop3A_123, %parallel_loop3A_513 : vector<16xi32>
        %parallel_loop3A_515 = tpu.vector_load_idx %arg5[%parallel_loop3A_514] : memref<65536xf32, #tpu.memory_space<vmem>>[vector<16xi32>], vector<16xf32>,
        %parallel_loop3A_516 = arith.constant 5 : i32
        %parallel_loop3A_517 = arith.index_cast %parallel_loop3A_119 : i32 to index
        %parallel_loop3A_518 = arith.index_cast %parallel_loop3A_516 : i32 to index
        %parallel_loop3A_519 = arith.constant 0 : index
        %parallel_loop3A_520 = tpu.vector_load %arg7[%parallel_loop3A_517, %parallel_loop3A_518, %parallel_loop3A_519] {strides = array<i32>} : memref<8x8x128xf32, #tpu.memory_space<vmem>>, vector<16xf32>,
        tpu.vector_store %arg7[%parallel_loop3A_517, %parallel_loop3A_518, %parallel_loop3A_519], %parallel_loop3A_515 {strides = array<i32>} : memref<8x8x128xf32, #tpu.memory_space<vmem>>, vector<16xf32>,
        %parallel_loop3A_521 = arith.constant 5120 : i32
        %parallel_loop3A_522 = vector.broadcast %parallel_loop3A_521 : i32 to vector<16xi32>
        %parallel_loop3A_523 = arith.addi %parallel_loop3A_127, %parallel_loop3A_522 : vector<16xi32>
        %parallel_loop3A_524 = tpu.vector_load_idx %arg5[%parallel_loop3A_523] : memref<65536xf32, #tpu.memory_space<vmem>>[vector<16xi32>], vector<16xf32>,
        %parallel_loop3A_525 = arith.constant 5 : i32
        %parallel_loop3A_526 = arith.index_cast %parallel_loop3A_119 : i32 to index
        %parallel_loop3A_527 = arith.index_cast %parallel_loop3A_525 : i32 to index
        %parallel_loop3A_528 = arith.constant 16 : index
        %parallel_loop3A_529 = tpu.vector_load %arg7[%parallel_loop3A_526, %parallel_loop3A_527, %parallel_loop3A_528] {strides = array<i32>} : memref<8x8x128xf32, #tpu.memory_space<vmem>>, vector<16xf32>,
        tpu.vector_store %arg7[%parallel_loop3A_526, %parallel_loop3A_527, %parallel_loop3A_528], %parallel_loop3A_524 {strides = array<i32>} : memref<8x8x128xf32, #tpu.memory_space<vmem>>, vector<16xf32>,
        %parallel_loop3A_530 = arith.constant 5120 : i32
        %parallel_loop3A_531 = vector.broadcast %parallel_loop3A_530 : i32 to vector<16xi32>
        %parallel_loop3A_532 = arith.addi %parallel_loop3A_131, %parallel_loop3A_531 : vector<16xi32>
        %parallel_loop3A_533 = tpu.vector_load_idx %arg5[%parallel_loop3A_532] : memref<65536xf32, #tpu.memory_space<vmem>>[vector<16xi32>], vector<16xf32>,
        %parallel_loop3A_534 = arith.constant 5 : i32
        %parallel_loop3A_535 = arith.index_cast %parallel_loop3A_119 : i32 to index
        %parallel_loop3A_536 = arith.index_cast %parallel_loop3A_534 : i32 to index
        %parallel_loop3A_537 = arith.constant 32 : index
        %parallel_loop3A_538 = tpu.vector_load %arg7[%parallel_loop3A_535, %parallel_loop3A_536, %parallel_loop3A_537] {strides = array<i32>} : memref<8x8x128xf32, #tpu.memory_space<vmem>>, vector<16xf32>,
        tpu.vector_store %arg7[%parallel_loop3A_535, %parallel_loop3A_536, %parallel_loop3A_537], %parallel_loop3A_533 {strides = array<i32>} : memref<8x8x128xf32, #tpu.memory_space<vmem>>, vector<16xf32>,
        %parallel_loop3A_539 = arith.constant 5120 : i32
        %parallel_loop3A_540 = vector.broadcast %parallel_loop3A_539 : i32 to vector<16xi32>
        %parallel_loop3A_541 = arith.addi %parallel_loop3A_135, %parallel_loop3A_540 : vector<16xi32>
        %parallel_loop3A_542 = tpu.vector_load_idx %arg5[%parallel_loop3A_541] : memref<65536xf32, #tpu.memory_space<vmem>>[vector<16xi32>], vector<16xf32>,
        %parallel_loop3A_543 = arith.constant 5 : i32
        %parallel_loop3A_544 = arith.index_cast %parallel_loop3A_119 : i32 to index
        %parallel_loop3A_545 = arith.index_cast %parallel_loop3A_543 : i32 to index
        %parallel_loop3A_546 = arith.constant 48 : index
        %parallel_loop3A_547 = tpu.vector_load %arg7[%parallel_loop3A_544, %parallel_loop3A_545, %parallel_loop3A_546] {strides = array<i32>} : memref<8x8x128xf32, #tpu.memory_space<vmem>>, vector<16xf32>,
        tpu.vector_store %arg7[%parallel_loop3A_544, %parallel_loop3A_545, %parallel_loop3A_546], %parallel_loop3A_542 {strides = array<i32>} : memref<8x8x128xf32, #tpu.memory_space<vmem>>, vector<16xf32>,
        %parallel_loop3A_548 = arith.constant 5120 : i32
        %parallel_loop3A_549 = vector.broadcast %parallel_loop3A_548 : i32 to vector<16xi32>
        %parallel_loop3A_550 = arith.addi %parallel_loop3A_139, %parallel_loop3A_549 : vector<16xi32>
        %parallel_loop3A_551 = tpu.vector_load_idx %arg5[%parallel_loop3A_550] : memref<65536xf32, #tpu.memory_space<vmem>>[vector<16xi32>], vector<16xf32>,
        %parallel_loop3A_552 = arith.constant 5 : i32
        %parallel_loop3A_553 = arith.index_cast %parallel_loop3A_119 : i32 to index
        %parallel_loop3A_554 = arith.index_cast %parallel_loop3A_552 : i32 to index
        %parallel_loop3A_555 = arith.constant 64 : index
        %parallel_loop3A_556 = tpu.vector_load %arg7[%parallel_loop3A_553, %parallel_loop3A_554, %parallel_loop3A_555] {strides = array<i32>} : memref<8x8x128xf32, #tpu.memory_space<vmem>>, vector<16xf32>,
        tpu.vector_store %arg7[%parallel_loop3A_553, %parallel_loop3A_554, %parallel_loop3A_555], %parallel_loop3A_551 {strides = array<i32>} : memref<8x8x128xf32, #tpu.memory_space<vmem>>, vector<16xf32>,
        %parallel_loop3A_557 = arith.constant 5120 : i32
        %parallel_loop3A_558 = vector.broadcast %parallel_loop3A_557 : i32 to vector<16xi32>
        %parallel_loop3A_559 = arith.addi %parallel_loop3A_143, %parallel_loop3A_558 : vector<16xi32>
        %parallel_loop3A_560 = tpu.vector_load_idx %arg5[%parallel_loop3A_559] : memref<65536xf32, #tpu.memory_space<vmem>>[vector<16xi32>], vector<16xf32>,
        %parallel_loop3A_561 = arith.constant 5 : i32
        %parallel_loop3A_562 = arith.index_cast %parallel_loop3A_119 : i32 to index
        %parallel_loop3A_563 = arith.index_cast %parallel_loop3A_561 : i32 to index
        %parallel_loop3A_564 = arith.constant 80 : index
        %parallel_loop3A_565 = tpu.vector_load %arg7[%parallel_loop3A_562, %parallel_loop3A_563, %parallel_loop3A_564] {strides = array<i32>} : memref<8x8x128xf32, #tpu.memory_space<vmem>>, vector<16xf32>,
        tpu.vector_store %arg7[%parallel_loop3A_562, %parallel_loop3A_563, %parallel_loop3A_564], %parallel_loop3A_560 {strides = array<i32>} : memref<8x8x128xf32, #tpu.memory_space<vmem>>, vector<16xf32>,
        %parallel_loop3A_566 = arith.constant 5120 : i32
        %parallel_loop3A_567 = vector.broadcast %parallel_loop3A_566 : i32 to vector<16xi32>
        %parallel_loop3A_568 = arith.addi %parallel_loop3A_147, %parallel_loop3A_567 : vector<16xi32>
        %parallel_loop3A_569 = tpu.vector_load_idx %arg5[%parallel_loop3A_568] : memref<65536xf32, #tpu.memory_space<vmem>>[vector<16xi32>], vector<16xf32>,
        %parallel_loop3A_570 = arith.constant 5 : i32
        %parallel_loop3A_571 = arith.index_cast %parallel_loop3A_119 : i32 to index
        %parallel_loop3A_572 = arith.index_cast %parallel_loop3A_570 : i32 to index
        %parallel_loop3A_573 = arith.constant 96 : index
        %parallel_loop3A_574 = tpu.vector_load %arg7[%parallel_loop3A_571, %parallel_loop3A_572, %parallel_loop3A_573] {strides = array<i32>} : memref<8x8x128xf32, #tpu.memory_space<vmem>>, vector<16xf32>,
        tpu.vector_store %arg7[%parallel_loop3A_571, %parallel_loop3A_572, %parallel_loop3A_573], %parallel_loop3A_569 {strides = array<i32>} : memref<8x8x128xf32, #tpu.memory_space<vmem>>, vector<16xf32>,
        %parallel_loop3A_575 = arith.constant 5120 : i32
        %parallel_loop3A_576 = vector.broadcast %parallel_loop3A_575 : i32 to vector<16xi32>
        %parallel_loop3A_577 = arith.addi %parallel_loop3A_151, %parallel_loop3A_576 : vector<16xi32>
        %parallel_loop3A_578 = tpu.vector_load_idx %arg5[%parallel_loop3A_577] : memref<65536xf32, #tpu.memory_space<vmem>>[vector<16xi32>], vector<16xf32>,
        %parallel_loop3A_579 = arith.constant 5 : i32
        %parallel_loop3A_580 = arith.index_cast %parallel_loop3A_119 : i32 to index
        %parallel_loop3A_581 = arith.index_cast %parallel_loop3A_579 : i32 to index
        %parallel_loop3A_582 = arith.constant 112 : index
        %parallel_loop3A_583 = tpu.vector_load %arg7[%parallel_loop3A_580, %parallel_loop3A_581, %parallel_loop3A_582] {strides = array<i32>} : memref<8x8x128xf32, #tpu.memory_space<vmem>>, vector<16xf32>,
        tpu.vector_store %arg7[%parallel_loop3A_580, %parallel_loop3A_581, %parallel_loop3A_582], %parallel_loop3A_578 {strides = array<i32>} : memref<8x8x128xf32, #tpu.memory_space<vmem>>, vector<16xf32>,
        %parallel_loop3A_584 = arith.constant 6144 : i32
        %parallel_loop3A_585 = vector.broadcast %parallel_loop3A_584 : i32 to vector<16xi32>
        %parallel_loop3A_586 = arith.addi %parallel_loop3A_123, %parallel_loop3A_585 : vector<16xi32>
        %parallel_loop3A_587 = tpu.vector_load_idx %arg5[%parallel_loop3A_586] : memref<65536xf32, #tpu.memory_space<vmem>>[vector<16xi32>], vector<16xf32>,
        %parallel_loop3A_588 = arith.constant 6 : i32
        %parallel_loop3A_589 = arith.index_cast %parallel_loop3A_119 : i32 to index
        %parallel_loop3A_590 = arith.index_cast %parallel_loop3A_588 : i32 to index
        %parallel_loop3A_591 = arith.constant 0 : index
        %parallel_loop3A_592 = tpu.vector_load %arg7[%parallel_loop3A_589, %parallel_loop3A_590, %parallel_loop3A_591] {strides = array<i32>} : memref<8x8x128xf32, #tpu.memory_space<vmem>>, vector<16xf32>,
        tpu.vector_store %arg7[%parallel_loop3A_589, %parallel_loop3A_590, %parallel_loop3A_591], %parallel_loop3A_587 {strides = array<i32>} : memref<8x8x128xf32, #tpu.memory_space<vmem>>, vector<16xf32>,
        %parallel_loop3A_593 = arith.constant 6144 : i32
        %parallel_loop3A_594 = vector.broadcast %parallel_loop3A_593 : i32 to vector<16xi32>
        %parallel_loop3A_595 = arith.addi %parallel_loop3A_127, %parallel_loop3A_594 : vector<16xi32>
        %parallel_loop3A_596 = tpu.vector_load_idx %arg5[%parallel_loop3A_595] : memref<65536xf32, #tpu.memory_space<vmem>>[vector<16xi32>], vector<16xf32>,
        %parallel_loop3A_597 = arith.constant 6 : i32
        %parallel_loop3A_598 = arith.index_cast %parallel_loop3A_119 : i32 to index
        %parallel_loop3A_599 = arith.index_cast %parallel_loop3A_597 : i32 to index
        %parallel_loop3A_600 = arith.constant 16 : index
        %parallel_loop3A_601 = tpu.vector_load %arg7[%parallel_loop3A_598, %parallel_loop3A_599, %parallel_loop3A_600] {strides = array<i32>} : memref<8x8x128xf32, #tpu.memory_space<vmem>>, vector<16xf32>,
        tpu.vector_store %arg7[%parallel_loop3A_598, %parallel_loop3A_599, %parallel_loop3A_600], %parallel_loop3A_596 {strides = array<i32>} : memref<8x8x128xf32, #tpu.memory_space<vmem>>, vector<16xf32>,
        %parallel_loop3A_602 = arith.constant 6144 : i32
        %parallel_loop3A_603 = vector.broadcast %parallel_loop3A_602 : i32 to vector<16xi32>
        %parallel_loop3A_604 = arith.addi %parallel_loop3A_131, %parallel_loop3A_603 : vector<16xi32>
        %parallel_loop3A_605 = tpu.vector_load_idx %arg5[%parallel_loop3A_604] : memref<65536xf32, #tpu.memory_space<vmem>>[vector<16xi32>], vector<16xf32>,
        %parallel_loop3A_606 = arith.constant 6 : i32
        %parallel_loop3A_607 = arith.index_cast %parallel_loop3A_119 : i32 to index
        %parallel_loop3A_608 = arith.index_cast %parallel_loop3A_606 : i32 to index
        %parallel_loop3A_609 = arith.constant 32 : index
        %parallel_loop3A_610 = tpu.vector_load %arg7[%parallel_loop3A_607, %parallel_loop3A_608, %parallel_loop3A_609] {strides = array<i32>} : memref<8x8x128xf32, #tpu.memory_space<vmem>>, vector<16xf32>,
        tpu.vector_store %arg7[%parallel_loop3A_607, %parallel_loop3A_608, %parallel_loop3A_609], %parallel_loop3A_605 {strides = array<i32>} : memref<8x8x128xf32, #tpu.memory_space<vmem>>, vector<16xf32>,
        %parallel_loop3A_611 = arith.constant 6144 : i32
        %parallel_loop3A_612 = vector.broadcast %parallel_loop3A_611 : i32 to vector<16xi32>
        %parallel_loop3A_613 = arith.addi %parallel_loop3A_135, %parallel_loop3A_612 : vector<16xi32>
        %parallel_loop3A_614 = tpu.vector_load_idx %arg5[%parallel_loop3A_613] : memref<65536xf32, #tpu.memory_space<vmem>>[vector<16xi32>], vector<16xf32>,
        %parallel_loop3A_615 = arith.constant 6 : i32
        %parallel_loop3A_616 = arith.index_cast %parallel_loop3A_119 : i32 to index
        %parallel_loop3A_617 = arith.index_cast %parallel_loop3A_615 : i32 to index
        %parallel_loop3A_618 = arith.constant 48 : index
        %parallel_loop3A_619 = tpu.vector_load %arg7[%parallel_loop3A_616, %parallel_loop3A_617, %parallel_loop3A_618] {strides = array<i32>} : memref<8x8x128xf32, #tpu.memory_space<vmem>>, vector<16xf32>,
        tpu.vector_store %arg7[%parallel_loop3A_616, %parallel_loop3A_617, %parallel_loop3A_618], %parallel_loop3A_614 {strides = array<i32>} : memref<8x8x128xf32, #tpu.memory_space<vmem>>, vector<16xf32>,
        %parallel_loop3A_620 = arith.constant 6144 : i32
        %parallel_loop3A_621 = vector.broadcast %parallel_loop3A_620 : i32 to vector<16xi32>
        %parallel_loop3A_622 = arith.addi %parallel_loop3A_139, %parallel_loop3A_621 : vector<16xi32>
        %parallel_loop3A_623 = tpu.vector_load_idx %arg5[%parallel_loop3A_622] : memref<65536xf32, #tpu.memory_space<vmem>>[vector<16xi32>], vector<16xf32>,
        %parallel_loop3A_624 = arith.constant 6 : i32
        %parallel_loop3A_625 = arith.index_cast %parallel_loop3A_119 : i32 to index
        %parallel_loop3A_626 = arith.index_cast %parallel_loop3A_624 : i32 to index
        %parallel_loop3A_627 = arith.constant 64 : index
        %parallel_loop3A_628 = tpu.vector_load %arg7[%parallel_loop3A_625, %parallel_loop3A_626, %parallel_loop3A_627] {strides = array<i32>} : memref<8x8x128xf32, #tpu.memory_space<vmem>>, vector<16xf32>,
        tpu.vector_store %arg7[%parallel_loop3A_625, %parallel_loop3A_626, %parallel_loop3A_627], %parallel_loop3A_623 {strides = array<i32>} : memref<8x8x128xf32, #tpu.memory_space<vmem>>, vector<16xf32>,
        %parallel_loop3A_629 = arith.constant 6144 : i32
        %parallel_loop3A_630 = vector.broadcast %parallel_loop3A_629 : i32 to vector<16xi32>
        %parallel_loop3A_631 = arith.addi %parallel_loop3A_143, %parallel_loop3A_630 : vector<16xi32>
        %parallel_loop3A_632 = tpu.vector_load_idx %arg5[%parallel_loop3A_631] : memref<65536xf32, #tpu.memory_space<vmem>>[vector<16xi32>], vector<16xf32>,
        %parallel_loop3A_633 = arith.constant 6 : i32
        %parallel_loop3A_634 = arith.index_cast %parallel_loop3A_119 : i32 to index
        %parallel_loop3A_635 = arith.index_cast %parallel_loop3A_633 : i32 to index
        %parallel_loop3A_636 = arith.constant 80 : index
        %parallel_loop3A_637 = tpu.vector_load %arg7[%parallel_loop3A_634, %parallel_loop3A_635, %parallel_loop3A_636] {strides = array<i32>} : memref<8x8x128xf32, #tpu.memory_space<vmem>>, vector<16xf32>,
        tpu.vector_store %arg7[%parallel_loop3A_634, %parallel_loop3A_635, %parallel_loop3A_636], %parallel_loop3A_632 {strides = array<i32>} : memref<8x8x128xf32, #tpu.memory_space<vmem>>, vector<16xf32>,
        %parallel_loop3A_638 = arith.constant 6144 : i32
        %parallel_loop3A_639 = vector.broadcast %parallel_loop3A_638 : i32 to vector<16xi32>
        %parallel_loop3A_640 = arith.addi %parallel_loop3A_147, %parallel_loop3A_639 : vector<16xi32>
        %parallel_loop3A_641 = tpu.vector_load_idx %arg5[%parallel_loop3A_640] : memref<65536xf32, #tpu.memory_space<vmem>>[vector<16xi32>], vector<16xf32>,
        %parallel_loop3A_642 = arith.constant 6 : i32
        %parallel_loop3A_643 = arith.index_cast %parallel_loop3A_119 : i32 to index
        %parallel_loop3A_644 = arith.index_cast %parallel_loop3A_642 : i32 to index
        %parallel_loop3A_645 = arith.constant 96 : index
        %parallel_loop3A_646 = tpu.vector_load %arg7[%parallel_loop3A_643, %parallel_loop3A_644, %parallel_loop3A_645] {strides = array<i32>} : memref<8x8x128xf32, #tpu.memory_space<vmem>>, vector<16xf32>,
        tpu.vector_store %arg7[%parallel_loop3A_643, %parallel_loop3A_644, %parallel_loop3A_645], %parallel_loop3A_641 {strides = array<i32>} : memref<8x8x128xf32, #tpu.memory_space<vmem>>, vector<16xf32>,
        %parallel_loop3A_647 = arith.constant 6144 : i32
        %parallel_loop3A_648 = vector.broadcast %parallel_loop3A_647 : i32 to vector<16xi32>
        %parallel_loop3A_649 = arith.addi %parallel_loop3A_151, %parallel_loop3A_648 : vector<16xi32>
        %parallel_loop3A_650 = tpu.vector_load_idx %arg5[%parallel_loop3A_649] : memref<65536xf32, #tpu.memory_space<vmem>>[vector<16xi32>], vector<16xf32>,
        %parallel_loop3A_651 = arith.constant 6 : i32
        %parallel_loop3A_652 = arith.index_cast %parallel_loop3A_119 : i32 to index
        %parallel_loop3A_653 = arith.index_cast %parallel_loop3A_651 : i32 to index
        %parallel_loop3A_654 = arith.constant 112 : index
        %parallel_loop3A_655 = tpu.vector_load %arg7[%parallel_loop3A_652, %parallel_loop3A_653, %parallel_loop3A_654] {strides = array<i32>} : memref<8x8x128xf32, #tpu.memory_space<vmem>>, vector<16xf32>,
        tpu.vector_store %arg7[%parallel_loop3A_652, %parallel_loop3A_653, %parallel_loop3A_654], %parallel_loop3A_650 {strides = array<i32>} : memref<8x8x128xf32, #tpu.memory_space<vmem>>, vector<16xf32>,
        %parallel_loop3A_656 = arith.constant 7168 : i32
        %parallel_loop3A_657 = vector.broadcast %parallel_loop3A_656 : i32 to vector<16xi32>
        %parallel_loop3A_658 = arith.addi %parallel_loop3A_123, %parallel_loop3A_657 : vector<16xi32>
        %parallel_loop3A_659 = tpu.vector_load_idx %arg5[%parallel_loop3A_658] : memref<65536xf32, #tpu.memory_space<vmem>>[vector<16xi32>], vector<16xf32>,
        %parallel_loop3A_660 = arith.constant 7 : i32
        %parallel_loop3A_661 = arith.index_cast %parallel_loop3A_119 : i32 to index
        %parallel_loop3A_662 = arith.index_cast %parallel_loop3A_660 : i32 to index
        %parallel_loop3A_663 = arith.constant 0 : index
        %parallel_loop3A_664 = tpu.vector_load %arg7[%parallel_loop3A_661, %parallel_loop3A_662, %parallel_loop3A_663] {strides = array<i32>} : memref<8x8x128xf32, #tpu.memory_space<vmem>>, vector<16xf32>,
        tpu.vector_store %arg7[%parallel_loop3A_661, %parallel_loop3A_662, %parallel_loop3A_663], %parallel_loop3A_659 {strides = array<i32>} : memref<8x8x128xf32, #tpu.memory_space<vmem>>, vector<16xf32>,
        %parallel_loop3A_665 = arith.constant 7168 : i32
        %parallel_loop3A_666 = vector.broadcast %parallel_loop3A_665 : i32 to vector<16xi32>
        %parallel_loop3A_667 = arith.addi %parallel_loop3A_127, %parallel_loop3A_666 : vector<16xi32>
        %parallel_loop3A_668 = tpu.vector_load_idx %arg5[%parallel_loop3A_667] : memref<65536xf32, #tpu.memory_space<vmem>>[vector<16xi32>], vector<16xf32>,
        %parallel_loop3A_669 = arith.constant 7 : i32
        %parallel_loop3A_670 = arith.index_cast %parallel_loop3A_119 : i32 to index
        %parallel_loop3A_671 = arith.index_cast %parallel_loop3A_669 : i32 to index
        %parallel_loop3A_672 = arith.constant 16 : index
        %parallel_loop3A_673 = tpu.vector_load %arg7[%parallel_loop3A_670, %parallel_loop3A_671, %parallel_loop3A_672] {strides = array<i32>} : memref<8x8x128xf32, #tpu.memory_space<vmem>>, vector<16xf32>,
        tpu.vector_store %arg7[%parallel_loop3A_670, %parallel_loop3A_671, %parallel_loop3A_672], %parallel_loop3A_668 {strides = array<i32>} : memref<8x8x128xf32, #tpu.memory_space<vmem>>, vector<16xf32>,
        %parallel_loop3A_674 = arith.constant 7168 : i32
        %parallel_loop3A_675 = vector.broadcast %parallel_loop3A_674 : i32 to vector<16xi32>
        %parallel_loop3A_676 = arith.addi %parallel_loop3A_131, %parallel_loop3A_675 : vector<16xi32>
        %parallel_loop3A_677 = tpu.vector_load_idx %arg5[%parallel_loop3A_676] : memref<65536xf32, #tpu.memory_space<vmem>>[vector<16xi32>], vector<16xf32>,
        %parallel_loop3A_678 = arith.constant 7 : i32
        %parallel_loop3A_679 = arith.index_cast %parallel_loop3A_119 : i32 to index
        %parallel_loop3A_680 = arith.index_cast %parallel_loop3A_678 : i32 to index
        %parallel_loop3A_681 = arith.constant 32 : index
        %parallel_loop3A_682 = tpu.vector_load %arg7[%parallel_loop3A_679, %parallel_loop3A_680, %parallel_loop3A_681] {strides = array<i32>} : memref<8x8x128xf32, #tpu.memory_space<vmem>>, vector<16xf32>,
        tpu.vector_store %arg7[%parallel_loop3A_679, %parallel_loop3A_680, %parallel_loop3A_681], %parallel_loop3A_677 {strides = array<i32>} : memref<8x8x128xf32, #tpu.memory_space<vmem>>, vector<16xf32>,
        %parallel_loop3A_683 = arith.constant 7168 : i32
        %parallel_loop3A_684 = vector.broadcast %parallel_loop3A_683 : i32 to vector<16xi32>
        %parallel_loop3A_685 = arith.addi %parallel_loop3A_135, %parallel_loop3A_684 : vector<16xi32>
        %parallel_loop3A_686 = tpu.vector_load_idx %arg5[%parallel_loop3A_685] : memref<65536xf32, #tpu.memory_space<vmem>>[vector<16xi32>], vector<16xf32>,
        %parallel_loop3A_687 = arith.constant 7 : i32
        %parallel_loop3A_688 = arith.index_cast %parallel_loop3A_119 : i32 to index
        %parallel_loop3A_689 = arith.index_cast %parallel_loop3A_687 : i32 to index
        %parallel_loop3A_690 = arith.constant 48 : index
        %parallel_loop3A_691 = tpu.vector_load %arg7[%parallel_loop3A_688, %parallel_loop3A_689, %parallel_loop3A_690] {strides = array<i32>} : memref<8x8x128xf32, #tpu.memory_space<vmem>>, vector<16xf32>,
        tpu.vector_store %arg7[%parallel_loop3A_688, %parallel_loop3A_689, %parallel_loop3A_690], %parallel_loop3A_686 {strides = array<i32>} : memref<8x8x128xf32, #tpu.memory_space<vmem>>, vector<16xf32>,
        %parallel_loop3A_692 = arith.constant 7168 : i32
        %parallel_loop3A_693 = vector.broadcast %parallel_loop3A_692 : i32 to vector<16xi32>
        %parallel_loop3A_694 = arith.addi %parallel_loop3A_139, %parallel_loop3A_693 : vector<16xi32>
        %parallel_loop3A_695 = tpu.vector_load_idx %arg5[%parallel_loop3A_694] : memref<65536xf32, #tpu.memory_space<vmem>>[vector<16xi32>], vector<16xf32>,
        %parallel_loop3A_696 = arith.constant 7 : i32
        %parallel_loop3A_697 = arith.index_cast %parallel_loop3A_119 : i32 to index
        %parallel_loop3A_698 = arith.index_cast %parallel_loop3A_696 : i32 to index
        %parallel_loop3A_699 = arith.constant 64 : index
        %parallel_loop3A_700 = tpu.vector_load %arg7[%parallel_loop3A_697, %parallel_loop3A_698, %parallel_loop3A_699] {strides = array<i32>} : memref<8x8x128xf32, #tpu.memory_space<vmem>>, vector<16xf32>,
        tpu.vector_store %arg7[%parallel_loop3A_697, %parallel_loop3A_698, %parallel_loop3A_699], %parallel_loop3A_695 {strides = array<i32>} : memref<8x8x128xf32, #tpu.memory_space<vmem>>, vector<16xf32>,
        %parallel_loop3A_701 = arith.constant 7168 : i32
        %parallel_loop3A_702 = vector.broadcast %parallel_loop3A_701 : i32 to vector<16xi32>
        %parallel_loop3A_703 = arith.addi %parallel_loop3A_143, %parallel_loop3A_702 : vector<16xi32>
        %parallel_loop3A_704 = tpu.vector_load_idx %arg5[%parallel_loop3A_703] : memref<65536xf32, #tpu.memory_space<vmem>>[vector<16xi32>], vector<16xf32>,
        %parallel_loop3A_705 = arith.constant 7 : i32
        %parallel_loop3A_706 = arith.index_cast %parallel_loop3A_119 : i32 to index
        %parallel_loop3A_707 = arith.index_cast %parallel_loop3A_705 : i32 to index
        %parallel_loop3A_708 = arith.constant 80 : index
        %parallel_loop3A_709 = tpu.vector_load %arg7[%parallel_loop3A_706, %parallel_loop3A_707, %parallel_loop3A_708] {strides = array<i32>} : memref<8x8x128xf32, #tpu.memory_space<vmem>>, vector<16xf32>,
        tpu.vector_store %arg7[%parallel_loop3A_706, %parallel_loop3A_707, %parallel_loop3A_708], %parallel_loop3A_704 {strides = array<i32>} : memref<8x8x128xf32, #tpu.memory_space<vmem>>, vector<16xf32>,
        %parallel_loop3A_710 = arith.constant 7168 : i32
        %parallel_loop3A_711 = vector.broadcast %parallel_loop3A_710 : i32 to vector<16xi32>
        %parallel_loop3A_712 = arith.addi %parallel_loop3A_147, %parallel_loop3A_711 : vector<16xi32>
        %parallel_loop3A_713 = tpu.vector_load_idx %arg5[%parallel_loop3A_712] : memref<65536xf32, #tpu.memory_space<vmem>>[vector<16xi32>], vector<16xf32>,
        %parallel_loop3A_714 = arith.constant 7 : i32
        %parallel_loop3A_715 = arith.index_cast %parallel_loop3A_119 : i32 to index
        %parallel_loop3A_716 = arith.index_cast %parallel_loop3A_714 : i32 to index
        %parallel_loop3A_717 = arith.constant 96 : index
        %parallel_loop3A_718 = tpu.vector_load %arg7[%parallel_loop3A_715, %parallel_loop3A_716, %parallel_loop3A_717] {strides = array<i32>} : memref<8x8x128xf32, #tpu.memory_space<vmem>>, vector<16xf32>,
        tpu.vector_store %arg7[%parallel_loop3A_715, %parallel_loop3A_716, %parallel_loop3A_717], %parallel_loop3A_713 {strides = array<i32>} : memref<8x8x128xf32, #tpu.memory_space<vmem>>, vector<16xf32>,
        %parallel_loop3A_719 = arith.constant 7168 : i32
        %parallel_loop3A_720 = vector.broadcast %parallel_loop3A_719 : i32 to vector<16xi32>
        %parallel_loop3A_721 = arith.addi %parallel_loop3A_151, %parallel_loop3A_720 : vector<16xi32>
        %parallel_loop3A_722 = tpu.vector_load_idx %arg5[%parallel_loop3A_721] : memref<65536xf32, #tpu.memory_space<vmem>>[vector<16xi32>], vector<16xf32>,
        %parallel_loop3A_723 = arith.constant 7 : i32
        %parallel_loop3A_724 = arith.index_cast %parallel_loop3A_119 : i32 to index
        %parallel_loop3A_725 = arith.index_cast %parallel_loop3A_723 : i32 to index
        %parallel_loop3A_726 = arith.constant 112 : index
        %parallel_loop3A_727 = tpu.vector_load %arg7[%parallel_loop3A_724, %parallel_loop3A_725, %parallel_loop3A_726] {strides = array<i32>} : memref<8x8x128xf32, #tpu.memory_space<vmem>>, vector<16xf32>,
        tpu.vector_store %arg7[%parallel_loop3A_724, %parallel_loop3A_725, %parallel_loop3A_726], %parallel_loop3A_722 {strides = array<i32>} : memref<8x8x128xf32, #tpu.memory_space<vmem>>, vector<16xf32>,
      } {sc.loop_unroll_factor = 1 : i64, sc.parallel_access}
      %dma_start3A = arith.constant 0 : i32
      %dma_start3A_64 = arith.constant 0 : i32
      %dma_start3A_65 = arith.constant 0 : i32
      %dma_start3A_66 = tpu.memref_slice %arg4[%add3A_35, %dma_start3A, %add3A, %dma_start3A_64, %dma_start3A_65] : memref<200x8x32x8x128xf32, #tpu.memory_space<hbm>> -> memref<1x8x1x8x128xf32, #tpu.memory_space<hbm>>
      %dma_start3A_67 = tpu.memref_squeeze %dma_start3A_66 : memref<1x8x1x8x128xf32, #tpu.memory_space<hbm>> -> memref<8x8x128xf32, #tpu.memory_space<hbm>>
      %dma_start3A_68 = arith.constant 0 : i32
      %dma_start3A_69 = arith.constant 0 : i32
      %dma_start3A_70 = arith.constant 0 : i32
      %dma_start3A_71 = tpu.memref_slice %arg4[%add3A_35, %dma_start3A_68, %add3A, %dma_start3A_69, %dma_start3A_70] : memref<200x8x32x8x128xf32, #tpu.memory_space<hbm>> -> memref<1x8x1x8x128xf32, #tpu.memory_space<hbm>>
      %dma_start3A_72 = tpu.memref_squeeze %dma_start3A_71 : memref<1x8x1x8x128xf32, #tpu.memory_space<hbm>> -> memref<8x8x128xf32, #tpu.memory_space<hbm>>
      tpu.enqueue_dma source(%arg7 : memref<8x8x128xf32, #tpu.memory_space<vmem>>) target(%dma_start3A_72 : memref<8x8x128xf32, #tpu.memory_space<hbm>>) target_semaphore(%arg9 : memref<!tpu.dma_semaphore, #tpu.memory_space<semaphore_mem>>)
      %mul3A_73 = arith.constant 2 : i32
      %mul3A_74 = arith.muli %scan3A_31, %mul3A_73 : i32
      %add3A_75 = arith.constant 1 : i32
      %add3A_76 = arith.addi %mul3A_74, %add3A_75 : i32
      %ge3A_77 = arith.constant 1 : i32
      %ge3A_78 = arith.cmpi sge, %scan3A_31, %ge3A_77 : i32
      %convert_element_type3A_79 = arith.extui %ge3A_78 : i1 to i32
      %cond3A_80 = arith.constant 0 : i32
      %cond3A_81 = arith.cmpi ne, %convert_element_type3A_79, %cond3A_80 : i32
      scf.if %cond3A_81 {
        %dma_wait3A_119 = arith.constant 0 : i32
        %dma_wait3A_120 = arith.constant 0 : i32
        %dma_wait3A_121 = arith.constant 0 : i32
        %dma_wait3A_122 = arith.constant 0 : i32
        %dma_wait3A_123 = arith.constant 0 : i32
        %dma_wait3A_124 = tpu.memref_slice %arg4[%dma_wait3A_119, %dma_wait3A_121, %dma_wait3A_120, %dma_wait3A_122, %dma_wait3A_123] : memref<200x8x32x8x128xf32, #tpu.memory_space<hbm>> -> memref<1x8x1x8x128xf32, #tpu.memory_space<hbm>>
        %dma_wait3A_125 = tpu.memref_squeeze %dma_wait3A_124 : memref<1x8x1x8x128xf32, #tpu.memory_space<hbm>> -> memref<8x8x128xf32, #tpu.memory_space<hbm>>
        %dma_wait3A_126 = arith.constant 0 : i32
        %dma_wait3A_127 = arith.constant 0 : i32
        %dma_wait3A_128 = arith.constant 0 : i32
        %dma_wait3A_129 = tpu.memref_slice %arg4[%dma_wait3A_119, %dma_wait3A_126, %dma_wait3A_120, %dma_wait3A_127, %dma_wait3A_128] : memref<200x8x32x8x128xf32, #tpu.memory_space<hbm>> -> memref<1x8x1x8x128xf32, #tpu.memory_space<hbm>>
        %dma_wait3A_130 = tpu.memref_squeeze %dma_wait3A_129 : memref<1x8x1x8x128xf32, #tpu.memory_space<hbm>> -> memref<8x8x128xf32, #tpu.memory_space<hbm>>
        tpu.wait_dma2 semaphore(%arg10 : memref<!tpu.dma_semaphore, #tpu.memory_space<semaphore_mem>>) src(%arg8 : memref<8x8x128xf32, #tpu.memory_space<vmem>>) dst(%dma_wait3A_130 : memref<8x8x128xf32, #tpu.memory_space<hbm>>)
      } else {
      }
      %get3A_82 = arith.index_cast %add3A_76 : i32 to index
      %get3A_83 = arith.constant 0 : index
      %get3A_84 = tpu.vector_load %arg6[%get3A_82, %get3A_83] {strides = array<i32>} : memref<200x128xi32, #tpu.memory_space<vmem>>, vector<16xi32>,
      %get3A_85 = arith.index_cast %add3A_76 : i32 to index
      %get3A_86 = arith.constant 16 : index
      %get3A_87 = tpu.vector_load %arg6[%get3A_85, %get3A_86] {strides = array<i32>} : memref<200x128xi32, #tpu.memory_space<vmem>>, vector<16xi32>,
      %get3A_88 = arith.index_cast %add3A_76 : i32 to index
      %get3A_89 = arith.constant 32 : index
      %get3A_90 = tpu.vector_load %arg6[%get3A_88, %get3A_89] {strides = array<i32>} : memref<200x128xi32, #tpu.memory_space<vmem>>, vector<16xi32>,
      %get3A_91 = arith.index_cast %add3A_76 : i32 to index
      %get3A_92 = arith.constant 48 : index
      %get3A_93 = tpu.vector_load %arg6[%get3A_91, %get3A_92] {strides = array<i32>} : memref<200x128xi32, #tpu.memory_space<vmem>>, vector<16xi32>,
      %get3A_94 = arith.index_cast %add3A_76 : i32 to index
      %get3A_95 = arith.constant 64 : index
      %get3A_96 = tpu.vector_load %arg6[%get3A_94, %get3A_95] {strides = array<i32>} : memref<200x128xi32, #tpu.memory_space<vmem>>, vector<16xi32>,
      %get3A_97 = arith.index_cast %add3A_76 : i32 to index
      %get3A_98 = arith.constant 80 : index
      %get3A_99 = tpu.vector_load %arg6[%get3A_97, %get3A_98] {strides = array<i32>} : memref<200x128xi32, #tpu.memory_space<vmem>>, vector<16xi32>,
      %get3A_100 = arith.index_cast %add3A_76 : i32 to index
      %get3A_101 = arith.constant 96 : index
      %get3A_102 = tpu.vector_load %arg6[%get3A_100, %get3A_101] {strides = array<i32>} : memref<200x128xi32, #tpu.memory_space<vmem>>, vector<16xi32>,
      %get3A_103 = arith.index_cast %add3A_76 : i32 to index
      %get3A_104 = arith.constant 112 : index
      %get3A_105 = tpu.vector_load %arg6[%get3A_103, %get3A_104] {strides = array<i32>} : memref<200x128xi32, #tpu.memory_space<vmem>>, vector<16xi32>,
      %parallel_loop3A_106 = arith.constant 0 : i32
      %parallel_loop3A_107 = arith.constant 8 : i32
      %parallel_loop3A_108 = arith.constant 1 : i32
      scf.for %parallel_loop3A_119 = %parallel_loop3A_106 to %parallel_loop3A_107 step %parallel_loop3A_108  : i32 {
        %parallel_loop3A_120 = arith.constant 8192 : i32
        %parallel_loop3A_121 = arith.muli %parallel_loop3A_119, %parallel_loop3A_120 : i32
        %parallel_loop3A_122 = vector.broadcast %parallel_loop3A_121 : i32 to vector<16xi32>
        %parallel_loop3A_123 = arith.addi %get3A_84, %parallel_loop3A_122 : vector<16xi32>
        %parallel_loop3A_124 = arith.constant 8192 : i32
        %parallel_loop3A_125 = arith.muli %parallel_loop3A_119, %parallel_loop3A_124 : i32
        %parallel_loop3A_126 = vector.broadcast %parallel_loop3A_125 : i32 to vector<16xi32>
        %parallel_loop3A_127 = arith.addi %get3A_87, %parallel_loop3A_126 : vector<16xi32>
        %parallel_loop3A_128 = arith.constant 8192 : i32
        %parallel_loop3A_129 = arith.muli %parallel_loop3A_119, %parallel_loop3A_128 : i32
        %parallel_loop3A_130 = vector.broadcast %parallel_loop3A_129 : i32 to vector<16xi32>
        %parallel_loop3A_131 = arith.addi %get3A_90, %parallel_loop3A_130 : vector<16xi32>
        %parallel_loop3A_132 = arith.constant 8192 : i32
        %parallel_loop3A_133 = arith.muli %parallel_loop3A_119, %parallel_loop3A_132 : i32
        %parallel_loop3A_134 = vector.broadcast %parallel_loop3A_133 : i32 to vector<16xi32>
        %parallel_loop3A_135 = arith.addi %get3A_93, %parallel_loop3A_134 : vector<16xi32>
        %parallel_loop3A_136 = arith.constant 8192 : i32
        %parallel_loop3A_137 = arith.muli %parallel_loop3A_119, %parallel_loop3A_136 : i32
        %parallel_loop3A_138 = vector.broadcast %parallel_loop3A_137 : i32 to vector<16xi32>
        %parallel_loop3A_139 = arith.addi %get3A_96, %parallel_loop3A_138 : vector<16xi32>
        %parallel_loop3A_140 = arith.constant 8192 : i32
        %parallel_loop3A_141 = arith.muli %parallel_loop3A_119, %parallel_loop3A_140 : i32
        %parallel_loop3A_142 = vector.broadcast %parallel_loop3A_141 : i32 to vector<16xi32>
        %parallel_loop3A_143 = arith.addi %get3A_99, %parallel_loop3A_142 : vector<16xi32>
        %parallel_loop3A_144 = arith.constant 8192 : i32
        %parallel_loop3A_145 = arith.muli %parallel_loop3A_119, %parallel_loop3A_144 : i32
        %parallel_loop3A_146 = vector.broadcast %parallel_loop3A_145 : i32 to vector<16xi32>
        %parallel_loop3A_147 = arith.addi %get3A_102, %parallel_loop3A_146 : vector<16xi32>
        %parallel_loop3A_148 = arith.constant 8192 : i32
        %parallel_loop3A_149 = arith.muli %parallel_loop3A_119, %parallel_loop3A_148 : i32
        %parallel_loop3A_150 = vector.broadcast %parallel_loop3A_149 : i32 to vector<16xi32>
        %parallel_loop3A_151 = arith.addi %get3A_105, %parallel_loop3A_150 : vector<16xi32>
        %parallel_loop3A_152 = arith.constant 0 : i32
        %parallel_loop3A_153 = vector.broadcast %parallel_loop3A_152 : i32 to vector<16xi32>
        %parallel_loop3A_154 = arith.addi %parallel_loop3A_123, %parallel_loop3A_153 : vector<16xi32>
        %parallel_loop3A_155 = tpu.vector_load_idx %arg5[%parallel_loop3A_154] : memref<65536xf32, #tpu.memory_space<vmem>>[vector<16xi32>], vector<16xf32>,
        %parallel_loop3A_156 = arith.constant 0 : i32
        %parallel_loop3A_157 = arith.index_cast %parallel_loop3A_119 : i32 to index
        %parallel_loop3A_158 = arith.index_cast %parallel_loop3A_156 : i32 to index
        %parallel_loop3A_159 = arith.constant 0 : index
        %parallel_loop3A_160 = tpu.vector_load %arg8[%parallel_loop3A_157, %parallel_loop3A_158, %parallel_loop3A_159] {strides = array<i32>} : memref<8x8x128xf32, #tpu.memory_space<vmem>>, vector<16xf32>,
        tpu.vector_store %arg8[%parallel_loop3A_157, %parallel_loop3A_158, %parallel_loop3A_159], %parallel_loop3A_155 {strides = array<i32>} : memref<8x8x128xf32, #tpu.memory_space<vmem>>, vector<16xf32>,
        %parallel_loop3A_161 = arith.constant 0 : i32
        %parallel_loop3A_162 = vector.broadcast %parallel_loop3A_161 : i32 to vector<16xi32>
        %parallel_loop3A_163 = arith.addi %parallel_loop3A_127, %parallel_loop3A_162 : vector<16xi32>
        %parallel_loop3A_164 = tpu.vector_load_idx %arg5[%parallel_loop3A_163] : memref<65536xf32, #tpu.memory_space<vmem>>[vector<16xi32>], vector<16xf32>,
        %parallel_loop3A_165 = arith.constant 0 : i32
        %parallel_loop3A_166 = arith.index_cast %parallel_loop3A_119 : i32 to index
        %parallel_loop3A_167 = arith.index_cast %parallel_loop3A_165 : i32 to index
        %parallel_loop3A_168 = arith.constant 16 : index
        %parallel_loop3A_169 = tpu.vector_load %arg8[%parallel_loop3A_166, %parallel_loop3A_167, %parallel_loop3A_168] {strides = array<i32>} : memref<8x8x128xf32, #tpu.memory_space<vmem>>, vector<16xf32>,
        tpu.vector_store %arg8[%parallel_loop3A_166, %parallel_loop3A_167, %parallel_loop3A_168], %parallel_loop3A_164 {strides = array<i32>} : memref<8x8x128xf32, #tpu.memory_space<vmem>>, vector<16xf32>,
        %parallel_loop3A_170 = arith.constant 0 : i32
        %parallel_loop3A_171 = vector.broadcast %parallel_loop3A_170 : i32 to vector<16xi32>
        %parallel_loop3A_172 = arith.addi %parallel_loop3A_131, %parallel_loop3A_171 : vector<16xi32>
        %parallel_loop3A_173 = tpu.vector_load_idx %arg5[%parallel_loop3A_172] : memref<65536xf32, #tpu.memory_space<vmem>>[vector<16xi32>], vector<16xf32>,
        %parallel_loop3A_174 = arith.constant 0 : i32
        %parallel_loop3A_175 = arith.index_cast %parallel_loop3A_119 : i32 to index
        %parallel_loop3A_176 = arith.index_cast %parallel_loop3A_174 : i32 to index
        %parallel_loop3A_177 = arith.constant 32 : index
        %parallel_loop3A_178 = tpu.vector_load %arg8[%parallel_loop3A_175, %parallel_loop3A_176, %parallel_loop3A_177] {strides = array<i32>} : memref<8x8x128xf32, #tpu.memory_space<vmem>>, vector<16xf32>,
        tpu.vector_store %arg8[%parallel_loop3A_175, %parallel_loop3A_176, %parallel_loop3A_177], %parallel_loop3A_173 {strides = array<i32>} : memref<8x8x128xf32, #tpu.memory_space<vmem>>, vector<16xf32>,
        %parallel_loop3A_179 = arith.constant 0 : i32
        %parallel_loop3A_180 = vector.broadcast %parallel_loop3A_179 : i32 to vector<16xi32>
        %parallel_loop3A_181 = arith.addi %parallel_loop3A_135, %parallel_loop3A_180 : vector<16xi32>
        %parallel_loop3A_182 = tpu.vector_load_idx %arg5[%parallel_loop3A_181] : memref<65536xf32, #tpu.memory_space<vmem>>[vector<16xi32>], vector<16xf32>,
        %parallel_loop3A_183 = arith.constant 0 : i32
        %parallel_loop3A_184 = arith.index_cast %parallel_loop3A_119 : i32 to index
        %parallel_loop3A_185 = arith.index_cast %parallel_loop3A_183 : i32 to index
        %parallel_loop3A_186 = arith.constant 48 : index
        %parallel_loop3A_187 = tpu.vector_load %arg8[%parallel_loop3A_184, %parallel_loop3A_185, %parallel_loop3A_186] {strides = array<i32>} : memref<8x8x128xf32, #tpu.memory_space<vmem>>, vector<16xf32>,
        tpu.vector_store %arg8[%parallel_loop3A_184, %parallel_loop3A_185, %parallel_loop3A_186], %parallel_loop3A_182 {strides = array<i32>} : memref<8x8x128xf32, #tpu.memory_space<vmem>>, vector<16xf32>,
        %parallel_loop3A_188 = arith.constant 0 : i32
        %parallel_loop3A_189 = vector.broadcast %parallel_loop3A_188 : i32 to vector<16xi32>
        %parallel_loop3A_190 = arith.addi %parallel_loop3A_139, %parallel_loop3A_189 : vector<16xi32>
        %parallel_loop3A_191 = tpu.vector_load_idx %arg5[%parallel_loop3A_190] : memref<65536xf32, #tpu.memory_space<vmem>>[vector<16xi32>], vector<16xf32>,
        %parallel_loop3A_192 = arith.constant 0 : i32
        %parallel_loop3A_193 = arith.index_cast %parallel_loop3A_119 : i32 to index
        %parallel_loop3A_194 = arith.index_cast %parallel_loop3A_192 : i32 to index
        %parallel_loop3A_195 = arith.constant 64 : index
        %parallel_loop3A_196 = tpu.vector_load %arg8[%parallel_loop3A_193, %parallel_loop3A_194, %parallel_loop3A_195] {strides = array<i32>} : memref<8x8x128xf32, #tpu.memory_space<vmem>>, vector<16xf32>,
        tpu.vector_store %arg8[%parallel_loop3A_193, %parallel_loop3A_194, %parallel_loop3A_195], %parallel_loop3A_191 {strides = array<i32>} : memref<8x8x128xf32, #tpu.memory_space<vmem>>, vector<16xf32>,
        %parallel_loop3A_197 = arith.constant 0 : i32
        %parallel_loop3A_198 = vector.broadcast %parallel_loop3A_197 : i32 to vector<16xi32>
        %parallel_loop3A_199 = arith.addi %parallel_loop3A_143, %parallel_loop3A_198 : vector<16xi32>
        %parallel_loop3A_200 = tpu.vector_load_idx %arg5[%parallel_loop3A_199] : memref<65536xf32, #tpu.memory_space<vmem>>[vector<16xi32>], vector<16xf32>,
        %parallel_loop3A_201 = arith.constant 0 : i32
        %parallel_loop3A_202 = arith.index_cast %parallel_loop3A_119 : i32 to index
        %parallel_loop3A_203 = arith.index_cast %parallel_loop3A_201 : i32 to index
        %parallel_loop3A_204 = arith.constant 80 : index
        %parallel_loop3A_205 = tpu.vector_load %arg8[%parallel_loop3A_202, %parallel_loop3A_203, %parallel_loop3A_204] {strides = array<i32>} : memref<8x8x128xf32, #tpu.memory_space<vmem>>, vector<16xf32>,
        tpu.vector_store %arg8[%parallel_loop3A_202, %parallel_loop3A_203, %parallel_loop3A_204], %parallel_loop3A_200 {strides = array<i32>} : memref<8x8x128xf32, #tpu.memory_space<vmem>>, vector<16xf32>,
        %parallel_loop3A_206 = arith.constant 0 : i32
        %parallel_loop3A_207 = vector.broadcast %parallel_loop3A_206 : i32 to vector<16xi32>
        %parallel_loop3A_208 = arith.addi %parallel_loop3A_147, %parallel_loop3A_207 : vector<16xi32>
        %parallel_loop3A_209 = tpu.vector_load_idx %arg5[%parallel_loop3A_208] : memref<65536xf32, #tpu.memory_space<vmem>>[vector<16xi32>], vector<16xf32>,
        %parallel_loop3A_210 = arith.constant 0 : i32
        %parallel_loop3A_211 = arith.index_cast %parallel_loop3A_119 : i32 to index
        %parallel_loop3A_212 = arith.index_cast %parallel_loop3A_210 : i32 to index
        %parallel_loop3A_213 = arith.constant 96 : index
        %parallel_loop3A_214 = tpu.vector_load %arg8[%parallel_loop3A_211, %parallel_loop3A_212, %parallel_loop3A_213] {strides = array<i32>} : memref<8x8x128xf32, #tpu.memory_space<vmem>>, vector<16xf32>,
        tpu.vector_store %arg8[%parallel_loop3A_211, %parallel_loop3A_212, %parallel_loop3A_213], %parallel_loop3A_209 {strides = array<i32>} : memref<8x8x128xf32, #tpu.memory_space<vmem>>, vector<16xf32>,
        %parallel_loop3A_215 = arith.constant 0 : i32
        %parallel_loop3A_216 = vector.broadcast %parallel_loop3A_215 : i32 to vector<16xi32>
        %parallel_loop3A_217 = arith.addi %parallel_loop3A_151, %parallel_loop3A_216 : vector<16xi32>
        %parallel_loop3A_218 = tpu.vector_load_idx %arg5[%parallel_loop3A_217] : memref<65536xf32, #tpu.memory_space<vmem>>[vector<16xi32>], vector<16xf32>,
        %parallel_loop3A_219 = arith.constant 0 : i32
        %parallel_loop3A_220 = arith.index_cast %parallel_loop3A_119 : i32 to index
        %parallel_loop3A_221 = arith.index_cast %parallel_loop3A_219 : i32 to index
        %parallel_loop3A_222 = arith.constant 112 : index
        %parallel_loop3A_223 = tpu.vector_load %arg8[%parallel_loop3A_220, %parallel_loop3A_221, %parallel_loop3A_222] {strides = array<i32>} : memref<8x8x128xf32, #tpu.memory_space<vmem>>, vector<16xf32>,
        tpu.vector_store %arg8[%parallel_loop3A_220, %parallel_loop3A_221, %parallel_loop3A_222], %parallel_loop3A_218 {strides = array<i32>} : memref<8x8x128xf32, #tpu.memory_space<vmem>>, vector<16xf32>,
        %parallel_loop3A_224 = arith.constant 1024 : i32
        %parallel_loop3A_225 = vector.broadcast %parallel_loop3A_224 : i32 to vector<16xi32>
        %parallel_loop3A_226 = arith.addi %parallel_loop3A_123, %parallel_loop3A_225 : vector<16xi32>
        %parallel_loop3A_227 = tpu.vector_load_idx %arg5[%parallel_loop3A_226] : memref<65536xf32, #tpu.memory_space<vmem>>[vector<16xi32>], vector<16xf32>,
        %parallel_loop3A_228 = arith.constant 1 : i32
        %parallel_loop3A_229 = arith.index_cast %parallel_loop3A_119 : i32 to index
        %parallel_loop3A_230 = arith.index_cast %parallel_loop3A_228 : i32 to index
        %parallel_loop3A_231 = arith.constant 0 : index
        %parallel_loop3A_232 = tpu.vector_load %arg8[%parallel_loop3A_229, %parallel_loop3A_230, %parallel_loop3A_231] {strides = array<i32>} : memref<8x8x128xf32, #tpu.memory_space<vmem>>, vector<16xf32>,
        tpu.vector_store %arg8[%parallel_loop3A_229, %parallel_loop3A_230, %parallel_loop3A_231], %parallel_loop3A_227 {strides = array<i32>} : memref<8x8x128xf32, #tpu.memory_space<vmem>>, vector<16xf32>,
        %parallel_loop3A_233 = arith.constant 1024 : i32
        %parallel_loop3A_234 = vector.broadcast %parallel_loop3A_233 : i32 to vector<16xi32>
        %parallel_loop3A_235 = arith.addi %parallel_loop3A_127, %parallel_loop3A_234 : vector<16xi32>
        %parallel_loop3A_236 = tpu.vector_load_idx %arg5[%parallel_loop3A_235] : memref<65536xf32, #tpu.memory_space<vmem>>[vector<16xi32>], vector<16xf32>,
        %parallel_loop3A_237 = arith.constant 1 : i32
        %parallel_loop3A_238 = arith.index_cast %parallel_loop3A_119 : i32 to index
        %parallel_loop3A_239 = arith.index_cast %parallel_loop3A_237 : i32 to index
        %parallel_loop3A_240 = arith.constant 16 : index
        %parallel_loop3A_241 = tpu.vector_load %arg8[%parallel_loop3A_238, %parallel_loop3A_239, %parallel_loop3A_240] {strides = array<i32>} : memref<8x8x128xf32, #tpu.memory_space<vmem>>, vector<16xf32>,
        tpu.vector_store %arg8[%parallel_loop3A_238, %parallel_loop3A_239, %parallel_loop3A_240], %parallel_loop3A_236 {strides = array<i32>} : memref<8x8x128xf32, #tpu.memory_space<vmem>>, vector<16xf32>,
        %parallel_loop3A_242 = arith.constant 1024 : i32
        %parallel_loop3A_243 = vector.broadcast %parallel_loop3A_242 : i32 to vector<16xi32>
        %parallel_loop3A_244 = arith.addi %parallel_loop3A_131, %parallel_loop3A_243 : vector<16xi32>
        %parallel_loop3A_245 = tpu.vector_load_idx %arg5[%parallel_loop3A_244] : memref<65536xf32, #tpu.memory_space<vmem>>[vector<16xi32>], vector<16xf32>,
        %parallel_loop3A_246 = arith.constant 1 : i32
        %parallel_loop3A_247 = arith.index_cast %parallel_loop3A_119 : i32 to index
        %parallel_loop3A_248 = arith.index_cast %parallel_loop3A_246 : i32 to index
        %parallel_loop3A_249 = arith.constant 32 : index
        %parallel_loop3A_250 = tpu.vector_load %arg8[%parallel_loop3A_247, %parallel_loop3A_248, %parallel_loop3A_249] {strides = array<i32>} : memref<8x8x128xf32, #tpu.memory_space<vmem>>, vector<16xf32>,
        tpu.vector_store %arg8[%parallel_loop3A_247, %parallel_loop3A_248, %parallel_loop3A_249], %parallel_loop3A_245 {strides = array<i32>} : memref<8x8x128xf32, #tpu.memory_space<vmem>>, vector<16xf32>,
        %parallel_loop3A_251 = arith.constant 1024 : i32
        %parallel_loop3A_252 = vector.broadcast %parallel_loop3A_251 : i32 to vector<16xi32>
        %parallel_loop3A_253 = arith.addi %parallel_loop3A_135, %parallel_loop3A_252 : vector<16xi32>
        %parallel_loop3A_254 = tpu.vector_load_idx %arg5[%parallel_loop3A_253] : memref<65536xf32, #tpu.memory_space<vmem>>[vector<16xi32>], vector<16xf32>,
        %parallel_loop3A_255 = arith.constant 1 : i32
        %parallel_loop3A_256 = arith.index_cast %parallel_loop3A_119 : i32 to index
        %parallel_loop3A_257 = arith.index_cast %parallel_loop3A_255 : i32 to index
        %parallel_loop3A_258 = arith.constant 48 : index
        %parallel_loop3A_259 = tpu.vector_load %arg8[%parallel_loop3A_256, %parallel_loop3A_257, %parallel_loop3A_258] {strides = array<i32>} : memref<8x8x128xf32, #tpu.memory_space<vmem>>, vector<16xf32>,
        tpu.vector_store %arg8[%parallel_loop3A_256, %parallel_loop3A_257, %parallel_loop3A_258], %parallel_loop3A_254 {strides = array<i32>} : memref<8x8x128xf32, #tpu.memory_space<vmem>>, vector<16xf32>,
        %parallel_loop3A_260 = arith.constant 1024 : i32
        %parallel_loop3A_261 = vector.broadcast %parallel_loop3A_260 : i32 to vector<16xi32>
        %parallel_loop3A_262 = arith.addi %parallel_loop3A_139, %parallel_loop3A_261 : vector<16xi32>
        %parallel_loop3A_263 = tpu.vector_load_idx %arg5[%parallel_loop3A_262] : memref<65536xf32, #tpu.memory_space<vmem>>[vector<16xi32>], vector<16xf32>,
        %parallel_loop3A_264 = arith.constant 1 : i32
        %parallel_loop3A_265 = arith.index_cast %parallel_loop3A_119 : i32 to index
        %parallel_loop3A_266 = arith.index_cast %parallel_loop3A_264 : i32 to index
        %parallel_loop3A_267 = arith.constant 64 : index
        %parallel_loop3A_268 = tpu.vector_load %arg8[%parallel_loop3A_265, %parallel_loop3A_266, %parallel_loop3A_267] {strides = array<i32>} : memref<8x8x128xf32, #tpu.memory_space<vmem>>, vector<16xf32>,
        tpu.vector_store %arg8[%parallel_loop3A_265, %parallel_loop3A_266, %parallel_loop3A_267], %parallel_loop3A_263 {strides = array<i32>} : memref<8x8x128xf32, #tpu.memory_space<vmem>>, vector<16xf32>,
        %parallel_loop3A_269 = arith.constant 1024 : i32
        %parallel_loop3A_270 = vector.broadcast %parallel_loop3A_269 : i32 to vector<16xi32>
        %parallel_loop3A_271 = arith.addi %parallel_loop3A_143, %parallel_loop3A_270 : vector<16xi32>
        %parallel_loop3A_272 = tpu.vector_load_idx %arg5[%parallel_loop3A_271] : memref<65536xf32, #tpu.memory_space<vmem>>[vector<16xi32>], vector<16xf32>,
        %parallel_loop3A_273 = arith.constant 1 : i32
        %parallel_loop3A_274 = arith.index_cast %parallel_loop3A_119 : i32 to index
        %parallel_loop3A_275 = arith.index_cast %parallel_loop3A_273 : i32 to index
        %parallel_loop3A_276 = arith.constant 80 : index
        %parallel_loop3A_277 = tpu.vector_load %arg8[%parallel_loop3A_274, %parallel_loop3A_275, %parallel_loop3A_276] {strides = array<i32>} : memref<8x8x128xf32, #tpu.memory_space<vmem>>, vector<16xf32>,
        tpu.vector_store %arg8[%parallel_loop3A_274, %parallel_loop3A_275, %parallel_loop3A_276], %parallel_loop3A_272 {strides = array<i32>} : memref<8x8x128xf32, #tpu.memory_space<vmem>>, vector<16xf32>,
        %parallel_loop3A_278 = arith.constant 1024 : i32
        %parallel_loop3A_279 = vector.broadcast %parallel_loop3A_278 : i32 to vector<16xi32>
        %parallel_loop3A_280 = arith.addi %parallel_loop3A_147, %parallel_loop3A_279 : vector<16xi32>
        %parallel_loop3A_281 = tpu.vector_load_idx %arg5[%parallel_loop3A_280] : memref<65536xf32, #tpu.memory_space<vmem>>[vector<16xi32>], vector<16xf32>,
        %parallel_loop3A_282 = arith.constant 1 : i32
        %parallel_loop3A_283 = arith.index_cast %parallel_loop3A_119 : i32 to index
        %parallel_loop3A_284 = arith.index_cast %parallel_loop3A_282 : i32 to index
        %parallel_loop3A_285 = arith.constant 96 : index
        %parallel_loop3A_286 = tpu.vector_load %arg8[%parallel_loop3A_283, %parallel_loop3A_284, %parallel_loop3A_285] {strides = array<i32>} : memref<8x8x128xf32, #tpu.memory_space<vmem>>, vector<16xf32>,
        tpu.vector_store %arg8[%parallel_loop3A_283, %parallel_loop3A_284, %parallel_loop3A_285], %parallel_loop3A_281 {strides = array<i32>} : memref<8x8x128xf32, #tpu.memory_space<vmem>>, vector<16xf32>,
        %parallel_loop3A_287 = arith.constant 1024 : i32
        %parallel_loop3A_288 = vector.broadcast %parallel_loop3A_287 : i32 to vector<16xi32>
        %parallel_loop3A_289 = arith.addi %parallel_loop3A_151, %parallel_loop3A_288 : vector<16xi32>
        %parallel_loop3A_290 = tpu.vector_load_idx %arg5[%parallel_loop3A_289] : memref<65536xf32, #tpu.memory_space<vmem>>[vector<16xi32>], vector<16xf32>,
        %parallel_loop3A_291 = arith.constant 1 : i32
        %parallel_loop3A_292 = arith.index_cast %parallel_loop3A_119 : i32 to index
        %parallel_loop3A_293 = arith.index_cast %parallel_loop3A_291 : i32 to index
        %parallel_loop3A_294 = arith.constant 112 : index
        %parallel_loop3A_295 = tpu.vector_load %arg8[%parallel_loop3A_292, %parallel_loop3A_293, %parallel_loop3A_294] {strides = array<i32>} : memref<8x8x128xf32, #tpu.memory_space<vmem>>, vector<16xf32>,
        tpu.vector_store %arg8[%parallel_loop3A_292, %parallel_loop3A_293, %parallel_loop3A_294], %parallel_loop3A_290 {strides = array<i32>} : memref<8x8x128xf32, #tpu.memory_space<vmem>>, vector<16xf32>,
        %parallel_loop3A_296 = arith.constant 2048 : i32
        %parallel_loop3A_297 = vector.broadcast %parallel_loop3A_296 : i32 to vector<16xi32>
        %parallel_loop3A_298 = arith.addi %parallel_loop3A_123, %parallel_loop3A_297 : vector<16xi32>
        %parallel_loop3A_299 = tpu.vector_load_idx %arg5[%parallel_loop3A_298] : memref<65536xf32, #tpu.memory_space<vmem>>[vector<16xi32>], vector<16xf32>,
        %parallel_loop3A_300 = arith.constant 2 : i32
        %parallel_loop3A_301 = arith.index_cast %parallel_loop3A_119 : i32 to index
        %parallel_loop3A_302 = arith.index_cast %parallel_loop3A_300 : i32 to index
        %parallel_loop3A_303 = arith.constant 0 : index
        %parallel_loop3A_304 = tpu.vector_load %arg8[%parallel_loop3A_301, %parallel_loop3A_302, %parallel_loop3A_303] {strides = array<i32>} : memref<8x8x128xf32, #tpu.memory_space<vmem>>, vector<16xf32>,
        tpu.vector_store %arg8[%parallel_loop3A_301, %parallel_loop3A_302, %parallel_loop3A_303], %parallel_loop3A_299 {strides = array<i32>} : memref<8x8x128xf32, #tpu.memory_space<vmem>>, vector<16xf32>,
        %parallel_loop3A_305 = arith.constant 2048 : i32
        %parallel_loop3A_306 = vector.broadcast %parallel_loop3A_305 : i32 to vector<16xi32>
        %parallel_loop3A_307 = arith.addi %parallel_loop3A_127, %parallel_loop3A_306 : vector<16xi32>
        %parallel_loop3A_308 = tpu.vector_load_idx %arg5[%parallel_loop3A_307] : memref<65536xf32, #tpu.memory_space<vmem>>[vector<16xi32>], vector<16xf32>,
        %parallel_loop3A_309 = arith.constant 2 : i32
        %parallel_loop3A_310 = arith.index_cast %parallel_loop3A_119 : i32 to index
        %parallel_loop3A_311 = arith.index_cast %parallel_loop3A_309 : i32 to index
        %parallel_loop3A_312 = arith.constant 16 : index
        %parallel_loop3A_313 = tpu.vector_load %arg8[%parallel_loop3A_310, %parallel_loop3A_311, %parallel_loop3A_312] {strides = array<i32>} : memref<8x8x128xf32, #tpu.memory_space<vmem>>, vector<16xf32>,
        tpu.vector_store %arg8[%parallel_loop3A_310, %parallel_loop3A_311, %parallel_loop3A_312], %parallel_loop3A_308 {strides = array<i32>} : memref<8x8x128xf32, #tpu.memory_space<vmem>>, vector<16xf32>,
        %parallel_loop3A_314 = arith.constant 2048 : i32
        %parallel_loop3A_315 = vector.broadcast %parallel_loop3A_314 : i32 to vector<16xi32>
        %parallel_loop3A_316 = arith.addi %parallel_loop3A_131, %parallel_loop3A_315 : vector<16xi32>
        %parallel_loop3A_317 = tpu.vector_load_idx %arg5[%parallel_loop3A_316] : memref<65536xf32, #tpu.memory_space<vmem>>[vector<16xi32>], vector<16xf32>,
        %parallel_loop3A_318 = arith.constant 2 : i32
        %parallel_loop3A_319 = arith.index_cast %parallel_loop3A_119 : i32 to index
        %parallel_loop3A_320 = arith.index_cast %parallel_loop3A_318 : i32 to index
        %parallel_loop3A_321 = arith.constant 32 : index
        %parallel_loop3A_322 = tpu.vector_load %arg8[%parallel_loop3A_319, %parallel_loop3A_320, %parallel_loop3A_321] {strides = array<i32>} : memref<8x8x128xf32, #tpu.memory_space<vmem>>, vector<16xf32>,
        tpu.vector_store %arg8[%parallel_loop3A_319, %parallel_loop3A_320, %parallel_loop3A_321], %parallel_loop3A_317 {strides = array<i32>} : memref<8x8x128xf32, #tpu.memory_space<vmem>>, vector<16xf32>,
        %parallel_loop3A_323 = arith.constant 2048 : i32
        %parallel_loop3A_324 = vector.broadcast %parallel_loop3A_323 : i32 to vector<16xi32>
        %parallel_loop3A_325 = arith.addi %parallel_loop3A_135, %parallel_loop3A_324 : vector<16xi32>
        %parallel_loop3A_326 = tpu.vector_load_idx %arg5[%parallel_loop3A_325] : memref<65536xf32, #tpu.memory_space<vmem>>[vector<16xi32>], vector<16xf32>,
        %parallel_loop3A_327 = arith.constant 2 : i32
        %parallel_loop3A_328 = arith.index_cast %parallel_loop3A_119 : i32 to index
        %parallel_loop3A_329 = arith.index_cast %parallel_loop3A_327 : i32 to index
        %parallel_loop3A_330 = arith.constant 48 : index
        %parallel_loop3A_331 = tpu.vector_load %arg8[%parallel_loop3A_328, %parallel_loop3A_329, %parallel_loop3A_330] {strides = array<i32>} : memref<8x8x128xf32, #tpu.memory_space<vmem>>, vector<16xf32>,
        tpu.vector_store %arg8[%parallel_loop3A_328, %parallel_loop3A_329, %parallel_loop3A_330], %parallel_loop3A_326 {strides = array<i32>} : memref<8x8x128xf32, #tpu.memory_space<vmem>>, vector<16xf32>,
        %parallel_loop3A_332 = arith.constant 2048 : i32
        %parallel_loop3A_333 = vector.broadcast %parallel_loop3A_332 : i32 to vector<16xi32>
        %parallel_loop3A_334 = arith.addi %parallel_loop3A_139, %parallel_loop3A_333 : vector<16xi32>
        %parallel_loop3A_335 = tpu.vector_load_idx %arg5[%parallel_loop3A_334] : memref<65536xf32, #tpu.memory_space<vmem>>[vector<16xi32>], vector<16xf32>,
        %parallel_loop3A_336 = arith.constant 2 : i32
        %parallel_loop3A_337 = arith.index_cast %parallel_loop3A_119 : i32 to index
        %parallel_loop3A_338 = arith.index_cast %parallel_loop3A_336 : i32 to index
        %parallel_loop3A_339 = arith.constant 64 : index
        %parallel_loop3A_340 = tpu.vector_load %arg8[%parallel_loop3A_337, %parallel_loop3A_338, %parallel_loop3A_339] {strides = array<i32>} : memref<8x8x128xf32, #tpu.memory_space<vmem>>, vector<16xf32>,
        tpu.vector_store %arg8[%parallel_loop3A_337, %parallel_loop3A_338, %parallel_loop3A_339], %parallel_loop3A_335 {strides = array<i32>} : memref<8x8x128xf32, #tpu.memory_space<vmem>>, vector<16xf32>,
        %parallel_loop3A_341 = arith.constant 2048 : i32
        %parallel_loop3A_342 = vector.broadcast %parallel_loop3A_341 : i32 to vector<16xi32>
        %parallel_loop3A_343 = arith.addi %parallel_loop3A_143, %parallel_loop3A_342 : vector<16xi32>
        %parallel_loop3A_344 = tpu.vector_load_idx %arg5[%parallel_loop3A_343] : memref<65536xf32, #tpu.memory_space<vmem>>[vector<16xi32>], vector<16xf32>,
        %parallel_loop3A_345 = arith.constant 2 : i32
        %parallel_loop3A_346 = arith.index_cast %parallel_loop3A_119 : i32 to index
        %parallel_loop3A_347 = arith.index_cast %parallel_loop3A_345 : i32 to index
        %parallel_loop3A_348 = arith.constant 80 : index
        %parallel_loop3A_349 = tpu.vector_load %arg8[%parallel_loop3A_346, %parallel_loop3A_347, %parallel_loop3A_348] {strides = array<i32>} : memref<8x8x128xf32, #tpu.memory_space<vmem>>, vector<16xf32>,
        tpu.vector_store %arg8[%parallel_loop3A_346, %parallel_loop3A_347, %parallel_loop3A_348], %parallel_loop3A_344 {strides = array<i32>} : memref<8x8x128xf32, #tpu.memory_space<vmem>>, vector<16xf32>,
        %parallel_loop3A_350 = arith.constant 2048 : i32
        %parallel_loop3A_351 = vector.broadcast %parallel_loop3A_350 : i32 to vector<16xi32>
        %parallel_loop3A_352 = arith.addi %parallel_loop3A_147, %parallel_loop3A_351 : vector<16xi32>
        %parallel_loop3A_353 = tpu.vector_load_idx %arg5[%parallel_loop3A_352] : memref<65536xf32, #tpu.memory_space<vmem>>[vector<16xi32>], vector<16xf32>,
        %parallel_loop3A_354 = arith.constant 2 : i32
        %parallel_loop3A_355 = arith.index_cast %parallel_loop3A_119 : i32 to index
        %parallel_loop3A_356 = arith.index_cast %parallel_loop3A_354 : i32 to index
        %parallel_loop3A_357 = arith.constant 96 : index
        %parallel_loop3A_358 = tpu.vector_load %arg8[%parallel_loop3A_355, %parallel_loop3A_356, %parallel_loop3A_357] {strides = array<i32>} : memref<8x8x128xf32, #tpu.memory_space<vmem>>, vector<16xf32>,
        tpu.vector_store %arg8[%parallel_loop3A_355, %parallel_loop3A_356, %parallel_loop3A_357], %parallel_loop3A_353 {strides = array<i32>} : memref<8x8x128xf32, #tpu.memory_space<vmem>>, vector<16xf32>,
        %parallel_loop3A_359 = arith.constant 2048 : i32
        %parallel_loop3A_360 = vector.broadcast %parallel_loop3A_359 : i32 to vector<16xi32>
        %parallel_loop3A_361 = arith.addi %parallel_loop3A_151, %parallel_loop3A_360 : vector<16xi32>
        %parallel_loop3A_362 = tpu.vector_load_idx %arg5[%parallel_loop3A_361] : memref<65536xf32, #tpu.memory_space<vmem>>[vector<16xi32>], vector<16xf32>,
        %parallel_loop3A_363 = arith.constant 2 : i32
        %parallel_loop3A_364 = arith.index_cast %parallel_loop3A_119 : i32 to index
        %parallel_loop3A_365 = arith.index_cast %parallel_loop3A_363 : i32 to index
        %parallel_loop3A_366 = arith.constant 112 : index
        %parallel_loop3A_367 = tpu.vector_load %arg8[%parallel_loop3A_364, %parallel_loop3A_365, %parallel_loop3A_366] {strides = array<i32>} : memref<8x8x128xf32, #tpu.memory_space<vmem>>, vector<16xf32>,
        tpu.vector_store %arg8[%parallel_loop3A_364, %parallel_loop3A_365, %parallel_loop3A_366], %parallel_loop3A_362 {strides = array<i32>} : memref<8x8x128xf32, #tpu.memory_space<vmem>>, vector<16xf32>,
        %parallel_loop3A_368 = arith.constant 3072 : i32
        %parallel_loop3A_369 = vector.broadcast %parallel_loop3A_368 : i32 to vector<16xi32>
        %parallel_loop3A_370 = arith.addi %parallel_loop3A_123, %parallel_loop3A_369 : vector<16xi32>
        %parallel_loop3A_371 = tpu.vector_load_idx %arg5[%parallel_loop3A_370] : memref<65536xf32, #tpu.memory_space<vmem>>[vector<16xi32>], vector<16xf32>,
        %parallel_loop3A_372 = arith.constant 3 : i32
        %parallel_loop3A_373 = arith.index_cast %parallel_loop3A_119 : i32 to index
        %parallel_loop3A_374 = arith.index_cast %parallel_loop3A_372 : i32 to index
        %parallel_loop3A_375 = arith.constant 0 : index
        %parallel_loop3A_376 = tpu.vector_load %arg8[%parallel_loop3A_373, %parallel_loop3A_374, %parallel_loop3A_375] {strides = array<i32>} : memref<8x8x128xf32, #tpu.memory_space<vmem>>, vector<16xf32>,
        tpu.vector_store %arg8[%parallel_loop3A_373, %parallel_loop3A_374, %parallel_loop3A_375], %parallel_loop3A_371 {strides = array<i32>} : memref<8x8x128xf32, #tpu.memory_space<vmem>>, vector<16xf32>,
        %parallel_loop3A_377 = arith.constant 3072 : i32
        %parallel_loop3A_378 = vector.broadcast %parallel_loop3A_377 : i32 to vector<16xi32>
        %parallel_loop3A_379 = arith.addi %parallel_loop3A_127, %parallel_loop3A_378 : vector<16xi32>
        %parallel_loop3A_380 = tpu.vector_load_idx %arg5[%parallel_loop3A_379] : memref<65536xf32, #tpu.memory_space<vmem>>[vector<16xi32>], vector<16xf32>,
        %parallel_loop3A_381 = arith.constant 3 : i32
        %parallel_loop3A_382 = arith.index_cast %parallel_loop3A_119 : i32 to index
        %parallel_loop3A_383 = arith.index_cast %parallel_loop3A_381 : i32 to index
        %parallel_loop3A_384 = arith.constant 16 : index
        %parallel_loop3A_385 = tpu.vector_load %arg8[%parallel_loop3A_382, %parallel_loop3A_383, %parallel_loop3A_384] {strides = array<i32>} : memref<8x8x128xf32, #tpu.memory_space<vmem>>, vector<16xf32>,
        tpu.vector_store %arg8[%parallel_loop3A_382, %parallel_loop3A_383, %parallel_loop3A_384], %parallel_loop3A_380 {strides = array<i32>} : memref<8x8x128xf32, #tpu.memory_space<vmem>>, vector<16xf32>,
        %parallel_loop3A_386 = arith.constant 3072 : i32
        %parallel_loop3A_387 = vector.broadcast %parallel_loop3A_386 : i32 to vector<16xi32>
        %parallel_loop3A_388 = arith.addi %parallel_loop3A_131, %parallel_loop3A_387 : vector<16xi32>
        %parallel_loop3A_389 = tpu.vector_load_idx %arg5[%parallel_loop3A_388] : memref<65536xf32, #tpu.memory_space<vmem>>[vector<16xi32>], vector<16xf32>,
        %parallel_loop3A_390 = arith.constant 3 : i32
        %parallel_loop3A_391 = arith.index_cast %parallel_loop3A_119 : i32 to index
        %parallel_loop3A_392 = arith.index_cast %parallel_loop3A_390 : i32 to index
        %parallel_loop3A_393 = arith.constant 32 : index
        %parallel_loop3A_394 = tpu.vector_load %arg8[%parallel_loop3A_391, %parallel_loop3A_392, %parallel_loop3A_393] {strides = array<i32>} : memref<8x8x128xf32, #tpu.memory_space<vmem>>, vector<16xf32>,
        tpu.vector_store %arg8[%parallel_loop3A_391, %parallel_loop3A_392, %parallel_loop3A_393], %parallel_loop3A_389 {strides = array<i32>} : memref<8x8x128xf32, #tpu.memory_space<vmem>>, vector<16xf32>,
        %parallel_loop3A_395 = arith.constant 3072 : i32
        %parallel_loop3A_396 = vector.broadcast %parallel_loop3A_395 : i32 to vector<16xi32>
        %parallel_loop3A_397 = arith.addi %parallel_loop3A_135, %parallel_loop3A_396 : vector<16xi32>
        %parallel_loop3A_398 = tpu.vector_load_idx %arg5[%parallel_loop3A_397] : memref<65536xf32, #tpu.memory_space<vmem>>[vector<16xi32>], vector<16xf32>,
        %parallel_loop3A_399 = arith.constant 3 : i32
        %parallel_loop3A_400 = arith.index_cast %parallel_loop3A_119 : i32 to index
        %parallel_loop3A_401 = arith.index_cast %parallel_loop3A_399 : i32 to index
        %parallel_loop3A_402 = arith.constant 48 : index
        %parallel_loop3A_403 = tpu.vector_load %arg8[%parallel_loop3A_400, %parallel_loop3A_401, %parallel_loop3A_402] {strides = array<i32>} : memref<8x8x128xf32, #tpu.memory_space<vmem>>, vector<16xf32>,
        tpu.vector_store %arg8[%parallel_loop3A_400, %parallel_loop3A_401, %parallel_loop3A_402], %parallel_loop3A_398 {strides = array<i32>} : memref<8x8x128xf32, #tpu.memory_space<vmem>>, vector<16xf32>,
        %parallel_loop3A_404 = arith.constant 3072 : i32
        %parallel_loop3A_405 = vector.broadcast %parallel_loop3A_404 : i32 to vector<16xi32>
        %parallel_loop3A_406 = arith.addi %parallel_loop3A_139, %parallel_loop3A_405 : vector<16xi32>
        %parallel_loop3A_407 = tpu.vector_load_idx %arg5[%parallel_loop3A_406] : memref<65536xf32, #tpu.memory_space<vmem>>[vector<16xi32>], vector<16xf32>,
        %parallel_loop3A_408 = arith.constant 3 : i32
        %parallel_loop3A_409 = arith.index_cast %parallel_loop3A_119 : i32 to index
        %parallel_loop3A_410 = arith.index_cast %parallel_loop3A_408 : i32 to index
        %parallel_loop3A_411 = arith.constant 64 : index
        %parallel_loop3A_412 = tpu.vector_load %arg8[%parallel_loop3A_409, %parallel_loop3A_410, %parallel_loop3A_411] {strides = array<i32>} : memref<8x8x128xf32, #tpu.memory_space<vmem>>, vector<16xf32>,
        tpu.vector_store %arg8[%parallel_loop3A_409, %parallel_loop3A_410, %parallel_loop3A_411], %parallel_loop3A_407 {strides = array<i32>} : memref<8x8x128xf32, #tpu.memory_space<vmem>>, vector<16xf32>,
        %parallel_loop3A_413 = arith.constant 3072 : i32
        %parallel_loop3A_414 = vector.broadcast %parallel_loop3A_413 : i32 to vector<16xi32>
        %parallel_loop3A_415 = arith.addi %parallel_loop3A_143, %parallel_loop3A_414 : vector<16xi32>
        %parallel_loop3A_416 = tpu.vector_load_idx %arg5[%parallel_loop3A_415] : memref<65536xf32, #tpu.memory_space<vmem>>[vector<16xi32>], vector<16xf32>,
        %parallel_loop3A_417 = arith.constant 3 : i32
        %parallel_loop3A_418 = arith.index_cast %parallel_loop3A_119 : i32 to index
        %parallel_loop3A_419 = arith.index_cast %parallel_loop3A_417 : i32 to index
        %parallel_loop3A_420 = arith.constant 80 : index
        %parallel_loop3A_421 = tpu.vector_load %arg8[%parallel_loop3A_418, %parallel_loop3A_419, %parallel_loop3A_420] {strides = array<i32>} : memref<8x8x128xf32, #tpu.memory_space<vmem>>, vector<16xf32>,
        tpu.vector_store %arg8[%parallel_loop3A_418, %parallel_loop3A_419, %parallel_loop3A_420], %parallel_loop3A_416 {strides = array<i32>} : memref<8x8x128xf32, #tpu.memory_space<vmem>>, vector<16xf32>,
        %parallel_loop3A_422 = arith.constant 3072 : i32
        %parallel_loop3A_423 = vector.broadcast %parallel_loop3A_422 : i32 to vector<16xi32>
        %parallel_loop3A_424 = arith.addi %parallel_loop3A_147, %parallel_loop3A_423 : vector<16xi32>
        %parallel_loop3A_425 = tpu.vector_load_idx %arg5[%parallel_loop3A_424] : memref<65536xf32, #tpu.memory_space<vmem>>[vector<16xi32>], vector<16xf32>,
        %parallel_loop3A_426 = arith.constant 3 : i32
        %parallel_loop3A_427 = arith.index_cast %parallel_loop3A_119 : i32 to index
        %parallel_loop3A_428 = arith.index_cast %parallel_loop3A_426 : i32 to index
        %parallel_loop3A_429 = arith.constant 96 : index
        %parallel_loop3A_430 = tpu.vector_load %arg8[%parallel_loop3A_427, %parallel_loop3A_428, %parallel_loop3A_429] {strides = array<i32>} : memref<8x8x128xf32, #tpu.memory_space<vmem>>, vector<16xf32>,
        tpu.vector_store %arg8[%parallel_loop3A_427, %parallel_loop3A_428, %parallel_loop3A_429], %parallel_loop3A_425 {strides = array<i32>} : memref<8x8x128xf32, #tpu.memory_space<vmem>>, vector<16xf32>,
        %parallel_loop3A_431 = arith.constant 3072 : i32
        %parallel_loop3A_432 = vector.broadcast %parallel_loop3A_431 : i32 to vector<16xi32>
        %parallel_loop3A_433 = arith.addi %parallel_loop3A_151, %parallel_loop3A_432 : vector<16xi32>
        %parallel_loop3A_434 = tpu.vector_load_idx %arg5[%parallel_loop3A_433] : memref<65536xf32, #tpu.memory_space<vmem>>[vector<16xi32>], vector<16xf32>,
        %parallel_loop3A_435 = arith.constant 3 : i32
        %parallel_loop3A_436 = arith.index_cast %parallel_loop3A_119 : i32 to index
        %parallel_loop3A_437 = arith.index_cast %parallel_loop3A_435 : i32 to index
        %parallel_loop3A_438 = arith.constant 112 : index
        %parallel_loop3A_439 = tpu.vector_load %arg8[%parallel_loop3A_436, %parallel_loop3A_437, %parallel_loop3A_438] {strides = array<i32>} : memref<8x8x128xf32, #tpu.memory_space<vmem>>, vector<16xf32>,
        tpu.vector_store %arg8[%parallel_loop3A_436, %parallel_loop3A_437, %parallel_loop3A_438], %parallel_loop3A_434 {strides = array<i32>} : memref<8x8x128xf32, #tpu.memory_space<vmem>>, vector<16xf32>,
        %parallel_loop3A_440 = arith.constant 4096 : i32
        %parallel_loop3A_441 = vector.broadcast %parallel_loop3A_440 : i32 to vector<16xi32>
        %parallel_loop3A_442 = arith.addi %parallel_loop3A_123, %parallel_loop3A_441 : vector<16xi32>
        %parallel_loop3A_443 = tpu.vector_load_idx %arg5[%parallel_loop3A_442] : memref<65536xf32, #tpu.memory_space<vmem>>[vector<16xi32>], vector<16xf32>,
        %parallel_loop3A_444 = arith.constant 4 : i32
        %parallel_loop3A_445 = arith.index_cast %parallel_loop3A_119 : i32 to index
        %parallel_loop3A_446 = arith.index_cast %parallel_loop3A_444 : i32 to index
        %parallel_loop3A_447 = arith.constant 0 : index
        %parallel_loop3A_448 = tpu.vector_load %arg8[%parallel_loop3A_445, %parallel_loop3A_446, %parallel_loop3A_447] {strides = array<i32>} : memref<8x8x128xf32, #tpu.memory_space<vmem>>, vector<16xf32>,
        tpu.vector_store %arg8[%parallel_loop3A_445, %parallel_loop3A_446, %parallel_loop3A_447], %parallel_loop3A_443 {strides = array<i32>} : memref<8x8x128xf32, #tpu.memory_space<vmem>>, vector<16xf32>,
        %parallel_loop3A_449 = arith.constant 4096 : i32
        %parallel_loop3A_450 = vector.broadcast %parallel_loop3A_449 : i32 to vector<16xi32>
        %parallel_loop3A_451 = arith.addi %parallel_loop3A_127, %parallel_loop3A_450 : vector<16xi32>
        %parallel_loop3A_452 = tpu.vector_load_idx %arg5[%parallel_loop3A_451] : memref<65536xf32, #tpu.memory_space<vmem>>[vector<16xi32>], vector<16xf32>,
        %parallel_loop3A_453 = arith.constant 4 : i32
        %parallel_loop3A_454 = arith.index_cast %parallel_loop3A_119 : i32 to index
        %parallel_loop3A_455 = arith.index_cast %parallel_loop3A_453 : i32 to index
        %parallel_loop3A_456 = arith.constant 16 : index
        %parallel_loop3A_457 = tpu.vector_load %arg8[%parallel_loop3A_454, %parallel_loop3A_455, %parallel_loop3A_456] {strides = array<i32>} : memref<8x8x128xf32, #tpu.memory_space<vmem>>, vector<16xf32>,
        tpu.vector_store %arg8[%parallel_loop3A_454, %parallel_loop3A_455, %parallel_loop3A_456], %parallel_loop3A_452 {strides = array<i32>} : memref<8x8x128xf32, #tpu.memory_space<vmem>>, vector<16xf32>,
        %parallel_loop3A_458 = arith.constant 4096 : i32
        %parallel_loop3A_459 = vector.broadcast %parallel_loop3A_458 : i32 to vector<16xi32>
        %parallel_loop3A_460 = arith.addi %parallel_loop3A_131, %parallel_loop3A_459 : vector<16xi32>
        %parallel_loop3A_461 = tpu.vector_load_idx %arg5[%parallel_loop3A_460] : memref<65536xf32, #tpu.memory_space<vmem>>[vector<16xi32>], vector<16xf32>,
        %parallel_loop3A_462 = arith.constant 4 : i32
        %parallel_loop3A_463 = arith.index_cast %parallel_loop3A_119 : i32 to index
        %parallel_loop3A_464 = arith.index_cast %parallel_loop3A_462 : i32 to index
        %parallel_loop3A_465 = arith.constant 32 : index
        %parallel_loop3A_466 = tpu.vector_load %arg8[%parallel_loop3A_463, %parallel_loop3A_464, %parallel_loop3A_465] {strides = array<i32>} : memref<8x8x128xf32, #tpu.memory_space<vmem>>, vector<16xf32>,
        tpu.vector_store %arg8[%parallel_loop3A_463, %parallel_loop3A_464, %parallel_loop3A_465], %parallel_loop3A_461 {strides = array<i32>} : memref<8x8x128xf32, #tpu.memory_space<vmem>>, vector<16xf32>,
        %parallel_loop3A_467 = arith.constant 4096 : i32
        %parallel_loop3A_468 = vector.broadcast %parallel_loop3A_467 : i32 to vector<16xi32>
        %parallel_loop3A_469 = arith.addi %parallel_loop3A_135, %parallel_loop3A_468 : vector<16xi32>
        %parallel_loop3A_470 = tpu.vector_load_idx %arg5[%parallel_loop3A_469] : memref<65536xf32, #tpu.memory_space<vmem>>[vector<16xi32>], vector<16xf32>,
        %parallel_loop3A_471 = arith.constant 4 : i32
        %parallel_loop3A_472 = arith.index_cast %parallel_loop3A_119 : i32 to index
        %parallel_loop3A_473 = arith.index_cast %parallel_loop3A_471 : i32 to index
        %parallel_loop3A_474 = arith.constant 48 : index
        %parallel_loop3A_475 = tpu.vector_load %arg8[%parallel_loop3A_472, %parallel_loop3A_473, %parallel_loop3A_474] {strides = array<i32>} : memref<8x8x128xf32, #tpu.memory_space<vmem>>, vector<16xf32>,
        tpu.vector_store %arg8[%parallel_loop3A_472, %parallel_loop3A_473, %parallel_loop3A_474], %parallel_loop3A_470 {strides = array<i32>} : memref<8x8x128xf32, #tpu.memory_space<vmem>>, vector<16xf32>,
        %parallel_loop3A_476 = arith.constant 4096 : i32
        %parallel_loop3A_477 = vector.broadcast %parallel_loop3A_476 : i32 to vector<16xi32>
        %parallel_loop3A_478 = arith.addi %parallel_loop3A_139, %parallel_loop3A_477 : vector<16xi32>
        %parallel_loop3A_479 = tpu.vector_load_idx %arg5[%parallel_loop3A_478] : memref<65536xf32, #tpu.memory_space<vmem>>[vector<16xi32>], vector<16xf32>,
        %parallel_loop3A_480 = arith.constant 4 : i32
        %parallel_loop3A_481 = arith.index_cast %parallel_loop3A_119 : i32 to index
        %parallel_loop3A_482 = arith.index_cast %parallel_loop3A_480 : i32 to index
        %parallel_loop3A_483 = arith.constant 64 : index
        %parallel_loop3A_484 = tpu.vector_load %arg8[%parallel_loop3A_481, %parallel_loop3A_482, %parallel_loop3A_483] {strides = array<i32>} : memref<8x8x128xf32, #tpu.memory_space<vmem>>, vector<16xf32>,
        tpu.vector_store %arg8[%parallel_loop3A_481, %parallel_loop3A_482, %parallel_loop3A_483], %parallel_loop3A_479 {strides = array<i32>} : memref<8x8x128xf32, #tpu.memory_space<vmem>>, vector<16xf32>,
        %parallel_loop3A_485 = arith.constant 4096 : i32
        %parallel_loop3A_486 = vector.broadcast %parallel_loop3A_485 : i32 to vector<16xi32>
        %parallel_loop3A_487 = arith.addi %parallel_loop3A_143, %parallel_loop3A_486 : vector<16xi32>
        %parallel_loop3A_488 = tpu.vector_load_idx %arg5[%parallel_loop3A_487] : memref<65536xf32, #tpu.memory_space<vmem>>[vector<16xi32>], vector<16xf32>,
        %parallel_loop3A_489 = arith.constant 4 : i32
        %parallel_loop3A_490 = arith.index_cast %parallel_loop3A_119 : i32 to index
        %parallel_loop3A_491 = arith.index_cast %parallel_loop3A_489 : i32 to index
        %parallel_loop3A_492 = arith.constant 80 : index
        %parallel_loop3A_493 = tpu.vector_load %arg8[%parallel_loop3A_490, %parallel_loop3A_491, %parallel_loop3A_492] {strides = array<i32>} : memref<8x8x128xf32, #tpu.memory_space<vmem>>, vector<16xf32>,
        tpu.vector_store %arg8[%parallel_loop3A_490, %parallel_loop3A_491, %parallel_loop3A_492], %parallel_loop3A_488 {strides = array<i32>} : memref<8x8x128xf32, #tpu.memory_space<vmem>>, vector<16xf32>,
        %parallel_loop3A_494 = arith.constant 4096 : i32
        %parallel_loop3A_495 = vector.broadcast %parallel_loop3A_494 : i32 to vector<16xi32>
        %parallel_loop3A_496 = arith.addi %parallel_loop3A_147, %parallel_loop3A_495 : vector<16xi32>
        %parallel_loop3A_497 = tpu.vector_load_idx %arg5[%parallel_loop3A_496] : memref<65536xf32, #tpu.memory_space<vmem>>[vector<16xi32>], vector<16xf32>,
        %parallel_loop3A_498 = arith.constant 4 : i32
        %parallel_loop3A_499 = arith.index_cast %parallel_loop3A_119 : i32 to index
        %parallel_loop3A_500 = arith.index_cast %parallel_loop3A_498 : i32 to index
        %parallel_loop3A_501 = arith.constant 96 : index
        %parallel_loop3A_502 = tpu.vector_load %arg8[%parallel_loop3A_499, %parallel_loop3A_500, %parallel_loop3A_501] {strides = array<i32>} : memref<8x8x128xf32, #tpu.memory_space<vmem>>, vector<16xf32>,
        tpu.vector_store %arg8[%parallel_loop3A_499, %parallel_loop3A_500, %parallel_loop3A_501], %parallel_loop3A_497 {strides = array<i32>} : memref<8x8x128xf32, #tpu.memory_space<vmem>>, vector<16xf32>,
        %parallel_loop3A_503 = arith.constant 4096 : i32
        %parallel_loop3A_504 = vector.broadcast %parallel_loop3A_503 : i32 to vector<16xi32>
        %parallel_loop3A_505 = arith.addi %parallel_loop3A_151, %parallel_loop3A_504 : vector<16xi32>
        %parallel_loop3A_506 = tpu.vector_load_idx %arg5[%parallel_loop3A_505] : memref<65536xf32, #tpu.memory_space<vmem>>[vector<16xi32>], vector<16xf32>,
        %parallel_loop3A_507 = arith.constant 4 : i32
        %parallel_loop3A_508 = arith.index_cast %parallel_loop3A_119 : i32 to index
        %parallel_loop3A_509 = arith.index_cast %parallel_loop3A_507 : i32 to index
        %parallel_loop3A_510 = arith.constant 112 : index
        %parallel_loop3A_511 = tpu.vector_load %arg8[%parallel_loop3A_508, %parallel_loop3A_509, %parallel_loop3A_510] {strides = array<i32>} : memref<8x8x128xf32, #tpu.memory_space<vmem>>, vector<16xf32>,
        tpu.vector_store %arg8[%parallel_loop3A_508, %parallel_loop3A_509, %parallel_loop3A_510], %parallel_loop3A_506 {strides = array<i32>} : memref<8x8x128xf32, #tpu.memory_space<vmem>>, vector<16xf32>,
        %parallel_loop3A_512 = arith.constant 5120 : i32
        %parallel_loop3A_513 = vector.broadcast %parallel_loop3A_512 : i32 to vector<16xi32>
        %parallel_loop3A_514 = arith.addi %parallel_loop3A_123, %parallel_loop3A_513 : vector<16xi32>
        %parallel_loop3A_515 = tpu.vector_load_idx %arg5[%parallel_loop3A_514] : memref<65536xf32, #tpu.memory_space<vmem>>[vector<16xi32>], vector<16xf32>,
        %parallel_loop3A_516 = arith.constant 5 : i32
        %parallel_loop3A_517 = arith.index_cast %parallel_loop3A_119 : i32 to index
        %parallel_loop3A_518 = arith.index_cast %parallel_loop3A_516 : i32 to index
        %parallel_loop3A_519 = arith.constant 0 : index
        %parallel_loop3A_520 = tpu.vector_load %arg8[%parallel_loop3A_517, %parallel_loop3A_518, %parallel_loop3A_519] {strides = array<i32>} : memref<8x8x128xf32, #tpu.memory_space<vmem>>, vector<16xf32>,
        tpu.vector_store %arg8[%parallel_loop3A_517, %parallel_loop3A_518, %parallel_loop3A_519], %parallel_loop3A_515 {strides = array<i32>} : memref<8x8x128xf32, #tpu.memory_space<vmem>>, vector<16xf32>,
        %parallel_loop3A_521 = arith.constant 5120 : i32
        %parallel_loop3A_522 = vector.broadcast %parallel_loop3A_521 : i32 to vector<16xi32>
        %parallel_loop3A_523 = arith.addi %parallel_loop3A_127, %parallel_loop3A_522 : vector<16xi32>
        %parallel_loop3A_524 = tpu.vector_load_idx %arg5[%parallel_loop3A_523] : memref<65536xf32, #tpu.memory_space<vmem>>[vector<16xi32>], vector<16xf32>,
        %parallel_loop3A_525 = arith.constant 5 : i32
        %parallel_loop3A_526 = arith.index_cast %parallel_loop3A_119 : i32 to index
        %parallel_loop3A_527 = arith.index_cast %parallel_loop3A_525 : i32 to index
        %parallel_loop3A_528 = arith.constant 16 : index
        %parallel_loop3A_529 = tpu.vector_load %arg8[%parallel_loop3A_526, %parallel_loop3A_527, %parallel_loop3A_528] {strides = array<i32>} : memref<8x8x128xf32, #tpu.memory_space<vmem>>, vector<16xf32>,
        tpu.vector_store %arg8[%parallel_loop3A_526, %parallel_loop3A_527, %parallel_loop3A_528], %parallel_loop3A_524 {strides = array<i32>} : memref<8x8x128xf32, #tpu.memory_space<vmem>>, vector<16xf32>,
        %parallel_loop3A_530 = arith.constant 5120 : i32
        %parallel_loop3A_531 = vector.broadcast %parallel_loop3A_530 : i32 to vector<16xi32>
        %parallel_loop3A_532 = arith.addi %parallel_loop3A_131, %parallel_loop3A_531 : vector<16xi32>
        %parallel_loop3A_533 = tpu.vector_load_idx %arg5[%parallel_loop3A_532] : memref<65536xf32, #tpu.memory_space<vmem>>[vector<16xi32>], vector<16xf32>,
        %parallel_loop3A_534 = arith.constant 5 : i32
        %parallel_loop3A_535 = arith.index_cast %parallel_loop3A_119 : i32 to index
        %parallel_loop3A_536 = arith.index_cast %parallel_loop3A_534 : i32 to index
        %parallel_loop3A_537 = arith.constant 32 : index
        %parallel_loop3A_538 = tpu.vector_load %arg8[%parallel_loop3A_535, %parallel_loop3A_536, %parallel_loop3A_537] {strides = array<i32>} : memref<8x8x128xf32, #tpu.memory_space<vmem>>, vector<16xf32>,
        tpu.vector_store %arg8[%parallel_loop3A_535, %parallel_loop3A_536, %parallel_loop3A_537], %parallel_loop3A_533 {strides = array<i32>} : memref<8x8x128xf32, #tpu.memory_space<vmem>>, vector<16xf32>,
        %parallel_loop3A_539 = arith.constant 5120 : i32
        %parallel_loop3A_540 = vector.broadcast %parallel_loop3A_539 : i32 to vector<16xi32>
        %parallel_loop3A_541 = arith.addi %parallel_loop3A_135, %parallel_loop3A_540 : vector<16xi32>
        %parallel_loop3A_542 = tpu.vector_load_idx %arg5[%parallel_loop3A_541] : memref<65536xf32, #tpu.memory_space<vmem>>[vector<16xi32>], vector<16xf32>,
        %parallel_loop3A_543 = arith.constant 5 : i32
        %parallel_loop3A_544 = arith.index_cast %parallel_loop3A_119 : i32 to index
        %parallel_loop3A_545 = arith.index_cast %parallel_loop3A_543 : i32 to index
        %parallel_loop3A_546 = arith.constant 48 : index
        %parallel_loop3A_547 = tpu.vector_load %arg8[%parallel_loop3A_544, %parallel_loop3A_545, %parallel_loop3A_546] {strides = array<i32>} : memref<8x8x128xf32, #tpu.memory_space<vmem>>, vector<16xf32>,
        tpu.vector_store %arg8[%parallel_loop3A_544, %parallel_loop3A_545, %parallel_loop3A_546], %parallel_loop3A_542 {strides = array<i32>} : memref<8x8x128xf32, #tpu.memory_space<vmem>>, vector<16xf32>,
        %parallel_loop3A_548 = arith.constant 5120 : i32
        %parallel_loop3A_549 = vector.broadcast %parallel_loop3A_548 : i32 to vector<16xi32>
        %parallel_loop3A_550 = arith.addi %parallel_loop3A_139, %parallel_loop3A_549 : vector<16xi32>
        %parallel_loop3A_551 = tpu.vector_load_idx %arg5[%parallel_loop3A_550] : memref<65536xf32, #tpu.memory_space<vmem>>[vector<16xi32>], vector<16xf32>,
        %parallel_loop3A_552 = arith.constant 5 : i32
        %parallel_loop3A_553 = arith.index_cast %parallel_loop3A_119 : i32 to index
        %parallel_loop3A_554 = arith.index_cast %parallel_loop3A_552 : i32 to index
        %parallel_loop3A_555 = arith.constant 64 : index
        %parallel_loop3A_556 = tpu.vector_load %arg8[%parallel_loop3A_553, %parallel_loop3A_554, %parallel_loop3A_555] {strides = array<i32>} : memref<8x8x128xf32, #tpu.memory_space<vmem>>, vector<16xf32>,
        tpu.vector_store %arg8[%parallel_loop3A_553, %parallel_loop3A_554, %parallel_loop3A_555], %parallel_loop3A_551 {strides = array<i32>} : memref<8x8x128xf32, #tpu.memory_space<vmem>>, vector<16xf32>,
        %parallel_loop3A_557 = arith.constant 5120 : i32
        %parallel_loop3A_558 = vector.broadcast %parallel_loop3A_557 : i32 to vector<16xi32>
        %parallel_loop3A_559 = arith.addi %parallel_loop3A_143, %parallel_loop3A_558 : vector<16xi32>
        %parallel_loop3A_560 = tpu.vector_load_idx %arg5[%parallel_loop3A_559] : memref<65536xf32, #tpu.memory_space<vmem>>[vector<16xi32>], vector<16xf32>,
        %parallel_loop3A_561 = arith.constant 5 : i32
        %parallel_loop3A_562 = arith.index_cast %parallel_loop3A_119 : i32 to index
        %parallel_loop3A_563 = arith.index_cast %parallel_loop3A_561 : i32 to index
        %parallel_loop3A_564 = arith.constant 80 : index
        %parallel_loop3A_565 = tpu.vector_load %arg8[%parallel_loop3A_562, %parallel_loop3A_563, %parallel_loop3A_564] {strides = array<i32>} : memref<8x8x128xf32, #tpu.memory_space<vmem>>, vector<16xf32>,
        tpu.vector_store %arg8[%parallel_loop3A_562, %parallel_loop3A_563, %parallel_loop3A_564], %parallel_loop3A_560 {strides = array<i32>} : memref<8x8x128xf32, #tpu.memory_space<vmem>>, vector<16xf32>,
        %parallel_loop3A_566 = arith.constant 5120 : i32
        %parallel_loop3A_567 = vector.broadcast %parallel_loop3A_566 : i32 to vector<16xi32>
        %parallel_loop3A_568 = arith.addi %parallel_loop3A_147, %parallel_loop3A_567 : vector<16xi32>
        %parallel_loop3A_569 = tpu.vector_load_idx %arg5[%parallel_loop3A_568] : memref<65536xf32, #tpu.memory_space<vmem>>[vector<16xi32>], vector<16xf32>,
        %parallel_loop3A_570 = arith.constant 5 : i32
        %parallel_loop3A_571 = arith.index_cast %parallel_loop3A_119 : i32 to index
        %parallel_loop3A_572 = arith.index_cast %parallel_loop3A_570 : i32 to index
        %parallel_loop3A_573 = arith.constant 96 : index
        %parallel_loop3A_574 = tpu.vector_load %arg8[%parallel_loop3A_571, %parallel_loop3A_572, %parallel_loop3A_573] {strides = array<i32>} : memref<8x8x128xf32, #tpu.memory_space<vmem>>, vector<16xf32>,
        tpu.vector_store %arg8[%parallel_loop3A_571, %parallel_loop3A_572, %parallel_loop3A_573], %parallel_loop3A_569 {strides = array<i32>} : memref<8x8x128xf32, #tpu.memory_space<vmem>>, vector<16xf32>,
        %parallel_loop3A_575 = arith.constant 5120 : i32
        %parallel_loop3A_576 = vector.broadcast %parallel_loop3A_575 : i32 to vector<16xi32>
        %parallel_loop3A_577 = arith.addi %parallel_loop3A_151, %parallel_loop3A_576 : vector<16xi32>
        %parallel_loop3A_578 = tpu.vector_load_idx %arg5[%parallel_loop3A_577] : memref<65536xf32, #tpu.memory_space<vmem>>[vector<16xi32>], vector<16xf32>,
        %parallel_loop3A_579 = arith.constant 5 : i32
        %parallel_loop3A_580 = arith.index_cast %parallel_loop3A_119 : i32 to index
        %parallel_loop3A_581 = arith.index_cast %parallel_loop3A_579 : i32 to index
        %parallel_loop3A_582 = arith.constant 112 : index
        %parallel_loop3A_583 = tpu.vector_load %arg8[%parallel_loop3A_580, %parallel_loop3A_581, %parallel_loop3A_582] {strides = array<i32>} : memref<8x8x128xf32, #tpu.memory_space<vmem>>, vector<16xf32>,
        tpu.vector_store %arg8[%parallel_loop3A_580, %parallel_loop3A_581, %parallel_loop3A_582], %parallel_loop3A_578 {strides = array<i32>} : memref<8x8x128xf32, #tpu.memory_space<vmem>>, vector<16xf32>,
        %parallel_loop3A_584 = arith.constant 6144 : i32
        %parallel_loop3A_585 = vector.broadcast %parallel_loop3A_584 : i32 to vector<16xi32>
        %parallel_loop3A_586 = arith.addi %parallel_loop3A_123, %parallel_loop3A_585 : vector<16xi32>
        %parallel_loop3A_587 = tpu.vector_load_idx %arg5[%parallel_loop3A_586] : memref<65536xf32, #tpu.memory_space<vmem>>[vector<16xi32>], vector<16xf32>,
        %parallel_loop3A_588 = arith.constant 6 : i32
        %parallel_loop3A_589 = arith.index_cast %parallel_loop3A_119 : i32 to index
        %parallel_loop3A_590 = arith.index_cast %parallel_loop3A_588 : i32 to index
        %parallel_loop3A_591 = arith.constant 0 : index
        %parallel_loop3A_592 = tpu.vector_load %arg8[%parallel_loop3A_589, %parallel_loop3A_590, %parallel_loop3A_591] {strides = array<i32>} : memref<8x8x128xf32, #tpu.memory_space<vmem>>, vector<16xf32>,
        tpu.vector_store %arg8[%parallel_loop3A_589, %parallel_loop3A_590, %parallel_loop3A_591], %parallel_loop3A_587 {strides = array<i32>} : memref<8x8x128xf32, #tpu.memory_space<vmem>>, vector<16xf32>,
        %parallel_loop3A_593 = arith.constant 6144 : i32
        %parallel_loop3A_594 = vector.broadcast %parallel_loop3A_593 : i32 to vector<16xi32>
        %parallel_loop3A_595 = arith.addi %parallel_loop3A_127, %parallel_loop3A_594 : vector<16xi32>
        %parallel_loop3A_596 = tpu.vector_load_idx %arg5[%parallel_loop3A_595] : memref<65536xf32, #tpu.memory_space<vmem>>[vector<16xi32>], vector<16xf32>,
        %parallel_loop3A_597 = arith.constant 6 : i32
        %parallel_loop3A_598 = arith.index_cast %parallel_loop3A_119 : i32 to index
        %parallel_loop3A_599 = arith.index_cast %parallel_loop3A_597 : i32 to index
        %parallel_loop3A_600 = arith.constant 16 : index
        %parallel_loop3A_601 = tpu.vector_load %arg8[%parallel_loop3A_598, %parallel_loop3A_599, %parallel_loop3A_600] {strides = array<i32>} : memref<8x8x128xf32, #tpu.memory_space<vmem>>, vector<16xf32>,
        tpu.vector_store %arg8[%parallel_loop3A_598, %parallel_loop3A_599, %parallel_loop3A_600], %parallel_loop3A_596 {strides = array<i32>} : memref<8x8x128xf32, #tpu.memory_space<vmem>>, vector<16xf32>,
        %parallel_loop3A_602 = arith.constant 6144 : i32
        %parallel_loop3A_603 = vector.broadcast %parallel_loop3A_602 : i32 to vector<16xi32>
        %parallel_loop3A_604 = arith.addi %parallel_loop3A_131, %parallel_loop3A_603 : vector<16xi32>
        %parallel_loop3A_605 = tpu.vector_load_idx %arg5[%parallel_loop3A_604] : memref<65536xf32, #tpu.memory_space<vmem>>[vector<16xi32>], vector<16xf32>,
        %parallel_loop3A_606 = arith.constant 6 : i32
        %parallel_loop3A_607 = arith.index_cast %parallel_loop3A_119 : i32 to index
        %parallel_loop3A_608 = arith.index_cast %parallel_loop3A_606 : i32 to index
        %parallel_loop3A_609 = arith.constant 32 : index
        %parallel_loop3A_610 = tpu.vector_load %arg8[%parallel_loop3A_607, %parallel_loop3A_608, %parallel_loop3A_609] {strides = array<i32>} : memref<8x8x128xf32, #tpu.memory_space<vmem>>, vector<16xf32>,
        tpu.vector_store %arg8[%parallel_loop3A_607, %parallel_loop3A_608, %parallel_loop3A_609], %parallel_loop3A_605 {strides = array<i32>} : memref<8x8x128xf32, #tpu.memory_space<vmem>>, vector<16xf32>,
        %parallel_loop3A_611 = arith.constant 6144 : i32
        %parallel_loop3A_612 = vector.broadcast %parallel_loop3A_611 : i32 to vector<16xi32>
        %parallel_loop3A_613 = arith.addi %parallel_loop3A_135, %parallel_loop3A_612 : vector<16xi32>
        %parallel_loop3A_614 = tpu.vector_load_idx %arg5[%parallel_loop3A_613] : memref<65536xf32, #tpu.memory_space<vmem>>[vector<16xi32>], vector<16xf32>,
        %parallel_loop3A_615 = arith.constant 6 : i32
        %parallel_loop3A_616 = arith.index_cast %parallel_loop3A_119 : i32 to index
        %parallel_loop3A_617 = arith.index_cast %parallel_loop3A_615 : i32 to index
        %parallel_loop3A_618 = arith.constant 48 : index
        %parallel_loop3A_619 = tpu.vector_load %arg8[%parallel_loop3A_616, %parallel_loop3A_617, %parallel_loop3A_618] {strides = array<i32>} : memref<8x8x128xf32, #tpu.memory_space<vmem>>, vector<16xf32>,
        tpu.vector_store %arg8[%parallel_loop3A_616, %parallel_loop3A_617, %parallel_loop3A_618], %parallel_loop3A_614 {strides = array<i32>} : memref<8x8x128xf32, #tpu.memory_space<vmem>>, vector<16xf32>,
        %parallel_loop3A_620 = arith.constant 6144 : i32
        %parallel_loop3A_621 = vector.broadcast %parallel_loop3A_620 : i32 to vector<16xi32>
        %parallel_loop3A_622 = arith.addi %parallel_loop3A_139, %parallel_loop3A_621 : vector<16xi32>
        %parallel_loop3A_623 = tpu.vector_load_idx %arg5[%parallel_loop3A_622] : memref<65536xf32, #tpu.memory_space<vmem>>[vector<16xi32>], vector<16xf32>,
        %parallel_loop3A_624 = arith.constant 6 : i32
        %parallel_loop3A_625 = arith.index_cast %parallel_loop3A_119 : i32 to index
        %parallel_loop3A_626 = arith.index_cast %parallel_loop3A_624 : i32 to index
        %parallel_loop3A_627 = arith.constant 64 : index
        %parallel_loop3A_628 = tpu.vector_load %arg8[%parallel_loop3A_625, %parallel_loop3A_626, %parallel_loop3A_627] {strides = array<i32>} : memref<8x8x128xf32, #tpu.memory_space<vmem>>, vector<16xf32>,
        tpu.vector_store %arg8[%parallel_loop3A_625, %parallel_loop3A_626, %parallel_loop3A_627], %parallel_loop3A_623 {strides = array<i32>} : memref<8x8x128xf32, #tpu.memory_space<vmem>>, vector<16xf32>,
        %parallel_loop3A_629 = arith.constant 6144 : i32
        %parallel_loop3A_630 = vector.broadcast %parallel_loop3A_629 : i32 to vector<16xi32>
        %parallel_loop3A_631 = arith.addi %parallel_loop3A_143, %parallel_loop3A_630 : vector<16xi32>
        %parallel_loop3A_632 = tpu.vector_load_idx %arg5[%parallel_loop3A_631] : memref<65536xf32, #tpu.memory_space<vmem>>[vector<16xi32>], vector<16xf32>,
        %parallel_loop3A_633 = arith.constant 6 : i32
        %parallel_loop3A_634 = arith.index_cast %parallel_loop3A_119 : i32 to index
        %parallel_loop3A_635 = arith.index_cast %parallel_loop3A_633 : i32 to index
        %parallel_loop3A_636 = arith.constant 80 : index
        %parallel_loop3A_637 = tpu.vector_load %arg8[%parallel_loop3A_634, %parallel_loop3A_635, %parallel_loop3A_636] {strides = array<i32>} : memref<8x8x128xf32, #tpu.memory_space<vmem>>, vector<16xf32>,
        tpu.vector_store %arg8[%parallel_loop3A_634, %parallel_loop3A_635, %parallel_loop3A_636], %parallel_loop3A_632 {strides = array<i32>} : memref<8x8x128xf32, #tpu.memory_space<vmem>>, vector<16xf32>,
        %parallel_loop3A_638 = arith.constant 6144 : i32
        %parallel_loop3A_639 = vector.broadcast %parallel_loop3A_638 : i32 to vector<16xi32>
        %parallel_loop3A_640 = arith.addi %parallel_loop3A_147, %parallel_loop3A_639 : vector<16xi32>
        %parallel_loop3A_641 = tpu.vector_load_idx %arg5[%parallel_loop3A_640] : memref<65536xf32, #tpu.memory_space<vmem>>[vector<16xi32>], vector<16xf32>,
        %parallel_loop3A_642 = arith.constant 6 : i32
        %parallel_loop3A_643 = arith.index_cast %parallel_loop3A_119 : i32 to index
        %parallel_loop3A_644 = arith.index_cast %parallel_loop3A_642 : i32 to index
        %parallel_loop3A_645 = arith.constant 96 : index
        %parallel_loop3A_646 = tpu.vector_load %arg8[%parallel_loop3A_643, %parallel_loop3A_644, %parallel_loop3A_645] {strides = array<i32>} : memref<8x8x128xf32, #tpu.memory_space<vmem>>, vector<16xf32>,
        tpu.vector_store %arg8[%parallel_loop3A_643, %parallel_loop3A_644, %parallel_loop3A_645], %parallel_loop3A_641 {strides = array<i32>} : memref<8x8x128xf32, #tpu.memory_space<vmem>>, vector<16xf32>,
        %parallel_loop3A_647 = arith.constant 6144 : i32
        %parallel_loop3A_648 = vector.broadcast %parallel_loop3A_647 : i32 to vector<16xi32>
        %parallel_loop3A_649 = arith.addi %parallel_loop3A_151, %parallel_loop3A_648 : vector<16xi32>
        %parallel_loop3A_650 = tpu.vector_load_idx %arg5[%parallel_loop3A_649] : memref<65536xf32, #tpu.memory_space<vmem>>[vector<16xi32>], vector<16xf32>,
        %parallel_loop3A_651 = arith.constant 6 : i32
        %parallel_loop3A_652 = arith.index_cast %parallel_loop3A_119 : i32 to index
        %parallel_loop3A_653 = arith.index_cast %parallel_loop3A_651 : i32 to index
        %parallel_loop3A_654 = arith.constant 112 : index
        %parallel_loop3A_655 = tpu.vector_load %arg8[%parallel_loop3A_652, %parallel_loop3A_653, %parallel_loop3A_654] {strides = array<i32>} : memref<8x8x128xf32, #tpu.memory_space<vmem>>, vector<16xf32>,
        tpu.vector_store %arg8[%parallel_loop3A_652, %parallel_loop3A_653, %parallel_loop3A_654], %parallel_loop3A_650 {strides = array<i32>} : memref<8x8x128xf32, #tpu.memory_space<vmem>>, vector<16xf32>,
        %parallel_loop3A_656 = arith.constant 7168 : i32
        %parallel_loop3A_657 = vector.broadcast %parallel_loop3A_656 : i32 to vector<16xi32>
        %parallel_loop3A_658 = arith.addi %parallel_loop3A_123, %parallel_loop3A_657 : vector<16xi32>
        %parallel_loop3A_659 = tpu.vector_load_idx %arg5[%parallel_loop3A_658] : memref<65536xf32, #tpu.memory_space<vmem>>[vector<16xi32>], vector<16xf32>,
        %parallel_loop3A_660 = arith.constant 7 : i32
        %parallel_loop3A_661 = arith.index_cast %parallel_loop3A_119 : i32 to index
        %parallel_loop3A_662 = arith.index_cast %parallel_loop3A_660 : i32 to index
        %parallel_loop3A_663 = arith.constant 0 : index
        %parallel_loop3A_664 = tpu.vector_load %arg8[%parallel_loop3A_661, %parallel_loop3A_662, %parallel_loop3A_663] {strides = array<i32>} : memref<8x8x128xf32, #tpu.memory_space<vmem>>, vector<16xf32>,
        tpu.vector_store %arg8[%parallel_loop3A_661, %parallel_loop3A_662, %parallel_loop3A_663], %parallel_loop3A_659 {strides = array<i32>} : memref<8x8x128xf32, #tpu.memory_space<vmem>>, vector<16xf32>,
        %parallel_loop3A_665 = arith.constant 7168 : i32
        %parallel_loop3A_666 = vector.broadcast %parallel_loop3A_665 : i32 to vector<16xi32>
        %parallel_loop3A_667 = arith.addi %parallel_loop3A_127, %parallel_loop3A_666 : vector<16xi32>
        %parallel_loop3A_668 = tpu.vector_load_idx %arg5[%parallel_loop3A_667] : memref<65536xf32, #tpu.memory_space<vmem>>[vector<16xi32>], vector<16xf32>,
        %parallel_loop3A_669 = arith.constant 7 : i32
        %parallel_loop3A_670 = arith.index_cast %parallel_loop3A_119 : i32 to index
        %parallel_loop3A_671 = arith.index_cast %parallel_loop3A_669 : i32 to index
        %parallel_loop3A_672 = arith.constant 16 : index
        %parallel_loop3A_673 = tpu.vector_load %arg8[%parallel_loop3A_670, %parallel_loop3A_671, %parallel_loop3A_672] {strides = array<i32>} : memref<8x8x128xf32, #tpu.memory_space<vmem>>, vector<16xf32>,
        tpu.vector_store %arg8[%parallel_loop3A_670, %parallel_loop3A_671, %parallel_loop3A_672], %parallel_loop3A_668 {strides = array<i32>} : memref<8x8x128xf32, #tpu.memory_space<vmem>>, vector<16xf32>,
        %parallel_loop3A_674 = arith.constant 7168 : i32
        %parallel_loop3A_675 = vector.broadcast %parallel_loop3A_674 : i32 to vector<16xi32>
        %parallel_loop3A_676 = arith.addi %parallel_loop3A_131, %parallel_loop3A_675 : vector<16xi32>
        %parallel_loop3A_677 = tpu.vector_load_idx %arg5[%parallel_loop3A_676] : memref<65536xf32, #tpu.memory_space<vmem>>[vector<16xi32>], vector<16xf32>,
        %parallel_loop3A_678 = arith.constant 7 : i32
        %parallel_loop3A_679 = arith.index_cast %parallel_loop3A_119 : i32 to index
        %parallel_loop3A_680 = arith.index_cast %parallel_loop3A_678 : i32 to index
        %parallel_loop3A_681 = arith.constant 32 : index
        %parallel_loop3A_682 = tpu.vector_load %arg8[%parallel_loop3A_679, %parallel_loop3A_680, %parallel_loop3A_681] {strides = array<i32>} : memref<8x8x128xf32, #tpu.memory_space<vmem>>, vector<16xf32>,
        tpu.vector_store %arg8[%parallel_loop3A_679, %parallel_loop3A_680, %parallel_loop3A_681], %parallel_loop3A_677 {strides = array<i32>} : memref<8x8x128xf32, #tpu.memory_space<vmem>>, vector<16xf32>,
        %parallel_loop3A_683 = arith.constant 7168 : i32
        %parallel_loop3A_684 = vector.broadcast %parallel_loop3A_683 : i32 to vector<16xi32>
        %parallel_loop3A_685 = arith.addi %parallel_loop3A_135, %parallel_loop3A_684 : vector<16xi32>
        %parallel_loop3A_686 = tpu.vector_load_idx %arg5[%parallel_loop3A_685] : memref<65536xf32, #tpu.memory_space<vmem>>[vector<16xi32>], vector<16xf32>,
        %parallel_loop3A_687 = arith.constant 7 : i32
        %parallel_loop3A_688 = arith.index_cast %parallel_loop3A_119 : i32 to index
        %parallel_loop3A_689 = arith.index_cast %parallel_loop3A_687 : i32 to index
        %parallel_loop3A_690 = arith.constant 48 : index
        %parallel_loop3A_691 = tpu.vector_load %arg8[%parallel_loop3A_688, %parallel_loop3A_689, %parallel_loop3A_690] {strides = array<i32>} : memref<8x8x128xf32, #tpu.memory_space<vmem>>, vector<16xf32>,
        tpu.vector_store %arg8[%parallel_loop3A_688, %parallel_loop3A_689, %parallel_loop3A_690], %parallel_loop3A_686 {strides = array<i32>} : memref<8x8x128xf32, #tpu.memory_space<vmem>>, vector<16xf32>,
        %parallel_loop3A_692 = arith.constant 7168 : i32
        %parallel_loop3A_693 = vector.broadcast %parallel_loop3A_692 : i32 to vector<16xi32>
        %parallel_loop3A_694 = arith.addi %parallel_loop3A_139, %parallel_loop3A_693 : vector<16xi32>
        %parallel_loop3A_695 = tpu.vector_load_idx %arg5[%parallel_loop3A_694] : memref<65536xf32, #tpu.memory_space<vmem>>[vector<16xi32>], vector<16xf32>,
        %parallel_loop3A_696 = arith.constant 7 : i32
        %parallel_loop3A_697 = arith.index_cast %parallel_loop3A_119 : i32 to index
        %parallel_loop3A_698 = arith.index_cast %parallel_loop3A_696 : i32 to index
        %parallel_loop3A_699 = arith.constant 64 : index
        %parallel_loop3A_700 = tpu.vector_load %arg8[%parallel_loop3A_697, %parallel_loop3A_698, %parallel_loop3A_699] {strides = array<i32>} : memref<8x8x128xf32, #tpu.memory_space<vmem>>, vector<16xf32>,
        tpu.vector_store %arg8[%parallel_loop3A_697, %parallel_loop3A_698, %parallel_loop3A_699], %parallel_loop3A_695 {strides = array<i32>} : memref<8x8x128xf32, #tpu.memory_space<vmem>>, vector<16xf32>,
        %parallel_loop3A_701 = arith.constant 7168 : i32
        %parallel_loop3A_702 = vector.broadcast %parallel_loop3A_701 : i32 to vector<16xi32>
        %parallel_loop3A_703 = arith.addi %parallel_loop3A_143, %parallel_loop3A_702 : vector<16xi32>
        %parallel_loop3A_704 = tpu.vector_load_idx %arg5[%parallel_loop3A_703] : memref<65536xf32, #tpu.memory_space<vmem>>[vector<16xi32>], vector<16xf32>,
        %parallel_loop3A_705 = arith.constant 7 : i32
        %parallel_loop3A_706 = arith.index_cast %parallel_loop3A_119 : i32 to index
        %parallel_loop3A_707 = arith.index_cast %parallel_loop3A_705 : i32 to index
        %parallel_loop3A_708 = arith.constant 80 : index
        %parallel_loop3A_709 = tpu.vector_load %arg8[%parallel_loop3A_706, %parallel_loop3A_707, %parallel_loop3A_708] {strides = array<i32>} : memref<8x8x128xf32, #tpu.memory_space<vmem>>, vector<16xf32>,
        tpu.vector_store %arg8[%parallel_loop3A_706, %parallel_loop3A_707, %parallel_loop3A_708], %parallel_loop3A_704 {strides = array<i32>} : memref<8x8x128xf32, #tpu.memory_space<vmem>>, vector<16xf32>,
        %parallel_loop3A_710 = arith.constant 7168 : i32
        %parallel_loop3A_711 = vector.broadcast %parallel_loop3A_710 : i32 to vector<16xi32>
        %parallel_loop3A_712 = arith.addi %parallel_loop3A_147, %parallel_loop3A_711 : vector<16xi32>
        %parallel_loop3A_713 = tpu.vector_load_idx %arg5[%parallel_loop3A_712] : memref<65536xf32, #tpu.memory_space<vmem>>[vector<16xi32>], vector<16xf32>,
        %parallel_loop3A_714 = arith.constant 7 : i32
        %parallel_loop3A_715 = arith.index_cast %parallel_loop3A_119 : i32 to index
        %parallel_loop3A_716 = arith.index_cast %parallel_loop3A_714 : i32 to index
        %parallel_loop3A_717 = arith.constant 96 : index
        %parallel_loop3A_718 = tpu.vector_load %arg8[%parallel_loop3A_715, %parallel_loop3A_716, %parallel_loop3A_717] {strides = array<i32>} : memref<8x8x128xf32, #tpu.memory_space<vmem>>, vector<16xf32>,
        tpu.vector_store %arg8[%parallel_loop3A_715, %parallel_loop3A_716, %parallel_loop3A_717], %parallel_loop3A_713 {strides = array<i32>} : memref<8x8x128xf32, #tpu.memory_space<vmem>>, vector<16xf32>,
        %parallel_loop3A_719 = arith.constant 7168 : i32
        %parallel_loop3A_720 = vector.broadcast %parallel_loop3A_719 : i32 to vector<16xi32>
        %parallel_loop3A_721 = arith.addi %parallel_loop3A_151, %parallel_loop3A_720 : vector<16xi32>
        %parallel_loop3A_722 = tpu.vector_load_idx %arg5[%parallel_loop3A_721] : memref<65536xf32, #tpu.memory_space<vmem>>[vector<16xi32>], vector<16xf32>,
        %parallel_loop3A_723 = arith.constant 7 : i32
        %parallel_loop3A_724 = arith.index_cast %parallel_loop3A_119 : i32 to index
        %parallel_loop3A_725 = arith.index_cast %parallel_loop3A_723 : i32 to index
        %parallel_loop3A_726 = arith.constant 112 : index
        %parallel_loop3A_727 = tpu.vector_load %arg8[%parallel_loop3A_724, %parallel_loop3A_725, %parallel_loop3A_726] {strides = array<i32>} : memref<8x8x128xf32, #tpu.memory_space<vmem>>, vector<16xf32>,
        tpu.vector_store %arg8[%parallel_loop3A_724, %parallel_loop3A_725, %parallel_loop3A_726], %parallel_loop3A_722 {strides = array<i32>} : memref<8x8x128xf32, #tpu.memory_space<vmem>>, vector<16xf32>,
      } {sc.loop_unroll_factor = 1 : i64, sc.parallel_access}
      %dma_start3A_109 = arith.constant 0 : i32
      %dma_start3A_110 = arith.constant 0 : i32
      %dma_start3A_111 = arith.constant 0 : i32
      %dma_start3A_112 = tpu.memref_slice %arg4[%add3A_76, %dma_start3A_109, %add3A, %dma_start3A_110, %dma_start3A_111] : memref<200x8x32x8x128xf32, #tpu.memory_space<hbm>> -> memref<1x8x1x8x128xf32, #tpu.memory_space<hbm>>
      %dma_start3A_113 = tpu.memref_squeeze %dma_start3A_112 : memref<1x8x1x8x128xf32, #tpu.memory_space<hbm>> -> memref<8x8x128xf32, #tpu.memory_space<hbm>>
      %dma_start3A_114 = arith.constant 0 : i32
      %dma_start3A_115 = arith.constant 0 : i32
      %dma_start3A_116 = arith.constant 0 : i32
      %dma_start3A_117 = tpu.memref_slice %arg4[%add3A_76, %dma_start3A_114, %add3A, %dma_start3A_115, %dma_start3A_116] : memref<200x8x32x8x128xf32, #tpu.memory_space<hbm>> -> memref<1x8x1x8x128xf32, #tpu.memory_space<hbm>>
      %dma_start3A_118 = tpu.memref_squeeze %dma_start3A_117 : memref<1x8x1x8x128xf32, #tpu.memory_space<hbm>> -> memref<8x8x128xf32, #tpu.memory_space<hbm>>
      tpu.enqueue_dma source(%arg8 : memref<8x8x128xf32, #tpu.memory_space<vmem>>) target(%dma_start3A_118 : memref<8x8x128xf32, #tpu.memory_space<hbm>>) target_semaphore(%arg10 : memref<!tpu.dma_semaphore, #tpu.memory_space<semaphore_mem>>)
    }
    %scan3A_7 = arith.constant 100 : i32
    %dma_wait3A = arith.constant 0 : i32
    %dma_wait3A_8 = arith.constant 0 : i32
    %dma_wait3A_9 = arith.constant 0 : i32
    %dma_wait3A_10 = arith.constant 0 : i32
    %dma_wait3A_11 = arith.constant 0 : i32
    %dma_wait3A_12 = tpu.memref_slice %arg4[%dma_wait3A, %dma_wait3A_9, %dma_wait3A_8, %dma_wait3A_10, %dma_wait3A_11] : memref<200x8x32x8x128xf32, #tpu.memory_space<hbm>> -> memref<1x8x1x8x128xf32, #tpu.memory_space<hbm>>
    %dma_wait3A_13 = tpu.memref_squeeze %dma_wait3A_12 : memref<1x8x1x8x128xf32, #tpu.memory_space<hbm>> -> memref<8x8x128xf32, #tpu.memory_space<hbm>>
    %dma_wait3A_14 = arith.constant 0 : i32
    %dma_wait3A_15 = arith.constant 0 : i32
    %dma_wait3A_16 = arith.constant 0 : i32
    %dma_wait3A_17 = tpu.memref_slice %arg4[%dma_wait3A, %dma_wait3A_14, %dma_wait3A_8, %dma_wait3A_15, %dma_wait3A_16] : memref<200x8x32x8x128xf32, #tpu.memory_space<hbm>> -> memref<1x8x1x8x128xf32, #tpu.memory_space<hbm>>
    %dma_wait3A_18 = tpu.memref_squeeze %dma_wait3A_17 : memref<1x8x1x8x128xf32, #tpu.memory_space<hbm>> -> memref<8x8x128xf32, #tpu.memory_space<hbm>>
    tpu.wait_dma2 semaphore(%arg9 : memref<!tpu.dma_semaphore, #tpu.memory_space<semaphore_mem>>) src(%arg7 : memref<8x8x128xf32, #tpu.memory_space<vmem>>) dst(%dma_wait3A_18 : memref<8x8x128xf32, #tpu.memory_space<hbm>>)
    %dma_wait3A_19 = arith.constant 0 : i32
    %dma_wait3A_20 = arith.constant 0 : i32
    %dma_wait3A_21 = arith.constant 0 : i32
    %dma_wait3A_22 = arith.constant 0 : i32
    %dma_wait3A_23 = arith.constant 0 : i32
    %dma_wait3A_24 = tpu.memref_slice %arg4[%dma_wait3A_19, %dma_wait3A_21, %dma_wait3A_20, %dma_wait3A_22, %dma_wait3A_23] : memref<200x8x32x8x128xf32, #tpu.memory_space<hbm>> -> memref<1x8x1x8x128xf32, #tpu.memory_space<hbm>>
    %dma_wait3A_25 = tpu.memref_squeeze %dma_wait3A_24 : memref<1x8x1x8x128xf32, #tpu.memory_space<hbm>> -> memref<8x8x128xf32, #tpu.memory_space<hbm>>
    %dma_wait3A_26 = arith.constant 0 : i32
    %dma_wait3A_27 = arith.constant 0 : i32
    %dma_wait3A_28 = arith.constant 0 : i32
    %dma_wait3A_29 = tpu.memref_slice %arg4[%dma_wait3A_19, %dma_wait3A_26, %dma_wait3A_20, %dma_wait3A_27, %dma_wait3A_28] : memref<200x8x32x8x128xf32, #tpu.memory_space<hbm>> -> memref<1x8x1x8x128xf32, #tpu.memory_space<hbm>>
    %dma_wait3A_30 = tpu.memref_squeeze %dma_wait3A_29 : memref<1x8x1x8x128xf32, #tpu.memory_space<hbm>> -> memref<8x8x128xf32, #tpu.memory_space<hbm>>
    tpu.wait_dma2 semaphore(%arg10 : memref<!tpu.dma_semaphore, #tpu.memory_space<semaphore_mem>>) src(%arg8 : memref<8x8x128xf32, #tpu.memory_space<vmem>>) dst(%dma_wait3A_30 : memref<8x8x128xf32, #tpu.memory_space<hbm>>)
    return
  }
}

module attributes {stable_mosaic.version = 14 : i64} {
  func.func @_table_body(%arg0: memref<256x64xf32, #tpu.memory_space<vmem>>, %arg1: memref<64x256xf32, #tpu.memory_space<vmem>>, %arg2: memref<64x1xf32, #tpu.memory_space<vmem>>, %arg3: memref<64x64xf32, #tpu.memory_space<vmem>>) attributes {dimension_semantics = [], scalar_prefetch = 0 : i64, scratch_operands = 0 : i64, tpu.core_type = #tpu.core_type<tc>} {
    %get3A = arith.constant 0 : index
    %get3A_0 = arith.constant 0 : index
    %get3A_1 = vector.load %arg0[%get3A, %get3A_0] : memref<256x64xf32, #tpu.memory_space<vmem>>, vector<256x64xf32>
    %get3A_2 = arith.constant 0 : index
    %get3A_3 = arith.constant 0 : index
    %get3A_4 = vector.load %arg1[%get3A_2, %get3A_3] : memref<64x256xf32, #tpu.memory_space<vmem>>, vector<64x256xf32>
    %dot_general3A = arith.constant dense<0.000000e+00> : vector<64x64xf32>
    %dot_general3A_5 = tpu.matmul %get3A_1, %get3A_4, %dot_general3A {dimension_numbers = #tpu.dot_dimension_numbers<[0], [1], [1], [0], [0, 1, 1, 0], [], []>, transpose_lhs_hint = false} : vector<256x64xf32>, vector<64x256xf32>, vector<64x64xf32> -> vector<64x64xf32>
    %get3A_6 = arith.constant 0 : index
    %get3A_7 = arith.constant 0 : index
    %get3A_8 = vector.load %arg2[%get3A_6, %get3A_7] : memref<64x1xf32, #tpu.memory_space<vmem>>, vector<64x1xf32>
    %add3A = vector.broadcast %get3A_8 : vector<64x1xf32> to vector<64x64xf32>
    %add3A_9 = arith.addf %dot_general3A_5, %add3A : vector<64x64xf32>
    %swap3A = arith.constant 0 : index
    %swap3A_10 = arith.constant 0 : index
    %swap3A_11 = vector.load %arg3[%swap3A, %swap3A_10] : memref<64x64xf32, #tpu.memory_space<vmem>>, vector<64x64xf32>
    tpu.vector_store %arg3[%swap3A, %swap3A_10], %add3A_9 {strides = array<i32>} : memref<64x64xf32, #tpu.memory_space<vmem>>, vector<64x64xf32>,
    return
  }
}

</mosaic_0001>

<sc_bundles>
// kernel: kernel.4.cloned.1.call-start
scs
__scs_entry_jumppad:
0x0: {  	(pc) =	sbr.rel $0x88, $3  }
0x1: {  	(tag) =	ssettag $0x0;
	lr =	simm.s32 $0x1  }
0x2: {  	[smem:$0x3F9D] =	sst lr;
	_ =	strace $0xD0000000  }
0x3: {  	_ = 	snop  }
0x4: {  	_ = 	snop  }
0x5: {  	_ = 	snop  }
0x6: {  	_ = 	snop  }
0x7: {  	_ = 	snop  }
__scs_overlays_trampoline_lowered:
0x8: {  	[smem:$0x3FAC] =	sst s0  }
0x9: {  	[smem:$0x3FAD] =	sst s1  }
0xa: {  	[smem:$0x3FAE] =	sst s2  }
0xb: {  	[smem:$0x3FAF] =	sst s3  }
0xc: {  	[smem:$0x3FB0] =	sst s4  }
0xd: {  	[smem:$0x3FB1] =	sst s5  }
0xe: {  	[smem:$0x3FB2] =	sst s6  }
0xf: {  	[smem:$0x3FB3] =	sst s7  }
0x10: {  	[smem:$0x3FB4] =	sst s8  }
0x11: {  	[smem:$0x3FB5] =	sst s9;
	s0 =	simm.s32 @!p0 $0x0  }
0x12: {  	s1 =	sld [smem:$0x3F9B];
	s0 =	simm.s32 @p0 $0x1  }
0x13: {  	[smem:$0x3FB6] =	sst s0;
	s0 =	simm.s32 @!p1 $0x0  }
0x14: {  	s2 =	sld [smem:$0x3F9A];
	s0 =	simm.s32 @p1 $0x1  }
0x15: {  	[smem:$0x3FB7] =	sst s0;
	s0 =	simm.s32 @!p2 $0x0  }
0x16: {  	s3 =	sld [smem:$0x3FDB];
	s0 =	simm.s32 @p2 $0x1  }
0x17: {  	s4 =	simm.s32 $0x1BF5;
	[smem:$0x3FB9] =	sst s0  }
0x18: {  	s0 =	sld [smem:$0x3F9C];
	_ =	swait.ge [sflag:s4], $0x0  }
0x19: {  	s7 =	sld [smem:$0x3F9D]  }
0x1a: {  	s8 =	sadd.s32 $0xFFFFE003, lr  }
0x1b: {  	s9 =	sadd.s32 $0xFFFFFEF7, lr;
	s5 =	simm.s32 $0xFFFFFFFF;
	p2 =	slt.u32 s8, $0xFFFFF086  }
0x1c: {  	p1 =	slt.u32 s9, $0xF7A;
	s5 =	simm.s32 @!p2 $0x0  }
0x1d: {  	s5 =	simm.s32 @p1 $0x1;
	p0 =	seq.s32 s7, s2  }
0x1e: {  	s7 =	smul.u32 @!p0 $0xF7A, s2;
	p2 =	seq.s32 @!p0 s5, $0x0  }
0x1f: {  	s9 =	smul.u32 $0xF7A, s1;
	s8 =	simm.s32 @!p0 $0x1BF5;
	p2 =	por !p2, p0  }
0x20: {  	[sflag:s8] =	ssyncset.s32 @!p0 $0xFFFFF086;
	s6 =	sadd.s32 @!p0 s3, s7;
	s7 =	simm.s32 @!p0 $0x108  }
0x21: {  	s3 =	sadd.s32 s3, s9;
	s6 =	sadd.s32 @!p0 $0x88, s6;
	s7 =	simm.s32 @p2 $0x1082  }
0x22: {  	[simem:s7], [sflag:s8] =	dma.local @!p0 [hbm:s6], $0xF7A  }
0x23: {  	s9 =	sor.u32 $0xD0000000, s2;
	s6 =	simm.s32 $0x108;
	_ =	swait.ge @!p0 [sflag:s8], $0x0  }
0x24: {  	s3 =	sadd.s32 $0x88, s3;
	s6 =	simm.s32 @!p1 $0x1082;
	[sflag:s4] =	ssyncset.s32 $0xFFFFF086  }
0x25: {  	[simem:s6], [sflag:s4] =	dma.local [hbm:s3], $0xF7A  }
0x26: {  	[smem:$0x3F9D] =	sst s1;
	(tag) =	ssettag s2;
	_ =	strace s9  }
0x27: {  	s1 =	sld [smem:$0x3FAD]  }
0x28: {  	s2 =	sld [smem:$0x3FAE]  }
0x29: {  	s4 =	sld [smem:$0x3FB0]  }
0x2a: {  	p0 =	seq.s32 s5, $0x0;
	s5 =	sld [smem:$0x3FB1]  }
0x2b: {  	s6 =	sld [smem:$0x3FB2]  }
0x2c: {  	s7 =	sld [smem:$0x3FB3]  }
0x2d: {  	s3 =	simm.s32 $0x108;
	s8 =	sld [smem:$0x3FB4]  }
0x2e: {  	s3 =	simm.s32 @!p0 $0x1082;
	s9 =	sld [smem:$0x3FB5]  }
0x2f: {  	lr =	sadd.s32 s0, s3;
	s0 =	sld [smem:$0x3FAC]  }
0x30: {  	s3 =	sld [smem:$0x3FAF]  }
0x31: {  	[smem:$0x3FB8] =	sst s10  }
0x32: {  	s10 =	sld [smem:$0x3FB6];
	_ =	sdelay $0x3  }
0x33: {  	p0 =	seq.s32 s10, $0x1;
	s10 =	sld [smem:$0x3FB8];
	_ =	sdelay $0x3  }
0x34: {  	[smem:$0x3FB8] =	sst s10  }
0x35: {  	s10 =	sld [smem:$0x3FB7];
	_ =	sdelay $0x3  }
0x36: {  	p1 =	seq.s32 s10, $0x1;
	s10 =	sld [smem:$0x3FB8];
	_ =	sdelay $0x3  }
0x37: {  	[smem:$0x3FB8] =	sst s10  }
0x38: {  	s10 =	sld [smem:$0x3FB9]  }
0x39: {  	_ = 	snop;
	(pc) =	sbr.ind lr, $3  }
0x3a: {  	_ = 	snop  }
0x3b: {  	_ = 	snop  }
0x3c: {  	p2 =	seq.s32 s10, $0x1;
	s10 =	sld [smem:$0x3FB8]  }
0x3d: {  	_ =	shalt  }
0x3e: {  	_ =	shalt  }
0x3f: {  	_ =	shalt  }
0x40: {  	_ =	shalt  }
0x41: {  	_ =	shalt  }
0x42: {  	_ =	shalt  }
0x43: {  	_ =	shalt  }
0x44: {  	_ =	shalt  }
0x45: {  	_ =	shalt  }
0x46: {  	_ =	shalt  }
0x47: {  	_ =	shalt  }
0x48: {  	_ =	shalt  }
0x49: {  	_ =	shalt  }
0x4a: {  	_ =	shalt  }
0x4b: {  	_ =	shalt  }
0x4c: {  	_ =	shalt  }
0x4d: {  	_ =	shalt  }
0x4e: {  	_ =	shalt  }
0x4f: {  	_ =	shalt  }
0x50: {  	_ =	shalt  }
0x51: {  	_ =	shalt  }
0x52: {  	_ =	shalt  }
0x53: {  	_ =	shalt  }
0x54: {  	_ =	shalt  }
0x55: {  	_ =	shalt  }
0x56: {  	_ =	shalt  }
0x57: {  	_ =	shalt  }
0x58: {  	_ =	shalt  }
0x59: {  	_ =	shalt  }
0x5a: {  	_ =	shalt  }
0x5b: {  	_ =	shalt  }
0x5c: {  	_ =	shalt  }
0x5d: {  	_ =	shalt  }
0x5e: {  	_ =	shalt  }
0x5f: {  	_ =	shalt  }
0x60: {  	_ =	shalt  }
0x61: {  	_ =	shalt  }
0x62: {  	_ =	shalt  }
0x63: {  	_ =	shalt  }
0x64: {  	_ =	shalt  }
0x65: {  	_ =	shalt  }
0x66: {  	_ =	shalt  }
0x67: {  	_ =	shalt  }
0x68: {  	_ =	shalt  }
0x69: {  	_ =	shalt  }
0x6a: {  	_ =	shalt  }
0x6b: {  	_ =	shalt  }
0x6c: {  	_ =	shalt  }
0x6d: {  	_ =	shalt  }
0x6e: {  	_ =	shalt  }
0x6f: {  	_ =	shalt  }
0x70: {  	_ =	shalt  }
0x71: {  	_ =	shalt  }
0x72: {  	_ =	shalt  }
0x73: {  	_ =	shalt  }
0x74: {  	_ =	shalt  }
0x75: {  	_ =	shalt  }
0x76: {  	_ =	shalt  }
0x77: {  	_ =	shalt  }
0x78: {  	_ =	shalt  }
0x79: {  	_ =	shalt  }
0x7a: {  	_ =	shalt  }
0x7b: {  	_ =	shalt  }
0x7c: {  	_ =	shalt  }
0x7d: {  	_ =	shalt  }
0x7e: {  	_ =	shalt  }
0x7f: {  	_ =	shalt  }
0x80: {  	_ =	shalt  }
0x81: {  	_ =	shalt  }
0x82: {  	_ =	shalt  }
0x83: {  	_ =	shalt  }
0x84: {  	_ =	shalt  }
0x85: {  	_ =	shalt  }
0x86: {  	_ =	shalt  }
0x87: {  	_ =	shalt  }
.Lfunc_end0:
.L_simem_size_0:
called_computation_lowered:
.L_overlay_start_0:
0x88: {  	s2 =	sld [smem:$0x3FD9]  }
0x89: {  	s3 =	sld [smem:$0x3FFE];
	_ =	sdelay $0x1  }
0x8a: {  	s1 =	srdreg.scid  }
0x8b: {  	s0 =	sand.u32 $0x1, s1  }
0x8c: {  	s17 =	sshll.u32 s0, $0xA;
	s2 =	sadd.s32 s3, s2  }
0x8d: {  	s2 =	sadd.s32 s2, s17  }
0x8e: {  	[smem:$0x3FC4] =	sst s2  }
0x8f: {  	_ = 	snop  }
0x90: {  	s2 =	sld [smem:$0x3FD0];
	(tm) =	ssettm $0x1  }
0x91: {  	s18 =	sld [smem:$0x3FFB];
	_ =	sdelay $0x3  }
0x92: {  	_ =	strace s18  }
0x93: {  	s3 =	sld [smem:$0x3FFC];
	_ =	sdelay $0x3  }
0x94: {  	_ =	strace s3  }
0x95: {  	s3 =	sld [smem:$0x3FFD];
	_ =	sdelay $0x3  }
0x96: {  	_ =	strace s3  }
0x97: {  	_ =	strace $0x8FFFFFFF  }
0x98: {  	s19 =	sld [smem:$0x3FDB];
	_ =	sdelay $0x1  }
0x99: {  	s4 =	simm.s32 $_scs_section_size  }
0x9a: {  	s5 =	simm.s32 $_size__tile_overlayer_lowered;
	s6 =	simm.s32 $_tile_overlayer_lowered  }
0x9b: {  	s22 =	simm.s32 $0x1BFF;
	s21 =	sshll.u32 s6, $0x1;
	s3 =	sadd.s32 s4, s19  }
0x9c: {  	s7 =	simm.s32 $0x0;
	s20 =	sshll.u32 s5, $0x1;
	s5 =	sadd.s32 s21, s3  }
0x9d: {  	[timem:s7], [sflag:s22] =	dma.local [hbm:s5], s20  }
0x9e: {  	_ =	swait.ge [sflag:s22], s20  }
0x9f: {  	s4 =	ssub.s32 $0x0, s20;
	[sflag:s22] =	ssyncset.done $0x0  }
0xa0: {  	[sflag:s22] =	ssyncadd.s32 s4;
	_ =	sdelay $0x1  }
0xa1: {  	s23 =	simm.s32 $0x1B8B  }
0xa2: {  	_ =	swait.ge [sflag:s23], $0x1  }
0xa3: {  	[sflag:s23] =	ssyncset.done $0x0  }
0xa4: {  	s25 =	simm.s32 $0x1B8E;
	s24 =	sld [smem:$0x3FFE];
	[sflag:s23] =	ssyncadd.s32 $0xFFFFFFFF  }
0xa5: {  	s26 =	simm.s32 $execute0_lowered;
	[smem:$0x3FD2] =	sst s25  }
0xa6: {  	s5 =	sshll.u32 s26, $0x1;
	_ =	strace $0x80000046;
	[dreg:$0x1] =	wrdreg $0xFFFFFFFF  }
0xa7: {  	s28 =	simm.s32 $_size_execute0_lowered;
	s3 =	sadd.s32 s3, s5;
	[dreg:$0x0] =	wrdreg $0x0  }
0xa8: {  	s5 =	sshll.u32 s28, $0x1;
	[dreg:$0x2] =	wrdreg s3  }
0xa9: {  	[dreg:$0x3] =	wrdreg s5  }
0xaa: {  	[dreg:$0x4] =	wrdreg $0xC0  }
0xab: {  	_ =	task [dreg:s7], $0x5FFFF  }
0xac: {  	[dreg:$0x1] =	wrdreg $0xFFFFFFFF  }
0xad: {  	[dreg:$0x0] =	wrdreg $0x60  }
0xae: {  	[dreg:$0x2] =	wrdreg s24  }
0xaf: {  	[dreg:$0x3] =	wrdreg s2  }
0xb0: {  	[dreg:$0x4] =	wrdreg $0x9  }
0xb1: {  	_ =	task.clear_ibuf [dreg:s7], $0x5FFFF;
	_ =	strace $0x90000046  }
0xb2: {  	s29 =	simm.s32 $0x9;
	_ =	strace $0x80000048  }
0xb3: {  	_ =	swait.ge [sflag:s29], $0x1  }
0xb4: {  	[sflag:s29] =	ssyncadd.s32 $0xFFFFFFFF  }
0xb5: {  	_ =	strace $0x90000048  }
0xb6: {  	_ =	sfence  }
0xb7: {  	s30 =	sld [smem:$0x0];
	_ =	sdelay $0x2  }
0xb8: {  	s31 =	sshll.u32 s1, $0xD;
	s1 =	sshrl.u32 s1, $0x2  }
0xb9: {  	s3 =	sand.u32 $0x4000, s31;
	s1 =	sadd.s32 s1, s30  }
0xba: {  	s0 =	sor.u32 s3, s0;
	s1 =	sshll.u32 s1, $0x11  }
0xbb: {  	s0 =	sor.u32 s1, s0  }
0xbc: {  	s0 =	sadd.s32 $0x8F2B, s0  }
0xbd: {  	[sflag:s0] =	ssyncadd.remote.s32 $0x1  }
0xbe: {  	_ =	sfence.sel $0xFFFF  }
0xbf: {  	[dreg:$0x0] =	wrdreg $0xFFFFFFFF;
	(pc) =	sbr.abs _section_cstart, $3  }
0xc0: {  	[dreg:$0x1] =	wrdreg $0xFFFFFFFF  }
0xc1: {  	_ =	task.clear_ibuf [dreg:s7], $0x2FFFF;
	_ =	strace $0x9FFFFFFF  }
0xc2: {  	(tm) =	ssettm $0x7FFFFFFF  }
0xc3: {  	_ =	shalt  }
tec
execute0_lowered:
.L_overlay_start_1:
0x0: {  	(tag) =	ssettag $0x1  }
0x1: {  	s0 =	rddreg [dreg:$0x0]  }
0x2: {  	s2 =	rddreg [dreg:$0x1];
	s1 =	srdreg.scid  }
0x3: {  	s4 =	stileid.u32;
	s3 =	simm.s32 $0x0;
	s8 =	simm.s32 $0x3  }
0x4: {  	s12 =	simm.s32 $0x400;
	s13 =	simm.s32 $0x8000;
	s14 =	simm.s32 $0x16400  }
0x5: {  	s15 =	simm.s32 $0x18400;
	s16 =	simm.s32 $0x1;
	s17 =	simm.s32 $0x2  }
0x6: {  	s18 =	simm.s32 $0x0;
	s19 =	simm.s32 $0x0;
	s1 =	sand.u32 $0x1, s1  }
.Ltmp0:
0x7: {  	s4 =	sshll.u32 s4, $0x1;
	[smem:$0x7FF] =	sst s3;
	(pc) =	sbr.rel .LBB2_1-.Ltmp0, $4  }
0x8: {  	s6 =	sadd.s32 $0x600, s0;
	s4 =	sor.u32 s1, s4;
	s1 =	ssub.s32 $0x2, s1  }
0x9: {  	_ =	strace $0x80000047;
	s5 =	sshll.u32 s4, $0x4;
	s31 =	sshrl.u32 s1, $0x1  }
0xa: {  	[dreg:$0x3] =	wrdreg s6;
	s0 =	sadd.s32 s5, s0;
	s1 =	ssub.s32 s1, s31  }
0xb: {  	v9 =	vlaneseq.u32;
	s6 =	sshll.u32 s4, $0xA;
	s5 =	sadd.s32 $0x2600, s0;
	s7 =	smax.u32 s1, $0x1  }
.LBB2_25:
0xc: {  	s18 =	sadd.s32 $0x1, s18  }
0xd: {  	_ =	swait.ge [sflag:s16], $0x2000;
	p0 =	sne.s32 s18, s7  }
.Ltmp1:
0xe: {  	[sflag:s16] =	ssyncset.done $0x0;
	(pc) =	sbr.rel @!p0 .LBB2_26-.Ltmp1, $4  }
0xf: {  	[sflag:s16] =	ssyncadd.s32 $0xFFFFE000  }
0x10: {  	_ =	swait.ge [sflag:s17], $0x2000  }
0x11: {  	[sflag:s17] =	ssyncset.done $0x0  }
0x12: {  	v9 =	vlaneseq.u32;
	[sflag:s17] =	ssyncadd.s32 $0xFFFFE000  }
.LBB2_1:
0x13: {  	s0 =	rddreg [dreg:$0x3]  }
0x14: {  	[tilespmem:s3], [sflag:$0x3] =	stream.linear.gather [hbm4b:s0+s3], $0x10000, $0x38;
	[tilespmem:$0x1A400] =	vst v63  }
0x15: {  	_ =	swait.ge [sflag:s8], $0x10000  }
0x16: {  	s31 =	simm.s32 $0x80;
	[sflag:s8] =	ssyncset.done $0x0  }
0x17: {  	s1 =	simm.s32 $0x1000;
	s4 =	simm.s32 $0x10000;
	[sflag:s8] =	ssyncadd.s32 $0xFFFF0000  }
0x18: {  	[tilespmem:s4], [sflag:$0x3] =	stream.strided.gather [hbm4b:s5+s31], $0x6400, s1, s31, $0x38;
	[tilespmem:$0x1A400] =	vst v63  }
0x19: {  	_ =	swait.ge [sflag:s8], $0x6400  }
0x1a: {  	[sflag:s8] =	ssyncset.done $0x0  }
0x1b: {  	s1 =	simm.s32 $0x0;
	[sflag:s8] =	ssyncadd.s32 $0xFFFF9C00  }
0x1c: {  	v0 =	vld [tilespmem:s1+$0x10070]  }
0x1d: {  	v2 =	vld [tilespmem:s1+$0x10000]  }
0x1e: {  	v6 =	vld [tilespmem:s1+$0x10010]  }
0x1f: {  	v4 =	vld [tilespmem:s1+$0x10020]  }
0x20: {  	v3 =	vld [tilespmem:s1+$0x10030]  }
0x21: {  	v1 =	vld [tilespmem:s1+$0x10040];
	v5 =	vshll.u32 v0, $0x4  }
0x22: {  	v0 =	vld [tilespmem:s1+$0x10050];
	v7 =	vshll.u32 v2, $0x4;
	v8 =	vor.u32 v9, v5  }
0x23: {  	s0 =	simm.s32 $0x80;
	s4 =	simm.s32 $0x400;
	v2 =	vld [tilespmem:s1+$0x10060];
	v6 =	vshll.u32 v6, $0x4;
	v5 =	vor.u32 v9, v7;
	[tilespmem:s1+$0x10070] =	vst v8  }
.LBB2_2:
0x24: {  	p0 =	sne.s32 s4, $0x18E00;
	v7 =	vld [tilespmem:s0+$0x10070];
	[tilespmem:s1+$0x10000] =	vst v5;
	v5 =	vor.u32 v9, v6;
	v4 =	vshll.u32 v4, $0x4  }
0x25: {  	v6 =	vld [tilespmem:s0+$0x10000];
	[tilespmem:s1+$0x10010] =	vst v5;
	v4 =	vor.u32 v9, v4;
	v3 =	vshll.u32 v3, $0x4  }
0x26: {  	v8 =	vld [tilespmem:s0+$0x10010];
	[tilespmem:s1+$0x10020] =	vst v4;
	v3 =	vor.u32 v9, v3;
	v1 =	vshll.u32 v1, $0x4  }
.Ltmp2:
0x27: {  	v4 =	vld [tilespmem:s0+$0x10020];
	[tilespmem:s1+$0x10030] =	vst v3;
	v1 =	vor.u32 v9, v1;
	v0 =	vshll.u32 v0, $0x4;
	(pc) =	sbr.rel @p0 .LBB2_2-.Ltmp2, $4  }
0x28: {  	v3 =	vld [tilespmem:s0+$0x10030];
	[tilespmem:s1+$0x10040] =	vst v1;
	v0 =	vor.u32 v9, v0;
	v2 =	vshll.u32 v2, $0x4  }
0x29: {  	v1 =	vld [tilespmem:s0+$0x10040];
	v5 =	vshll.u32 v7, $0x4;
	[tilespmem:s1+$0x10050] =	vst v0;
	v2 =	vor.u32 v9, v2  }
0x2a: {  	v6 =	vshll.u32 v6, $0x4;
	v0 =	vld [tilespmem:s0+$0x10050];
	v7 =	vor.u32 v9, v5;
	[tilespmem:s1+$0x10060] =	vst v2;
	s1 =	smov.u32 s0  }
0x2b: {  	s0 =	sshra.s32 s4, $0x2;
	s4 =	sadd.s32 $0x200, s4;
	v5 =	vor.u32 v9, v6;
	v6 =	vshll.u32 v8, $0x4;
	v2 =	vld [tilespmem:s1+$0x10060];
	[tilespmem:s1+$0x10070] =	vst v7  }
0x2c: {  	v7 =	vld [tilespmem:s0+$0x10070];
	[tilespmem:s1+$0x10000] =	vst v5;
	v54 =	vor.u32 v9, v6;
	v4 =	vshll.u32 v4, $0x4  }
0x2d: {  	v55 =	vld [tilespmem:s0+$0x10000];
	[tilespmem:s1+$0x10010] =	vst v54;
	v4 =	vor.u32 v9, v4;
	v3 =	vshll.u32 v3, $0x4  }
0x2e: {  	v56 =	vld [tilespmem:s0+$0x10010];
	[tilespmem:s1+$0x10020] =	vst v4;
	v3 =	vor.u32 v9, v3;
	v1 =	vshll.u32 v1, $0x4  }
0x2f: {  	v57 =	vld [tilespmem:s0+$0x10020];
	[tilespmem:s1+$0x10030] =	vst v3;
	v1 =	vor.u32 v9, v1;
	v0 =	vshll.u32 v0, $0x4  }
0x30: {  	v58 =	vld [tilespmem:s0+$0x10030];
	[tilespmem:s1+$0x10040] =	vst v1;
	v0 =	vor.u32 v9, v0;
	v59 =	vshll.u32 v2, $0x4  }
0x31: {  	v60 =	vld [tilespmem:s0+$0x10040];
	v7 =	vshll.u32 v7, $0x4;
	[tilespmem:s1+$0x10050] =	vst v0;
	v61 =	vor.u32 v9, v59  }
0x32: {  	v62 =	vld [tilespmem:s0+$0x10050];
	v6 =	vshll.u32 v55, $0x4;
	v7 =	vor.u32 v9, v7;
	[tilespmem:s1+$0x10060] =	vst v61  }
0x33: {  	v63 =	vld [tilespmem:s0+$0x10060];
	v5 =	vshll.u32 v56, $0x4;
	v6 =	vor.u32 v9, v6;
	[tilespmem:s0+$0x10070] =	vst v7  }
0x34: {  	v4 =	vshll.u32 v57, $0x4;
	v5 =	vor.u32 v9, v5;
	[tilespmem:s0+$0x10000] =	vst v6  }
0x35: {  	v3 =	vshll.u32 v58, $0x4;
	v4 =	vor.u32 v9, v4;
	[tilespmem:s0+$0x10010] =	vst v5  }
0x36: {  	v2 =	vshll.u32 v60, $0x4;
	v3 =	vor.u32 v9, v3;
	[tilespmem:s0+$0x10020] =	vst v4  }
0x37: {  	v1 =	vshll.u32 v62, $0x4;
	v2 =	vor.u32 v9, v2;
	[tilespmem:s0+$0x10030] =	vst v3  }
0x38: {  	v0 =	vshll.u32 v63, $0x4;
	v1 =	vor.u32 v9, v1;
	[tilespmem:s0+$0x10040] =	vst v2  }
0x39: {  	v0 =	vor.u32 v9, v0;
	[tilespmem:s0+$0x10050] =	vst v1  }
0x3a: {  	s20 =	simm.s32 $0x0;
	[tilespmem:s0+$0x10060] =	vst v0  }
.LBB2_4:
0x3b: {  	p0 =	seq.s32 s20, $0x0  }
0x3c: {  	s0 =	simm.s32 @!p0 $0x1  }
0x3d: {  	_ =	swait.ge @!p0 [sflag:s0], $0x2000  }
0x3e: {  	s1 =	sshll.u32 s20, $0x8;
	[sflag:s0] =	ssyncset.done @!p0 $0x0  }
0x3f: {  	s31 =	sand.u32 $0x3FFFFF00, s1;
	[sflag:s0] =	ssyncadd.s32 @!p0 $0xFFFFE000  }
0x40: {  	v8 =	vld [tilespmem:s31+$0x10000]  }
0x41: {  	v61 =	vld [tilespmem:s31+$0x10070]  }
0x42: {  	v10 =	vld [tilespmem:s31+$0x10060]  }
0x43: {  	v30 =	vld [tilespmem:s31+$0x10050]  }
0x44: {  	v55 =	vld [tilespmem:s31+$0x10040]  }
0x45: {  	v52 =	vld [tilespmem:s31+$0x10030];
	[tilespmem:$0x1FC80] =	vst v8  }
0x46: {  	v44 =	vld [tilespmem:s31+$0x10020];
	[tilespmem:$0x1FF70] =	vst v61  }
0x47: {  	v42 =	vld [tilespmem:s31+$0x10010];
	[tilespmem:$0x1FF80] =	vst v10  }
0x48: {  	[tilespmem:$0x1FF90] =	vst v30  }
0x49: {  	[tilespmem:$0x1FFA0] =	vst v55  }
0x4a: {  	[tilespmem:$0x1FFB0] =	vst v52  }
0x4b: {  	v7 =	vand.u32 $0x7F, v61;
	[tilespmem:$0x1FFC0] =	vst v44  }
0x4c: {  	v1 =	vand.u32 $0x7F, v42;
	[tilespmem:$0x1FFD0] =	vst v42;
	v19 =	vor.u32 $0xC00, v7  }
0x4d: {  	v20 =	vor.u32 $0x1400, v1;
	[tilespmem:$0x1FC00] =	vst v19  }
0x4e: {  	v6 =	vand.u32 $0x7F, v10;
	v37 =	vor.u32 $0x1C00, v7;
	[tilespmem:$0x1FC20] =	vst v20  }
0x4f: {  	v5 =	vand.u32 $0x7F, v30;
	v45 =	vor.u32 $0x1C00, v6;
	[tilespmem:$0x1FC90] =	vst v37  }
0x50: {  	v4 =	vand.u32 $0x7F, v55;
	v50 =	vor.u32 $0x1C00, v5;
	[tilespmem:$0x1FCA0] =	vst v45  }
0x51: {  	v3 =	vand.u32 $0x7F, v52;
	v59 =	vor.u32 $0x1C00, v4;
	[tilespmem:$0x1FCB0] =	vst v50  }
0x52: {  	v23 =	vor.u32 $0x1C00, v3;
	[tilespmem:$0x1FCC0] =	vst v59  }
0x53: {  	v0 =	vand.u32 $0x7F, v8;
	v32 =	vor.u32 $0x1C00, v1;
	[tilespmem:$0x1FCD0] =	vst v23  }
0x54: {  	v40 =	vor.u32 $0x1C00, v0;
	[tilespmem:$0x1FCF0] =	vst v32  }
0x55: {  	v38 =	vor.u32 $0x1800, v7;
	[tilespmem:$0x1FD00] =	vst v40  }
0x56: {  	v58 =	vor.u32 $0x1800, v6;
	[tilespmem:$0x1FD10] =	vst v38  }
0x57: {  	v29 =	vor.u32 $0x1800, v5;
	[tilespmem:$0x1FD20] =	vst v58  }
0x58: {  	v31 =	vor.u32 $0x1800, v4;
	[tilespmem:$0x1FD30] =	vst v29  }
0x59: {  	v36 =	vor.u32 $0x1800, v1;
	[tilespmem:$0x1FD40] =	vst v31  }
0x5a: {  	v46 =	vor.u32 $0x1800, v0;
	[tilespmem:$0x1FD50] =	vst v36  }
0x5b: {  	v39 =	vor.u32 $0x1400, v7;
	[tilespmem:$0x1FD60] =	vst v46  }
0x5c: {  	v53 =	vor.u32 $0x1400, v5;
	[tilespmem:$0x1FD70] =	vst v39  }
0x5d: {  	v41 =	vor.u32 $0x1400, v3;
	[tilespmem:$0x1FD80] =	vst v53  }
0x5e: {  	v33 =	vor.u32 $0x1400, v0;
	[tilespmem:$0x1FD90] =	vst v41  }
0x5f: {  	v63 =	vor.u32 $0x1000, v7;
	[tilespmem:$0x1FDA0] =	vst v33  }
0x60: {  	v49 =	vor.u32 $0x1000, v6;
	[tilespmem:$0x1FDB0] =	vst v63  }
0x61: {  	v2 =	vand.u32 $0x7F, v44;
	v57 =	vor.u32 $0x1000, v5;
	[tilespmem:$0x1FDC0] =	vst v49  }
0x62: {  	v54 =	vor.u32 $0x1000, v2;
	[tilespmem:$0x1FDD0] =	vst v57  }
0x63: {  	v47 =	vor.u32 $0x1000, v1;
	[tilespmem:$0x1FDF0] =	vst v54  }
0x64: {  	v22 =	vor.u32 $0x1000, v0;
	[tilespmem:$0x1FE00] =	vst v47  }
0x65: {  	v43 =	vor.u32 $0xC00, v6;
	[tilespmem:$0x1FE10] =	vst v22  }
0x66: {  	v51 =	vor.u32 $0xC00, v3;
	[tilespmem:$0x1FE20] =	vst v43  }
0x67: {  	v62 =	vor.u32 $0xC00, v2;
	[tilespmem:$0x1FE30] =	vst v51  }
0x68: {  	v18 =	vor.u32 $0xC00, v1;
	[tilespmem:$0x1FE40] =	vst v62  }
0x69: {  	v35 =	vor.u32 $0xC00, v0;
	[tilespmem:$0x1FE50] =	vst v18  }
0x6a: {  	v16 =	vor.u32 $0x800, v7;
	[tilespmem:$0x1FE60] =	vst v35  }
0x6b: {  	v17 =	vor.u32 $0x800, v6;
	[tilespmem:$0x1FE70] =	vst v16  }
0x6c: {  	v28 =	vor.u32 $0x800, v5;
	[tilespmem:$0x1FE80] =	vst v17  }
0x6d: {  	v21 =	vor.u32 $0xC00, v4;
	[tilespmem:$0x1FE90] =	vst v28  }
0x6e: {  	v15 =	vor.u32 $0x800, v4;
	[tilespmem:$0x1FEA0] =	vst v21  }
0x6f: {  	v13 =	vor.u32 $0x800, v2;
	[tilespmem:$0x1FEB0] =	vst v15  }
0x70: {  	v26 =	vor.u32 $0x800, v1;
	[tilespmem:$0x1FEC0] =	vst v13  }
0x71: {  	v14 =	vor.u32 $0x800, v0;
	[tilespmem:$0x1FED0] =	vst v26  }
0x72: {  	v12 =	vor.u32 $0x400, v7;
	[tilespmem:$0x1FEE0] =	vst v14  }
0x73: {  	v48 =	vor.u32 $0x400, v6;
	[tilespmem:$0x1FEF0] =	vst v12  }
0x74: {  	v60 =	vor.u32 $0x400, v5;
	[tilespmem:$0x1FF00] =	vst v48  }
0x75: {  	v25 =	vor.u32 $0x400, v4;
	[tilespmem:$0x1FF10] =	vst v60  }
0x76: {  	v24 =	vor.u32 $0x400, v3;
	[tilespmem:$0x1FF20] =	vst v25  }
0x77: {  	v11 =	vor.u32 $0x400, v2;
	[tilespmem:$0x1FF30] =	vst v24  }
0x78: {  	v9 =	vor.u32 $0x400, v1;
	[tilespmem:$0x1FF40] =	vst v11  }
0x79: {  	v56 =	vor.u32 $0x400, v0;
	[tilespmem:$0x1FF50] =	vst v9  }
0x7a: {  	v34 =	vor.u32 $0xC00, v5;
	[tilespmem:$0x1FF60] =	vst v56  }
0x7b: {  	v27 =	vor.u32 $0x800, v3;
	[tilespmem:$0x1FFE0] =	vst v34  }
0x7c: {  	v19 =	vor.u32 $0x1000, v3;
	[tilespmem:$0x1FFF0] =	vst v27  }
0x7d: {  	v20 =	vor.u32 $0x1400, v2;
	[tilespmem:$0x1FC10] =	vst v19  }
0x7e: {  	s21 =	sshll.u32 s20, $0x1;
	s22 =	simm.s32 $0x16600;
	s4 =	simm.s32 @!p0 $0x0;
	[tilespmem:$0x1FC30] =	vst v20;
	v20 =	vor.u32 $0x1400, v4  }
0x7f: {  	p6 =	por $0x0, $0x0;
	s4 =	simm.s32 @p0 $0x1;
	p0 =	por $0x1, $0x1;
	v19 =	vor.u32 $0x1000, v4;
	[tilespmem:$0x1FC40] =	vst v20  }
.Ltmp3:
0x80: {  	s25 =	simm.s32 $0x2000;
	s0 =	simm.s32 @!p6 $0x0;
	v20 =	vor.u32 $0x1400, v6;
	[tilespmem:$0x1FDE0] =	vst v19;
	(pc) =	sbr.rel @!p0 .LBB2_5-.Ltmp3, $4  }
0x81: {  	p1 =	por $0x0, $0x0;
	s0 =	simm.s32 @p6 $0x1;
	p6 =	por $0x0, $0x0;
	[tilespmem:$0x1FC50] =	vst v20;
	v20 =	vor.u32 $0x1800, v2  }
0x82: {  	p2 =	por $0x0, $0x0;
	[smem:$0x7FC] =	sst s0;
	s0 =	simm.s32 @!p6 $0x0;
	[tilespmem:$0x1FC60] =	vst v20;
	v20 =	vor.u32 $0x1800, v3  }
0x83: {  	p3 =	por $0x0, $0x0;
	[smem:$0x7FB] =	sst s4;
	s0 =	simm.s32 @p6 $0x1;
	[tilespmem:$0x1FC70] =	vst v20;
	v20 =	vor.u32 $0x1C00, v2  }
0x84: {  	p4 =	por $0x0, $0x0;
	p5 =	por $0x0, $0x0;
	[smem:$0x7FD] =	sst s0;
	v0 =	vadd.s32 s19, v8;
	[tilespmem:$0x1FCE0] =	vst v20  }
0x85: {  	_ =	sdelay $0x3  }
0x86: {  	v1 =	vld.idx.msk [tilespmem:v0+s3+$0x0], $0xffff  }
0x87: {  	v8 =	vadd.s32 s19, v42;
	_ =	sdelay $0x3  }
0x88: {  	[tilespmem:s22+$0xFFFFFE00] =	vst v1  }
0x89: {  	v1 =	vld.idx.msk [tilespmem:v8+s3+$0x0], $0xffff  }
0x8a: {  	v7 =	vadd.s32 s19, v44;
	_ =	sdelay $0x3  }
0x8b: {  	[tilespmem:s22+$0xFFFFFE10] =	vst v1  }
0x8c: {  	v1 =	vld.idx.msk [tilespmem:v7+s3+$0x0], $0xffff  }
0x8d: {  	v6 =	vadd.s32 s19, v52;
	_ =	sdelay $0x3  }
0x8e: {  	[tilespmem:s22+$0xFFFFFE20] =	vst v1  }
0x8f: {  	v1 =	vld.idx.msk [tilespmem:v6+s3+$0x0], $0xffff  }
0x90: {  	v5 =	vadd.s32 s19, v55;
	_ =	sdelay $0x3  }
0x91: {  	[tilespmem:s22+$0xFFFFFE30] =	vst v1  }
0x92: {  	v1 =	vld.idx.msk [tilespmem:v5+s3+$0x0], $0xffff  }
0x93: {  	v4 =	vadd.s32 s19, v30;
	_ =	sdelay $0x3  }
0x94: {  	[tilespmem:s22+$0xFFFFFE40] =	vst v1  }
0x95: {  	v1 =	vld.idx.msk [tilespmem:v4+s3+$0x0], $0xffff  }
0x96: {  	v3 =	vadd.s32 s19, v10;
	_ =	sdelay $0x3  }
0x97: {  	[tilespmem:s22+$0xFFFFFE50] =	vst v1  }
0x98: {  	v1 =	vld.idx.msk [tilespmem:v3+s3+$0x0], $0xffff  }
0x99: {  	v2 =	vadd.s32 s19, v61;
	_ =	sdelay $0x3  }
0x9a: {  	[tilespmem:s22+$0xFFFFFE60] =	vst v1  }
0x9b: {  	v32 =	vand.u32 $0xFFFFFF80, v0;
	v1 =	vld.idx.msk [tilespmem:v2+s3+$0x0], $0xffff  }
0x9c: {  	v0 =	vadd.s32 v56, v32;
	_ =	sdelay $0x3  }
0x9d: {  	[tilespmem:s22+$0xFFFFFE70] =	vst v1  }
0x9e: {  	v46 =	vld.idx.msk [tilespmem:v0+s3+$0x0], $0xffff  }
0x9f: {  	p0 =	por $0x1, $0x1;
	v0 =	vld [tilespmem:$0x1FC80]  }
.Ltmp4:
0xa0: {  	_ = 	snop;
	(pc) =	sbr.rel @!p0 .LBB2_7-.Ltmp4, $3  }
0xa1: {  	_ =	sdelay $0x1  }
0xa2: {  	v38 =	vand.u32 $0xFFFFFF80, v8  }
0xa3: {  	s0 =	simm.s32 $0x4000;
	p1 =	por $0x1, $0x1;
	v53 =	vadd.s32 v9, v38;
	v0 =	vadd.s32 s25, v0  }
0xa4: {  	_ =	sdelay $0x2  }
0xa5: {  	[tilespmem:s22+$0xFFFFFE80] =	vst v46  }
0xa6: {  	v40 =	vand.u32 $0xFFFFFF80, v7;
	v1 =	vld.idx.msk [tilespmem:v53+s3+$0x0], $0xffff  }
0xa7: {  	v7 =	vld.idx.msk [tilespmem:v0+s3+$0x0], $0xffff;
	v8 =	vadd.s32 v11, v40  }
0xa8: {  	v9 =	vadd.s32 s25, v42;
	_ =	sdelay $0x2  }
0xa9: {  	s23 =	simm.s32 $0x16A00;
	[tilespmem:s22+$0xFFFFFE90] =	vst v1  }
0xaa: {  	v42 =	vand.u32 $0xFFFFFF80, v6;
	[tilespmem:s23+$0xFFFFFE00] =	vst v7;
	v1 =	vld.idx.msk [tilespmem:v8+s3+$0x0], $0xffff  }
0xab: {  	v6 =	vld.idx.msk [tilespmem:v9+s3+$0x0], $0xffff;
	v8 =	vadd.s32 v24, v42  }
0xac: {  	v7 =	vadd.s32 s25, v44;
	_ =	sdelay $0x2  }
0xad: {  	[tilespmem:s22+$0xFFFFFEA0] =	vst v1  }
0xae: {  	v44 =	vand.u32 $0xFFFFFF80, v5;
	[tilespmem:s23+$0xFFFFFE10] =	vst v6;
	v1 =	vld.idx.msk [tilespmem:v8+s3+$0x0], $0xffff  }
0xaf: {  	v5 =	vld.idx.msk [tilespmem:v7+s3+$0x0], $0xffff;
	v8 =	vadd.s32 v25, v44  }
0xb0: {  	v6 =	vadd.s32 s25, v52;
	_ =	sdelay $0x2  }
0xb1: {  	[tilespmem:s22+$0xFFFFFEB0] =	vst v1  }
0xb2: {  	v52 =	vand.u32 $0xFFFFFF80, v4;
	[tilespmem:s23+$0xFFFFFE20] =	vst v5;
	v1 =	vld.idx.msk [tilespmem:v8+s3+$0x0], $0xffff  }
0xb3: {  	v4 =	vld.idx.msk [tilespmem:v6+s3+$0x0], $0xffff;
	v8 =	vadd.s32 v60, v52  }
0xb4: {  	v5 =	vadd.s32 s25, v55;
	_ =	sdelay $0x2  }
0xb5: {  	[tilespmem:s22+$0xFFFFFEC0] =	vst v1  }
0xb6: {  	v55 =	vand.u32 $0xFFFFFF80, v3;
	[tilespmem:s23+$0xFFFFFE30] =	vst v4;
	v1 =	vld.idx.msk [tilespmem:v8+s3+$0x0], $0xffff  }
0xb7: {  	v3 =	vld.idx.msk [tilespmem:v5+s3+$0x0], $0xffff;
	v8 =	vadd.s32 v48, v55  }
0xb8: {  	v4 =	vadd.s32 s25, v30;
	_ =	sdelay $0x2  }
0xb9: {  	[tilespmem:s22+$0xFFFFFED0] =	vst v1  }
0xba: {  	v30 =	vand.u32 $0xFFFFFF80, v2;
	[tilespmem:s23+$0xFFFFFE40] =	vst v3;
	v1 =	vld.idx.msk [tilespmem:v8+s3+$0x0], $0xffff  }
0xbb: {  	v2 =	vld.idx.msk [tilespmem:v4+s3+$0x0], $0xffff;
	v8 =	vadd.s32 v12, v30  }
0xbc: {  	v3 =	vadd.s32 s25, v10;
	_ =	sdelay $0x2  }
0xbd: {  	[tilespmem:s22+$0xFFFFFEE0] =	vst v1  }
0xbe: {  	[tilespmem:s23+$0xFFFFFE50] =	vst v2;
	v1 =	vld.idx.msk [tilespmem:v8+s3+$0x0], $0xffff  }
0xbf: {  	v10 =	vadd.s32 v14, v32;
	v8 =	vld.idx.msk [tilespmem:v3+s3+$0x0], $0xffff  }
0xc0: {  	v2 =	vadd.s32 s25, v61;
	_ =	sdelay $0x2  }
0xc1: {  	[tilespmem:s22+$0xFFFFFEF0] =	vst v1  }
0xc2: {  	[tilespmem:s23+$0xFFFFFE60] =	vst v8;
	v1 =	vld.idx.msk [tilespmem:v10+s3+$0x0], $0xffff  }
0xc3: {  	v23 =	vand.u32 $0xFFFFFF80, v0;
	v0 =	vadd.s32 v26, v38;
	v8 =	vld.idx.msk [tilespmem:v2+s3+$0x0], $0xffff;
	_ =	sdelay $0x3  }
0xc4: {  	[tilespmem:s22+$0xFFFFFF00] =	vst v1  }
0xc5: {  	v10 =	vadd.s32 v56, v23;
	[tilespmem:s23+$0xFFFFFE70] =	vst v8;
	v56 =	vld.idx.msk [tilespmem:v0+s3+$0x0], $0xffff  }
0xc6: {  	v0 =	vld [tilespmem:$0x1FF50];
	_ =	sdelay $0x3  }
0xc7: {  	v1 =	vand.u32 $0xFFFFFF80, v9  }
0xc8: {  	p0 =	por $0x1, $0x1;
	v53 =	vadd.s32 v0, v1;
	v0 =	vld [tilespmem:$0x1FC80]  }
.Ltmp5:
0xc9: {  	_ = 	snop;
	(pc) =	sbr.rel @!p0 .LBB2_9-.Ltmp5, $2  }
0xca: {  	_ =	sdelay $0x2  }
0xcb: {  	p2 =	por $0x1, $0x1;
	v61 =	vadd.s32 v13, v40;
	s25 =	simm.s32 $0x6000;
	v46 =	vld.idx.msk [tilespmem:v10+s3+$0x0], $0xffff;
	[tilespmem:$0x1FBE0] =	vst v1;
	v0 =	vadd.s32 s0, v0  }
0xcc: {  	_ =	sdelay $0x3  }
0xcd: {  	[tilespmem:s22+$0xFFFFFF10] =	vst v56;
	v9 =	vld.idx.msk [tilespmem:v0+s3+$0x0], $0xffff  }
0xce: {  	v1 =	vld.idx.msk [tilespmem:v61+s3+$0x0], $0xffff;
	[tilespmem:s23+$0xFFFFFE80] =	vst v46  }
0xcf: {  	v46 =	vand.u32 $0xFFFFFF80, v7;
	v8 =	vld.idx.msk [tilespmem:v53+s3+$0x0], $0xffff  }
0xd0: {  	v7 =	vadd.s32 v27, v42;
	v10 =	vadd.s32 v11, v46;
	v11 =	vld [tilespmem:$0x1FFD0];
	_ =	sdelay $0x1  }
0xd1: {  	s24 =	simm.s32 $0x16E00  }
0xd2: {  	[tilespmem:s24+$0xFFFFFE00] =	vst v9  }
0xd3: {  	[tilespmem:s22+$0xFFFFFF20] =	vst v1  }
0xd4: {  	v1 =	vld.idx.msk [tilespmem:v7+s3+$0x0], $0xffff;
	v11 =	vadd.s32 s0, v11;
	[tilespmem:s23+$0xFFFFFE90] =	vst v8  }
0xd5: {  	v7 =	vld [tilespmem:$0x1FFC0];
	_ =	sdelay $0x2  }
0xd6: {  	v59 =	vand.u32 $0xFFFFFF80, v6;
	v6 =	vadd.s32 v15, v44;
	v8 =	vld.idx.msk [tilespmem:v10+s3+$0x0], $0xffff  }
0xd7: {  	v10 =	vadd.s32 v24, v59;
	v9 =	vld.idx.msk [tilespmem:v11+s3+$0x0], $0xffff  }
0xd8: {  	v7 =	vadd.s32 s0, v7;
	_ =	sdelay $0x1  }
0xd9: {  	[tilespmem:s22+$0xFFFFFF30] =	vst v1  }
0xda: {  	v1 =	vld.idx.msk [tilespmem:v6+s3+$0x0], $0xffff;
	[tilespmem:s23+$0xFFFFFEA0] =	vst v8  }
0xdb: {  	v8 =	vld.idx.msk [tilespmem:v10+s3+$0x0], $0xffff;
	[tilespmem:s24+$0xFFFFFE10] =	vst v9  }
0xdc: {  	v9 =	vld.idx.msk [tilespmem:v7+s3+$0x0], $0xffff  }
0xdd: {  	v36 =	vand.u32 $0xFFFFFF80, v5;
	v5 =	vadd.s32 v28, v52;
	v6 =	vld [tilespmem:$0x1FFB0];
	_ =	sdelay $0x2  }
0xde: {  	[tilespmem:s22+$0xFFFFFF40] =	vst v1  }
0xdf: {  	v10 =	vadd.s32 v25, v36;
	[tilespmem:s23+$0xFFFFFEB0] =	vst v8  }
0xe0: {  	v1 =	vld.idx.msk [tilespmem:v5+s3+$0x0], $0xffff;
	v6 =	vadd.s32 s0, v6;
	[tilespmem:s24+$0xFFFFFE20] =	vst v9  }
0xe1: {  	v5 =	vld [tilespmem:$0x1FFA0];
	_ =	sdelay $0x2  }
0xe2: {  	v45 =	vmov v43;
	v43 =	vand.u32 $0xFFFFFF80, v4;
	v4 =	vadd.s32 v17, v55;
	v8 =	vld.idx.msk [tilespmem:v10+s3+$0x0], $0xffff  }
0xe3: {  	v10 =	vadd.s32 v60, v43;
	v9 =	vld.idx.msk [tilespmem:v6+s3+$0x0], $0xffff  }
0xe4: {  	v5 =	vadd.s32 s0, v5;
	_ =	sdelay $0x1  }
0xe5: {  	[tilespmem:s22+$0xFFFFFF50] =	vst v1  }
0xe6: {  	[tilespmem:s23+$0xFFFFFEC0] =	vst v8;
	v1 =	vld.idx.msk [tilespmem:v4+s3+$0x0], $0xffff  }
0xe7: {  	v8 =	vld.idx.msk [tilespmem:v10+s3+$0x0], $0xffff;
	[tilespmem:s24+$0xFFFFFE30] =	vst v9  }
0xe8: {  	v9 =	vld.idx.msk [tilespmem:v5+s3+$0x0], $0xffff  }
0xe9: {  	v31 =	vand.u32 $0xFFFFFF80, v3;
	v3 =	vadd.s32 v16, v30;
	v4 =	vld [tilespmem:$0x1FF90];
	_ =	sdelay $0x2  }
0xea: {  	[tilespmem:s22+$0xFFFFFF60] =	vst v1  }
0xeb: {  	v10 =	vadd.s32 v48, v31;
	[tilespmem:s23+$0xFFFFFED0] =	vst v8  }
0xec: {  	v1 =	vld.idx.msk [tilespmem:v3+s3+$0x0], $0xffff;
	v4 =	vadd.s32 s0, v4;
	[tilespmem:s24+$0xFFFFFE40] =	vst v9  }
0xed: {  	v3 =	vld [tilespmem:$0x1FF80];
	_ =	sdelay $0x2  }
0xee: {  	v39 =	vand.u32 $0xFFFFFF80, v2;
	v2 =	vadd.s32 v35, v32;
	v8 =	vld.idx.msk [tilespmem:v10+s3+$0x0], $0xffff  }
0xef: {  	v10 =	vadd.s32 v12, v39;
	v9 =	vld.idx.msk [tilespmem:v4+s3+$0x0], $0xffff  }
0xf0: {  	v3 =	vadd.s32 s0, v3;
	_ =	sdelay $0x1  }
0xf1: {  	[tilespmem:s22+$0xFFFFFF70] =	vst v1  }
0xf2: {  	[tilespmem:s23+$0xFFFFFEE0] =	vst v8;
	v1 =	vld.idx.msk [tilespmem:v2+s3+$0x0], $0xffff  }
0xf3: {  	v8 =	vld.idx.msk [tilespmem:v10+s3+$0x0], $0xffff;
	[tilespmem:s24+$0xFFFFFE50] =	vst v9  }
0xf4: {  	v10 =	vld.idx.msk [tilespmem:v3+s3+$0x0], $0xffff  }
0xf5: {  	v2 =	vld [tilespmem:$0x1FF70]  }
0xf6: {  	v12 =	vadd.s32 v14, v23  }
0xf7: {  	v9 =	vadd.s32 v18, v38;
	[tilespmem:s22+$0xFFFFFF80] =	vst v1  }
0xf8: {  	[tilespmem:s23+$0xFFFFFEF0] =	vst v8  }
0xf9: {  	[tilespmem:s24+$0xFFFFFE60] =	vst v10  }
0xfa: {  	v50 =	vand.u32 $0xFFFFFF80, v0;
	v2 =	vadd.s32 s0, v2;
	v0 =	vld [tilespmem:$0x1FBE0]  }
0xfb: {  	v8 =	vld.idx.msk [tilespmem:v12+s3+$0x0], $0xffff  }
0xfc: {  	v1 =	vld.idx.msk [tilespmem:v9+s3+$0x0], $0xffff;
	_ =	sdelay $0x2  }
0xfd: {  	v10 =	vld.idx.msk [tilespmem:v2+s3+$0x0], $0xffff;
	v0 =	vadd.s32 v26, v0  }
0xfe: {  	v12 =	vld [tilespmem:$0x1FF60];
	[tilespmem:s23+$0xFFFFFF00] =	vst v8  }
0xff: {  	[tilespmem:s22+$0xFFFFFF90] =	vst v1  }
0x100: {  	[tilespmem:$0x1FB90] =	vst v55  }
0x101: {  	[tilespmem:$0x1FBA0] =	vst v52  }
0x102: {  	[tilespmem:s24+$0xFFFFFE70] =	vst v10;
	v56 =	vld.idx.msk [tilespmem:v0+s3+$0x0], $0xffff  }
0x103: {  	v0 =	vld [tilespmem:$0x1FF50];
	_ =	sdelay $0x1  }
0x104: {  	v9 =	vadd.s32 v62, v40;
	_ =	sdelay $0x1  }
0x105: {  	v48 =	vadd.s32 v51, v42;
	v51 =	vand.u32 $0xFFFFFF80, v11  }
0x106: {  	p0 =	por $0x1, $0x1;
	v12 =	vadd.s32 v12, v50;
	v53 =	vadd.s32 v0, v51;
	v0 =	vld [tilespmem:$0x1FC80]  }
.Ltmp6:
0x107: {  	_ = 	snop;
	(pc) =	sbr.rel @!p0 .LBB2_11-.Ltmp6, $4  }
0x108: {  	v60 =	vld.idx.msk [tilespmem:v9+s3+$0x0], $0xffff;
	[tilespmem:$0x1FBB0] =	vst v40  }
0x109: {  	[tilespmem:$0x1FBC0] =	vst v44  }
0x10a: {  	v11 =	vmov v46;
	[tilespmem:$0x1FBD0] =	vst v42  }
0x10b: {  	p3 =	por $0x1, $0x1;
	v61 =	vadd.s32 v13, v11;
	s0 =	simm.s32 $0x8000;
	v46 =	vld.idx.msk [tilespmem:v12+s3+$0x0], $0xffff;
	v0 =	vadd.s32 s25, v0  }
0x10c: {  	_ =	sdelay $0x2  }
0x10d: {  	[tilespmem:s22+$0xFFFFFFA0] =	vst v60  }
0x10e: {  	v1 =	vld.idx.msk [tilespmem:v48+s3+$0x0], $0xffff  }
0x10f: {  	v48 =	vld [tilespmem:$0x1FBC0];
	_ =	sdelay $0x3  }
0x110: {  	v58 =	vld.idx.msk [tilespmem:v0+s3+$0x0], $0xffff;
	[tilespmem:s23+$0xFFFFFF10] =	vst v56  }
0x111: {  	v9 =	vld.idx.msk [tilespmem:v61+s3+$0x0], $0xffff;
	[tilespmem:s24+$0xFFFFFE80] =	vst v46;
	v8 =	vadd.s32 v21, v48  }
0x112: {  	v12 =	vld [tilespmem:$0x1FF40];
	[tilespmem:s22+$0xFFFFFFB0] =	vst v1  }
0x113: {  	v13 =	vld [tilespmem:$0x1FBA0]  }
0x114: {  	v10 =	vld.idx.msk [tilespmem:v53+s3+$0x0], $0xffff  }
0x115: {  	v1 =	vld [tilespmem:$0x1FFD0]  }
0x116: {  	v37 =	vand.u32 $0xFFFFFF80, v7;
	v7 =	vadd.s32 v27, v59;
	v8 =	vld.idx.msk [tilespmem:v8+s3+$0x0], $0xffff;
	_ =	sdelay $0x1  }
0x117: {  	s26 =	simm.s32 $0x17200;
	[tilespmem:s23+$0xFFFFFF20] =	vst v9;
	v13 =	vadd.s32 v34, v13  }
0x118: {  	[tilespmem:s26+$0xFFFFFE00] =	vst v58  }
0x119: {  	v12 =	vadd.s32 v12, v37;
	[tilespmem:s24+$0xFFFFFE90] =	vst v10  }
0x11a: {  	v9 =	vld.idx.msk [tilespmem:v7+s3+$0x0], $0xffff;
	v1 =	vadd.s32 s25, v1;
	[tilespmem:s22+$0xFFFFFFC0] =	vst v8  }
0x11b: {  	v7 =	vld [tilespmem:$0x1FFC0]  }
0x11c: {  	v8 =	vld.idx.msk [tilespmem:v13+s3+$0x0], $0xffff  }
0x11d: {  	v13 =	vld [tilespmem:$0x1FB90]  }
0x11e: {  	v20 =	vand.u32 $0xFFFFFF80, v6;
	v6 =	vadd.s32 v15, v36;
	v10 =	vld.idx.msk [tilespmem:v12+s3+$0x0], $0xffff  }
0x11f: {  	v29 =	vmov v11;
	v12 =	vadd.s32 v24, v20;
	v11 =	vld.idx.msk [tilespmem:v1+s3+$0x0], $0xffff  }
0x120: {  	v7 =	vadd.s32 s25, v7;
	_ =	sdelay $0x1  }
0x121: {  	[tilespmem:s23+$0xFFFFFF30] =	vst v9;
	v13 =	vadd.s32 v45, v13  }
0x122: {  	v9 =	vld.idx.msk [tilespmem:v6+s3+$0x0], $0xffff;
	[tilespmem:s24+$0xFFFFFEA0] =	vst v10  }
0x123: {  	v10 =	vld.idx.msk [tilespmem:v12+s3+$0x0], $0xffff;
	[tilespmem:s26+$0xFFFFFE10] =	vst v11  }
0x124: {  	v52 =	vand.u32 $0xFFFFFF80, v5;
	v5 =	vadd.s32 v28, v43;
	[tilespmem:s22+$0xFFFFFFD0] =	vst v8;
	v11 =	vld.idx.msk [tilespmem:v7+s3+$0x0], $0xffff  }
0x125: {  	v6 =	vld [tilespmem:$0x1FFB0]  }
0x126: {  	v8 =	vld.idx.msk [tilespmem:v13+s3+$0x0], $0xffff  }
0x127: {  	v13 =	vld [tilespmem:$0x1FC00];
	[tilespmem:s23+$0xFFFFFF40] =	vst v9  }
0x128: {  	[tilespmem:s24+$0xFFFFFEB0] =	vst v10  }
0x129: {  	v12 =	vadd.s32 v25, v52;
	v9 =	vld.idx.msk [tilespmem:v5+s3+$0x0], $0xffff;
	[tilespmem:s26+$0xFFFFFE20] =	vst v11  }
0x12a: {  	v5 =	vld [tilespmem:$0x1FF10];
	_ =	sdelay $0x1  }
0x12b: {  	v6 =	vadd.s32 s25, v6;
	_ =	sdelay $0x1  }
0x12c: {  	v42 =	vand.u32 $0xFFFFFF80, v4;
	v10 =	vld.idx.msk [tilespmem:v12+s3+$0x0], $0xffff;
	[tilespmem:s22+$0xFFFFFFE0] =	vst v8  }
0x12d: {  	v12 =	vadd.s32 v5, v42;
	v5 =	vld [tilespmem:$0x1FFA0]  }
0x12e: {  	v13 =	vadd.s32 v13, v30  }
0x12f: {  	v4 =	vadd.s32 v17, v31;
	v11 =	vld.idx.msk [tilespmem:v6+s3+$0x0], $0xffff;
	_ =	sdelay $0x2  }
0x130: {  	[tilespmem:s23+$0xFFFFFF50] =	vst v9;
	v5 =	vadd.s32 s25, v5  }
0x131: {  	v8 =	vld.idx.msk [tilespmem:v13+s3+$0x0], $0xffff;
	[tilespmem:s24+$0xFFFFFEC0] =	vst v10  }
0x132: {  	[tilespmem:s26+$0xFFFFFE30] =	vst v11;
	v9 =	vld.idx.msk [tilespmem:v4+s3+$0x0], $0xffff  }
0x133: {  	v4 =	vld [tilespmem:$0x1FF00]  }
0x134: {  	v13 =	vadd.s32 v22, v32;
	v10 =	vld.idx.msk [tilespmem:v12+s3+$0x0], $0xffff  }
0x135: {  	v22 =	vand.u32 $0xFFFFFF80, v3;
	v3 =	vadd.s32 v16, v39;
	v11 =	vld.idx.msk [tilespmem:v5+s3+$0x0], $0xffff;
	_ =	sdelay $0x1  }
0x136: {  	[tilespmem:s22+$0xFFFFFFF0] =	vst v8  }
0x137: {  	v12 =	vadd.s32 v4, v22;
	v4 =	vld [tilespmem:$0x1FF90];
	[tilespmem:s23+$0xFFFFFF60] =	vst v9  }
0x138: {  	v8 =	vld.idx.msk [tilespmem:v13+s3+$0x0], $0xffff;
	[tilespmem:s24+$0xFFFFFED0] =	vst v10  }
0x139: {  	v9 =	vld.idx.msk [tilespmem:v3+s3+$0x0], $0xffff;
	[tilespmem:s26+$0xFFFFFE40] =	vst v11  }
0x13a: {  	v3 =	vld [tilespmem:$0x1FEF0];
	_ =	sdelay $0x1  }
0x13b: {  	v4 =	vadd.s32 s25, v4;
	_ =	sdelay $0x1  }
0x13c: {  	v55 =	vand.u32 $0xFFFFFF80, v2;
	v10 =	vld.idx.msk [tilespmem:v12+s3+$0x0], $0xffff;
	[tilespmem:s22+$0x0] =	vst v8  }
0x13d: {  	v12 =	vadd.s32 v3, v55;
	v3 =	vld [tilespmem:$0x1FF80]  }
0x13e: {  	v13 =	vadd.s32 v47, v38  }
0x13f: {  	v2 =	vadd.s32 v35, v23;
	v11 =	vld.idx.msk [tilespmem:v4+s3+$0x0], $0xffff;
	_ =	sdelay $0x2  }
0x140: {  	v49 =	vmov v41;
	v41 =	vadd.s32 s25, v3;
	v3 =	vld [tilespmem:$0x1FBB0];
	[tilespmem:s23+$0xFFFFFF70] =	vst v9  }
0x141: {  	v8 =	vld.idx.msk [tilespmem:v13+s3+$0x0], $0xffff;
	[tilespmem:s24+$0xFFFFFEE0] =	vst v10  }
0x142: {  	[tilespmem:s26+$0xFFFFFE50] =	vst v11;
	v9 =	vld.idx.msk [tilespmem:v2+s3+$0x0], $0xffff  }
0x143: {  	v2 =	vld [tilespmem:$0x1FBE0]  }
0x144: {  	v10 =	vld.idx.msk [tilespmem:v12+s3+$0x0], $0xffff  }
0x145: {  	v12 =	vld.idx.msk [tilespmem:v41+s3+$0x0], $0xffff;
	[tilespmem:$0x1FB40] =	vst v30  }
0x146: {  	[tilespmem:$0x1FB50] =	vst v38  }
0x147: {  	[tilespmem:s22+$0x10] =	vst v8  }
0x148: {  	v60 =	vadd.s32 v18, v2;
	v2 =	vld [tilespmem:$0x1FF70];
	_ =	sdelay $0x1  }
0x149: {  	v13 =	vadd.s32 v54, v3;
	_ =	sdelay $0x1  }
0x14a: {  	v14 =	vadd.s32 v14, v50  }
0x14b: {  	v45 =	vmov v54;
	v54 =	vmov v36;
	v36 =	vld [tilespmem:$0x1FC10];
	v2 =	vadd.s32 s25, v2  }
0x14c: {  	v3 =	vld [tilespmem:$0x1FBD0];
	[tilespmem:s23+$0xFFFFFF80] =	vst v9  }
0x14d: {  	[tilespmem:s24+$0xFFFFFEF0] =	vst v10;
	v8 =	vld.idx.msk [tilespmem:v13+s3+$0x0], $0xffff  }
0x14e: {  	[tilespmem:s26+$0xFFFFFE60] =	vst v12;
	v9 =	vld.idx.msk [tilespmem:v60+s3+$0x0], $0xffff  }
0x14f: {  	v10 =	vld.idx.msk [tilespmem:v14+s3+$0x0], $0xffff;
	[tilespmem:$0x1FB60] =	vst v29  }
0x150: {  	v61 =	vadd.s32 v62, v29;
	v29 =	vand.u32 $0xFFFFFF80, v0;
	v0 =	vadd.s32 v26, v51;
	v12 =	vld.idx.msk [tilespmem:v2+s3+$0x0], $0xffff;
	_ =	sdelay $0x1  }
0x151: {  	[tilespmem:s22+$0x20] =	vst v8  }
0x152: {  	v13 =	vadd.s32 v36, v3;
	v3 =	vld [tilespmem:$0x1FF60];
	[tilespmem:s23+$0xFFFFFF90] =	vst v9  }
0x153: {  	[tilespmem:s24+$0xFFFFFF00] =	vst v10  }
0x154: {  	v56 =	vld.idx.msk [tilespmem:v0+s3+$0x0], $0xffff;
	[tilespmem:s26+$0xFFFFFE70] =	vst v12  }
0x155: {  	v0 =	vld [tilespmem:$0x1FE30];
	_ =	sdelay $0x4  }
0x156: {  	v8 =	vadd.s32 v3, v29;
	v3 =	vadd.s32 v19, v48;
	v48 =	vadd.s32 v0, v59;
	v0 =	vld [tilespmem:$0x1FEC0];
	_ =	sdelay $0x2  }
0x157: {  	v13 =	vld.idx.msk [tilespmem:v13+s3+$0x0], $0xffff  }
0x158: {  	v60 =	vld.idx.msk [tilespmem:v61+s3+$0x0], $0xffff  }
0x159: {  	v61 =	vadd.s32 v0, v37;
	v0 =	vld [tilespmem:$0x1FF50];
	_ =	sdelay $0x3  }
0x15a: {  	v30 =	vand.u32 $0xFFFFFF80, v1;
	[tilespmem:s22+$0x30] =	vst v13  }
0x15b: {  	p0 =	por $0x1, $0x1;
	v53 =	vadd.s32 v0, v30;
	v0 =	vld [tilespmem:$0x1FC80]  }
.Ltmp7:
0x15c: {  	_ = 	snop;
	(pc) =	sbr.rel @!p0 .LBB2_13-.Ltmp7, $3  }
0x15d: {  	_ =	sdelay $0x1  }
0x15e: {  	v46 =	vld.idx.msk [tilespmem:v8+s3+$0x0], $0xffff;
	[tilespmem:$0x1FB70] =	vst v32  }
0x15f: {  	p4 =	por $0x1, $0x1;
	s25 =	simm.s32 $0xA000;
	[tilespmem:$0x1FB80] =	vst v3;
	v0 =	vadd.s32 s0, v0  }
0x160: {  	_ =	sdelay $0x3  }
0x161: {  	[tilespmem:s23+$0xFFFFFFA0] =	vst v60;
	v1 =	vld.idx.msk [tilespmem:v3+s3+$0x0], $0xffff  }
0x162: {  	v8 =	vld.idx.msk [tilespmem:v48+s3+$0x0], $0xffff  }
0x163: {  	v48 =	vld [tilespmem:$0x1FBA0];
	[tilespmem:s24+$0xFFFFFF10] =	vst v56  }
0x164: {  	[tilespmem:s26+$0xFFFFFE80] =	vst v46  }
0x165: {  	v3 =	vld [tilespmem:$0x1FF40]  }
0x166: {  	v11 =	vld.idx.msk [tilespmem:v61+s3+$0x0], $0xffff  }
0x167: {  	v40 =	vmov v21;
	v46 =	vld [tilespmem:$0x1FC20];
	[tilespmem:s22+$0x40] =	vst v1  }
0x168: {  	v10 =	vadd.s32 v40, v54;
	v1 =	vld [tilespmem:$0x1FFD0];
	[tilespmem:s23+$0xFFFFFFB0] =	vst v8  }
0x169: {  	v21 =	vmov v47;
	v47 =	vand.u32 $0xFFFFFF80, v7;
	v9 =	vadd.s32 v57, v48;
	v57 =	vld [tilespmem:$0x1FDC0]  }
0x16a: {  	v14 =	vadd.s32 v3, v47;
	v3 =	vld [tilespmem:$0x1FB90]  }
0x16b: {  	v13 =	vld.idx.msk [tilespmem:v0+s3+$0x0], $0xffff  }
0x16c: {  	v12 =	vld.idx.msk [tilespmem:v53+s3+$0x0], $0xffff  }
0x16d: {  	v56 =	vld.idx.msk [tilespmem:v10+s3+$0x0], $0xffff  }
0x16e: {  	[tilespmem:s24+$0xFFFFFF20] =	vst v11;
	v8 =	vld.idx.msk [tilespmem:v9+s3+$0x0], $0xffff  }
0x16f: {  	v10 =	vadd.s32 v57, v3;
	v3 =	vld [tilespmem:$0x1FFE0];
	_ =	sdelay $0x1  }
0x170: {  	s28 =	simm.s32 $0x17600;
	[tilespmem:s26+$0xFFFFFE90] =	vst v12  }
0x171: {  	[tilespmem:s28+$0xFFFFFE00] =	vst v13  }
0x172: {  	v7 =	vadd.s32 v27, v20;
	[tilespmem:s22+$0x50] =	vst v8  }
0x173: {  	v60 =	vadd.s32 v3, v43;
	v3 =	vld [tilespmem:$0x1FFC0];
	_ =	sdelay $0x2  }
0x174: {  	v1 =	vadd.s32 s0, v1  }
0x175: {  	v12 =	vld.idx.msk [tilespmem:v7+s3+$0x0], $0xffff;
	[tilespmem:s23+$0xFFFFFFC0] =	vst v56  }
0x176: {  	v7 =	vadd.s32 s0, v3;
	v3 =	vld [tilespmem:$0x1FB40];
	_ =	sdelay $0x1  }
0x177: {  	v13 =	vld.idx.msk [tilespmem:v14+s3+$0x0], $0xffff  }
0x178: {  	v14 =	vld.idx.msk [tilespmem:v1+s3+$0x0], $0xffff  }
0x179: {  	v34 =	vmov v19;
	v19 =	vand.u32 $0xFFFFFF80, v6;
	v6 =	vadd.s32 v15, v52;
	v8 =	vld.idx.msk [tilespmem:v10+s3+$0x0], $0xffff;
	[tilespmem:s24+$0xFFFFFF30] =	vst v12  }
0x17a: {  	v61 =	vadd.s32 v63, v3;
	v3 =	vld [tilespmem:$0x1FE20];
	_ =	sdelay $0x1  }
0x17b: {  	[tilespmem:s26+$0xFFFFFEA0] =	vst v13  }
0x17c: {  	v15 =	vadd.s32 v24, v19;
	v9 =	vld.idx.msk [tilespmem:v60+s3+$0x0], $0xffff;
	[tilespmem:s28+$0xFFFFFE10] =	vst v14  }
0x17d: {  	v12 =	vld.idx.msk [tilespmem:v6+s3+$0x0], $0xffff;
	[tilespmem:s22+$0x60] =	vst v8  }
0x17e: {  	v53 =	vadd.s32 v3, v31;
	v3 =	vld [tilespmem:$0x1FFB0];
	_ =	sdelay $0x2  }
0x17f: {  	v13 =	vld.idx.msk [tilespmem:v15+s3+$0x0], $0xffff;
	[tilespmem:s23+$0xFFFFFFD0] =	vst v9  }
0x180: {  	v14 =	vld.idx.msk [tilespmem:v7+s3+$0x0], $0xffff;
	[tilespmem:s24+$0xFFFFFF40] =	vst v12  }
0x181: {  	v6 =	vadd.s32 s0, v3;
	v3 =	vld [tilespmem:$0x1FC00];
	_ =	sdelay $0x2  }
0x182: {  	v44 =	vand.u32 $0xFFFFFF80, v5;
	[tilespmem:s26+$0xFFFFFEB0] =	vst v13  }
0x183: {  	v15 =	vadd.s32 v25, v44;
	v8 =	vld.idx.msk [tilespmem:v61+s3+$0x0], $0xffff;
	[tilespmem:s28+$0xFFFFFE20] =	vst v14  }
0x184: {  	v38 =	vmov v57;
	v57 =	vadd.s32 v3, v39;
	v3 =	vld [tilespmem:$0x1FF10];
	_ =	sdelay $0x2  }
0x185: {  	v9 =	vld.idx.msk [tilespmem:v53+s3+$0x0], $0xffff  }
0x186: {  	v5 =	vadd.s32 v28, v42;
	v56 =	vadd.s32 v33, v32;
	v33 =	vand.u32 $0xFFFFFF80, v4;
	v13 =	vld.idx.msk [tilespmem:v15+s3+$0x0], $0xffff;
	[tilespmem:s22+$0x70] =	vst v8  }
0x187: {  	v15 =	vadd.s32 v3, v33;
	v3 =	vld [tilespmem:$0x1FFA0];
	_ =	sdelay $0x3  }
0x188: {  	v12 =	vld.idx.msk [tilespmem:v5+s3+$0x0], $0xffff;
	[tilespmem:s23+$0xFFFFFFE0] =	vst v9  }
0x189: {  	v5 =	vadd.s32 s0, v3;
	v3 =	vld [tilespmem:$0x1FB50]  }
0x18a: {  	v4 =	vadd.s32 v17, v22;
	v14 =	vld.idx.msk [tilespmem:v6+s3+$0x0], $0xffff;
	_ =	sdelay $0x1  }
0x18b: {  	v8 =	vld.idx.msk [tilespmem:v56+s3+$0x0], $0xffff  }
0x18c: {  	v9 =	vld.idx.msk [tilespmem:v57+s3+$0x0], $0xffff;
	[tilespmem:s24+$0xFFFFFF50] =	vst v12  }
0x18d: {  	v60 =	vadd.s32 v46, v3;
	v3 =	vld [tilespmem:$0x1FE10];
	[tilespmem:s26+$0xFFFFFEC0] =	vst v13  }
0x18e: {  	v12 =	vld.idx.msk [tilespmem:v4+s3+$0x0], $0xffff;
	[tilespmem:s28+$0xFFFFFE30] =	vst v14  }
0x18f: {  	v4 =	vld [tilespmem:$0x1FF00]  }
0x190: {  	v13 =	vld.idx.msk [tilespmem:v15+s3+$0x0], $0xffff;
	v15 =	vand.u32 $0xFFFFFF80, v41  }
0x191: {  	v14 =	vld.idx.msk [tilespmem:v5+s3+$0x0], $0xffff;
	[tilespmem:$0x1F990] =	vst v15  }
0x192: {  	v57 =	vld [tilespmem:$0x1FC40];
	[tilespmem:s22+$0x80] =	vst v8  }
0x193: {  	v61 =	vadd.s32 v3, v23;
	v8 =	vld.idx.msk [tilespmem:v60+s3+$0x0], $0xffff  }
0x194: {  	v3 =	vadd.s32 v16, v55;
	v15 =	vadd.s32 v4, v15;
	v4 =	vld [tilespmem:$0x1FF90];
	[tilespmem:s23+$0xFFFFFFF0] =	vst v9  }
0x195: {  	v41 =	vld [tilespmem:$0x1FBB0]  }
0x196: {  	v46 =	vld [tilespmem:$0x1FC30];
	[tilespmem:s24+$0xFFFFFF60] =	vst v12  }
0x197: {  	v53 =	vld [tilespmem:$0x1FBE0]  }
0x198: {  	v9 =	vld.idx.msk [tilespmem:v61+s3+$0x0], $0xffff  }
0x199: {  	[tilespmem:s26+$0xFFFFFED0] =	vst v13;
	v12 =	vld.idx.msk [tilespmem:v3+s3+$0x0], $0xffff  }
0x19a: {  	v2 =	vand.u32 $0xFFFFFF80, v2;
	[tilespmem:s28+$0xFFFFFE40] =	vst v14;
	v3 =	vmov v50;
	v4 =	vadd.s32 s0, v4;
	v13 =	vld.idx.msk [tilespmem:v15+s3+$0x0], $0xffff  }
0x19b: {  	v50 =	vmov v2;
	[tilespmem:$0x1F9B0] =	vst v3;
	v2 =	vadd.s32 v35, v3;
	v3 =	vld [tilespmem:$0x1FEF0]  }
0x19c: {  	v10 =	vadd.s32 v46, v41;
	_ =	sdelay $0x1  }
0x19d: {  	[tilespmem:$0x1F9A0] =	vst v43  }
0x19e: {  	[tilespmem:s22+$0x90] =	vst v8;
	v14 =	vld.idx.msk [tilespmem:v4+s3+$0x0], $0xffff  }
0x19f: {  	v15 =	vadd.s32 v3, v50;
	v3 =	vld [tilespmem:$0x1FF80]  }
0x1a0: {  	[tilespmem:s23+$0x0] =	vst v9;
	v8 =	vld.idx.msk [tilespmem:v10+s3+$0x0], $0xffff  }
0x1a1: {  	v56 =	vld [tilespmem:$0x1FBD0];
	[tilespmem:s24+$0xFFFFFF70] =	vst v12  }
0x1a2: {  	v11 =	vadd.s32 v21, v53;
	v60 =	vld [tilespmem:$0x1FB60];
	[tilespmem:s26+$0xFFFFFEE0] =	vst v13  }
0x1a3: {  	v12 =	vld.idx.msk [tilespmem:v2+s3+$0x0], $0xffff;
	[tilespmem:s28+$0xFFFFFE50] =	vst v14  }
0x1a4: {  	v2 =	vld [tilespmem:$0x1FEE0];
	_ =	sdelay $0x2  }
0x1a5: {  	v9 =	vld.idx.msk [tilespmem:v11+s3+$0x0], $0xffff;
	v3 =	vadd.s32 s0, v3  }
0x1a6: {  	[tilespmem:s22+$0xA0] =	vst v8  }
0x1a7: {  	v16 =	vadd.s32 v2, v29;
	v2 =	vld [tilespmem:$0x1FF70]  }
0x1a8: {  	v10 =	vadd.s32 v49, v56  }
0x1a9: {  	v13 =	vld.idx.msk [tilespmem:v15+s3+$0x0], $0xffff;
	v11 =	vadd.s32 v45, v60  }
0x1aa: {  	v14 =	vadd.s32 v18, v51;
	v15 =	vld.idx.msk [tilespmem:v3+s3+$0x0], $0xffff;
	[tilespmem:s23+$0x10] =	vst v9  }
0x1ab: {  	v61 =	vld [tilespmem:$0x1FBC0]  }
0x1ac: {  	v2 =	vadd.s32 s0, v2  }
0x1ad: {  	v8 =	vld.idx.msk [tilespmem:v10+s3+$0x0], $0xffff  }
0x1ae: {  	v9 =	vld.idx.msk [tilespmem:v11+s3+$0x0], $0xffff;
	[tilespmem:s24+$0xFFFFFF80] =	vst v12  }
0x1af: {  	[tilespmem:s26+$0xFFFFFEF0] =	vst v13;
	v12 =	vld.idx.msk [tilespmem:v14+s3+$0x0], $0xffff  }
0x1b0: {  	[tilespmem:s28+$0xFFFFFE60] =	vst v15;
	v13 =	vld.idx.msk [tilespmem:v16+s3+$0x0], $0xffff;
	v10 =	vadd.s32 v57, v61  }
0x1b1: {  	v41 =	vand.u32 $0xFFFFFF80, v0;
	v0 =	vadd.s32 v26, v30;
	v15 =	vld.idx.msk [tilespmem:v2+s3+$0x0], $0xffff  }
0x1b2: {  	[tilespmem:s22+$0xB0] =	vst v8  }
0x1b3: {  	v8 =	vld [tilespmem:$0x1FF60];
	[tilespmem:s23+$0x20] =	vst v9  }
0x1b4: {  	v58 =	vmov v62;
	v36 =	vadd.s32 v36, v59;
	v14 =	vadd.s32 v62, v37;
	v62 =	vld [tilespmem:$0x1FD80];
	[tilespmem:s24+$0xFFFFFF90] =	vst v12  }
0x1b5: {  	[tilespmem:s26+$0xFFFFFF00] =	vst v13;
	v43 =	vld.idx.msk [tilespmem:v10+s3+$0x0], $0xffff  }
0x1b6: {  	v56 =	vld.idx.msk [tilespmem:v0+s3+$0x0], $0xffff;
	[tilespmem:s28+$0xFFFFFE70] =	vst v15  }
0x1b7: {  	v0 =	vld [tilespmem:$0x1FE30];
	_ =	sdelay $0x1  }
0x1b8: {  	v49 =	vld.idx.msk [tilespmem:v36+s3+$0x0], $0xffff  }
0x1b9: {  	v60 =	vld.idx.msk [tilespmem:v14+s3+$0x0], $0xffff;
	[tilespmem:$0x1F9C0] =	vst v54  }
0x1ba: {  	v8 =	vadd.s32 v8, v41;
	[tilespmem:s22+$0xC0] =	vst v43  }
0x1bb: {  	v13 =	vadd.s32 v0, v20;
	v0 =	vld [tilespmem:$0x1FEC0]  }
0x1bc: {  	v11 =	vadd.s32 v62, v48;
	_ =	sdelay $0x2  }
0x1bd: {  	v46 =	vld.idx.msk [tilespmem:v8+s3+$0x0], $0xffff  }
0x1be: {  	v61 =	vadd.s32 v0, v47;
	v0 =	vld [tilespmem:$0x1FF50];
	[tilespmem:s23+$0x30] =	vst v49  }
0x1bf: {  	v36 =	vand.u32 $0xFFFFFF80, v1;
	v1 =	vld.idx.msk [tilespmem:v11+s3+$0x0], $0xffff;
	[tilespmem:$0x1F9D0] =	vst v29  }
0x1c0: {  	[tilespmem:$0x1F9E0] =	vst v23  }
0x1c1: {  	[tilespmem:$0x1F9F0] =	vst v31  }
0x1c2: {  	[tilespmem:$0x1FA00] =	vst v59  }
0x1c3: {  	[tilespmem:$0x1FA10] =	vst v51  }
0x1c4: {  	[tilespmem:$0x1FA20] =	vst v39  }
0x1c5: {  	[tilespmem:$0x1FA30] =	vst v37  }
0x1c6: {  	[tilespmem:$0x1FA40] =	vst v20  }
0x1c7: {  	[tilespmem:$0x1FA50] =	vst v42  }
0x1c8: {  	[tilespmem:$0x1FA60] =	vst v22  }
0x1c9: {  	p0 =	por $0x1, $0x1;
	[tilespmem:$0x1FA70] =	vst v55;
	v53 =	vadd.s32 v0, v36;
	v0 =	vld [tilespmem:$0x1FC80]  }
.Ltmp8:
0x1ca: {  	[tilespmem:$0x1FA80] =	vst v52;
	(pc) =	sbr.rel @!p0 .LBB2_15-.Ltmp8, $4  }
0x1cb: {  	[tilespmem:$0x1FA90] =	vst v1  }
0x1cc: {  	[tilespmem:$0x1FAA0] =	vst v60  }
0x1cd: {  	v54 =	vadd.s32 v34, v54;
	[tilespmem:$0x1FAB0] =	vst v13  }
0x1ce: {  	p5 =	por $0x1, $0x1;
	s0 =	simm.s32 $0xC000;
	v48 =	vmov v30;
	v30 =	vmov v22;
	[tilespmem:$0x1FAC0] =	vst v54;
	v0 =	vadd.s32 s25, v0  }
0x1cf: {  	_ =	sdelay $0x3  }
0x1d0: {  	v8 =	vld.idx.msk [tilespmem:v54+s3+$0x0], $0xffff  }
0x1d1: {  	[tilespmem:s24+$0xFFFFFFA0] =	vst v60;
	v15 =	vld.idx.msk [tilespmem:v0+s3+$0x0], $0xffff  }
0x1d2: {  	v29 =	vld [tilespmem:$0x1FC50]  }
0x1d3: {  	v49 =	vmov v26;
	v26 =	vld [tilespmem:$0x1FB90];
	[tilespmem:s26+$0xFFFFFF10] =	vst v56  }
0x1d4: {  	v56 =	vld [tilespmem:$0x1F9A0]  }
0x1d5: {  	v11 =	vld [tilespmem:$0x1FDD0]  }
0x1d6: {  	v10 =	vld.idx.msk [tilespmem:v13+s3+$0x0], $0xffff  }
0x1d7: {  	[tilespmem:s28+$0xFFFFFE80] =	vst v46;
	v12 =	vld.idx.msk [tilespmem:v61+s3+$0x0], $0xffff  }
0x1d8: {  	v62 =	vld [tilespmem:$0x1FD20]  }
0x1d9: {  	v16 =	vld [tilespmem:$0x1FF40];
	[tilespmem:s22+$0xD0] =	vst v1;
	v9 =	vadd.s32 v29, v26  }
0x1da: {  	v1 =	vld [tilespmem:$0x1FFD0];
	[tilespmem:s23+$0x40] =	vst v8;
	v11 =	vadd.s32 v11, v56  }
0x1db: {  	v13 =	vadd.s32 v40, v52;
	v14 =	vld.idx.msk [tilespmem:v53+s3+$0x0], $0xffff;
	[tilespmem:s24+$0xFFFFFFB0] =	vst v10  }
0x1dc: {  	v17 =	vmov v31;
	v31 =	vand.u32 $0xFFFFFF80, v7;
	v7 =	vadd.s32 v27, v19;
	v60 =	vld [tilespmem:$0x1FD70]  }
0x1dd: {  	v10 =	vld [tilespmem:$0x1FB40]  }
0x1de: {  	v8 =	vld.idx.msk [tilespmem:v9+s3+$0x0], $0xffff  }
0x1df: {  	v9 =	vld.idx.msk [tilespmem:v11+s3+$0x0], $0xffff  }
0x1e0: {  	[tilespmem:s26+$0xFFFFFF20] =	vst v12;
	v11 =	vld.idx.msk [tilespmem:v13+s3+$0x0], $0xffff  }
0x1e1: {  	[tilespmem:s28+$0xFFFFFE90] =	vst v14;
	v13 =	vld.idx.msk [tilespmem:v7+s3+$0x0], $0xffff  }
0x1e2: {  	v7 =	vld [tilespmem:$0x1FFE0];
	_ =	sdelay $0x2  }
0x1e3: {  	s10 =	simm.s32 $0x17A00  }
0x1e4: {  	v16 =	vadd.s32 v16, v31;
	[tilespmem:s10+$0xFFFFFE00] =	vst v15  }
0x1e5: {  	v1 =	vadd.s32 s25, v1;
	v14 =	vadd.s32 v7, v42;
	v7 =	vand.u32 $0xFFFFFF80, v6;
	v6 =	vld [tilespmem:$0x1FEB0];
	_ =	sdelay $0x3  }
0x1e6: {  	v15 =	vld.idx.msk [tilespmem:v16+s3+$0x0], $0xffff  }
0x1e7: {  	v16 =	vld.idx.msk [tilespmem:v1+s3+$0x0], $0xffff;
	[tilespmem:$0x1F7C0] =	vst v7;
	v6 =	vadd.s32 v6, v44  }
0x1e8: {  	[tilespmem:s22+$0xE0] =	vst v8  }
0x1e9: {  	v12 =	vadd.s32 v38, v17;
	v17 =	vadd.s32 v24, v7;
	v7 =	vld [tilespmem:$0x1FFC0];
	[tilespmem:s23+$0x50] =	vst v9  }
0x1ea: {  	v10 =	vadd.s32 v60, v10;
	[tilespmem:s24+$0xFFFFFFC0] =	vst v11  }
0x1eb: {  	v54 =	vmovc v21;
	v21 =	vmov v32;
	v32 =	vmov v23;
	v23 =	vmov v27;
	v27 =	vld [tilespmem:$0x1FD60];
	[tilespmem:s26+$0xFFFFFF30] =	vst v13  }
0x1ec: {  	[tilespmem:s28+$0xFFFFFEA0] =	vst v15;
	v13 =	vld.idx.msk [tilespmem:v6+s3+$0x0], $0xffff  }
0x1ed: {  	v6 =	vld [tilespmem:$0x1FE20]  }
0x1ee: {  	v7 =	vadd.s32 s25, v7  }
0x1ef: {  	v8 =	vld.idx.msk [tilespmem:v10+s3+$0x0], $0xffff  }
0x1f0: {  	v9 =	vld.idx.msk [tilespmem:v12+s3+$0x0], $0xffff  }
0x1f1: {  	v11 =	vld.idx.msk [tilespmem:v14+s3+$0x0], $0xffff;
	v10 =	vadd.s32 v27, v21  }
0x1f2: {  	v12 =	vadd.s32 v63, v39;
	v15 =	vld.idx.msk [tilespmem:v17+s3+$0x0], $0xffff;
	[tilespmem:s10+$0xFFFFFE10] =	vst v16;
	v14 =	vadd.s32 v6, v30;
	v6 =	vand.u32 $0xFFFFFF80, v5  }
0x1f3: {  	v16 =	vld.idx.msk [tilespmem:v7+s3+$0x0], $0xffff;
	[tilespmem:$0x1F7D0] =	vst v6  }
0x1f4: {  	v22 =	vld [tilespmem:$0x1FB60];
	[tilespmem:s22+$0xF0] =	vst v8  }
0x1f5: {  	v17 =	vadd.s32 v25, v6;
	v6 =	vld [tilespmem:$0x1FFB0]  }
0x1f6: {  	v5 =	vadd.s32 v28, v33;
	[tilespmem:s23+$0x60] =	vst v9;
	v8 =	vld.idx.msk [tilespmem:v10+s3+$0x0], $0xffff  }
0x1f7: {  	[tilespmem:s24+$0xFFFFFFD0] =	vst v11;
	v9 =	vld.idx.msk [tilespmem:v12+s3+$0x0], $0xffff  }
0x1f8: {  	v11 =	vld [tilespmem:$0x1FD50]  }
0x1f9: {  	v10 =	vld [tilespmem:$0x1FB50];
	[tilespmem:s26+$0xFFFFFF40] =	vst v13  }
0x1fa: {  	v12 =	vld [tilespmem:$0x1FDA0]  }
0x1fb: {  	[tilespmem:s28+$0xFFFFFEB0] =	vst v15;
	v13 =	vld.idx.msk [tilespmem:v5+s3+$0x0], $0xffff  }
0x1fc: {  	v5 =	vld [tilespmem:$0x1FC00];
	_ =	sdelay $0x1  }
0x1fd: {  	[tilespmem:s10+$0xFFFFFE20] =	vst v16;
	v15 =	vld.idx.msk [tilespmem:v17+s3+$0x0], $0xffff  }
0x1fe: {  	v17 =	vand.u32 $0xFFFFFF80, v4;
	v4 =	vld [tilespmem:$0x1FE80]  }
0x1ff: {  	v21 =	vmov v28;
	v28 =	vmov v11;
	v10 =	vadd.s32 v11, v10;
	v11 =	vld.idx.msk [tilespmem:v14+s3+$0x0], $0xffff  }
0x200: {  	v14 =	vadd.s32 v5, v55;
	v5 =	vld [tilespmem:$0x1F990];
	_ =	sdelay $0x1  }
0x201: {  	v6 =	vadd.s32 s25, v6;
	_ =	sdelay $0x2  }
0x202: {  	v4 =	vadd.s32 v4, v5;
	v5 =	vld [tilespmem:$0x1FF10]  }
0x203: {  	v12 =	vadd.s32 v12, v32  }
0x204: {  	v16 =	vld.idx.msk [tilespmem:v6+s3+$0x0], $0xffff;
	[tilespmem:$0x1F7E0] =	vst v17  }
0x205: {  	[tilespmem:s22+$0x100] =	vst v8  }
0x206: {  	v8 =	vld.idx.msk [tilespmem:v10+s3+$0x0], $0xffff  }
0x207: {  	v17 =	vadd.s32 v5, v17;
	v5 =	vld [tilespmem:$0x1FFA0];
	[tilespmem:s23+$0x70] =	vst v9  }
0x208: {  	[tilespmem:s24+$0xFFFFFFE0] =	vst v11;
	v9 =	vld.idx.msk [tilespmem:v12+s3+$0x0], $0xffff  }
0x209: {  	v11 =	vld [tilespmem:$0x1FC60]  }
0x20a: {  	v10 =	vld [tilespmem:$0x1FBB0];
	[tilespmem:s26+$0xFFFFFF50] =	vst v13  }
0x20b: {  	v43 =	vmov v38;
	v38 =	vld [tilespmem:$0x1FBE0]  }
0x20c: {  	v12 =	vld [tilespmem:$0x1FC20]  }
0x20d: {  	[tilespmem:s28+$0xFFFFFEC0] =	vst v15;
	v13 =	vld.idx.msk [tilespmem:v4+s3+$0x0], $0xffff  }
0x20e: {  	v4 =	vld [tilespmem:$0x1FE10]  }
0x20f: {  	v10 =	vadd.s32 v11, v10;
	v11 =	vld.idx.msk [tilespmem:v14+s3+$0x0], $0xffff  }
0x210: {  	v14 =	vld [tilespmem:$0x1F9B0];
	_ =	sdelay $0x1  }
0x211: {  	v5 =	vadd.s32 s25, v5  }
0x212: {  	v15 =	vld.idx.msk [tilespmem:v17+s3+$0x0], $0xffff;
	[tilespmem:s10+$0xFFFFFE30] =	vst v16  }
0x213: {  	v17 =	vand.u32 $0xFFFFFF80, v3;
	v3 =	vld [tilespmem:$0x1FE70]  }
0x214: {  	v14 =	vadd.s32 v4, v14;
	v4 =	vld [tilespmem:$0x1FF00]  }
0x215: {  	v12 =	vadd.s32 v12, v38  }
0x216: {  	v16 =	vld.idx.msk [tilespmem:v5+s3+$0x0], $0xffff;
	[tilespmem:$0x1F7F0] =	vst v17  }
0x217: {  	[tilespmem:s22+$0x110] =	vst v8  }
0x218: {  	v8 =	vld.idx.msk [tilespmem:v10+s3+$0x0], $0xffff  }
0x219: {  	v3 =	vadd.s32 v3, v50;
	v17 =	vadd.s32 v4, v17;
	v4 =	vld [tilespmem:$0x1FF90];
	[tilespmem:s23+$0x80] =	vst v9  }
0x21a: {  	[tilespmem:s24+$0xFFFFFFF0] =	vst v11;
	v9 =	vld.idx.msk [tilespmem:v12+s3+$0x0], $0xffff  }
0x21b: {  	v11 =	vld [tilespmem:$0x1FC70]  }
0x21c: {  	v10 =	vld [tilespmem:$0x1FBD0];
	[tilespmem:s26+$0xFFFFFF60] =	vst v13  }
0x21d: {  	v12 =	vld [tilespmem:$0x1FC30];
	[tilespmem:s28+$0xFFFFFED0] =	vst v15  }
0x21e: {  	v13 =	vld.idx.msk [tilespmem:v3+s3+$0x0], $0xffff;
	[tilespmem:s10+$0xFFFFFE40] =	vst v16  }
0x21f: {  	v3 =	vld [tilespmem:$0x1FEF0];
	v4 =	vadd.s32 s25, v4  }
0x220: {  	v15 =	vld.idx.msk [tilespmem:v17+s3+$0x0], $0xffff  }
0x221: {  	v17 =	vand.u32 $0xFFFFFF80, v2;
	v2 =	vld [tilespmem:$0x1F9D0]  }
0x222: {  	v10 =	vadd.s32 v11, v10;
	v11 =	vld.idx.msk [tilespmem:v14+s3+$0x0], $0xffff;
	_ =	sdelay $0x1  }
0x223: {  	v16 =	vld.idx.msk [tilespmem:v4+s3+$0x0], $0xffff;
	[tilespmem:$0x1F800] =	vst v17  }
0x224: {  	v12 =	vadd.s32 v12, v22;
	[tilespmem:s22+$0x120] =	vst v8  }
0x225: {  	v17 =	vadd.s32 v3, v17;
	v3 =	vld [tilespmem:$0x1FF80];
	[tilespmem:s23+$0x90] =	vst v9  }
0x226: {  	v2 =	vadd.s32 v35, v2;
	v8 =	vld.idx.msk [tilespmem:v10+s3+$0x0], $0xffff;
	[tilespmem:s24+$0x0] =	vst v11  }
0x227: {  	v11 =	vld [tilespmem:$0x1FD40]  }
0x228: {  	v14 =	vadd.s32 v54, v51;
	v10 =	vld [tilespmem:$0x1FBC0]  }
0x229: {  	v9 =	vld.idx.msk [tilespmem:v12+s3+$0x0], $0xffff;
	[tilespmem:s26+$0xFFFFFF70] =	vst v13  }
0x22a: {  	v12 =	vld [tilespmem:$0x1FD90];
	[tilespmem:s28+$0xFFFFFEE0] =	vst v15  }
0x22b: {  	v13 =	vld.idx.msk [tilespmem:v2+s3+$0x0], $0xffff;
	[tilespmem:s10+$0xFFFFFE50] =	vst v16  }
0x22c: {  	v2 =	vld [tilespmem:$0x1FEE0]  }
0x22d: {  	v10 =	vadd.s32 v11, v10;
	v11 =	vld.idx.msk [tilespmem:v14+s3+$0x0], $0xffff;
	_ =	sdelay $0x1  }
0x22e: {  	v15 =	vld.idx.msk [tilespmem:v17+s3+$0x0], $0xffff;
	[tilespmem:$0x1F810] =	vst v48  }
0x22f: {  	[tilespmem:s22+$0x130] =	vst v8  }
0x230: {  	v16 =	vadd.s32 v18, v48;
	v3 =	vadd.s32 s25, v3;
	v18 =	vadd.s32 v2, v41;
	v2 =	vld [tilespmem:$0x1FF70];
	[tilespmem:s23+$0xA0] =	vst v9  }
0x231: {  	v12 =	vadd.s32 v12, v59;
	v8 =	vld.idx.msk [tilespmem:v10+s3+$0x0], $0xffff;
	[tilespmem:s24+$0x10] =	vst v11  }
0x232: {  	v14 =	vadd.s32 v45, v37;
	v48 =	vld [tilespmem:$0x1FD30]  }
0x233: {  	v10 =	vld [tilespmem:$0x1FBA0];
	_ =	sdelay $0x1  }
0x234: {  	v17 =	vld.idx.msk [tilespmem:v3+s3+$0x0], $0xffff  }
0x235: {  	v9 =	vld.idx.msk [tilespmem:v12+s3+$0x0], $0xffff  }
0x236: {  	[tilespmem:s26+$0xFFFFFF80] =	vst v13;
	v11 =	vld.idx.msk [tilespmem:v14+s3+$0x0], $0xffff;
	v2 =	vadd.s32 s25, v2  }
0x237: {  	v54 =	vld [tilespmem:$0x1F9C0];
	v10 =	vadd.s32 v48, v10  }
0x238: {  	[tilespmem:s28+$0xFFFFFEF0] =	vst v15;
	v13 =	vld.idx.msk [tilespmem:v16+s3+$0x0], $0xffff  }
0x239: {  	v14 =	vld [tilespmem:$0x1FC10];
	[tilespmem:s10+$0xFFFFFE60] =	vst v17  }
0x23a: {  	v18 =	vld.idx.msk [tilespmem:v18+s3+$0x0], $0xffff;
	[tilespmem:s22+$0x140] =	vst v8  }
0x23b: {  	v35 =	vmov v30;
	v17 =	vld.idx.msk [tilespmem:v2+s3+$0x0], $0xffff;
	[tilespmem:$0x1F820] =	vst v36  }
0x23c: {  	v30 =	vmovc v42;
	v42 =	vmov v27;
	v27 =	vand.u32 $0xFFFFFF80, v0;
	v0 =	vadd.s32 v49, v36;
	[tilespmem:s23+$0xB0] =	vst v9;
	v9 =	vld.idx.msk [tilespmem:v10+s3+$0x0], $0xffff  }
0x23d: {  	v8 =	vld [tilespmem:$0x1FF60];
	[tilespmem:s24+$0x20] =	vst v11  }
0x23e: {  	[tilespmem:s26+$0xFFFFFF90] =	vst v13  }
0x23f: {  	v13 =	vld [tilespmem:$0x1FD80];
	[tilespmem:s28+$0xFFFFFF00] =	vst v18  }
0x240: {  	[tilespmem:s10+$0xFFFFFE70] =	vst v17  }
0x241: {  	v12 =	vadd.s32 v57, v54;
	v22 =	vld.idx.msk [tilespmem:v0+s3+$0x0], $0xffff;
	[tilespmem:s22+$0x150] =	vst v9  }
0x242: {  	v0 =	vld [tilespmem:$0x1FDE0];
	_ =	sdelay $0x3  }
0x243: {  	v15 =	vadd.s32 v14, v20;
	v10 =	vld.idx.msk [tilespmem:v12+s3+$0x0], $0xffff  }
0x244: {  	v34 =	vmov v51;
	v51 =	vadd.s32 v0, v52;
	v0 =	vld [tilespmem:$0x1FE30]  }
0x245: {  	v11 =	vadd.s32 v62, v26;
	_ =	sdelay $0x1  }
0x246: {  	v16 =	vadd.s32 v58, v47  }
0x247: {  	v12 =	vld.idx.msk [tilespmem:v15+s3+$0x0], $0xffff;
	v8 =	vadd.s32 v8, v27;
	[tilespmem:s23+$0xC0] =	vst v10  }
0x248: {  	v26 =	vadd.s32 v0, v19;
	v0 =	vld [tilespmem:$0x1FEC0]  }
0x249: {  	v13 =	vadd.s32 v13, v56;
	v17 =	vld.idx.msk [tilespmem:v11+s3+$0x0], $0xffff;
	_ =	sdelay $0x1  }
0x24a: {  	v1 =	vand.u32 $0xFFFFFF80, v1;
	v16 =	vld.idx.msk [tilespmem:v16+s3+$0x0], $0xffff  }
0x24b: {  	v46 =	vld.idx.msk [tilespmem:v8+s3+$0x0], $0xffff;
	[tilespmem:$0x1F830] =	vst v1  }
0x24c: {  	v11 =	vadd.s32 v0, v31;
	v0 =	vld [tilespmem:$0x1FF50];
	[tilespmem:s24+$0x30] =	vst v12  }
0x24d: {  	v14 =	vmov v47;
	v18 =	vld.idx.msk [tilespmem:v13+s3+$0x0], $0xffff;
	[tilespmem:$0x1F840] =	vst v17  }
0x24e: {  	[tilespmem:$0x1F850] =	vst v14  }
0x24f: {  	[tilespmem:$0x1F860] =	vst v19  }
0x250: {  	[tilespmem:$0x1F870] =	vst v41  }
0x251: {  	[tilespmem:$0x1F880] =	vst v44  }
0x252: {  	[tilespmem:$0x1F890] =	vst v18  }
0x253: {  	[tilespmem:$0x1F8A0] =	vst v33  }
0x254: {  	[tilespmem:$0x1F8B0] =	vst v31  }
0x255: {  	p0 =	por $0x1, $0x1;
	[tilespmem:$0x1F8C0] =	vst v50;
	v53 =	vadd.s32 v0, v1;
	v0 =	vld [tilespmem:$0x1FC80]  }
.Ltmp9:
0x256: {  	[tilespmem:$0x1F8D0] =	vst v51;
	(pc) =	sbr.rel @!p0 .LBB2_17-.Ltmp9, $4  }
0x257: {  	p6 =	por $0x1, $0x1;
	[tilespmem:$0x1F8E0] =	vst v16  }
0x258: {  	s1 =	simm.s32 @!p6 $0x0;
	[tilespmem:$0x1F8F0] =	vst v22  }
0x259: {  	s1 =	simm.s32 @p6 $0x1;
	[tilespmem:$0x1F900] =	vst v26  }
0x25a: {  	s25 =	simm.s32 $0xE000;
	v47 =	vmovc v32;
	v56 =	vmov v25;
	v25 =	vmov v33;
	[smem:$0x7FC] =	sst s1;
	[tilespmem:$0x1F910] =	vst v11;
	v0 =	vadd.s32 s0, v0  }
0x25b: {  	_ = 	snop  }
0x25c: {  	[tilespmem:s26+$0xFFFFFFA0] =	vst v16  }
0x25d: {  	v1 =	vld [tilespmem:$0x1FD10]  }
0x25e: {  	v32 =	vmov v52;
	v52 =	vld [tilespmem:$0x1FB40]  }
0x25f: {  	v8 =	vld.idx.msk [tilespmem:v51+s3+$0x0], $0xffff;
	[tilespmem:s28+$0xFFFFFF10] =	vst v22  }
0x260: {  	v10 =	vld [tilespmem:$0x1F9F0]  }
0x261: {  	v16 =	vld.idx.msk [tilespmem:v0+s3+$0x0], $0xffff;
	[tilespmem:s10+$0xFFFFFE80] =	vst v46  }
0x262: {  	v12 =	vld [tilespmem:$0x1FDD0]  }
0x263: {  	v9 =	vld.idx.msk [tilespmem:v26+s3+$0x0], $0xffff;
	v1 =	vadd.s32 v1, v52  }
0x264: {  	v11 =	vld.idx.msk [tilespmem:v11+s3+$0x0], $0xffff  }
0x265: {  	v58 =	vld [tilespmem:$0x1F7C0];
	[tilespmem:s22+$0x160] =	vst v17;
	v10 =	vadd.s32 v29, v10  }
0x266: {  	v17 =	vld [tilespmem:$0x1FF40]  }
0x267: {  	v13 =	vld.idx.msk [tilespmem:v53+s3+$0x0], $0xffff;
	v12 =	vadd.s32 v12, v30  }
0x268: {  	[tilespmem:s23+$0xD0] =	vst v18;
	v18 =	vld.idx.msk [tilespmem:v1+s3+$0x0], $0xffff  }
0x269: {  	v19 =	vadd.s32 v40, v44;
	v1 =	vld [tilespmem:$0x1FFD0];
	[tilespmem:s24+$0x40] =	vst v8  }
0x26a: {  	v53 =	vand.u32 $0xFFFFFF80, v7;
	v7 =	vadd.s32 v23, v58;
	[tilespmem:s26+$0xFFFFFFB0] =	vst v9;
	v8 =	vld.idx.msk [tilespmem:v10+s3+$0x0], $0xffff  }
0x26b: {  	v17 =	vadd.s32 v17, v53;
	v10 =	vld [tilespmem:$0x1FD00]  }
0x26c: {  	v9 =	vld.idx.msk [tilespmem:v12+s3+$0x0], $0xffff  }
0x26d: {  	v12 =	vld [tilespmem:$0x1FB70]  }
0x26e: {  	[tilespmem:s28+$0xFFFFFF20] =	vst v11;
	v11 =	vld.idx.msk [tilespmem:v19+s3+$0x0], $0xffff  }
0x26f: {  	s29 =	simm.s32 $0x17E00;
	[tilespmem:s10+$0xFFFFFE90] =	vst v13;
	v13 =	vld.idx.msk [tilespmem:v7+s3+$0x0], $0xffff;
	v61 =	vadd.s32 s0, v1  }
0x270: {  	[tilespmem:s29+$0xFFFFFE00] =	vst v16;
	v16 =	vld.idx.msk [tilespmem:v17+s3+$0x0], $0xffff  }
0x271: {  	v7 =	vand.u32 $0xFFFFFF80, v6;
	v6 =	vld [tilespmem:$0x1FEB0]  }
0x272: {  	v1 =	vld [tilespmem:$0x1FFE0];
	v10 =	vadd.s32 v10, v12;
	v12 =	vadd.s32 v60, v39  }
0x273: {  	v39 =	vld [tilespmem:$0x1F7D0];
	[tilespmem:s22+$0x170] =	vst v18  }
0x274: {  	v26 =	vmov v20;
	v20 =	vld.idx.msk [tilespmem:v61+s3+$0x0], $0xffff;
	[tilespmem:$0x1F710] =	vst v7  }
0x275: {  	v15 =	vmov v24;
	[tilespmem:s23+$0xE0] =	vst v8  }
0x276: {  	v24 =	vadd.s32 v43, v35;
	v18 =	vadd.s32 v15, v7;
	v7 =	vld [tilespmem:$0x1FFC0];
	[tilespmem:s24+$0x50] =	vst v9  }
0x277: {  	v9 =	vld.idx.msk [tilespmem:v12+s3+$0x0], $0xffff;
	[tilespmem:s26+$0xFFFFFFC0] =	vst v11  }
0x278: {  	v11 =	vld [tilespmem:$0x1FB50]  }
0x279: {  	v12 =	vld [tilespmem:$0x1FCF0]  }
0x27a: {  	v8 =	vld.idx.msk [tilespmem:v10+s3+$0x0], $0xffff;
	[tilespmem:s28+$0xFFFFFF30] =	vst v13  }
0x27b: {  	v6 =	vadd.s32 v6, v39;
	v10 =	vld.idx.msk [tilespmem:v24+s3+$0x0], $0xffff;
	[tilespmem:s10+$0xFFFFFEA0] =	vst v16  }
0x27c: {  	v23 =	vadd.s32 v1, v25;
	v18 =	vld.idx.msk [tilespmem:v18+s3+$0x0], $0xffff;
	[tilespmem:s29+$0xFFFFFE10] =	vst v20  }
0x27d: {  	v1 =	vld [tilespmem:$0x1FE20];
	v7 =	vadd.s32 s0, v7  }
0x27e: {  	v57 =	vld [tilespmem:$0x1F990];
	v11 =	vadd.s32 v12, v11  }
0x27f: {  	v17 =	vadd.s32 v63, v55;
	v63 =	vmov v45;
	v45 =	vmov v41;
	v41 =	vld [tilespmem:$0x1F7E0]  }
0x280: {  	v13 =	vadd.s32 v42, v47;
	v16 =	vld.idx.msk [tilespmem:v6+s3+$0x0], $0xffff  }
0x281: {  	v6 =	vand.u32 $0xFFFFFF80, v5;
	[tilespmem:s22+$0x180] =	vst v8;
	v12 =	vld.idx.msk [tilespmem:v23+s3+$0x0], $0xffff  }
0x282: {  	v19 =	vld.idx.msk [tilespmem:v7+s3+$0x0], $0xffff;
	[tilespmem:$0x1F720] =	vst v6  }
0x283: {  	[tilespmem:s23+$0xF0] =	vst v9;
	v9 =	vld.idx.msk [tilespmem:v11+s3+$0x0], $0xffff  }
0x284: {  	v8 =	vadd.s32 v56, v6;
	v5 =	vadd.s32 v21, v41;
	v6 =	vld [tilespmem:$0x1FFB0]  }
0x285: {  	[tilespmem:s24+$0x60] =	vst v10;
	v10 =	vld.idx.msk [tilespmem:v13+s3+$0x0], $0xffff  }
0x286: {  	[tilespmem:s26+$0xFFFFFFD0] =	vst v12;
	v11 =	vld.idx.msk [tilespmem:v17+s3+$0x0], $0xffff  }
0x287: {  	v12 =	vld [tilespmem:$0x1FBB0]  }
0x288: {  	v13 =	vld [tilespmem:$0x1FCE0];
	[tilespmem:s28+$0xFFFFFF40] =	vst v16  }
0x289: {  	[tilespmem:s10+$0xFFFFFEB0] =	vst v18;
	v17 =	vld.idx.msk [tilespmem:v5+s3+$0x0], $0xffff  }
0x28a: {  	v20 =	vmov v30;
	v30 =	vld [tilespmem:$0x1F9B0]  }
0x28b: {  	v23 =	vadd.s32 v1, v57;
	v1 =	vld [tilespmem:$0x1FDA0];
	[tilespmem:s29+$0xFFFFFE20] =	vst v19  }
0x28c: {  	v5 =	vld [tilespmem:$0x1FC00];
	_ =	sdelay $0x2  }
0x28d: {  	v22 =	vld [tilespmem:$0x1F7F0]  }
0x28e: {  	v6 =	vadd.s32 s0, v6;
	v12 =	vadd.s32 v13, v12;
	v13 =	vld.idx.msk [tilespmem:v23+s3+$0x0], $0xffff  }
0x28f: {  	v23 =	vadd.s32 v5, v50;
	v50 =	vmov v14;
	v14 =	vand.u32 $0xFFFFFF80, v4;
	v4 =	vld [tilespmem:$0x1FE80];
	[tilespmem:s22+$0x190] =	vst v9  }
0x290: {  	v5 =	vld [tilespmem:$0x1FF10];
	_ =	sdelay $0x1  }
0x291: {  	v8 =	vld.idx.msk [tilespmem:v8+s3+$0x0], $0xffff  }
0x292: {  	v21 =	vld.idx.msk [tilespmem:v6+s3+$0x0], $0xffff;
	[tilespmem:$0x1F730] =	vst v14  }
0x293: {  	[tilespmem:s23+$0x100] =	vst v10  }
0x294: {  	v9 =	vadd.s32 v5, v14;
	v5 =	vld [tilespmem:$0x1FFA0];
	[tilespmem:s24+$0x70] =	vst v11  }
0x295: {  	v4 =	vadd.s32 v4, v22;
	[tilespmem:s26+$0xFFFFFFE0] =	vst v13  }
0x296: {  	v13 =	vld [tilespmem:$0x1FBD0]  }
0x297: {  	v14 =	vld [tilespmem:$0x1FCD0];
	[tilespmem:s28+$0xFFFFFF50] =	vst v17  }
0x298: {  	v29 =	vld [tilespmem:$0x1FB60]  }
0x299: {  	v18 =	vadd.s32 v1, v30;
	v43 =	vld [tilespmem:$0x1FC60]  }
0x29a: {  	[tilespmem:s10+$0xFFFFFEC0] =	vst v8;
	v8 =	vld.idx.msk [tilespmem:v4+s3+$0x0], $0xffff  }
0x29b: {  	v4 =	vld [tilespmem:$0x1FC20];
	_ =	sdelay $0x1  }
0x29c: {  	v16 =	vadd.s32 v28, v38;
	v10 =	vld.idx.msk [tilespmem:v12+s3+$0x0], $0xffff  }
0x29d: {  	v12 =	vld.idx.msk [tilespmem:v18+s3+$0x0], $0xffff;
	[tilespmem:s29+$0xFFFFFE30] =	vst v21  }
0x29e: {  	v40 =	vmov v37;
	v37 =	vld [tilespmem:$0x1F9D0]  }
0x29f: {  	v18 =	vadd.s32 v4, v34;
	v4 =	vld [tilespmem:$0x1FE10];
	_ =	sdelay $0x1  }
0x2a0: {  	v11 =	vld.idx.msk [tilespmem:v16+s3+$0x0], $0xffff  }
0x2a1: {  	v15 =	vand.u32 $0xFFFFFF80, v3;
	v5 =	vadd.s32 s0, v5;
	v3 =	vld [tilespmem:$0x1FE70]  }
0x2a2: {  	v55 =	vmov v44;
	v44 =	vld [tilespmem:$0x1F800];
	[tilespmem:s22+$0x1A0] =	vst v10  }
0x2a3: {  	v21 =	vadd.s32 v4, v37;
	v4 =	vld [tilespmem:$0x1FF00]  }
0x2a4: {  	v16 =	vld.idx.msk [tilespmem:v23+s3+$0x0], $0xffff;
	v13 =	vadd.s32 v14, v13  }
0x2a5: {  	v9 =	vld.idx.msk [tilespmem:v9+s3+$0x0], $0xffff  }
0x2a6: {  	v23 =	vld.idx.msk [tilespmem:v5+s3+$0x0], $0xffff;
	[tilespmem:$0x1F740] =	vst v15  }
0x2a7: {  	[tilespmem:s23+$0x110] =	vst v11  }
0x2a8: {  	v10 =	vadd.s32 v4, v15;
	v4 =	vld [tilespmem:$0x1FF90];
	[tilespmem:s24+$0x80] =	vst v12  }
0x2a9: {  	v3 =	vadd.s32 v3, v44;
	v11 =	vld.idx.msk [tilespmem:v13+s3+$0x0], $0xffff;
	[tilespmem:s26+$0xFFFFFFF0] =	vst v16  }
0x2aa: {  	v15 =	vld [tilespmem:$0x1FBC0]  }
0x2ab: {  	v16 =	vld [tilespmem:$0x1FCC0];
	[tilespmem:s28+$0xFFFFFF60] =	vst v8  }
0x2ac: {  	v51 =	vld [tilespmem:$0x1FC70]  }
0x2ad: {  	v28 =	vld [tilespmem:$0x1FA00]  }
0x2ae: {  	v59 =	vmov v31;
	v17 =	vadd.s32 v43, v29;
	[tilespmem:s10+$0xFFFFFED0] =	vst v9;
	v31 =	vld.idx.msk [tilespmem:v3+s3+$0x0], $0xffff  }
0x2af: {  	v3 =	vld [tilespmem:$0x1FC30];
	[tilespmem:s29+$0xFFFFFE40] =	vst v23  }
0x2b0: {  	v24 =	vld [tilespmem:$0x1F810]  }
0x2b1: {  	v9 =	vld [tilespmem:$0x1FE00];
	_ =	sdelay $0x1  }
0x2b2: {  	v12 =	vld.idx.msk [tilespmem:v17+s3+$0x0], $0xffff  }
0x2b3: {  	v13 =	vld.idx.msk [tilespmem:v18+s3+$0x0], $0xffff  }
0x2b4: {  	v33 =	vmov v25;
	v25 =	vand.u32 $0xFFFFFF80, v2;
	v2 =	vld [tilespmem:$0x1FE60];
	[tilespmem:s22+$0x1B0] =	vst v11  }
0x2b5: {  	v18 =	vadd.s32 v9, v24;
	v9 =	vld [tilespmem:$0x1FEF0]  }
0x2b6: {  	v4 =	vadd.s32 s0, v4  }
0x2b7: {  	v16 =	vadd.s32 v16, v15  }
0x2b8: {  	v8 =	vld.idx.msk [tilespmem:v21+s3+$0x0], $0xffff;
	v17 =	vadd.s32 v51, v28  }
0x2b9: {  	v10 =	vld.idx.msk [tilespmem:v10+s3+$0x0], $0xffff;
	[tilespmem:s23+$0x120] =	vst v12  }
0x2ba: {  	v11 =	vadd.s32 v9, v25;
	v9 =	vld [tilespmem:$0x1FF80]  }
0x2bb: {  	v3 =	vadd.s32 v3, v40;
	v21 =	vld.idx.msk [tilespmem:v4+s3+$0x0], $0xffff  }
0x2bc: {  	v12 =	vld.idx.msk [tilespmem:v16+s3+$0x0], $0xffff;
	[tilespmem:s24+$0x90] =	vst v13  }
0x2bd: {  	v2 =	vadd.s32 v2, v45;
	v13 =	vld.idx.msk [tilespmem:v17+s3+$0x0], $0xffff;
	[tilespmem:s26+$0x0] =	vst v8  }
0x2be: {  	v8 =	vld [tilespmem:$0x1FBA0]  }
0x2bf: {  	v19 =	vadd.s32 s0, v9;
	v9 =	vld [tilespmem:$0x1FCB0]  }
0x2c0: {  	v3 =	vld.idx.msk [tilespmem:v3+s3+$0x0], $0xffff;
	[tilespmem:s28+$0xFFFFFF70] =	vst v31  }
0x2c1: {  	v36 =	vmov v54;
	v54 =	vld [tilespmem:$0x1FD40]  }
0x2c2: {  	[tilespmem:s10+$0xFFFFFEE0] =	vst v10;
	v10 =	vld.idx.msk [tilespmem:v2+s3+$0x0], $0xffff  }
0x2c3: {  	v2 =	vld [tilespmem:$0x1FD90]  }
0x2c4: {  	v31 =	vld.idx.msk [tilespmem:v18+s3+$0x0], $0xffff;
	v8 =	vadd.s32 v9, v8  }
0x2c5: {  	[tilespmem:s29+$0xFFFFFE50] =	vst v21;
	v11 =	vld.idx.msk [tilespmem:v11+s3+$0x0], $0xffff  }
0x2c6: {  	v15 =	vld [tilespmem:$0x1FE50];
	v16 =	vadd.s32 v54, v36  }
0x2c7: {  	v36 =	vld [tilespmem:$0x1F820];
	[tilespmem:s22+$0x1C0] =	vst v12  }
0x2c8: {  	v2 =	vadd.s32 v2, v26;
	v12 =	vld [tilespmem:$0x1FEE0]  }
0x2c9: {  	[tilespmem:s23+$0x130] =	vst v13;
	v13 =	vld.idx.msk [tilespmem:v8+s3+$0x0], $0xffff  }
0x2ca: {  	v8 =	vld [tilespmem:$0x1FF70];
	[tilespmem:s24+$0xA0] =	vst v3  }
0x2cb: {  	[tilespmem:s26+$0x10] =	vst v31;
	v3 =	vld.idx.msk [tilespmem:v16+s3+$0x0], $0xffff  }
0x2cc: {  	v16 =	vld [tilespmem:$0x1FB90]  }
0x2cd: {  	v31 =	vld.idx.msk [tilespmem:v2+s3+$0x0], $0xffff  }
0x2ce: {  	v2 =	vld [tilespmem:$0x1FCA0]  }
0x2cf: {  	v23 =	vld.idx.msk [tilespmem:v19+s3+$0x0], $0xffff;
	_ =	sdelay $0x1  }
0x2d0: {  	v17 =	vadd.s32 v63, v50;
	[tilespmem:s28+$0xFFFFFF80] =	vst v10  }
0x2d1: {  	v9 =	vld [tilespmem:$0x1F9A0];
	[tilespmem:s10+$0xFFFFFEF0] =	vst v11  }
0x2d2: {  	v16 =	vadd.s32 v2, v16;
	v2 =	vld [tilespmem:$0x1FC40]  }
0x2d3: {  	v18 =	vadd.s32 v15, v36;
	[tilespmem:s29+$0xFFFFFE60] =	vst v23  }
0x2d4: {  	v11 =	vld [tilespmem:$0x1FE40]  }
0x2d5: {  	v10 =	vld.idx.msk [tilespmem:v17+s3+$0x0], $0xffff  }
0x2d6: {  	v12 =	vadd.s32 v12, v27;
	v42 =	vld [tilespmem:$0x1F860]  }
0x2d7: {  	v21 =	vadd.s32 v2, v32;
	v2 =	vld [tilespmem:$0x1FC10]  }
0x2d8: {  	v8 =	vadd.s32 s0, v8;
	v18 =	vld.idx.msk [tilespmem:v18+s3+$0x0], $0xffff;
	[tilespmem:s22+$0x1D0] =	vst v13  }
0x2d9: {  	v26 =	vmov v27;
	v27 =	vadd.s32 v11, v59;
	v11 =	vand.u32 $0xFFFFFF80, v0;
	v0 =	vld [tilespmem:$0x1F830];
	[tilespmem:s23+$0x140] =	vst v3  }
0x2da: {  	v17 =	vadd.s32 v48, v9;
	v13 =	vld [tilespmem:$0x1FF60];
	[tilespmem:s24+$0xB0] =	vst v31  }
0x2db: {  	v14 =	vmov v47;
	v12 =	vld.idx.msk [tilespmem:v12+s3+$0x0], $0xffff;
	[tilespmem:s26+$0x20] =	vst v10  }
0x2dc: {  	v23 =	vadd.s32 v2, v42;
	v2 =	vmov v14;
	v14 =	vld [tilespmem:$0x1FC90]  }
0x2dd: {  	v56 =	vld.idx.msk [tilespmem:v8+s3+$0x0], $0xffff  }
0x2de: {  	v3 =	vld.idx.msk [tilespmem:v16+s3+$0x0], $0xffff  }
0x2df: {  	v31 =	vld.idx.msk [tilespmem:v17+s3+$0x0], $0xffff;
	v0 =	vadd.s32 v49, v0  }
0x2e0: {  	[tilespmem:s28+$0xFFFFFF90] =	vst v18  }
0x2e1: {  	v16 =	vadd.s32 v14, v52;
	v52 =	vld [tilespmem:$0x1F9F0];
	[tilespmem:s10+$0xFFFFFF00] =	vst v12  }
0x2e2: {  	v12 =	vld [tilespmem:$0x1FD80];
	[tilespmem:s29+$0xFFFFFE70] =	vst v56  }
0x2e3: {  	[tilespmem:s22+$0x1E0] =	vst v3  }
0x2e4: {  	v56 =	vld.idx.msk [tilespmem:v0+s3+$0x0], $0xffff;
	[tilespmem:s23+$0x150] =	vst v31  }
0x2e5: {  	v0 =	vld [tilespmem:$0x1FDE0];
	_ =	sdelay $0x3  }
0x2e6: {  	v10 =	vld.idx.msk [tilespmem:v21+s3+$0x0], $0xffff  }
0x2e7: {  	v51 =	vadd.s32 v0, v55;
	v0 =	vld [tilespmem:$0x1FE30];
	_ =	sdelay $0x3  }
0x2e8: {  	v13 =	vadd.s32 v13, v11;
	[tilespmem:s24+$0xC0] =	vst v10  }
0x2e9: {  	v48 =	vadd.s32 v0, v58;
	v0 =	vld [tilespmem:$0x1FEC0];
	_ =	sdelay $0x2  }
0x2ea: {  	v17 =	vld.idx.msk [tilespmem:v23+s3+$0x0], $0xffff;
	v18 =	vadd.s32 v62, v52  }
0x2eb: {  	v46 =	vld.idx.msk [tilespmem:v13+s3+$0x0], $0xffff;
	v12 =	vadd.s32 v12, v20  }
0x2ec: {  	p6 =	por $0x1, $0x1;
	v13 =	vand.u32 $0xFFFFFF80, v61;
	v61 =	vadd.s32 v0, v53;
	v0 =	vld [tilespmem:$0x1FF50]  }
0x2ed: {  	s0 =	simm.s32 @!p6 $0x0;
	v60 =	vld.idx.msk [tilespmem:v27+s3+$0x0], $0xffff  }
0x2ee: {  	s0 =	simm.s32 @p6 $0x1;
	v62 =	vld.idx.msk [tilespmem:v16+s3+$0x0], $0xffff  }
0x2ef: {  	v49 =	vld.idx.msk [tilespmem:v18+s3+$0x0], $0xffff;
	[smem:$0x7FD] =	sst s0  }
0x2f0: {  	v63 =	vld.idx.msk [tilespmem:v12+s3+$0x0], $0xffff  }
0x2f1: {  	v15 =	vmov v53;
	v53 =	vadd.s32 v0, v13;
	v0 =	vld [tilespmem:$0x1FC80];
	[tilespmem:s26+$0x30] =	vst v17  }
0x2f2: {  	v1 =	vld [tilespmem:$0x1FA20]  }
0x2f3: {  	p0 =	por $0x0, $0x0;
	v35 =	vld [tilespmem:$0x1FA60]  }
.Ltmp10:
0x2f4: {  	v12 =	vld [tilespmem:$0x1FA70];
	(pc) =	sbr.rel @!p0 .LBB2_19-.Ltmp10, $4  }
0x2f5: {  	v47 =	vmovc v50;
	v43 =	vmov v55;
	v27 =	vmov v30;
	v30 =	vmov v41;
	v41 =	vld [tilespmem:$0x1F8C0]  }
0x2f6: {  	v32 =	vmovc v37;
	v37 =	vmovc v34;
	v34 =	vmov v29;
	v21 =	vmov v45;
	v45 =	vmov v36;
	v29 =	vld [tilespmem:$0x1FA40]  }
0x2f7: {  	s11 =	simm.s32 $0x10000;
	s31 =	simm.s32 $0x17600;
	s1 =	simm.s32 $0x16A00;
	v36 =	vmovc v22;
	v14 =	vmovc v59;
	v59 =	vmov v58;
	v3 =	vmov v33;
	v33 =	vmov v2;
	v23 =	vld [tilespmem:$0x1F9C0]  }
0x2f8: {  	s30 =	simm.s32 $0x16E00;
	s9 =	simm.s32 $0x17200;
	v16 =	vmovc v57;
	v10 =	vmovc v24;
	s0 =	simm.s32 $0x16600;
	v18 =	vmov v20;
	v17 =	vmov v9;
	v31 =	vld [tilespmem:$0x1FA80];
	v0 =	vadd.s32 s25, v0  }
.LBB2_20:
0x2f9: {  	v2 =	vld [tilespmem:$0x1FD10];
	_ =	sdelay $0x4  }
0x2fa: {  	[tilespmem:s31+$0xFFFFFFA0] =	vst v60;
	v60 =	vadd.s32 v2, v1;
	v2 =	vld [tilespmem:$0x1FC50];
	_ =	sdelay $0x3  }
0x2fb: {  	v51 =	vld.idx.msk [tilespmem:v51+s3+$0x0], $0xffff  }
0x2fc: {  	[tilespmem:s10+$0xFFFFFF10] =	vst v56;
	v56 =	vadd.s32 v2, v35;
	v2 =	vld [tilespmem:$0x1FDD0];
	_ =	sdelay $0x2  }
0x2fd: {  	v48 =	vld.idx.msk [tilespmem:v48+s3+$0x0], $0xffff;
	[tilespmem:s29+$0xFFFFFE80] =	vst v46  }
0x2fe: {  	v46 =	vld.idx.msk [tilespmem:v61+s3+$0x0], $0xffff  }
0x2ff: {  	v61 =	vadd.s32 v2, v3;
	v2 =	vld [tilespmem:$0x1FEA0];
	_ =	sdelay $0x1  }
0x300: {  	v53 =	vld.idx.msk [tilespmem:v53+s3+$0x0], $0xffff;
	[tilespmem:s0+$0x1F0] =	vst v62  }
0x301: {  	v62 =	vld.idx.msk [tilespmem:v0+s3+$0x0], $0xffff  }
0x302: {  	[tilespmem:$0x1F700] =	vst v0;
	v0 =	vld [tilespmem:$0x1F710]  }
0x303: {  	v54 =	vadd.s32 v2, v39;
	v2 =	vld [tilespmem:$0x1FFF0];
	_ =	sdelay $0x4  }
0x304: {  	v55 =	vand.u32 $0xFFFFFF80, v7;
	v7 =	vadd.s32 v2, v0;
	v2 =	vld [tilespmem:$0x1FF40];
	_ =	sdelay $0x4  }
0x305: {  	v57 =	vadd.s32 v2, v55;
	v2 =	vld [tilespmem:$0x1FFD0];
	_ =	sdelay $0x3  }
0x306: {  	s0 =	smov.u32 s1  }
0x307: {  	[tilespmem:s0+$0x160] =	vst v49;
	v49 =	vadd.s32 s25, v2;
	v2 =	vld [tilespmem:$0x1FD00];
	_ =	sdelay $0x3  }
0x308: {  	s1 =	smov.u32 s30  }
0x309: {  	s30 =	smov.u32 s9;
	[tilespmem:s1+$0xD0] =	vst v63;
	v50 =	vadd.s32 v2, v33;
	v2 =	vld [tilespmem:$0x1FD70]  }
0x30a: {  	s9 =	smov.u32 s31;
	v60 =	vld.idx.msk [tilespmem:v60+s3+$0x0], $0xffff;
	[tilespmem:s30+$0x40] =	vst v51  }
0x30b: {  	s31 =	smov.u32 s10;
	v51 =	vld.idx.msk [tilespmem:v56+s3+$0x0], $0xffff;
	[tilespmem:s9+$0xFFFFFFB0] =	vst v48  }
0x30c: {  	v48 =	vld.idx.msk [tilespmem:v61+s3+$0x0], $0xffff;
	[tilespmem:s31+$0xFFFFFF20] =	vst v46  }
0x30d: {  	v46 =	vld.idx.msk [tilespmem:v54+s3+$0x0], $0xffff  }
0x30e: {  	v54 =	vadd.s32 v2, v12;
	v2 =	vld [tilespmem:$0x1FDC0];
	_ =	sdelay $0x4  }
0x30f: {  	v24 =	vmov v27;
	v27 =	vmov v32;
	v32 =	vadd.s32 v2, v16;
	v2 =	vld [tilespmem:$0x1FFE0];
	_ =	sdelay $0x3  }
0x310: {  	v33 =	vmov v21;
	v21 =	vmov v26;
	v26 =	vld [tilespmem:$0x1F720]  }
0x311: {  	v58 =	vadd.s32 v2, v30;
	v2 =	vld [tilespmem:$0x1FEB0];
	_ =	sdelay $0x4  }
0x312: {  	s10 =	smov.u32 s29;
	v63 =	vand.u32 $0xFFFFFF80, v6;
	v6 =	vadd.s32 v2, v26;
	v2 =	vld [tilespmem:$0x1FF30]  }
0x313: {  	s29 =	sadd.s32 $0x400, s29;
	[tilespmem:s10+$0xFFFFFE90] =	vst v53  }
0x314: {  	v22 =	vmov v11;
	v11 =	vld.idx.msk [tilespmem:v7+s3+$0x0], $0xffff;
	[tilespmem:s29+$0xFFFFFE00] =	vst v62  }
0x315: {  	v57 =	vld.idx.msk [tilespmem:v57+s3+$0x0], $0xffff  }
0x316: {  	v62 =	vld.idx.msk [tilespmem:v49+s3+$0x0], $0xffff  }
0x317: {  	[tilespmem:s0+$0x170] =	vst v60;
	v60 =	vadd.s32 v2, v63;
	v2 =	vld [tilespmem:$0x1FFC0];
	_ =	sdelay $0x2  }
0x318: {  	[tilespmem:s1+$0xE0] =	vst v51  }
0x319: {  	v51 =	vld.idx.msk [tilespmem:v50+s3+$0x0], $0xffff  }
0x31a: {  	v50 =	vadd.s32 s25, v2;
	v2 =	vld [tilespmem:$0x1FCF0];
	_ =	sdelay $0x4  }
0x31b: {  	v53 =	vadd.s32 v2, v38;
	v2 =	vld [tilespmem:$0x1FD60];
	_ =	sdelay $0x2  }
0x31c: {  	[tilespmem:s30+$0x50] =	vst v48  }
0x31d: {  	v48 =	vld.idx.msk [tilespmem:v54+s3+$0x0], $0xffff  }
0x31e: {  	v54 =	vadd.s32 v2, v24;
	v2 =	vld [tilespmem:$0x1F830];
	_ =	sdelay $0x4  }
0x31f: {  	v38 =	vmovc v37;
	v37 =	vmov v10;
	v10 =	vmov v45;
	v45 =	vmov v2;
	v2 =	vld [tilespmem:$0x1FDB0];
	_ =	sdelay $0x2  }
0x320: {  	[tilespmem:s9+$0xFFFFFFC0] =	vst v46  }
0x321: {  	v46 =	vld.idx.msk [tilespmem:v32+s3+$0x0], $0xffff  }
0x322: {  	v32 =	vadd.s32 v2, v41;
	v2 =	vld [tilespmem:$0x1FE20]  }
0x323: {  	v9 =	vld [tilespmem:$0x1F730];
	[tilespmem:s31+$0xFFFFFF30] =	vst v11  }
0x324: {  	v11 =	vld.idx.msk [tilespmem:v58+s3+$0x0], $0xffff;
	[tilespmem:s10+$0xFFFFFEA0] =	vst v57  }
0x325: {  	v58 =	vmov v13;
	v13 =	vld.idx.msk [tilespmem:v6+s3+$0x0], $0xffff;
	[tilespmem:s29+$0xFFFFFE10] =	vst v62  }
0x326: {  	v57 =	vld.idx.msk [tilespmem:v60+s3+$0x0], $0xffff  }
0x327: {  	v60 =	vadd.s32 v2, v36;
	v2 =	vld [tilespmem:$0x1FE90];
	_ =	sdelay $0x4  }
0x328: {  	v62 =	vand.u32 $0xFFFFFF80, v5;
	v5 =	vadd.s32 v2, v9;
	v2 =	vld [tilespmem:$0x1FF20];
	_ =	sdelay $0x3  }
0x329: {  	v61 =	vld.idx.msk [tilespmem:v50+s3+$0x0], $0xffff  }
0x32a: {  	[tilespmem:s0+$0x180] =	vst v51;
	v51 =	vadd.s32 v2, v62;
	v2 =	vld [tilespmem:$0x1FFB0];
	_ =	sdelay $0x4  }
0x32b: {  	v7 =	vadd.s32 s25, v2;
	v2 =	vld [tilespmem:$0x1FCE0];
	_ =	sdelay $0x2  }
0x32c: {  	[tilespmem:s1+$0xF0] =	vst v48  }
0x32d: {  	v48 =	vld.idx.msk [tilespmem:v53+s3+$0x0], $0xffff  }
0x32e: {  	v53 =	vadd.s32 v2, v34;
	v2 =	vld [tilespmem:$0x1FD50];
	_ =	sdelay $0x2  }
0x32f: {  	[tilespmem:s30+$0x60] =	vst v46  }
0x330: {  	v46 =	vld.idx.msk [tilespmem:v54+s3+$0x0], $0xffff  }
0x331: {  	v54 =	vadd.s32 v2, v38;
	v2 =	vld [tilespmem:$0x1FDA0];
	_ =	sdelay $0x4  }
0x332: {  	v56 =	vadd.s32 v2, v27;
	v2 =	vld [tilespmem:$0x1FC00];
	_ =	sdelay $0x1  }
0x333: {  	[tilespmem:s9+$0xFFFFFFD0] =	vst v11  }
0x334: {  	v11 =	vld.idx.msk [tilespmem:v32+s3+$0x0], $0xffff  }
0x335: {  	v34 =	vmovc v40;
	v40 =	vmov v47;
	v47 =	vmov v14;
	v14 =	vmov v15;
	v15 =	vld [tilespmem:$0x1F740]  }
0x336: {  	v32 =	vadd.s32 v2, v44;
	v2 =	vld [tilespmem:$0x1FE80];
	_ =	sdelay $0x1  }
0x337: {  	[tilespmem:s31+$0xFFFFFF40] =	vst v13  }
0x338: {  	v13 =	vld.idx.msk [tilespmem:v60+s3+$0x0], $0xffff;
	[tilespmem:s10+$0xFFFFFEB0] =	vst v57  }
0x339: {  	v20 =	vmov v55;
	v55 =	vld.idx.msk [tilespmem:v5+s3+$0x0], $0xffff  }
0x33a: {  	[tilespmem:s29+$0xFFFFFE20] =	vst v61;
	v61 =	vand.u32 $0xFFFFFF80, v4;
	v4 =	vadd.s32 v2, v15;
	v2 =	vld [tilespmem:$0x1FF10];
	_ =	sdelay $0x2  }
0x33b: {  	v51 =	vld.idx.msk [tilespmem:v51+s3+$0x0], $0xffff  }
0x33c: {  	v60 =	vld.idx.msk [tilespmem:v7+s3+$0x0], $0xffff  }
0x33d: {  	[tilespmem:s0+$0x190] =	vst v48;
	v48 =	vadd.s32 v2, v61;
	v2 =	vld [tilespmem:$0x1FFA0];
	_ =	sdelay $0x4  }
0x33e: {  	v6 =	vadd.s32 s25, v2;
	v2 =	vld [tilespmem:$0x1FCD0];
	_ =	sdelay $0x2  }
0x33f: {  	[tilespmem:s1+$0x100] =	vst v46  }
0x340: {  	v46 =	vld.idx.msk [tilespmem:v53+s3+$0x0], $0xffff  }
0x341: {  	[tilespmem:s30+$0x70] =	vst v11;
	v53 =	vadd.s32 v2, v28;
	v28 =	vmovc v29;
	v29 =	vmovc v42;
	v42 =	vmov v59;
	v59 =	vmov v0;
	v0 =	vld [tilespmem:$0x1FC20]  }
0x342: {  	v11 =	vld.idx.msk [tilespmem:v54+s3+$0x0], $0xffff;
	[tilespmem:s9+$0xFFFFFFE0] =	vst v13  }
0x343: {  	v13 =	vld.idx.msk [tilespmem:v56+s3+$0x0], $0xffff;
	[tilespmem:s31+$0xFFFFFF50] =	vst v55  }
0x344: {  	v54 =	vld.idx.msk [tilespmem:v32+s3+$0x0], $0xffff  }
0x345: {  	v2 =	vld [tilespmem:$0x1FC60]  }
0x346: {  	v32 =	vadd.s32 v0, v37;
	v0 =	vld [tilespmem:$0x1FE10];
	_ =	sdelay $0x1  }
0x347: {  	[tilespmem:s10+$0xFFFFFEC0] =	vst v51  }
0x348: {  	v51 =	vld.idx.msk [tilespmem:v4+s3+$0x0], $0xffff;
	[tilespmem:s29+$0xFFFFFE30] =	vst v60  }
0x349: {  	v48 =	vld.idx.msk [tilespmem:v48+s3+$0x0], $0xffff;
	v55 =	vadd.s32 v2, v34  }
0x34a: {  	v57 =	vadd.s32 v0, v33;
	v0 =	vld [tilespmem:$0x1FCC0]  }
0x34b: {  	v60 =	vld.idx.msk [tilespmem:v6+s3+$0x0], $0xffff;
	[tilespmem:s0+$0x1A0] =	vst v46  }
0x34c: {  	[tilespmem:s1+$0x110] =	vst v11  }
0x34d: {  	v11 =	vld.idx.msk [tilespmem:v53+s3+$0x0], $0xffff;
	[tilespmem:s30+$0x80] =	vst v13  }
0x34e: {  	v13 =	vld.idx.msk [tilespmem:v55+s3+$0x0], $0xffff  }
0x34f: {  	[tilespmem:s9+$0xFFFFFFF0] =	vst v54;
	v54 =	vadd.s32 v0, v23;
	v0 =	vld [tilespmem:$0x1FC70];
	_ =	sdelay $0x1  }
0x350: {  	v2 =	vmov v63  }
0x351: {  	[tilespmem:$0x1F710] =	vst v2;
	v2 =	vld [tilespmem:$0x1FE70];
	_ =	sdelay $0x1  }
0x352: {  	v55 =	vadd.s32 v0, v28;
	v0 =	vmov v62  }
0x353: {  	[tilespmem:$0x1F720] =	vst v0;
	v0 =	vld [tilespmem:$0x1FC30];
	_ =	sdelay $0x1  }
0x354: {  	v4 =	vmov v3;
	v3 =	vadd.s32 v2, v25;
	v2 =	vld [tilespmem:$0x1FF00];
	_ =	sdelay $0x1  }
0x355: {  	v53 =	vld.idx.msk [tilespmem:v32+s3+$0x0], $0xffff  }
0x356: {  	v32 =	vadd.s32 v0, v40;
	v0 =	vld [tilespmem:$0x1FE00]  }
0x357: {  	v63 =	vand.u32 $0xFFFFFF80, v19  }
0x358: {  	v46 =	vadd.s32 v2, v63;
	v2 =	vld [tilespmem:$0x1FF90]  }
0x359: {  	[tilespmem:s31+$0xFFFFFF60] =	vst v51  }
0x35a: {  	v51 =	vld.idx.msk [tilespmem:v57+s3+$0x0], $0xffff  }
0x35b: {  	v57 =	vadd.s32 v0, v10;
	v0 =	vld [tilespmem:$0x1FE60];
	_ =	sdelay $0x1  }
0x35c: {  	v5 =	vadd.s32 s25, v2  }
0x35d: {  	[tilespmem:s10+$0xFFFFFED0] =	vst v48  }
0x35e: {  	v48 =	vld.idx.msk [tilespmem:v3+s3+$0x0], $0xffff  }
0x35f: {  	[tilespmem:s29+$0xFFFFFE40] =	vst v60;
	v2 =	vadd.s32 v0, v21;
	v0 =	vld [tilespmem:$0x1FCB0]  }
0x360: {  	v46 =	vld.idx.msk [tilespmem:v46+s3+$0x0], $0xffff  }
0x361: {  	v60 =	vld.idx.msk [tilespmem:v5+s3+$0x0], $0xffff;
	[tilespmem:s0+$0x1B0] =	vst v11  }
0x362: {  	[tilespmem:s1+$0x120] =	vst v13  }
0x363: {  	v13 =	vld.idx.msk [tilespmem:v54+s3+$0x0], $0xffff  }
0x364: {  	v54 =	vadd.s32 v0, v17;
	v0 =	vld [tilespmem:$0x1FD40];
	_ =	sdelay $0x2  }
0x365: {  	v3 =	vld [tilespmem:$0x1FEF0]  }
0x366: {  	v23 =	vmov v31;
	[tilespmem:s30+$0x90] =	vst v53  }
0x367: {  	v53 =	vld.idx.msk [tilespmem:v55+s3+$0x0], $0xffff;
	v55 =	vadd.s32 v0, v23;
	v0 =	vmov v61  }
0x368: {  	[tilespmem:$0x1F730] =	vst v0;
	v0 =	vld [tilespmem:$0x1FD90]  }
0x369: {  	v62 =	vand.u32 $0xFFFFFF80, v8  }
0x36a: {  	v11 =	vadd.s32 v3, v62;
	v3 =	vld [tilespmem:$0x1FF80];
	_ =	sdelay $0x2  }
0x36b: {  	v56 =	vadd.s32 v0, v29;
	v0 =	vld [tilespmem:$0x1FDF0]  }
0x36c: {  	[tilespmem:s9+$0x0] =	vst v51  }
0x36d: {  	v19 =	vadd.s32 s25, v3;
	v51 =	vld.idx.msk [tilespmem:v32+s3+$0x0], $0xffff;
	[tilespmem:s31+$0xFFFFFF70] =	vst v48  }
0x36e: {  	v48 =	vld.idx.msk [tilespmem:v57+s3+$0x0], $0xffff;
	[tilespmem:s10+$0xFFFFFEE0] =	vst v46  }
0x36f: {  	v46 =	vld.idx.msk [tilespmem:v2+s3+$0x0], $0xffff  }
0x370: {  	[tilespmem:s29+$0xFFFFFE50] =	vst v60;
	v57 =	vadd.s32 v0, v47;
	v0 =	vld [tilespmem:$0x1FCA0]  }
0x371: {  	v11 =	vld.idx.msk [tilespmem:v11+s3+$0x0], $0xffff  }
0x372: {  	v60 =	vld.idx.msk [tilespmem:v19+s3+$0x0], $0xffff;
	[tilespmem:s0+$0x1C0] =	vst v13  }
0x373: {  	[tilespmem:s1+$0x130] =	vst v53  }
0x374: {  	v53 =	vld.idx.msk [tilespmem:v54+s3+$0x0], $0xffff  }
0x375: {  	v54 =	vadd.s32 v0, v52;
	v0 =	vld [tilespmem:$0x1FD30];
	_ =	sdelay $0x3  }
0x376: {  	v17 =	vmov v18;
	v2 =	vld [tilespmem:$0x1FE50];
	[tilespmem:s30+$0xA0] =	vst v51  }
0x377: {  	v51 =	vld.idx.msk [tilespmem:v55+s3+$0x0], $0xffff;
	v55 =	vadd.s32 v0, v17;
	v0 =	vmov v63  }
0x378: {  	[tilespmem:$0x1F740] =	vst v0;
	v0 =	vld [tilespmem:$0x1FC40];
	_ =	sdelay $0x1  }
0x379: {  	[tilespmem:s9+$0x10] =	vst v48  }
0x37a: {  	v48 =	vld.idx.msk [tilespmem:v56+s3+$0x0], $0xffff;
	[tilespmem:s31+$0xFFFFFF80] =	vst v46  }
0x37b: {  	v31 =	vmov v43;
	v61 =	vadd.s32 v2, v45;
	v46 =	vld.idx.msk [tilespmem:v57+s3+$0x0], $0xffff  }
0x37c: {  	v57 =	vadd.s32 v0, v31;
	v0 =	vld [tilespmem:$0x1FC10];
	_ =	sdelay $0x2  }
0x37d: {  	v2 =	vld [tilespmem:$0x1FEE0];
	[tilespmem:s10+$0xFFFFFEF0] =	vst v11  }
0x37e: {  	v56 =	vld.idx.msk [tilespmem:v61+s3+$0x0], $0xffff  }
0x37f: {  	[tilespmem:s29+$0xFFFFFE60] =	vst v60;
	v60 =	vadd.s32 v0, v42;
	v0 =	vld [tilespmem:$0x1FE40];
	_ =	sdelay $0x2  }
0x380: {  	v13 =	vadd.s32 v2, v22;
	v2 =	vld [tilespmem:$0x1FF70];
	_ =	sdelay $0x1  }
0x381: {  	v63 =	vadd.s32 v0, v14;
	v0 =	vld [tilespmem:$0x1F700];
	_ =	sdelay $0x2  }
0x382: {  	v8 =	vadd.s32 s25, v2;
	_ =	sdelay $0x1  }
0x383: {  	v11 =	vand.u32 $0xFFFFFF80, v0;
	v0 =	vld [tilespmem:$0x1FED0];
	_ =	sdelay $0x1  }
0x384: {  	v13 =	vld.idx.msk [tilespmem:v13+s3+$0x0], $0xffff  }
0x385: {  	v61 =	vld.idx.msk [tilespmem:v8+s3+$0x0], $0xffff;
	[tilespmem:s0+$0x1D0] =	vst v53  }
0x386: {  	[tilespmem:s1+$0x140] =	vst v51  }
0x387: {  	v53 =	vld.idx.msk [tilespmem:v54+s3+$0x0], $0xffff;
	[tilespmem:s30+$0xB0] =	vst v48;
	v0 =	vadd.s32 v0, v58  }
0x388: {  	v55 =	vld.idx.msk [tilespmem:v55+s3+$0x0], $0xffff;
	[tilespmem:s9+$0x20] =	vst v46  }
0x389: {  	v57 =	vld.idx.msk [tilespmem:v57+s3+$0x0], $0xffff;
	[tilespmem:s31+$0xFFFFFF90] =	vst v56  }
0x38a: {  	v52 =	vld.idx.msk [tilespmem:v60+s3+$0x0], $0xffff;
	[tilespmem:s10+$0xFFFFFF00] =	vst v13  }
0x38b: {  	v60 =	vld.idx.msk [tilespmem:v63+s3+$0x0], $0xffff;
	[tilespmem:s29+$0xFFFFFE70] =	vst v61  }
0x38c: {  	v56 =	vld.idx.msk [tilespmem:v0+s3+$0x0], $0xffff  }
0x38d: {  	v0 =	vld [tilespmem:$0x1FDE0];
	_ =	sdelay $0x2  }
0x38e: {  	v2 =	vld [tilespmem:$0x1FF60]  }
0x38f: {  	v43 =	vmov v39  }
0x390: {  	v51 =	vadd.s32 v0, v43;
	v0 =	vld [tilespmem:$0x1FE30];
	_ =	sdelay $0x2  }
0x391: {  	v54 =	vadd.s32 v2, v11;
	v2 =	vld [tilespmem:$0x1FC90];
	_ =	sdelay $0x1  }
0x392: {  	v48 =	vadd.s32 v0, v59;
	v0 =	vld [tilespmem:$0x1FEC0];
	_ =	sdelay $0x2  }
0x393: {  	[tilespmem:$0x1F830] =	vst v58;
	v58 =	vadd.s32 v2, v1;
	v1 =	vld [tilespmem:$0x1FD20]  }
0x394: {  	v2 =	vld [tilespmem:$0x1FD80]  }
0x395: {  	v61 =	vadd.s32 v0, v20;
	v0 =	vld [tilespmem:$0x1FF50];
	_ =	sdelay $0x2  }
0x396: {  	v18 =	vmov v4;
	v4 =	vmov v35  }
0x397: {  	v13 =	vand.u32 $0xFFFFFF80, v49;
	v46 =	vld.idx.msk [tilespmem:v54+s3+$0x0], $0xffff;
	v1 =	vadd.s32 v1, v4  }
0x398: {  	p0 =	sne.s32 s11, $0xE000;
	[tilespmem:s0+$0x1E0] =	vst v53;
	v63 =	vadd.s32 v2, v18;
	v53 =	vadd.s32 v0, v13;
	v0 =	vld [tilespmem:$0x1FC80]  }
.Ltmp11:
0x399: {  	v39 =	vmov v26;
	v26 =	vmov v22;
	v32 =	vmov v30;
	(pc) =	sbr.rel @p0 .LBB2_20-.Ltmp11, $4  }
0x39a: {  	v30 =	vmovc v9;
	v3 =	vmovc v12;
	v12 =	vmov v41;
	v41 =	vmov v44;
	v44 =	vmov v25;
	[tilespmem:s1+$0x150] =	vst v55  }
0x39b: {  	v25 =	vmovc v62;
	v35 =	vmovc v16;
	v16 =	vmov v36;
	v36 =	vmov v15;
	v15 =	vmov v20;
	v62 =	vld.idx.msk [tilespmem:v58+s3+$0x0], $0xffff;
	[tilespmem:s30+$0xC0] =	vst v57  }
0x39c: {  	s25 =	smov.u32 s11;
	v49 =	vld.idx.msk [tilespmem:v1+s3+$0x0], $0xffff;
	[tilespmem:s9+$0x30] =	vst v52;
	v52 =	vmovc v4;
	v4 =	vmovc v5;
	v5 =	vmov v6;
	v6 =	vmov v7;
	v7 =	vmov v50  }
0x39d: {  	s11 =	sadd.s32 $0x2000, s11;
	v1 =	vmovc v3;
	v3 =	vmovc v32;
	v32 =	vmov v33;
	v33 =	vmov v24;
	v63 =	vld.idx.msk [tilespmem:v63+s3+$0x0], $0xffff;
	v0 =	vadd.s32 s25, v0  }
0x39e: {  	[tilespmem:$0x1F980] =	vst v18  }
0x39f: {  	[tilespmem:$0x1F970] =	vst v29  }
0x3a0: {  	[tilespmem:$0x1F930] =	vst v27  }
0x3a1: {  	[tilespmem:$0x1FAE0] =	vst v16  }
0x3a2: {  	[tilespmem:$0x1FAD0] =	vst v3  }
0x3a3: {  	[tilespmem:$0x1F940] =	vst v12  }
0x3a4: {  	[tilespmem:$0x1F7B0] =	vst v52  }
0x3a5: {  	[tilespmem:$0x1FBF0] =	vst v8  }
0x3a6: {  	[tilespmem:$0x1F750] =	vst v1  }
0x3a7: {  	[tilespmem:$0x1F920] =	vst v35  }
0x3a8: {  	[tilespmem:$0x1F7A0] =	vst v17  }
0x3a9: {  	[tilespmem:$0x1FB00] =	vst v41  }
0x3aa: {  	[tilespmem:$0x1F790] =	vst v23  }
0x3ab: {  	[tilespmem:$0x1F950] =	vst v37  }
0x3ac: {  	[tilespmem:$0x1F960] =	vst v40  }
0x3ad: {  	v2 =	vld [tilespmem:$0x1FFF0];
	[tilespmem:$0x1F760] =	vst v38  }
0x3ae: {  	v8 =	vld [tilespmem:$0x1F830];
	[tilespmem:$0x1F780] =	vst v28  }
0x3af: {  	v35 =	vld [tilespmem:$0x1F7C0];
	[tilespmem:$0x1F770] =	vst v34  }
0x3b0: {  	v16 =	vld [tilespmem:$0x1F710];
	[tilespmem:$0x1FAF0] =	vst v10  }
0x3b1: {  	v57 =	vmov v26;
	v26 =	vld [tilespmem:$0x1F720];
	[tilespmem:$0x1FB10] =	vst v47  }
0x3b2: {  	v50 =	vmov v11;
	v3 =	vmov v19;
	v18 =	vld [tilespmem:$0x1F730];
	[tilespmem:$0x1FB20] =	vst v42  }
0x3b3: {  	s11 =	smov.u32 s10;
	s10 =	smov.u32 s29;
	v24 =	vld [tilespmem:$0x1F740];
	v12 =	vmovc v15;
	v23 =	vmovc v39;
	v28 =	vmov v13;
	v58 =	vmov v30;
	v30 =	vmov v36;
	[tilespmem:$0x1FB30] =	vst v43  }
.LBB2_22:
0x3b4: {  	_ =	sdelay $0x2  }
0x3b5: {  	[tilespmem:s11+$0xFFFFFF10] =	vst @p2 v56  }
0x3b6: {  	v1 =	vld.idx.msk @p2 [tilespmem:v61+s3+$0x0], $0xffff;
	_ =	sdelay $0x1  }
0x3b7: {  	v11 =	vadd.s32 @p2 v2, v16;
	_ =	sdelay $0x1  }
0x3b8: {  	[tilespmem:s10+$0xFFFFFE80] =	vst @p1 v46;
	s4 =	smov.u32 @p2 s11  }
0x3b9: {  	v13 =	vld.idx.msk @p1 [tilespmem:v53+s3+$0x0], $0xffff;
	[tilespmem:s4+$0xFFFFFF20] =	vst @p2 v1  }
0x3ba: {  	v10 =	vld [tilespmem:$0x1FF40]  }
0x3bb: {  	v54 =	vand.u32 @p1 $0xFFFFFF80, v7;
	v7 =	vld.idx.msk @p2 [tilespmem:v11+s3+$0x0], $0xffff  }
0x3bc: {  	v11 =	vld.idx.msk [tilespmem:v0+s3+$0x0], $0xffff  }
0x3bd: {  	s11 =	smov.u32 @p1 s10;
	v41 =	vld [tilespmem:$0x1FEB0];
	[tilespmem:s31+$0xFFFFFFA0] =	vst @p3 v60  }
0x3be: {  	v19 =	vmov v2;
	v2 =	vld [tilespmem:$0x1FFD0];
	[tilespmem:s11+$0xFFFFFE90] =	vst @p1 v13  }
0x3bf: {  	v9 =	vld [tilespmem:$0x1FEA0];
	v1 =	vadd.s32 @p1 v10, v54  }
0x3c0: {  	v13 =	vld.idx.msk @p3 [tilespmem:v48+s3+$0x0], $0xffff  }
0x3c1: {  	[tilespmem:s4+$0xFFFFFF30] =	vst @p2 v7  }
0x3c2: {  	s10 =	sadd.s32 @p1 $0x400, s10;
	s29 =	smov.u32 s22;
	v46 =	vadd.s32 @p2 v41, v26;
	v22 =	vld [tilespmem:$0x1FF30]  }
0x3c3: {  	s29 =	smov.u32 @p1 s10;
	v55 =	vadd.s32 s25, v2  }
0x3c4: {  	v53 =	vand.u32 @p1 $0xFFFFFF80, v6;
	s10 =	smov.u32 @p3 s31;
	[tilespmem:s29+$0xFFFFFE00] =	vst v11;
	v6 =	vadd.s32 @p3 v9, v23;
	v1 =	vld.idx.msk @p1 [tilespmem:v1+s3+$0x0], $0xffff  }
0x3c5: {  	v42 =	vld [tilespmem:$0x1FE90];
	[tilespmem:s10+$0xFFFFFFB0] =	vst @p3 v13  }
0x3c6: {  	v2 =	vld [tilespmem:$0x1FFC0]  }
0x3c7: {  	v11 =	vld.idx.msk @p2 [tilespmem:v46+s3+$0x0], $0xffff;
	v7 =	vadd.s32 @p1 v22, v53  }
0x3c8: {  	v52 =	vld.idx.msk [tilespmem:v55+s3+$0x0], $0xffff  }
0x3c9: {  	[tilespmem:s11+$0xFFFFFEA0] =	vst @p1 v1;
	v1 =	vld.idx.msk @p3 [tilespmem:v6+s3+$0x0], $0xffff  }
0x3ca: {  	v39 =	vld [tilespmem:$0x1FFE0]  }
0x3cb: {  	v48 =	vadd.s32 @p2 v42, v18  }
0x3cc: {  	v61 =	vadd.s32 s25, v2;
	v6 =	vld.idx.msk @p1 [tilespmem:v7+s3+$0x0], $0xffff;
	[tilespmem:s4+$0xFFFFFF40] =	vst @p2 v11  }
0x3cd: {  	v2 =	vld [tilespmem:$0x1FF20];
	[tilespmem:s29+$0xFFFFFE10] =	vst v52  }
0x3ce: {  	v38 =	vld [tilespmem:$0x1FE80];
	[tilespmem:s10+$0xFFFFFFC0] =	vst @p3 v1  }
0x3cf: {  	v7 =	vadd.s32 @p3 v39, v58;
	v1 =	vld [tilespmem:$0x1FFB0]  }
0x3d0: {  	v46 =	vld.idx.msk @p2 [tilespmem:v48+s3+$0x0], $0xffff  }
0x3d1: {  	v56 =	vld.idx.msk [tilespmem:v61+s3+$0x0], $0xffff  }
0x3d2: {  	v60 =	vand.u32 @p1 $0xFFFFFF80, v5  }
0x3d3: {  	v11 =	vadd.s32 @p1 v2, v60  }
0x3d4: {  	[tilespmem:s11+$0xFFFFFEB0] =	vst @p1 v6;
	v52 =	vadd.s32 @p2 v38, v24;
	v5 =	vadd.s32 s25, v1;
	v1 =	vld.idx.msk @p3 [tilespmem:v7+s3+$0x0], $0xffff  }
0x3d5: {  	v27 =	vld [tilespmem:$0x1FE20];
	[tilespmem:s4+$0xFFFFFF50] =	vst @p2 v46  }
0x3d6: {  	v2 =	vld [tilespmem:$0x1FF10];
	[tilespmem:s29+$0xFFFFFE20] =	vst v56  }
0x3d7: {  	v17 =	vld [tilespmem:$0x1FE70]  }
0x3d8: {  	v6 =	vld.idx.msk @p1 [tilespmem:v11+s3+$0x0], $0xffff  }
0x3d9: {  	v46 =	vld.idx.msk @p2 [tilespmem:v52+s3+$0x0], $0xffff;
	[tilespmem:s10+$0xFFFFFFD0] =	vst @p3 v1  }
0x3da: {  	v7 =	vadd.s32 @p3 v27, v30;
	v1 =	vld [tilespmem:$0x1FFA0]  }
0x3db: {  	v13 =	vand.u32 @p1 $0xFFFFFF80, v4  }
0x3dc: {  	v11 =	vadd.s32 @p1 v2, v13;
	v34 =	vld.idx.msk [tilespmem:v5+s3+$0x0], $0xffff  }
0x3dd: {  	[tilespmem:s11+$0xFFFFFEC0] =	vst @p1 v6  }
0x3de: {  	v37 =	vld [tilespmem:$0x1FC00]  }
0x3df: {  	[tilespmem:s4+$0xFFFFFF60] =	vst @p2 v46;
	v48 =	vadd.s32 s25, v1;
	v1 =	vld.idx.msk @p3 [tilespmem:v7+s3+$0x0], $0xffff  }
0x3e0: {  	v6 =	vand.u32 @p1 $0xFFFFFF80, v3;
	v3 =	vld [tilespmem:$0x1FF00]  }
0x3e1: {  	v56 =	vadd.s32 @p2 v17, v25;
	[tilespmem:s29+$0xFFFFFE30] =	vst v34;
	v7 =	vld.idx.msk @p1 [tilespmem:v11+s3+$0x0], $0xffff  }
0x3e2: {  	v29 =	vmov v23;
	v4 =	vmov @p2 v57;
	v23 =	vld [tilespmem:$0x1FE60]  }
0x3e3: {  	[tilespmem:$0x1EFD0] =	vst v4  }
0x3e4: {  	[tilespmem:s10+$0xFFFFFFE0] =	vst @p3 v1  }
0x3e5: {  	v11 =	vadd.s32 @p3 v37, v44;
	v1 =	vld [tilespmem:$0x1FF90]  }
0x3e6: {  	v52 =	vld.idx.msk @p2 [tilespmem:v56+s3+$0x0], $0xffff  }
0x3e7: {  	v36 =	vld.idx.msk [tilespmem:v48+s3+$0x0], $0xffff;
	v57 =	vadd.s32 @p2 v23, v4;
	[tilespmem:s11+$0xFFFFFED0] =	vst @p1 v7  }
0x3e8: {  	v46 =	vadd.s32 @p1 v3, v6;
	v3 =	vmov @p3 v21;
	v2 =	vld [tilespmem:$0x1FBF0]  }
0x3e9: {  	[tilespmem:$0x1EFE0] =	vst v3;
	v34 =	vld [tilespmem:$0x1FE10]  }
0x3ea: {  	v20 =	vadd.s32 s25, v1;
	v1 =	vld.idx.msk @p3 [tilespmem:v11+s3+$0x0], $0xffff  }
0x3eb: {  	[tilespmem:s4+$0xFFFFFF70] =	vst @p2 v52  }
0x3ec: {  	v56 =	vld.idx.msk @p2 [tilespmem:v57+s3+$0x0], $0xffff  }
0x3ed: {  	v7 =	vand.u32 @p1 $0xFFFFFF80, v2;
	v2 =	vld [tilespmem:$0x1FEF0]  }
0x3ee: {  	v11 =	vld.idx.msk @p1 [tilespmem:v46+s3+$0x0], $0xffff;
	[tilespmem:s29+$0xFFFFFE40] =	vst v36  }
0x3ef: {  	v43 =	vadd.s32 @p3 v34, v3;
	v3 =	vld [tilespmem:$0x1FE50];
	[tilespmem:s10+$0xFFFFFFF0] =	vst @p3 v1  }
0x3f0: {  	v1 =	vld [tilespmem:$0x1FF80];
	_ =	sdelay $0x1  }
0x3f1: {  	v46 =	vadd.s32 @p1 v2, v7;
	v2 =	vld.idx.msk [tilespmem:v20+s3+$0x0], $0xffff  }
0x3f2: {  	[tilespmem:s11+$0xFFFFFEE0] =	vst @p1 v11  }
0x3f3: {  	v40 =	vld [tilespmem:$0x1FE00];
	[tilespmem:s4+$0xFFFFFF80] =	vst @p2 v56  }
0x3f4: {  	v52 =	vmov @p2 v8;
	v57 =	vadd.s32 s25, v1;
	v1 =	vld [tilespmem:$0x1FEE0]  }
0x3f5: {  	v3 =	vadd.s32 @p2 v3, v52  }
0x3f6: {  	v43 =	vld.idx.msk @p3 [tilespmem:v43+s3+$0x0], $0xffff;
	[tilespmem:s29+$0xFFFFFE50] =	vst v2  }
0x3f7: {  	v11 =	vmov @p3 v45;
	v4 =	vld [tilespmem:$0x1FE40]  }
0x3f8: {  	v8 =	vmov @p2 v12;
	v45 =	vmov @p1 v50;
	v46 =	vld.idx.msk @p1 [tilespmem:v46+s3+$0x0], $0xffff;
	v50 =	vadd.s32 @p3 v40, v11  }
0x3f9: {  	[tilespmem:$0x1EFF0] =	vst v8;
	v1 =	vadd.s32 @p1 v1, v45  }
0x3fa: {  	v3 =	vld.idx.msk @p2 [tilespmem:v3+s3+$0x0], $0xffff  }
0x3fb: {  	[tilespmem:s10+$0x0] =	vst @p3 v43;
	v2 =	vld.idx.msk [tilespmem:v57+s3+$0x0], $0xffff  }
0x3fc: {  	v43 =	vld [tilespmem:$0x1FF70];
	v4 =	vadd.s32 @p2 v4, v8  }
0x3fd: {  	[tilespmem:s11+$0xFFFFFEF0] =	vst @p1 v46;
	v47 =	vld.idx.msk @p3 [tilespmem:v50+s3+$0x0], $0xffff  }
0x3fe: {  	v15 =	vld.idx.msk @p1 [tilespmem:v1+s3+$0x0], $0xffff  }
0x3ff: {  	v1 =	vld [tilespmem:$0x1FDF0];
	[tilespmem:s4+$0xFFFFFF90] =	vst @p2 v3  }
0x400: {  	v12 =	vmov @p2 v16;
	v3 =	vld [tilespmem:$0x1FED0];
	[tilespmem:s29+$0xFFFFFE60] =	vst v2  }
0x401: {  	v8 =	vand.u32 $0xFFFFFF80, v0;
	v4 =	vld.idx.msk @p2 [tilespmem:v4+s3+$0x0], $0xffff;
	[tilespmem:$0x1F000] =	vst v12  }
0x402: {  	[tilespmem:$0x1F180] =	vst v8  }
0x403: {  	[tilespmem:s10+$0x10] =	vst @p3 v47  }
0x404: {  	v2 =	vld [tilespmem:$0x1FF60]  }
0x405: {  	v56 =	vadd.s32 s25, v43;
	_ =	sdelay $0x2  }
0x406: {  	v43 =	vmov @p3 v14  }
0x407: {  	v50 =	vadd.s32 @p3 v1, v43;
	v14 =	vadd.s32 v2, v8;
	v2 =	vld [tilespmem:$0x1FE30]  }
0x408: {  	v0 =	vld.idx.msk [tilespmem:v56+s3+$0x0], $0xffff;
	[tilespmem:s11+$0xFFFFFF00] =	vst @p1 v15  }
0x409: {  	v8 =	vld [tilespmem:$0x1F900];
	_ =	sdelay $0x2  }
0x40a: {  	v50 =	vld.idx.msk @p3 [tilespmem:v50+s3+$0x0], $0xffff;
	v2 =	vadd.s32 @p2 v2, v12;
	v12 =	vmov @p1 v54  }
0x40b: {  	v36 =	vld [tilespmem:$0x1FC10];
	[tilespmem:$0x1F010] =	vst v12  }
0x40c: {  	v15 =	vpsel p2, v2, v8;
	v8 =	vld [tilespmem:$0x1FEC0];
	[tilespmem:s29+$0xFFFFFE70] =	vst v0  }
0x40d: {  	v0 =	vld [tilespmem:$0x1F8E0];
	_ =	sdelay $0x4  }
0x40e: {  	s26 =	smov.u32 @p2 s4;
	v46 =	vmov @p1 v28;
	v0 =	vpsel p2, v4, v0  }
0x40f: {  	v3 =	vadd.s32 @p1 v3, v46;
	v4 =	vld [tilespmem:$0x1F910];
	[tilespmem:s26+$0xFFFFFFA0] =	vst @p2 v0  }
0x410: {  	v54 =	vadd.s32 @p1 v8, v12;
	v8 =	vld [tilespmem:$0x1F750];
	_ =	sdelay $0x1  }
0x411: {  	v12 =	vld [tilespmem:$0x1FD10];
	s31 =	sld [smem:$0x7FD]  }
0x412: {  	s25 =	sld [smem:$0x7FC]  }
0x413: {  	v3 =	vld.idx.msk @p1 [tilespmem:v3+s3+$0x0], $0xffff  }
0x414: {  	v14 =	vld.idx.msk [tilespmem:v14+s3+$0x0], $0xffff;
	p0 =	seq.s32 s31, $0x1;
	[tilespmem:$0x1F750] =	vst v8  }
0x415: {  	p6 =	seq.s32 s25, $0x1;
	[tilespmem:s0+$0x1F0] =	vst @p0 v62  }
0x416: {  	v16 =	vadd.s32 @p6 v12, v8;
	v8 =	vld [tilespmem:$0x1F880];
	_ =	sdelay $0x2  }
0x417: {  	v21 =	vmov v18;
	v18 =	vand.u32 $0xFFFFFF80, v55  }
0x418: {  	v0 =	vmov @p2 v26;
	[tilespmem:$0x1F080] =	vst v18  }
0x419: {  	v4 =	vpsel p1, v54, v4;
	v54 =	vpsel p2, v0, v8;
	v0 =	vld [tilespmem:$0x1FF50];
	[tilespmem:s10+$0x20] =	vst @p3 v50  }
0x41a: {  	v8 =	vld [tilespmem:$0x1F8F0];
	_ =	sdelay $0x4  }
0x41b: {  	s28 =	smov.u32 @p1 s11;
	v2 =	vmov @p3 v59;
	v3 =	vpsel p1, v3, v8  }
0x41c: {  	v59 =	vadd.s32 @p3 v36, v2;
	[tilespmem:s28+$0xFFFFFF10] =	vst @p1 v3  }
0x41d: {  	v26 =	vadd.s32 @p2 v9, v54;
	v9 =	vld [tilespmem:$0x1FAD0];
	_ =	sdelay $0x1  }
0x41e: {  	v62 =	vld.idx.msk @p2 [tilespmem:v15+s3+$0x0], $0xffff  }
0x41f: {  	v50 =	vld.idx.msk @p4 [tilespmem:v51+s3+$0x0], $0xffff  }
0x420: {  	v51 =	vld.idx.msk @p3 [tilespmem:v59+s3+$0x0], $0xffff  }
0x421: {  	v12 =	vmov v18;
	s0 =	smov.u32 @p6 s1;
	v0 =	vadd.s32 v0, v18;
	v18 =	vld [tilespmem:$0x1FDD0];
	[tilespmem:$0x1FAD0] =	vst v9  }
0x422: {  	v28 =	vld [tilespmem:$0x1FDE0];
	[tilespmem:s0+$0x160] =	vst @p6 v49  }
0x423: {  	v8 =	vld [tilespmem:$0x1F8D0];
	_ =	sdelay $0x2  }
0x424: {  	v15 =	vmov @p3 v29  }
0x425: {  	v3 =	vmov @p1 v53;
	v55 =	vadd.s32 @p3 v28, v15  }
0x426: {  	v49 =	vpsel p3, v55, v8;
	v8 =	vpsel p1, v3, v35  }
0x427: {  	[tilespmem:$0x1F020] =	vst v8  }
0x428: {  	s11 =	smov.u32 @p2 s26;
	[tilespmem:s29+$0xFFFFFE80] =	vst v14  }
0x429: {  	[tilespmem:s11+$0xFFFFFFB0] =	vst @p2 v62  }
0x42a: {  	v14 =	vadd.s32 @p1 v19, v8;
	v8 =	vld [tilespmem:$0x1F920];
	_ =	sdelay $0x1  }
0x42b: {  	v19 =	vld [tilespmem:$0x1FC50]  }
0x42c: {  	v3 =	vld.idx.msk @p1 [tilespmem:v4+s3+$0x0], $0xffff  }
0x42d: {  	v4 =	vld.idx.msk @p6 [tilespmem:v16+s3+$0x0], $0xffff  }
0x42e: {  	v0 =	vld.idx.msk [tilespmem:v0+s3+$0x0], $0xffff;
	[tilespmem:$0x1F920] =	vst v8  }
0x42f: {  	[tilespmem:s9+$0x40] =	vst @p4 v50  }
0x430: {  	v19 =	vadd.s32 @p5 v19, v8;
	v8 =	vld [tilespmem:$0x1F8A0]  }
0x431: {  	v47 =	vand.u32 $0xFFFFFF80, v61  }
0x432: {  	[tilespmem:$0x1F0C0] =	vst v47  }
0x433: {  	s25 =	smov.u32 @p1 s28;
	[tilespmem:s10+$0x30] =	vst @p3 v51  }
0x434: {  	v53 =	vadd.s32 @p4 v18, v9;
	v16 =	vmov @p2 v21;
	[tilespmem:s25+$0xFFFFFF20] =	vst @p1 v3  }
0x435: {  	v62 =	vpsel p2, v16, v8;
	v8 =	vld [tilespmem:$0x1FA50];
	_ =	sdelay $0x1  }
0x436: {  	v26 =	vld.idx.msk @p2 [tilespmem:v26+s3+$0x0], $0xffff  }
0x437: {  	v16 =	vadd.s32 v10, v47;
	v10 =	vld [tilespmem:$0x1FAE0]  }
0x438: {  	v35 =	vmov @p3 v58;
	v50 =	vld.idx.msk @p4 [tilespmem:v53+s3+$0x0], $0xffff  }
0x439: {  	[tilespmem:$0x1FA50] =	vst v8;
	v61 =	vpsel p3, v35, v8;
	v8 =	vld [tilespmem:$0x1FDC0];
	_ =	sdelay $0x2  }
0x43a: {  	s1 =	smov.u32 @p5 s30;
	v35 =	vld.idx.msk @p3 [tilespmem:v49+s3+$0x0], $0xffff;
	[tilespmem:$0x1FAE0] =	vst v10  }
0x43b: {  	[tilespmem:s1+$0xD0] =	vst @p5 v63  }
0x43c: {  	v49 =	vadd.s32 @p4 v8, v10;
	v10 =	vmov v8;
	v8 =	vld [tilespmem:$0x1F7D0]  }
0x43d: {  	[tilespmem:s29+$0xFFFFFE90] =	vst v0  }
0x43e: {  	[tilespmem:s11+$0xFFFFFFC0] =	vst @p2 v26  }
0x43f: {  	v0 =	vld [tilespmem:$0x1FD00]  }
0x440: {  	v3 =	vmov @p1 v60  }
0x441: {  	[tilespmem:s9+$0x50] =	vst @p4 v50;
	v60 =	vpsel p1, v3, v8;
	v3 =	vld.idx.msk @p1 [tilespmem:v14+s3+$0x0], $0xffff  }
0x442: {  	s4 =	smov.u32 s24;
	v29 =	vand.u32 $0xFFFFFF80, v5;
	v5 =	vld [tilespmem:$0x1F990]  }
0x443: {  	s4 =	smov.u32 @p3 s10;
	v19 =	vld.idx.msk @p5 [tilespmem:v19+s3+$0x0], $0xffff  }
0x444: {  	s10 =	smov.u32 @p3 s4;
	v16 =	vld.idx.msk [tilespmem:v16+s3+$0x0], $0xffff;
	[tilespmem:$0x1F100] =	vst v29;
	v26 =	vadd.s32 @p6 v0, v33;
	v0 =	vmov @p2 v24  }
0x445: {  	[tilespmem:s10+$0x40] =	vst @p3 v35  }
0x446: {  	[tilespmem:s25+$0xFFFFFF30] =	vst @p1 v3  }
0x447: {  	v33 =	vpsel p2, v0, v5;
	v0 =	vmov @p3 v30;
	v30 =	vld [tilespmem:$0x1FA60];
	_ =	sdelay $0x2  }
0x448: {  	v51 =	vadd.s32 @p2 v39, v62;
	_ =	sdelay $0x1  }
0x449: {  	v14 =	vadd.s32 @p3 v18, v61;
	v55 =	vpsel p3, v0, v30;
	v0 =	vld [tilespmem:$0x1FB00];
	_ =	sdelay $0x1  }
0x44a: {  	v39 =	vadd.s32 @p2 v27, v33;
	v27 =	vld [tilespmem:$0x1FDB0]  }
0x44b: {  	v5 =	vadd.s32 v22, v29;
	v22 =	vld.idx.msk @p2 [tilespmem:v51+s3+$0x0], $0xffff  }
0x44c: {  	v35 =	vld.idx.msk @p4 [tilespmem:v49+s3+$0x0], $0xffff  }
0x44d: {  	v3 =	vmov @p1 v13;
	v13 =	vld.idx.msk @p3 [tilespmem:v14+s3+$0x0], $0xffff;
	[tilespmem:$0x1FB00] =	vst v0  }
0x44e: {  	[tilespmem:s0+$0x170] =	vst @p6 v4  }
0x44f: {  	v49 =	vadd.s32 @p4 v27, v0;
	v0 =	vld [tilespmem:$0x1F7E0];
	[tilespmem:s29+$0xFFFFFEA0] =	vst v16  }
0x450: {  	v53 =	vadd.s32 @p1 v41, v60;
	[tilespmem:s11+$0xFFFFFFD0] =	vst @p2 v22;
	v22 =	vld.idx.msk [tilespmem:v5+s3+$0x0], $0xffff  }
0x451: {  	v5 =	vld [tilespmem:$0x1F940];
	_ =	sdelay $0x1  }
0x452: {  	v8 =	vld [tilespmem:$0x1FD70]  }
0x453: {  	v9 =	vand.u32 $0xFFFFFF80, v48;
	v16 =	vld.idx.msk @p6 [tilespmem:v26+s3+$0x0], $0xffff  }
0x454: {  	v63 =	vpsel p1, v3, v0;
	v3 =	vld.idx.msk @p1 [tilespmem:v53+s3+$0x0], $0xffff;
	[tilespmem:$0x1F1F0] =	vst v9  }
0x455: {  	[tilespmem:$0x1F940] =	vst v5  }
0x456: {  	[tilespmem:s9+$0x60] =	vst @p4 v35  }
0x457: {  	v24 =	vadd.s32 @p5 v8, v5;
	v5 =	vld [tilespmem:$0x1F8C0];
	_ =	sdelay $0x3  }
0x458: {  	v14 =	vmov @p2 v25  }
0x459: {  	v14 =	vpsel p2, v14, v5;
	v5 =	vld [tilespmem:$0x1FF20];
	_ =	sdelay $0x1  }
0x45a: {  	v8 =	vmov @p4 v32;
	[tilespmem:s10+$0x50] =	vst @p3 v13  }
0x45b: {  	v39 =	vld.idx.msk @p2 [tilespmem:v39+s3+$0x0], $0xffff;
	[tilespmem:$0x1F030] =	vst v8  }
0x45c: {  	[tilespmem:s25+$0xFFFFFF40] =	vst @p1 v3  }
0x45d: {  	v59 =	vadd.s32 v5, v9;
	v5 =	vld [tilespmem:$0x1FA70];
	_ =	sdelay $0x4  }
0x45e: {  	v32 =	vld.idx.msk @p4 [tilespmem:v49+s3+$0x0], $0xffff;
	[tilespmem:$0x1FA70] =	vst v5  }
0x45f: {  	v41 =	vmov @p3 v44;
	v21 =	vld [tilespmem:$0x1FDA0];
	[tilespmem:s1+$0xE0] =	vst @p5 v19  }
0x460: {  	v48 =	vpsel p3, v41, v5;
	v5 =	vld [tilespmem:$0x1F7F0];
	_ =	sdelay $0x2  }
0x461: {  	[tilespmem:s29+$0xFFFFFEB0] =	vst v22  }
0x462: {  	v3 =	vmov @p1 v6;
	v6 =	vld [tilespmem:$0x1EFD0]  }
0x463: {  	v49 =	vpsel p1, v3, v5;
	v5 =	vld [tilespmem:$0x1F9D0];
	_ =	sdelay $0x3  }
0x464: {  	v4 =	vadd.s32 @p3 v10, v55;
	[tilespmem:s11+$0xFFFFFFE0] =	vst @p2 v39  }
0x465: {  	v22 =	vpsel p2, v6, v5;
	v6 =	vld [tilespmem:$0x1FCF0]  }
0x466: {  	v26 =	vadd.s32 @p1 v42, v63;
	v5 =	vld [tilespmem:$0x1F760];
	_ =	sdelay $0x2  }
0x467: {  	v4 =	vld.idx.msk @p3 [tilespmem:v4+s3+$0x0], $0xffff  }
0x468: {  	v35 =	vld.idx.msk [tilespmem:v59+s3+$0x0], $0xffff  }
0x469: {  	v3 =	vld.idx.msk @p1 [tilespmem:v26+s3+$0x0], $0xffff;
	v13 =	vadd.s32 @p6 v6, v5;
	v5 =	vand.u32 $0xFFFFFF80, v20  }
0x46a: {  	v26 =	vld.idx.msk @p5 [tilespmem:v24+s3+$0x0], $0xffff;
	[tilespmem:$0x1F210] =	vst v5  }
0x46b: {  	[tilespmem:s9+$0x70] =	vst @p4 v32  }
0x46c: {  	v6 =	vld [tilespmem:$0x1FF10];
	_ =	sdelay $0x1  }
0x46d: {  	[tilespmem:s10+$0x60] =	vst @p3 v4  }
0x46e: {  	v4 =	vld [tilespmem:$0x1FAF0]  }
0x46f: {  	v50 =	vadd.s32 @p2 v37, v14  }
0x470: {  	v41 =	vadd.s32 @p4 v21, v8;
	v44 =	vadd.s32 v6, v5;
	v5 =	vld [tilespmem:$0x1F9B0];
	_ =	sdelay $0x2  }
0x471: {  	v9 =	vld [tilespmem:$0x1EFE0];
	v6 =	vmov @p4 v4  }
0x472: {  	v51 =	vld.idx.msk @p2 [tilespmem:v50+s3+$0x0], $0xffff;
	[tilespmem:$0x1F040] =	vst v6  }
0x473: {  	v4 =	vld.idx.msk @p4 [tilespmem:v41+s3+$0x0], $0xffff;
	[tilespmem:$0x1F9B0] =	vst v5  }
0x474: {  	[tilespmem:s25+$0xFFFFFF50] =	vst @p1 v3  }
0x475: {  	v8 =	vmov v27;
	v19 =	vadd.s32 @p3 v27, v48;
	v27 =	vld [tilespmem:$0x1FC20];
	[tilespmem:s0+$0x180] =	vst @p6 v16  }
0x476: {  	v24 =	vadd.s32 @p1 v38, v49;
	v38 =	vpsel p3, v9, v5;
	v5 =	vld [tilespmem:$0x1F800];
	_ =	sdelay $0x3  }
0x477: {  	v3 =	vmov @p1 v7;
	[tilespmem:s29+$0xFFFFFEC0] =	vst v35  }
0x478: {  	v50 =	vpsel p1, v3, v5;
	v3 =	vld [tilespmem:$0x1F930];
	_ =	sdelay $0x4  }
0x479: {  	v5 =	vmov @p5 v3;
	v3 =	vld [tilespmem:$0x1F810];
	_ =	sdelay $0x2  }
0x47a: {  	v19 =	vld.idx.msk @p3 [tilespmem:v19+s3+$0x0], $0xffff  }
0x47b: {  	v16 =	vld.idx.msk @p1 [tilespmem:v24+s3+$0x0], $0xffff;
	[tilespmem:$0x1F090] =	vst v5  }
0x47c: {  	v25 =	vld.idx.msk @p6 [tilespmem:v13+s3+$0x0], $0xffff;
	[tilespmem:s11+$0xFFFFFFF0] =	vst @p2 v51;
	v24 =	vpsel p2, v52, v3;
	v3 =	vand.u32 $0xFFFFFF80, v57  }
0x47d: {  	v32 =	vld.idx.msk [tilespmem:v44+s3+$0x0], $0xffff;
	[tilespmem:$0x1F140] =	vst v3  }
0x47e: {  	v58 =	vmov @p2 v22;
	v22 =	vld [tilespmem:$0x1FD60];
	[tilespmem:s9+$0x80] =	vst @p4 v4  }
0x47f: {  	v4 =	vld [tilespmem:$0x1FF00];
	_ =	sdelay $0x3  }
0x480: {  	[tilespmem:s10+$0x70] =	vst @p3 v19  }
0x481: {  	v4 =	vadd.s32 v4, v3;
	v3 =	vld [tilespmem:$0x1FB10];
	_ =	sdelay $0x3  }
0x482: {  	v41 =	vadd.s32 @p2 v34, v58  }
0x483: {  	v39 =	vmov @p3 v38;
	v38 =	vadd.s32 @p4 v27, v6;
	v9 =	vmov @p4 v3;
	v3 =	vld [tilespmem:$0x1FA10];
	_ =	sdelay $0x1  }
0x484: {  	v35 =	vadd.s32 @p5 v22, v5;
	v5 =	vld [tilespmem:$0x1F870];
	_ =	sdelay $0x1  }
0x485: {  	v41 =	vld.idx.msk @p2 [tilespmem:v41+s3+$0x0], $0xffff;
	[tilespmem:$0x1F050] =	vst v9  }
0x486: {  	v19 =	vld.idx.msk @p4 [tilespmem:v38+s3+$0x0], $0xffff;
	[tilespmem:$0x1FA10] =	vst v3  }
0x487: {  	v59 =	vmov @p2 v24;
	v11 =	vpsel p3, v11, v3;
	[tilespmem:s25+$0xFFFFFF60] =	vst @p1 v16  }
0x488: {  	v38 =	vadd.s32 @p2 v40, v59;
	v40 =	vpsel p1, v45, v5;
	v45 =	vmov @p3 v11;
	v11 =	vld [tilespmem:$0x1FC30];
	[tilespmem:s1+$0xF0] =	vst @p5 v26  }
0x489: {  	[tilespmem:s29+$0xFFFFFED0] =	vst v32  }
0x48a: {  	v5 =	vld [tilespmem:$0x1F850]  }
0x48b: {  	v3 =	vld [tilespmem:$0x1EFF0];
	_ =	sdelay $0x3  }
0x48c: {  	[tilespmem:s11+$0x0] =	vst @p2 v41  }
0x48d: {  	v53 =	vadd.s32 @p3 v21, v39;
	v6 =	vmov v21;
	v21 =	vpsel p2, v3, v5;
	v5 =	vld [tilespmem:$0x1FCE0]  }
0x48e: {  	v3 =	vld [tilespmem:$0x1F770]  }
0x48f: {  	v7 =	vadd.s32 @p1 v17, v50;
	_ =	sdelay $0x2  }
0x490: {  	v16 =	vld.idx.msk @p3 [tilespmem:v53+s3+$0x0], $0xffff;
	[tilespmem:s9+$0x90] =	vst @p4 v19  }
0x491: {  	v37 =	vadd.s32 @p6 v5, v3;
	v3 =	vld [tilespmem:$0x1FEF0]  }
0x492: {  	v7 =	vld.idx.msk @p1 [tilespmem:v7+s3+$0x0], $0xffff  }
0x493: {  	v26 =	vand.u32 $0xFFFFFF80, v56;
	v32 =	vld.idx.msk @p5 [tilespmem:v35+s3+$0x0], $0xffff  }
0x494: {  	v4 =	vld.idx.msk [tilespmem:v4+s3+$0x0], $0xffff;
	[tilespmem:$0x1F170] =	vst v26  }
0x495: {  	[tilespmem:s10+$0x80] =	vst @p3 v16  }
0x496: {  	v19 =	vadd.s32 v3, v26;
	v3 =	vld [tilespmem:$0x1FB20];
	_ =	sdelay $0x4  }
0x497: {  	v51 =	vadd.s32 @p4 v11, v9;
	v9 =	vmov @p4 v3;
	v3 =	vld [tilespmem:$0x1FA30];
	_ =	sdelay $0x3  }
0x498: {  	v56 =	vmov @p2 v21;
	v21 =	vld.idx.msk @p2 [tilespmem:v38+s3+$0x0], $0xffff;
	[tilespmem:$0x1F060] =	vst v9  }
0x499: {  	v38 =	vld.idx.msk @p4 [tilespmem:v51+s3+$0x0], $0xffff;
	[tilespmem:$0x1FA30] =	vst v3  }
0x49a: {  	v5 =	vld [tilespmem:$0x1F820];
	[tilespmem:s25+$0xFFFFFF70] =	vst @p1 v7  }
0x49b: {  	v7 =	vld [tilespmem:$0x1FD90];
	[tilespmem:s0+$0x190] =	vst @p6 v25  }
0x49c: {  	v52 =	vmov @p1 v40;
	v40 =	vadd.s32 @p3 v27, v45;
	[tilespmem:s29+$0xFFFFFEE0] =	vst v4  }
0x49d: {  	v41 =	vadd.s32 @p2 v1, v56;
	v1 =	vld [tilespmem:$0x1F950];
	_ =	sdelay $0x3  }
0x49e: {  	v34 =	vld.idx.msk @p3 [tilespmem:v40+s3+$0x0], $0xffff  }
0x49f: {  	v40 =	vadd.s32 @p4 v7, v9;
	v9 =	vmov @p5 v1;
	v1 =	vld [tilespmem:$0x1FE50];
	_ =	sdelay $0x1  }
0x4a0: {  	v35 =	vadd.s32 @p1 v23, v52  }
0x4a1: {  	v42 =	vpsel p1, v46, v5  }
0x4a2: {  	v53 =	vmov @p1 v42;
	v5 =	vld [tilespmem:$0x1F860]  }
0x4a3: {  	v24 =	vmov v27;
	v27 =	vadd.s32 @p1 v1, v53;
	v1 =	vld [tilespmem:$0x1F000];
	_ =	sdelay $0x1  }
0x4a4: {  	v25 =	vld.idx.msk @p1 [tilespmem:v35+s3+$0x0], $0xffff;
	[tilespmem:$0x1F0F0] =	vst v9  }
0x4a5: {  	[tilespmem:s11+$0x10] =	vst @p2 v21  }
0x4a6: {  	v16 =	vpsel p3, v43, v3;
	v3 =	vld [tilespmem:$0x1FD50];
	[tilespmem:s9+$0xA0] =	vst @p4 v38  }
0x4a7: {  	v13 =	vld [tilespmem:$0x1F180];
	v1 =	vpsel p2, v1, v5  }
0x4a8: {  	v57 =	vmov @p2 v1;
	v1 =	vld [tilespmem:$0x1FEE0];
	[tilespmem:s10+$0x90] =	vst @p3 v34  }
0x4a9: {  	v5 =	vld [tilespmem:$0x1FB30];
	_ =	sdelay $0x3  }
0x4aa: {  	v4 =	vld.idx.msk @p6 [tilespmem:v37+s3+$0x0], $0xffff  }
0x4ab: {  	v37 =	vadd.s32 @p5 v3, v9;
	v9 =	vmov @p4 v5;
	v5 =	vld [tilespmem:$0x1FA40];
	_ =	sdelay $0x1  }
0x4ac: {  	v19 =	vld.idx.msk [tilespmem:v19+s3+$0x0], $0xffff  }
0x4ad: {  	v38 =	vld.idx.msk @p2 [tilespmem:v41+s3+$0x0], $0xffff;
	[tilespmem:$0x1F070] =	vst v9  }
0x4ae: {  	v34 =	vld.idx.msk @p4 [tilespmem:v40+s3+$0x0], $0xffff  }
0x4af: {  	[tilespmem:$0x1FA40] =	vst v5;
	v40 =	vpsel p3, v2, v5;
	v5 =	vld [tilespmem:$0x1F8B0]  }
0x4b0: {  	v2 =	vld [tilespmem:$0x1F010];
	_ =	sdelay $0x1  }
0x4b1: {  	[tilespmem:s25+$0xFFFFFF80] =	vst @p1 v25  }
0x4b2: {  	v0 =	vmov v10;
	v10 =	vld [tilespmem:$0x1FC40];
	[tilespmem:s1+$0x100] =	vst @p5 v32  }
0x4b3: {  	[tilespmem:s29+$0xFFFFFEF0] =	vst v19  }
0x4b4: {  	v2 =	vpsel p1, v2, v5;
	v5 =	vld [tilespmem:$0x1FE40];
	_ =	sdelay $0x2  }
0x4b5: {  	v46 =	vmovc @p3 v16;
	v41 =	vadd.s32 @p2 v36, v57;
	v36 =	vmov @p3 v40;
	[tilespmem:s11+$0x20] =	vst @p2 v38;
	v51 =	vmov @p1 v2;
	v2 =	vld.idx.msk @p1 [tilespmem:v27+s3+$0x0], $0xffff  }
0x4b6: {  	v35 =	vadd.s32 @p3 v11, v46;
	v21 =	vmov v7;
	v27 =	vadd.s32 @p3 v7, v36;
	v7 =	vld [tilespmem:$0x1FCD0]  }
0x4b7: {  	v40 =	vadd.s32 @p1 v5, v51;
	v5 =	vld [tilespmem:$0x1F780];
	_ =	sdelay $0x3  }
0x4b8: {  	v25 =	vld.idx.msk @p3 [tilespmem:v35+s3+$0x0], $0xffff;
	[tilespmem:s9+$0xB0] =	vst @p4 v34  }
0x4b9: {  	v38 =	vadd.s32 @p6 v7, v5;
	v5 =	vld [tilespmem:$0x1FED0];
	_ =	sdelay $0x3  }
0x4ba: {  	v32 =	vld.idx.msk @p5 [tilespmem:v37+s3+$0x0], $0xffff;
	[tilespmem:s10+$0xA0] =	vst @p3 v25  }
0x4bb: {  	v37 =	vmov @p2 v54;
	v54 =	vadd.s32 v5, v12;
	v5 =	vld [tilespmem:$0x1FAC0];
	_ =	sdelay $0x3  }
0x4bc: {  	v19 =	vadd.s32 @p2 v28, v37  }
0x4bd: {  	v42 =	vpsel p2, v19, v5;
	v5 =	vld [tilespmem:$0x1F960];
	_ =	sdelay $0x3  }
0x4be: {  	v1 =	vadd.s32 v1, v13  }
0x4bf: {  	v7 =	vmov @p5 v5;
	v5 =	vld [tilespmem:$0x1FA80];
	_ =	sdelay $0x1  }
0x4c0: {  	v35 =	vadd.s32 @p4 v10, v9;
	_ =	sdelay $0x1  }
0x4c1: {  	v1 =	vld.idx.msk [tilespmem:v1+s3+$0x0], $0xffff  }
0x4c2: {  	v41 =	vld.idx.msk @p2 [tilespmem:v41+s3+$0x0], $0xffff;
	[tilespmem:$0x1F110] =	vst v7;
	v15 =	vpsel p3, v15, v5  }
0x4c3: {  	[tilespmem:s25+$0xFFFFFF90] =	vst @p1 v2;
	v12 =	vmov @p3 v15  }
0x4c4: {  	v43 =	vld.idx.msk @p4 [tilespmem:v35+s3+$0x0], $0xffff;
	[tilespmem:$0x1F0A0] =	vst v12  }
0x4c5: {  	v9 =	vld [tilespmem:$0x1FC60];
	[tilespmem:s0+$0x1A0] =	vst @p6 v4  }
0x4c6: {  	v4 =	vld [tilespmem:$0x1FAD0];
	_ =	sdelay $0x4  }
0x4c7: {  	v16 =	vmov v11;
	v11 =	vmov @p4 v4;
	v4 =	vld [tilespmem:$0x1F020];
	_ =	sdelay $0x4  }
0x4c8: {  	v2 =	vld.idx.msk @p3 [tilespmem:v27+s3+$0x0], $0xffff;
	[tilespmem:$0x1F0D0] =	vst v11;
	v17 =	vmov @p1 v4  }
0x4c9: {  	[tilespmem:$0x1F0B0] =	vst v17  }
0x4ca: {  	[tilespmem:s29+$0xFFFFFF00] =	vst v1  }
0x4cb: {  	v15 =	vadd.s32 @p5 v9, v7;
	v7 =	vld [tilespmem:$0x1FE30];
	_ =	sdelay $0x3  }
0x4cc: {  	v25 =	vmov v10;
	v12 =	vadd.s32 @p3 v10, v12;
	v10 =	vld [tilespmem:$0x1FD80];
	[tilespmem:s11+$0x30] =	vst @p2 v41  }
0x4cd: {  	v35 =	vadd.s32 @p1 v7, v17;
	v7 =	vld [tilespmem:$0x1FAB0];
	_ =	sdelay $0x3  }
0x4ce: {  	v1 =	vld.idx.msk @p6 [tilespmem:v38+s3+$0x0], $0xffff;
	[tilespmem:s1+$0x110] =	vst @p5 v32  }
0x4cf: {  	v38 =	vpsel p1, v35, v7;
	v7 =	vld [tilespmem:$0x1FEC0];
	_ =	sdelay $0x2  }
0x4d0: {  	v32 =	vld [tilespmem:$0x1F9A0];
	[tilespmem:s10+$0xB0] =	vst @p3 v2  }
0x4d1: {  	v4 =	vld.idx.msk @p1 [tilespmem:v40+s3+$0x0], $0xffff;
	[tilespmem:s9+$0xC0] =	vst @p4 v43  }
0x4d2: {  	v47 =	vadd.s32 v7, v47;
	v7 =	vld [tilespmem:$0x1FAA0];
	_ =	sdelay $0x2  }
0x4d3: {  	v34 =	vld.idx.msk [tilespmem:v54+s3+$0x0], $0xffff  }
0x4d4: {  	v42 =	vld.idx.msk @p2 [tilespmem:v42+s3+$0x0], $0xffff;
	v27 =	vadd.s32 @p4 v10, v11  }
0x4d5: {  	v4 =	vpsel p1, v4, v7;
	v7 =	vmov @p3 v61  }
0x4d6: {  	s24 =	smov.u32 @p1 s25;
	v2 =	vld.idx.msk @p5 [tilespmem:v15+s3+$0x0], $0xffff;
	[tilespmem:$0x1F0E0] =	vst v7  }
0x4d7: {  	s4 =	smov.u32 s23;
	s23 =	smov.u32 @p2 s11;
	[tilespmem:s24+$0xFFFFFFA0] =	vst @p1 v4  }
0x4d8: {  	s11 =	smov.u32 @p2 s23;
	v12 =	vld.idx.msk @p3 [tilespmem:v12+s3+$0x0], $0xffff;
	[tilespmem:s29+$0xFFFFFF10] =	vst v34  }
0x4d9: {  	v4 =	vld.idx.msk @p4 [tilespmem:v27+s3+$0x0], $0xffff;
	v27 =	vmov @p1 v60;
	[tilespmem:s11+$0x40] =	vst @p2 v42  }
0x4da: {  	v40 =	vpsel p1, v27, v5;
	v5 =	vld [tilespmem:$0x1FEA0];
	_ =	sdelay $0x2  }
0x4db: {  	[tilespmem:s0+$0x1B0] =	vst @p6 v1  }
0x4dc: {  	v35 =	vmov @p2 v62;
	v1 =	vld [tilespmem:$0x1FFF0]  }
0x4dd: {  	v35 =	vpsel p2, v35, v32;
	v42 =	vadd.s32 @p1 v5, v40;
	v5 =	vld [tilespmem:$0x1F9F0];
	[tilespmem:s10+$0xC0] =	vst @p3 v12  }
0x4de: {  	v15 =	vadd.s32 @p2 v18, v35;
	v43 =	vadd.s32 @p3 v10, v7;
	v7 =	vld [tilespmem:$0x1F970]  }
0x4df: {  	v27 =	vld.idx.msk @p1 [tilespmem:v38+s3+$0x0], $0xffff  }
0x4e0: {  	v17 =	vmov v10;
	v10 =	vld [tilespmem:$0x1FAE0];
	_ =	sdelay $0x1  }
0x4e1: {  	v41 =	vld.idx.msk [tilespmem:v47+s3+$0x0], $0xffff  }
0x4e2: {  	v54 =	vld.idx.msk @p2 [tilespmem:v15+s3+$0x0], $0xffff;
	[tilespmem:$0x1F150] =	vst v7  }
0x4e3: {  	s23 =	smov.u32 @p1 s24;
	[tilespmem:s1+$0x120] =	vst @p5 v2  }
0x4e4: {  	v1 =	vadd.s32 v1, v29;
	v12 =	vmov @p4 v10;
	v29 =	vld [tilespmem:$0x1FC70];
	[tilespmem:s23+$0xFFFFFFB0] =	vst @p1 v27  }
0x4e5: {  	v33 =	vpsel p2, v33, v5;
	v34 =	vpsel p4, v12, v5;
	v5 =	vld [tilespmem:$0x1FB90];
	_ =	sdelay $0x3  }
0x4e6: {  	v18 =	vadd.s32 @p2 v0, v33;
	v0 =	vmov @p3 v55;
	v2 =	vld.idx.msk @p3 [tilespmem:v43+s3+$0x0], $0xffff  }
0x4e7: {  	[tilespmem:$0x1FB90] =	vst v5;
	v38 =	vpsel p3, v0, v5;
	v5 =	vld [tilespmem:$0x1FA50];
	_ =	sdelay $0x3  }
0x4e8: {  	v12 =	vmov @p1 v63;
	v19 =	vld [tilespmem:$0x1FC50];
	[tilespmem:s29+$0xFFFFFF20] =	vst v41  }
0x4e9: {  	v44 =	vpsel p1, v12, v5;
	v5 =	vld [tilespmem:$0x1F890];
	_ =	sdelay $0x3  }
0x4ea: {  	s4 =	smov.u32 @p4 s9  }
0x4eb: {  	s9 =	smov.u32 @p4 s4;
	[tilespmem:s11+$0x50] =	vst @p2 v54;
	v4 =	vpsel p4, v4, v5  }
0x4ec: {  	v5 =	vld [tilespmem:$0x1FFE0];
	[tilespmem:s9+$0xD0] =	vst @p4 v4  }
0x4ed: {  	v28 =	vadd.s32 @p5 v29, v7;
	v7 =	vld [tilespmem:$0x1FA90]  }
0x4ee: {  	v27 =	vld.idx.msk @p1 [tilespmem:v42+s3+$0x0], $0xffff  }
0x4ef: {  	v1 =	vld.idx.msk [tilespmem:v1+s3+$0x0], $0xffff  }
0x4f0: {  	v18 =	vld.idx.msk @p2 [tilespmem:v18+s3+$0x0], $0xffff  }
0x4f1: {  	s4 =	smov.u32 s22;
	v11 =	vld [tilespmem:$0x1F1F0]  }
0x4f2: {  	s4 =	smov.u32 @p3 s10;
	v4 =	vld [tilespmem:$0x1FEB0];
	v2 =	vpsel p3, v2, v7;
	v7 =	vmov @p5 v31  }
0x4f3: {  	s10 =	smov.u32 @p3 s4;
	v10 =	vld [tilespmem:$0x1FB00];
	[tilespmem:$0x1F190] =	vst v7  }
0x4f4: {  	v0 =	vadd.s32 @p4 v19, v34;
	v12 =	vmov @p2 v14;
	v14 =	vadd.s32 @p1 v5, v44;
	v5 =	vld [tilespmem:$0x1FA20];
	[tilespmem:s10+$0xD0] =	vst @p3 v2  }
0x4f5: {  	v61 =	vld [tilespmem:$0x1FD40];
	[tilespmem:s23+$0xFFFFFFC0] =	vst @p1 v27  }
0x4f6: {  	v42 =	vadd.s32 @p3 v19, v38;
	v63 =	vld [tilespmem:$0x1FB40];
	_ =	sdelay $0x1  }
0x4f7: {  	v28 =	vld.idx.msk @p5 [tilespmem:v28+s3+$0x0], $0xffff  }
0x4f8: {  	v0 =	vld.idx.msk @p4 [tilespmem:v0+s3+$0x0], $0xffff  }
0x4f9: {  	v2 =	vmov @p3 v48;
	v31 =	vld [tilespmem:$0x1FD70]  }
0x4fa: {  	v62 =	vpsel p3, v2, v63;
	v2 =	vld.idx.msk @p3 [tilespmem:v42+s3+$0x0], $0xffff;
	[tilespmem:s29+$0xFFFFFF30] =	vst v1  }
0x4fb: {  	v20 =	vmov @p4 v10;
	[tilespmem:s11+$0x60] =	vst @p2 v18  }
0x4fc: {  	v43 =	vpsel p4, v20, v5;
	v20 =	vadd.s32 @p5 v61, v7;
	v7 =	vld [tilespmem:$0x1FE20];
	_ =	sdelay $0x2  }
0x4fd: {  	v41 =	vpsel p2, v12, v5;
	v27 =	vmov @p1 v49;
	v5 =	vld [tilespmem:$0x1F9E0];
	[tilespmem:s1+$0x130] =	vst @p5 v28  }
0x4fe: {  	v54 =	vadd.s32 @p2 v8, v41;
	v49 =	vpsel p1, v27, v30;
	v8 =	vld [tilespmem:$0x1FE90]  }
0x4ff: {  	v55 =	vadd.s32 @p1 v7, v49;
	v7 =	vld [tilespmem:$0x1F210];
	_ =	sdelay $0x3  }
0x500: {  	v18 =	vpsel p2, v58, v5  }
0x501: {  	v42 =	vmov @p2 v18;
	v18 =	vadd.s32 v8, v7;
	v8 =	vld [tilespmem:$0x1F030];
	[tilespmem:s9+$0xE0] =	vst @p4 v0  }
0x502: {  	v4 =	vadd.s32 v4, v11;
	v0 =	vld [tilespmem:$0x1F980];
	_ =	sdelay $0x3  }
0x503: {  	v1 =	vld.idx.msk @p1 [tilespmem:v14+s3+$0x0], $0xffff  }
0x504: {  	v4 =	vld.idx.msk [tilespmem:v4+s3+$0x0], $0xffff;
	v27 =	vpsel p4, v8, v5;
	v5 =	vmov @p5 v0  }
0x505: {  	v54 =	vld.idx.msk @p2 [tilespmem:v54+s3+$0x0], $0xffff;
	[tilespmem:$0x1F1B0] =	vst v5  }
0x506: {  	[tilespmem:s10+$0xE0] =	vst @p3 v2  }
0x507: {  	v15 =	vld [tilespmem:$0x1FB70]  }
0x508: {  	v48 =	vadd.s32 @p4 v31, v43  }
0x509: {  	v60 =	vld [tilespmem:$0x1FD30];
	_ =	sdelay $0x1  }
0x50a: {  	v10 =	vmov @p4 v27  }
0x50b: {  	v0 =	vld.idx.msk @p5 [tilespmem:v20+s3+$0x0], $0xffff;
	[tilespmem:$0x1F120] =	vst v10;
	v27 =	vpsel p3, v39, v15  }
0x50c: {  	v2 =	vld.idx.msk @p4 [tilespmem:v48+s3+$0x0], $0xffff;
	[tilespmem:s23+$0xFFFFFFD0] =	vst @p1 v1;
	v8 =	vmov @p3 v27  }
0x50d: {  	v30 =	vadd.s32 @p5 v60, v5;
	v5 =	vld [tilespmem:$0x1FA70];
	[tilespmem:$0x1F130] =	vst v8  }
0x50e: {  	[tilespmem:s29+$0xFFFFFF40] =	vst v4  }
0x50f: {  	[tilespmem:s11+$0x70] =	vst @p2 v54  }
0x510: {  	v20 =	vadd.s32 @p2 v6, v42;
	v6 =	vld [tilespmem:$0x1FC00]  }
0x511: {  	v1 =	vmov @p1 v50  }
0x512: {  	v28 =	vpsel p1, v1, v5;
	v1 =	vld.idx.msk @p1 [tilespmem:v55+s3+$0x0], $0xffff  }
0x513: {  	v5 =	vld [tilespmem:$0x1FBE0];
	[tilespmem:s1+$0x140] =	vst @p5 v0  }
0x514: {  	v0 =	vld [tilespmem:$0x1F140]  }
0x515: {  	v55 =	vadd.s32 @p1 v6, v28;
	v6 =	vld [tilespmem:$0x1FE80];
	_ =	sdelay $0x2  }
0x516: {  	v14 =	vadd.s32 @p3 v31, v62;
	_ =	sdelay $0x1  }
0x517: {  	v0 =	vadd.s32 v6, v0;
	v6 =	vld [tilespmem:$0x1F040];
	[tilespmem:s9+$0xF0] =	vst @p4 v2  }
0x518: {  	v2 =	vld [tilespmem:$0x1F920];
	_ =	sdelay $0x1  }
0x519: {  	v14 =	vld.idx.msk @p3 [tilespmem:v14+s3+$0x0], $0xffff;
	_ =	sdelay $0x2  }
0x51a: {  	v48 =	vld.idx.msk [tilespmem:v18+s3+$0x0], $0xffff;
	v39 =	vpsel p2, v59, v5;
	v18 =	vpsel p4, v6, v5;
	v5 =	vmov @p5 v2  }
0x51b: {  	v58 =	vld.idx.msk @p2 [tilespmem:v20+s3+$0x0], $0xffff;
	[tilespmem:$0x1F1E0] =	vst v5  }
0x51c: {  	[tilespmem:s10+$0xF0] =	vst @p3 v14  }
0x51d: {  	v59 =	vld [tilespmem:$0x1FD20];
	_ =	sdelay $0x2  }
0x51e: {  	v2 =	vld.idx.msk @p5 [tilespmem:v30+s3+$0x0], $0xffff  }
0x51f: {  	v12 =	vld [tilespmem:$0x1FB50]  }
0x520: {  	v30 =	vadd.s32 @p5 v59, v5;
	v5 =	vld [tilespmem:$0x1F9B0]  }
0x521: {  	v50 =	vadd.s32 @p4 v22, v10;
	_ =	sdelay $0x1  }
0x522: {  	v4 =	vadd.s32 @p3 v22, v8  }
0x523: {  	v20 =	vmov @p4 v18;
	v18 =	vpsel p3, v45, v12  }
0x524: {  	[tilespmem:s23+$0xFFFFFFE0] =	vst @p1 v1;
	v45 =	vpsel p1, v52, v5;
	v5 =	vmov @p3 v18  }
0x525: {  	v14 =	vld.idx.msk @p4 [tilespmem:v50+s3+$0x0], $0xffff;
	[tilespmem:$0x1F160] =	vst v5  }
0x526: {  	[tilespmem:s29+$0xFFFFFF50] =	vst v48  }
0x527: {  	v1 =	vld.idx.msk @p3 [tilespmem:v4+s3+$0x0], $0xffff;
	[tilespmem:s11+$0x80] =	vst @p2 v58  }
0x528: {  	v18 =	vmov v3;
	v54 =	vadd.s32 @p3 v3, v5;
	v4 =	vadd.s32 @p4 v3, v20;
	v3 =	vld [tilespmem:$0x1FE10];
	_ =	sdelay $0x2  }
0x529: {  	v27 =	vmov v22;
	v22 =	vadd.s32 @p2 v24, v39;
	v52 =	vld.idx.msk @p1 [tilespmem:v55+s3+$0x0], $0xffff  }
0x52a: {  	v50 =	vmov @p1 v45;
	v5 =	vld [tilespmem:$0x1FB60];
	[tilespmem:s1+$0x150] =	vst @p5 v2  }
0x52b: {  	v55 =	vadd.s32 @p1 v3, v50;
	v3 =	vld [tilespmem:$0x1F050]  }
0x52c: {  	v0 =	vld.idx.msk [tilespmem:v0+s3+$0x0], $0xffff  }
0x52d: {  	v2 =	vld [tilespmem:$0x1FE70];
	[tilespmem:s9+$0x100] =	vst @p4 v14  }
0x52e: {  	v22 =	vld.idx.msk @p2 [tilespmem:v22+s3+$0x0], $0xffff;
	[tilespmem:s10+$0x100] =	vst @p3 v1  }
0x52f: {  	v58 =	vld [tilespmem:$0x1FCC0]  }
0x530: {  	v24 =	vpsel p4, v3, v5;
	v3 =	vld [tilespmem:$0x1FA10]  }
0x531: {  	v1 =	vld [tilespmem:$0x1F790]  }
0x532: {  	v8 =	vld [tilespmem:$0x1FBB0];
	[tilespmem:s23+$0xFFFFFFF0] =	vst @p1 v52  }
0x533: {  	[tilespmem:s29+$0xFFFFFF60] =	vst v0  }
0x534: {  	v14 =	vld.idx.msk @p5 [tilespmem:v30+s3+$0x0], $0xffff;
	[tilespmem:s11+$0x90] =	vst @p2 v22  }
0x535: {  	v30 =	vmov @p4 v24;
	v24 =	vpsel p1, v53, v3;
	v3 =	vld [tilespmem:$0x1FE00];
	_ =	sdelay $0x2  }
0x536: {  	v45 =	vpsel p2, v56, v5;
	v5 =	vld [tilespmem:$0x1FA00]  }
0x537: {  	v0 =	vmov @p1 v24;
	v24 =	vld.idx.msk @p1 [tilespmem:v55+s3+$0x0], $0xffff  }
0x538: {  	v55 =	vadd.s32 @p1 v3, v0;
	v3 =	vld [tilespmem:$0x1F060];
	_ =	sdelay $0x4  }
0x539: {  	v2 =	vadd.s32 v2, v26;
	v26 =	vpsel p4, v3, v5;
	v3 =	vld [tilespmem:$0x1F940];
	_ =	sdelay $0x2  }
0x53a: {  	v4 =	vld.idx.msk @p4 [tilespmem:v4+s3+$0x0], $0xffff  }
0x53b: {  	v56 =	vadd.s32 @p2 v16, v45;
	v52 =	vld.idx.msk @p3 [tilespmem:v54+s3+$0x0], $0xffff;
	v23 =	vpsel p3, v46, v8  }
0x53c: {  	v54 =	vadd.s32 @p3 v9, v23;
	v53 =	vadd.s32 @p4 v9, v30;
	v9 =	vmov @p5 v3;
	v3 =	vld [tilespmem:$0x1FE60]  }
0x53d: {  	v1 =	vadd.s32 @p6 v58, v1;
	_ =	sdelay $0x1  }
0x53e: {  	v2 =	vld.idx.msk [tilespmem:v2+s3+$0x0], $0xffff  }
0x53f: {  	v56 =	vld.idx.msk @p2 [tilespmem:v56+s3+$0x0], $0xffff  }
0x540: {  	v22 =	vpsel p2, v57, v5;
	[tilespmem:s9+$0x110] =	vst @p4 v4;
	v57 =	vadd.s32 v3, v13;
	v3 =	vpsel p5, v9, v63  }
0x541: {  	v1 =	vld.idx.msk @p6 [tilespmem:v1+s3+$0x0], $0xffff;
	[tilespmem:$0x1F200] =	vst v3  }
0x542: {  	[tilespmem:s10+$0x110] =	vst @p3 v52  }
0x543: {  	v10 =	vld [tilespmem:$0x1FD10];
	_ =	sdelay $0x3  }
0x544: {  	v9 =	vld [tilespmem:$0x1FBD0]  }
0x545: {  	v52 =	vadd.s32 @p5 v10, v3;
	v3 =	vld [tilespmem:$0x1FA30];
	_ =	sdelay $0x3  }
0x546: {  	[tilespmem:s23+$0x0] =	vst @p1 v24  }
0x547: {  	v47 =	vpsel p3, v36, v9;
	v51 =	vpsel p1, v51, v3;
	v3 =	vld [tilespmem:$0x1F840]  }
0x548: {  	v5 =	vmov @p3 v47  }
0x549: {  	v46 =	vmov @p2 v22;
	v22 =	vmov @p4 v26;
	v26 =	vld.idx.msk @p4 [tilespmem:v53+s3+$0x0], $0xffff;
	[tilespmem:$0x1F1A0] =	vst v5  }
0x54a: {  	[tilespmem:s29+$0xFFFFFF70] =	vst v2  }
0x54b: {  	[tilespmem:s11+$0xA0] =	vst @p2 v56  }
0x54c: {  	v14 =	vpsel p5, v14, v3;
	v3 =	vld [tilespmem:$0x1FDF0];
	_ =	sdelay $0x3  }
0x54d: {  	v47 =	vmov @p1 v51;
	v51 =	vadd.s32 @p3 v29, v5;
	v5 =	vld [tilespmem:$0x1F9C0]  }
0x54e: {  	s4 =	smov.u32 s22;
	v56 =	vadd.s32 @p1 v3, v47;
	v3 =	vld [tilespmem:$0x1F070]  }
0x54f: {  	s4 =	smov.u32 @p5 s1  }
0x550: {  	s1 =	smov.u32 @p5 s4  }
0x551: {  	v53 =	vld.idx.msk @p3 [tilespmem:v54+s3+$0x0], $0xffff;
	[tilespmem:s1+$0x160] =	vst @p5 v14  }
0x552: {  	v24 =	vld [tilespmem:$0x1F080]  }
0x553: {  	v4 =	vadd.s32 @p2 v21, v46;
	v21 =	vpsel p4, v3, v5;
	v3 =	vld [tilespmem:$0x1FE50];
	_ =	sdelay $0x3  }
0x554: {  	v2 =	vld.idx.msk @p1 [tilespmem:v55+s3+$0x0], $0xffff;
	[tilespmem:s9+$0x120] =	vst @p4 v26  }
0x555: {  	v14 =	vadd.s32 v3, v24;
	v3 =	vld [tilespmem:$0x1F090];
	[tilespmem:s10+$0x120] =	vst @p3 v53  }
0x556: {  	v6 =	vld [tilespmem:$0x1FBC0]  }
0x557: {  	v37 =	vpsel p2, v37, v5;
	v5 =	vld [tilespmem:$0x1F0A0]  }
0x558: {  	v55 =	vld.idx.msk [tilespmem:v57+s3+$0x0], $0xffff  }
0x559: {  	v54 =	vadd.s32 @p4 v29, v22;
	v4 =	vld.idx.msk @p2 [tilespmem:v4+s3+$0x0], $0xffff  }
0x55a: {  	v52 =	vld.idx.msk @p5 [tilespmem:v52+s3+$0x0], $0xffff  }
0x55b: {  	v13 =	vmov @p4 v21;
	v48 =	vld [tilespmem:$0x1FD00]  }
0x55c: {  	[tilespmem:$0x1F1C0] =	vst v13;
	v16 =	vld [tilespmem:$0x1F0B0];
	v26 =	vpsel p3, v5, v6  }
0x55d: {  	v5 =	vld [tilespmem:$0x1FA40];
	[tilespmem:s23+$0x10] =	vst @p1 v2;
	v2 =	vmov @p3 v26  }
0x55e: {  	v53 =	vld.idx.msk @p4 [tilespmem:v54+s3+$0x0], $0xffff;
	[tilespmem:$0x1F1D0] =	vst v2  }
0x55f: {  	[tilespmem:s29+$0xFFFFFF80] =	vst v55  }
0x560: {  	v55 =	vld.idx.msk @p1 [tilespmem:v56+s3+$0x0], $0xffff;
	[tilespmem:s11+$0xB0] =	vst @p2 v4  }
0x561: {  	v56 =	vadd.s32 @p3 v61, v2;
	v2 =	vld [tilespmem:$0x1FC10];
	_ =	sdelay $0x1  }
0x562: {  	v36 =	vld.idx.msk @p3 [tilespmem:v51+s3+$0x0], $0xffff  }
0x563: {  	v4 =	vld.idx.msk [tilespmem:v14+s3+$0x0], $0xffff;
	[tilespmem:s1+$0x170] =	vst @p5 v52;
	v29 =	vpsel p1, v16, v5  }
0x564: {  	v21 =	vld [tilespmem:$0x1F0C0];
	v51 =	vmov @p1 v29  }
0x565: {  	v14 =	vadd.s32 @p1 v2, v51;
	v2 =	vld [tilespmem:$0x1FE40];
	_ =	sdelay $0x2  }
0x566: {  	v57 =	vadd.s32 @p2 v25, v37;
	_ =	sdelay $0x1  }
0x567: {  	v26 =	vmov @p2 v35;
	v35 =	vadd.s32 v2, v21;
	v2 =	vld [tilespmem:$0x1F0D0];
	_ =	sdelay $0x1  }
0x568: {  	[tilespmem:s9+$0x130] =	vst @p4 v53  }
0x569: {  	v52 =	vld.idx.msk @p2 [tilespmem:v57+s3+$0x0], $0xffff;
	[tilespmem:s10+$0x130] =	vst @p3 v36  }
0x56a: {  	v57 =	vld [tilespmem:$0x1FCB0]  }
0x56b: {  	v25 =	vpsel p4, v2, v32;
	v2 =	vld [tilespmem:$0x1F7A0];
	_ =	sdelay $0x3  }
0x56c: {  	v5 =	vld [tilespmem:$0x1F0E0]  }
0x56d: {  	v53 =	vadd.s32 @p2 v17, v26;
	v17 =	vadd.s32 @p6 v57, v2;
	v2 =	vld [tilespmem:$0x1FBA0];
	[tilespmem:s23+$0x20] =	vst @p1 v55  }
0x56e: {  	[tilespmem:s29+$0xFFFFFF90] =	vst v4  }
0x56f: {  	v54 =	vadd.s32 @p4 v61, v13;
	v3 =	vpsel p5, v3, v15;
	v13 =	vld [tilespmem:$0x1FDE0]  }
0x570: {  	v3 =	vadd.s32 @p5 v48, v3;
	_ =	sdelay $0x2  }
0x571: {  	[tilespmem:s11+$0xC0] =	vst @p2 v52  }
0x572: {  	v55 =	vadd.s32 @p1 v13, v40;
	v13 =	vld [tilespmem:$0x1FB80]  }
0x573: {  	v3 =	vld.idx.msk @p5 [tilespmem:v3+s3+$0x0], $0xffff  }
0x574: {  	v29 =	vmov @p4 v25;
	v25 =	vpsel p3, v5, v2;
	v5 =	vld [tilespmem:$0x1F0F0]  }
0x575: {  	v36 =	vld.idx.msk @p4 [tilespmem:v54+s3+$0x0], $0xffff  }
0x576: {  	v32 =	vld.idx.msk @p3 [tilespmem:v56+s3+$0x0], $0xffff;
	[tilespmem:s0+$0x1C0] =	vst @p6 v1  }
0x577: {  	v52 =	vpsel p1, v55, v13;
	v13 =	vld [tilespmem:$0x1FCF0]  }
0x578: {  	v54 =	vadd.s32 @p4 v60, v29;
	v4 =	vld.idx.msk @p1 [tilespmem:v14+s3+$0x0], $0xffff  }
0x579: {  	v53 =	vld.idx.msk @p2 [tilespmem:v53+s3+$0x0], $0xffff;
	v14 =	vadd.s32 @p3 v60, v25;
	v16 =	vpsel p5, v5, v12  }
0x57a: {  	v55 =	vld.idx.msk [tilespmem:v35+s3+$0x0], $0xffff;
	[tilespmem:s9+$0x140] =	vst @p4 v36  }
0x57b: {  	v56 =	vld [tilespmem:$0x1F100]  }
0x57c: {  	v36 =	vld [tilespmem:$0x1FE30];
	v1 =	vadd.s32 @p5 v13, v16;
	v16 =	vmov @p2 v33  }
0x57d: {  	[tilespmem:s10+$0x140] =	vst @p3 v32;
	v35 =	vpsel p2, v16, v0;
	v16 =	vld.idx.msk @p4 [tilespmem:v54+s3+$0x0], $0xffff  }
0x57e: {  	[tilespmem:s23+$0x30] =	vst @p1 v4;
	v14 =	vld.idx.msk @p3 [tilespmem:v14+s3+$0x0], $0xffff  }
0x57f: {  	s4 =	smov.u32 @p2 s11;
	[tilespmem:s1+$0x180] =	vst @p5 v3  }
0x580: {  	s11 =	smov.u32 @p2 s4;
	v17 =	vld.idx.msk @p6 [tilespmem:v17+s3+$0x0], $0xffff;
	v33 =	vmov @p4 v34;
	[tilespmem:s29+$0xFFFFFFA0] =	vst v55;
	v34 =	vpsel p2, v53, v0  }
0x581: {  	v36 =	vadd.s32 v36, v56;
	v55 =	vld [tilespmem:$0x1FDD0];
	[tilespmem:s11+$0xD0] =	vst @p2 v34  }
0x582: {  	v3 =	vld.idx.msk @p1 [tilespmem:v52+s3+$0x0], $0xffff;
	v54 =	vadd.s32 @p2 v19, v35;
	[tilespmem:s9+$0x150] =	vst @p4 v16  }
0x583: {  	v16 =	vld [tilespmem:$0x1FEA0];
	[tilespmem:s10+$0x150] =	vst @p3 v14  }
0x584: {  	v5 =	vld [tilespmem:$0x1F110]  }
0x585: {  	v1 =	vld.idx.msk @p5 [tilespmem:v1+s3+$0x0], $0xffff  }
0x586: {  	s22 =	smov.u32 @p1 s23;
	v36 =	vld.idx.msk [tilespmem:v36+s3+$0x0], $0xffff  }
0x587: {  	v4 =	vmov @p1 v44;
	v44 =	vadd.s32 @p4 v59, v33;
	v53 =	vld.idx.msk @p2 [tilespmem:v54+s3+$0x0], $0xffff;
	[tilespmem:s22+$0x40] =	vst @p1 v3  }
0x588: {  	v32 =	vmov @p3 v38;
	v38 =	vpsel p1, v4, v2;
	v16 =	vadd.s32 v16, v11;
	v11 =	vld [tilespmem:$0x1FCE0];
	[tilespmem:s0+$0x1D0] =	vst @p6 v17  }
0x589: {  	v52 =	vadd.s32 @p1 v55, v38;
	v14 =	vpsel p5, v5, v8;
	v5 =	vld [tilespmem:$0x1FB90];
	_ =	sdelay $0x1  }
0x58a: {  	v4 =	vadd.s32 @p3 v59, v32;
	v19 =	vmov @p4 v43;
	v34 =	vmov @p2 v41  }
0x58b: {  	v19 =	vpsel p4, v19, v0;
	v34 =	vpsel p2, v34, v0;
	v43 =	vld.idx.msk @p4 [tilespmem:v44+s3+$0x0], $0xffff;
	[tilespmem:s29+$0xFFFFFFB0] =	vst v36  }
0x58c: {  	v44 =	vadd.s32 @p2 v31, v34;
	v17 =	vmovc @p3 v62;
	v54 =	vld [tilespmem:$0x1FDC0];
	[tilespmem:s11+$0xE0] =	vst @p2 v53;
	v3 =	vadd.s32 @p5 v11, v14;
	v14 =	vmov @p1 v49  }
0x58d: {  	v31 =	vpsel p3, v17, v0;
	[tilespmem:s1+$0x190] =	vst @p5 v1;
	v41 =	vpsel p1, v14, v5;
	v14 =	vld.idx.msk @p1 [tilespmem:v52+s3+$0x0], $0xffff  }
0x58e: {  	v36 =	vpsel p2, v42, v0;
	v42 =	vadd.s32 @p3 v10, v31;
	v49 =	vadd.s32 @p4 v10, v19;
	v52 =	vmovc v10;
	v10 =	vld [tilespmem:$0x1FFE0]  }
0x58f: {  	s4 =	smov.u32 @p4 s9  }
0x590: {  	s9 =	smov.u32 @p4 s4;
	v4 =	vld.idx.msk @p3 [tilespmem:v4+s3+$0x0], $0xffff;
	v1 =	vpsel p4, v43, v0  }
0x591: {  	[tilespmem:s9+$0x160] =	vst @p4 v1  }
0x592: {  	v16 =	vld.idx.msk [tilespmem:v16+s3+$0x0], $0xffff;
	[tilespmem:s22+$0x50] =	vst @p1 v14  }
0x593: {  	v62 =	vadd.s32 v10, v7;
	v7 =	vld [tilespmem:$0x1F120]  }
0x594: {  	s4 =	smov.u32 @p3 s10  }
0x595: {  	s10 =	smov.u32 @p3 s4;
	v4 =	vpsel p3, v4, v0;
	v17 =	vadd.s32 @p1 v54, v41  }
0x596: {  	v44 =	vld.idx.msk @p2 [tilespmem:v44+s3+$0x0], $0xffff;
	[tilespmem:s10+$0x160] =	vst @p3 v4  }
0x597: {  	v1 =	vld.idx.msk @p5 [tilespmem:v3+s3+$0x0], $0xffff;
	[tilespmem:s29+$0xFFFFFFC0] =	vst v16  }
0x598: {  	v14 =	vpsel p4, v7, v0;
	v7 =	vld [tilespmem:$0x1F130]  }
0x599: {  	v49 =	vld.idx.msk @p4 [tilespmem:v49+s3+$0x0], $0xffff  }
0x59a: {  	v17 =	vld.idx.msk @p1 [tilespmem:v17+s3+$0x0], $0xffff  }
0x59b: {  	v3 =	vadd.s32 @p2 v27, v36;
	v16 =	vld.idx.msk @p3 [tilespmem:v42+s3+$0x0], $0xffff  }
0x59c: {  	v39 =	vpsel p2, v39, v0;
	v53 =	vld [tilespmem:$0x1FDB0];
	[tilespmem:s11+$0xF0] =	vst @p2 v44  }
0x59d: {  	v43 =	vld.idx.msk [tilespmem:v62+s3+$0x0], $0xffff;
	[tilespmem:s1+$0x1A0] =	vst @p5 v1;
	v4 =	vadd.s32 @p4 v48, v14;
	v14 =	vpsel p3, v7, v0;
	v7 =	vmov @p2 v39  }
0x59e: {  	v28 =	vpsel p1, v28, v63;
	v63 =	vld [tilespmem:$0x1F140];
	[tilespmem:$0x1F220] =	vst v7  }
0x59f: {  	v1 =	vld [tilespmem:$0x1FE20];
	[tilespmem:s9+$0x170] =	vst @p4 v49  }
0x5a0: {  	v3 =	vld.idx.msk @p2 [tilespmem:v3+s3+$0x0], $0xffff;
	[tilespmem:s22+$0x60] =	vst @p1 v17  }
0x5a1: {  	v39 =	vadd.s32 @p2 v18, v7;
	v7 =	vld [tilespmem:$0x1F150];
	_ =	sdelay $0x1  }
0x5a2: {  	[tilespmem:s10+$0x170] =	vst @p3 v16  }
0x5a3: {  	v62 =	vld [tilespmem:$0x1FCD0];
	[tilespmem:s29+$0xFFFFFFD0] =	vst v43  }
0x5a4: {  	v49 =	vld [tilespmem:$0x1FDA0];
	[tilespmem:s11+$0x100] =	vst @p2 v3  }
0x5a5: {  	v44 =	vpsel p1, v50, v15;
	v15 =	vpsel p5, v7, v9;
	v7 =	vld [tilespmem:$0x1F160];
	_ =	sdelay $0x1  }
0x5a6: {  	v27 =	vadd.s32 @p1 v53, v28  }
0x5a7: {  	v42 =	vadd.s32 @p3 v48, v14;
	v4 =	vld.idx.msk @p4 [tilespmem:v4+s3+$0x0], $0xffff  }
0x5a8: {  	v1 =	vadd.s32 v1, v63;
	v14 =	vld [tilespmem:$0x1F170];
	v16 =	vadd.s32 @p5 v62, v15;
	v15 =	vpsel p4, v20, v0  }
0x5a9: {  	v3 =	vadd.s32 @p4 v13, v15;
	v15 =	vpsel p3, v7, v0;
	v7 =	vld [tilespmem:$0x1FC00];
	_ =	sdelay $0x1  }
0x5aa: {  	v27 =	vld.idx.msk @p1 [tilespmem:v27+s3+$0x0], $0xffff;
	_ =	sdelay $0x1  }
0x5ab: {  	v18 =	vpsel p2, v45, v0;
	v1 =	vld.idx.msk [tilespmem:v1+s3+$0x0], $0xffff  }
0x5ac: {  	v17 =	vmov @p1 v44;
	v20 =	vld.idx.msk @p3 [tilespmem:v42+s3+$0x0], $0xffff;
	[tilespmem:s9+$0x180] =	vst @p4 v4;
	v43 =	vadd.s32 v7, v14;
	v7 =	vmov @p2 v18  }
0x5ad: {  	v39 =	vld.idx.msk @p2 [tilespmem:v39+s3+$0x0], $0xffff;
	v42 =	vadd.s32 @p1 v49, v17;
	[tilespmem:$0x1F230] =	vst v7  }
0x5ae: {  	[tilespmem:s22+$0x70] =	vst @p1 v27  }
0x5af: {  	v44 =	vld [tilespmem:$0x1FC60]  }
0x5b0: {  	v16 =	vld.idx.msk @p5 [tilespmem:v16+s3+$0x0], $0xffff  }
0x5b1: {  	v3 =	vld.idx.msk @p4 [tilespmem:v3+s3+$0x0], $0xffff;
	[tilespmem:s10+$0x180] =	vst @p3 v20  }
0x5b2: {  	v4 =	vadd.s32 @p3 v13, v15;
	v20 =	vld.idx.msk @p1 [tilespmem:v42+s3+$0x0], $0xffff;
	[tilespmem:s29+$0xFFFFFFE0] =	vst v1  }
0x5b3: {  	v0 =	vpsel p1, v0, v12;
	v50 =	vld [tilespmem:$0x1FC20]  }
0x5b4: {  	v1 =	vpsel p4, v30, v0;
	[tilespmem:s11+$0x110] =	vst @p2 v39;
	v30 =	vld.idx.msk [tilespmem:v43+s3+$0x0], $0xffff;
	v18 =	vadd.s32 @p2 v44, v7  }
0x5b5: {  	v45 =	vmov v11;
	v1 =	vadd.s32 @p4 v11, v1;
	v11 =	vld [tilespmem:$0x1F180]  }
0x5b6: {  	v7 =	vld [tilespmem:$0x1FE10];
	[tilespmem:s1+$0x1B0] =	vst @p5 v16  }
0x5b7: {  	v4 =	vld.idx.msk @p3 [tilespmem:v4+s3+$0x0], $0xffff;
	[tilespmem:s22+$0x80] =	vst @p1 v20  }
0x5b8: {  	v39 =	vpsel p2, v46, v0;
	v15 =	vld [tilespmem:$0x1FC70]  }
0x5b9: {  	v16 =	vmov @p2 v39;
	[tilespmem:s9+$0x190] =	vst @p4 v3;
	v39 =	vld.idx.msk @p2 [tilespmem:v18+s3+$0x0], $0xffff  }
0x5ba: {  	v43 =	vld [tilespmem:$0x1FCA0]  }
0x5bb: {  	v3 =	vld [tilespmem:$0x1F7B0];
	[tilespmem:s29+$0xFFFFFFF0] =	vst v30  }
0x5bc: {  	v42 =	vadd.s32 v7, v11;
	v7 =	vld [tilespmem:$0x1F190]  }
0x5bd: {  	v27 =	vadd.s32 @p1 v50, v0;
	v18 =	vpsel p1, v47, v8;
	v47 =	vld [tilespmem:$0x1FC30];
	[tilespmem:s10+$0x190] =	vst @p3 v4  }
0x5be: {  	[tilespmem:s11+$0x120] =	vst @p2 v39  }
0x5bf: {  	v8 =	vld [tilespmem:$0x1FE00];
	_ =	sdelay $0x1  }
0x5c0: {  	v23 =	vpsel p3, v23, v0  }
0x5c1: {  	v23 =	vadd.s32 @p3 v45, v23;
	v10 =	vld.idx.msk @p1 [tilespmem:v27+s3+$0x0], $0xffff  }
0x5c2: {  	v1 =	vld.idx.msk @p4 [tilespmem:v1+s3+$0x0], $0xffff;
	v20 =	vadd.s32 @p2 v15, v16  }
0x5c3: {  	v30 =	vadd.s32 v8, v24;
	v8 =	vld [tilespmem:$0x1F1A0]  }
0x5c4: {  	v12 =	vpsel p5, v7, v6  }
0x5c5: {  	v4 =	vadd.s32 @p5 v58, v12;
	v12 =	vld.idx.msk [tilespmem:v42+s3+$0x0], $0xffff  }
0x5c6: {  	v23 =	vld.idx.msk @p3 [tilespmem:v23+s3+$0x0], $0xffff;
	[tilespmem:s22+$0x90] =	vst @p1 v10  }
0x5c7: {  	v20 =	vld.idx.msk @p2 [tilespmem:v20+s3+$0x0], $0xffff;
	[tilespmem:s9+$0x1A0] =	vst @p4 v1  }
0x5c8: {  	v7 =	vmov v24;
	v24 =	vpsel p3, v8, v0;
	v8 =	vld [tilespmem:$0x1F1B0];
	_ =	sdelay $0x1  }
0x5c9: {  	[tilespmem:s29+$0x0] =	vst v12  }
0x5ca: {  	v39 =	vpsel p1, v51, v9;
	v51 =	vld [tilespmem:$0x1FD90];
	[tilespmem:s10+$0x1A0] =	vst @p3 v23  }
0x5cb: {  	[tilespmem:s11+$0x130] =	vst @p2 v20  }
0x5cc: {  	v13 =	vpsel p5, v8, v2;
	v2 =	vld [tilespmem:$0x1F1C0]  }
0x5cd: {  	v3 =	vadd.s32 @p6 v43, v3  }
0x5ce: {  	v27 =	vadd.s32 @p1 v47, v18;
	_ =	sdelay $0x2  }
0x5cf: {  	v22 =	vpsel p4, v22, v0;
	v37 =	vpsel p2, v37, v0;
	v12 =	vpsel p4, v2, v0;
	v2 =	vld [tilespmem:$0x1FDF0]  }
0x5d0: {  	v22 =	vadd.s32 @p4 v62, v22;
	v42 =	vld.idx.msk @p6 [tilespmem:v3+s3+$0x0], $0xffff;
	v10 =	vmov @p2 v37  }
0x5d1: {  	v1 =	vld.idx.msk @p1 [tilespmem:v27+s3+$0x0], $0xffff;
	v27 =	vadd.s32 @p2 v61, v10  }
0x5d2: {  	v3 =	vmov @p1 v39;
	v4 =	vld.idx.msk @p5 [tilespmem:v4+s3+$0x0], $0xffff;
	v24 =	vadd.s32 @p3 v62, v24  }
0x5d3: {  	v23 =	vld.idx.msk [tilespmem:v30+s3+$0x0], $0xffff;
	v37 =	vadd.s32 @p1 v51, v3  }
0x5d4: {  	v39 =	vmov v21;
	v21 =	vadd.s32 v2, v21;
	v2 =	vld [tilespmem:$0x1F1D0]  }
0x5d5: {  	v20 =	vld.idx.msk @p4 [tilespmem:v22+s3+$0x0], $0xffff;
	v13 =	vadd.s32 @p5 v57, v13  }
0x5d6: {  	v27 =	vld.idx.msk @p2 [tilespmem:v27+s3+$0x0], $0xffff  }
0x5d7: {  	v24 =	vld.idx.msk @p3 [tilespmem:v24+s3+$0x0], $0xffff;
	[tilespmem:s22+$0xA0] =	vst @p1 v1  }
0x5d8: {  	v22 =	vadd.s32 @p4 v58, v12;
	[tilespmem:s1+$0x1C0] =	vst @p5 v4;
	v4 =	vld.idx.msk @p1 [tilespmem:v37+s3+$0x0], $0xffff  }
0x5d9: {  	v12 =	vpsel p3, v2, v0;
	v2 =	vpsel p2, v26, v0;
	v26 =	vpsel p1, v40, v6;
	v6 =	vld [tilespmem:$0x1F1E0]  }
0x5da: {  	v13 =	vld.idx.msk @p5 [tilespmem:v13+s3+$0x0], $0xffff;
	[tilespmem:s29+$0x10] =	vst v23  }
0x5db: {  	v40 =	vld [tilespmem:$0x1FC40]  }
0x5dc: {  	v1 =	vadd.s32 @p3 v58, v12;
	[tilespmem:s9+$0x1B0] =	vst @p4 v20;
	v21 =	vld.idx.msk [tilespmem:v21+s3+$0x0], $0xffff  }
0x5dd: {  	[tilespmem:s10+$0x1B0] =	vst @p3 v24;
	v22 =	vld.idx.msk @p4 [tilespmem:v22+s3+$0x0], $0xffff  }
0x5de: {  	v8 =	vpsel p5, v6, v5;
	v5 =	vld [tilespmem:$0x1FC10];
	[tilespmem:s11+$0x140] =	vst @p2 v27  }
0x5df: {  	v12 =	vmovc @p2 v2;
	v2 =	vmov @p1 v26;
	[tilespmem:s22+$0xB0] =	vst @p1 v4;
	v20 =	vadd.s32 @p5 v43, v8;
	v8 =	vpsel p4, v29, v0  }
0x5e0: {  	v26 =	vadd.s32 @p2 v60, v12;
	[tilespmem:s1+$0x1D0] =	vst @p5 v13;
	v27 =	vadd.s32 @p4 v57, v8;
	v8 =	vpsel p3, v25, v0  }
0x5e1: {  	v23 =	vadd.s32 @p1 v40, v2;
	v1 =	vld.idx.msk @p3 [tilespmem:v1+s3+$0x0], $0xffff;
	[tilespmem:s29+$0x20] =	vst v21  }
0x5e2: {  	v4 =	vmov @p1 v38;
	v38 =	vld [tilespmem:$0x1FD80];
	[tilespmem:s9+$0x1C0] =	vst @p4 v22  }
0x5e3: {  	v25 =	vadd.s32 @p3 v57, v8;
	v24 =	vadd.s32 v5, v56;
	v8 =	vmov @p2 v35;
	v35 =	vld [tilespmem:$0x1FC90]  }
0x5e4: {  	v5 =	vld [tilespmem:$0x1F750]  }
0x5e5: {  	v26 =	vld.idx.msk @p2 [tilespmem:v26+s3+$0x0], $0xffff  }
0x5e6: {  	v13 =	vld.idx.msk @p1 [tilespmem:v23+s3+$0x0], $0xffff;
	[tilespmem:s10+$0x1C0] =	vst @p3 v1  }
0x5e7: {  	v37 =	vld [tilespmem:$0x1F1F0]  }
0x5e8: {  	v24 =	vld.idx.msk [tilespmem:v24+s3+$0x0], $0xffff  }
0x5e9: {  	v22 =	vadd.s32 @p6 v35, v5;
	v5 =	vld [tilespmem:$0x1FDE0]  }
0x5ea: {  	v27 =	vld.idx.msk @p4 [tilespmem:v27+s3+$0x0], $0xffff  }
0x5eb: {  	v25 =	vld.idx.msk @p3 [tilespmem:v25+s3+$0x0], $0xffff;
	[tilespmem:s11+$0x150] =	vst @p2 v26  }
0x5ec: {  	v1 =	vpsel p4, v33, v0;
	[tilespmem:s0+$0x1E0] =	vst @p6 v42  }
0x5ed: {  	v23 =	vadd.s32 @p2 v59, v8;
	v26 =	vadd.s32 @p4 v43, v1;
	v1 =	vpsel p3, v32, v0;
	[tilespmem:s22+$0xC0] =	vst @p1 v13  }
0x5ee: {  	v21 =	vadd.s32 @p1 v38, v4;
	v29 =	vadd.s32 v5, v37;
	v5 =	vld [tilespmem:$0x1F200];
	[tilespmem:s29+$0x30] =	vst v24  }
0x5ef: {  	v20 =	vld.idx.msk @p5 [tilespmem:v20+s3+$0x0], $0xffff;
	[tilespmem:s9+$0x1D0] =	vst @p4 v27  }
0x5f0: {  	v13 =	vadd.s32 @p3 v43, v1;
	v1 =	vmov @p2 v34;
	v34 =	vld [tilespmem:$0x1FC50];
	[tilespmem:s10+$0x1D0] =	vst @p3 v25  }
0x5f1: {  	v46 =	vld [tilespmem:$0x1F210]  }
0x5f2: {  	v23 =	vld.idx.msk @p2 [tilespmem:v23+s3+$0x0], $0xffff  }
0x5f3: {  	v30 =	vmov @p1 v41;
	v21 =	vld.idx.msk @p1 [tilespmem:v21+s3+$0x0], $0xffff;
	v1 =	vpsel p2, v1, v0  }
0x5f4: {  	v24 =	vpsel p1, v30, v0;
	v30 =	vadd.s32 @p2 v52, v1  }
0x5f5: {  	v9 =	vadd.s32 @p5 v35, v5;
	v27 =	vld.idx.msk [tilespmem:v29+s3+$0x0], $0xffff  }
0x5f6: {  	s4 =	smov.u32 @p2 s11;
	v26 =	vld.idx.msk @p4 [tilespmem:v26+s3+$0x0], $0xffff;
	v25 =	vadd.s32 v55, v46  }
0x5f7: {  	s11 =	smov.u32 @p2 s4;
	s22 =	smov.u32 @p1 s22;
	[tilespmem:s1+$0x1E0] =	vst @p5 v20;
	v13 =	vld.idx.msk @p3 [tilespmem:v13+s3+$0x0], $0xffff;
	v20 =	vpsel p2, v23, v0  }
0x5f8: {  	v19 =	vadd.s32 @p4 v35, v19;
	s4 =	smov.u32 @p1 s22;
	v22 =	vld.idx.msk @p6 [tilespmem:v22+s3+$0x0], $0xffff;
	v21 =	vpsel p1, v21, v0;
	[tilespmem:s11+$0x160] =	vst @p2 v20  }
0x5f9: {  	[tilespmem:s4+$0xD0] =	vst @p1 v21;
	v21 =	vld.idx.msk @p2 [tilespmem:v30+s3+$0x0], $0xffff  }
0x5fa: {  	v9 =	vld.idx.msk @p5 [tilespmem:v9+s3+$0x0], $0xffff;
	[tilespmem:s29+$0x40] =	vst v27  }
0x5fb: {  	v23 =	vadd.s32 @p3 v35, v31;
	[tilespmem:s9+$0x1E0] =	vst @p4 v26;
	v25 =	vld.idx.msk [tilespmem:v25+s3+$0x0], $0xffff  }
0x5fc: {  	v30 =	vld [tilespmem:$0x1FD70];
	[tilespmem:s10+$0x1E0] =	vst @p3 v13;
	v13 =	vadd.s32 v54, v63  }
0x5fd: {  	v19 =	vld.idx.msk @p4 [tilespmem:v19+s3+$0x0], $0xffff  }
0x5fe: {  	s0 =	smov.u32 @p6 s0;
	v22 =	vpsel p6, v22, v0  }
0x5ff: {  	[tilespmem:s0+$0x1F0] =	vst @p6 v22  }
0x600: {  	v22 =	vld.idx.msk @p3 [tilespmem:v23+s3+$0x0], $0xffff;
	[tilespmem:s29+$0x50] =	vst v25  }
0x601: {  	s0 =	smov.u32 @p5 s1;
	v9 =	vpsel p5, v9, v0;
	v13 =	vld.idx.msk [tilespmem:v13+s3+$0x0], $0xffff  }
0x602: {  	[tilespmem:s0+$0x1F0] =	vst @p5 v9;
	v9 =	vpsel p4, v19, v0;
	v19 =	vadd.s32 v53, v14;
	_ =	sdelay $0x1  }
0x603: {  	s0 =	smov.u32 @p4 s9  }
0x604: {  	[tilespmem:s0+$0x1F0] =	vst @p4 v9  }
0x605: {  	v9 =	vpsel p3, v22, v0;
	s0 =	smov.u32 @p3 s10;
	[tilespmem:s29+$0x60] =	vst v13  }
0x606: {  	[tilespmem:s0+$0x1F0] =	vst @p3 v9;
	v9 =	vld.idx.msk [tilespmem:v19+s3+$0x0], $0xffff  }
0x607: {  	v13 =	vadd.s32 v49, v11;
	_ =	sdelay $0x3  }
0x608: {  	[tilespmem:s29+$0x70] =	vst v9  }
0x609: {  	v9 =	vld.idx.msk [tilespmem:v13+s3+$0x0], $0xffff  }
0x60a: {  	v13 =	vadd.s32 v50, v7;
	_ =	sdelay $0x3  }
0x60b: {  	[tilespmem:s29+$0x80] =	vst v9  }
0x60c: {  	v9 =	vld.idx.msk [tilespmem:v13+s3+$0x0], $0xffff  }
0x60d: {  	v13 =	vadd.s32 v47, v39;
	_ =	sdelay $0x3  }
0x60e: {  	[tilespmem:s29+$0x90] =	vst v9  }
0x60f: {  	v9 =	vld.idx.msk [tilespmem:v13+s3+$0x0], $0xffff  }
0x610: {  	v13 =	vadd.s32 v51, v56;
	_ =	sdelay $0x3  }
0x611: {  	[tilespmem:s29+$0xA0] =	vst v9  }
0x612: {  	v9 =	vld.idx.msk [tilespmem:v13+s3+$0x0], $0xffff  }
0x613: {  	v13 =	vadd.s32 v40, v37  }
0x614: {  	v29 =	vadd.s32 @p1 v34, v24;
	_ =	sdelay $0x2  }
0x615: {  	v20 =	vmov @p1 v28;
	v28 =	vpsel p2, v36, v0;
	[tilespmem:s29+$0xB0] =	vst v9  }
0x616: {  	v28 =	vadd.s32 @p2 v48, v28;
	v9 =	vld.idx.msk [tilespmem:v13+s3+$0x0], $0xffff  }
0x617: {  	v20 =	vpsel p1, v20, v0;
	v27 =	vld.idx.msk @p1 [tilespmem:v29+s3+$0x0], $0xffff;
	v13 =	vadd.s32 v38, v46  }
0x618: {  	v26 =	vadd.s32 @p1 v30, v20;
	_ =	sdelay $0x1  }
0x619: {  	[tilespmem:s11+$0x170] =	vst @p2 v21  }
0x61a: {  	v21 =	vld.idx.msk @p2 [tilespmem:v28+s3+$0x0], $0xffff;
	[tilespmem:s29+$0xC0] =	vst v9  }
0x61b: {  	[tilespmem:s4+$0xE0] =	vst @p1 v27;
	v9 =	vld.idx.msk [tilespmem:v13+s3+$0x0], $0xffff  }
0x61c: {  	v23 =	vld.idx.msk @p1 [tilespmem:v26+s3+$0x0], $0xffff;
	v13 =	vadd.s32 v34, v63;
	_ =	sdelay $0x2  }
0x61d: {  	[tilespmem:s11+$0x180] =	vst @p2 v21  }
0x61e: {  	[tilespmem:s29+$0xD0] =	vst v9  }
0x61f: {  	[tilespmem:s4+$0xF0] =	vst @p1 v23;
	v9 =	vld.idx.msk [tilespmem:v13+s3+$0x0], $0xffff  }
0x620: {  	v27 =	vmov v14;
	v13 =	vadd.s32 v30, v14;
	v14 =	vld [tilespmem:$0x1FD60];
	_ =	sdelay $0x3  }
0x621: {  	v17 =	vpsel p1, v17, v0;
	[tilespmem:s29+$0xE0] =	vst v9  }
0x622: {  	v19 =	vadd.s32 @p1 v14, v17;
	v9 =	vld.idx.msk [tilespmem:v13+s3+$0x0], $0xffff  }
0x623: {  	v13 =	vadd.s32 v14, v11;
	v14 =	vld [tilespmem:$0x1FD50];
	_ =	sdelay $0x3  }
0x624: {  	v0 =	vpsel p1, v0, v0;
	v19 =	vld.idx.msk @p1 [tilespmem:v19+s3+$0x0], $0xffff  }
0x625: {  	v21 =	vadd.s32 @p1 v14, v0;
	[tilespmem:s29+$0xF0] =	vst v9  }
0x626: {  	v9 =	vld.idx.msk [tilespmem:v13+s3+$0x0], $0xffff  }
0x627: {  	v13 =	vadd.s32 v14, v7;
	_ =	sdelay $0x1  }
0x628: {  	[tilespmem:s4+$0x100] =	vst @p1 v19  }
0x629: {  	v18 =	vpsel p1, v18, v0;
	v19 =	vld.idx.msk @p1 [tilespmem:v21+s3+$0x0], $0xffff  }
0x62a: {  	v21 =	vadd.s32 @p1 v44, v18;
	[tilespmem:s29+$0x100] =	vst v9  }
0x62b: {  	v9 =	vld.idx.msk [tilespmem:v13+s3+$0x0], $0xffff  }
0x62c: {  	v13 =	vadd.s32 v44, v39;
	_ =	sdelay $0x1  }
0x62d: {  	[tilespmem:s4+$0x110] =	vst @p1 v19  }
0x62e: {  	v3 =	vpsel p1, v3, v0;
	v19 =	vld.idx.msk @p1 [tilespmem:v21+s3+$0x0], $0xffff  }
0x62f: {  	v21 =	vadd.s32 @p1 v15, v3;
	[tilespmem:s29+$0x110] =	vst v9  }
0x630: {  	v9 =	vld.idx.msk [tilespmem:v13+s3+$0x0], $0xffff  }
0x631: {  	v13 =	vadd.s32 v15, v56;
	_ =	sdelay $0x1  }
0x632: {  	[tilespmem:s4+$0x120] =	vst @p1 v19  }
0x633: {  	v2 =	vpsel p1, v2, v0;
	v19 =	vld.idx.msk @p1 [tilespmem:v21+s3+$0x0], $0xffff  }
0x634: {  	v21 =	vadd.s32 @p1 v61, v2;
	[tilespmem:s29+$0x120] =	vst v9  }
0x635: {  	v9 =	vld.idx.msk [tilespmem:v13+s3+$0x0], $0xffff  }
0x636: {  	v13 =	vadd.s32 v61, v37;
	_ =	sdelay $0x1  }
0x637: {  	[tilespmem:s4+$0x130] =	vst @p1 v19  }
0x638: {  	v4 =	vpsel p1, v4, v0;
	v19 =	vld.idx.msk @p1 [tilespmem:v21+s3+$0x0], $0xffff  }
0x639: {  	v21 =	vadd.s32 @p1 v60, v4;
	[tilespmem:s29+$0x130] =	vst v9  }
0x63a: {  	v9 =	vld.idx.msk [tilespmem:v13+s3+$0x0], $0xffff  }
0x63b: {  	v13 =	vadd.s32 v60, v46;
	_ =	sdelay $0x1  }
0x63c: {  	[tilespmem:s4+$0x140] =	vst @p1 v19  }
0x63d: {  	v19 =	vmov @p1 v24;
	v21 =	vld.idx.msk @p1 [tilespmem:v21+s3+$0x0], $0xffff  }
0x63e: {  	v22 =	vadd.s32 @p1 v59, v19;
	[tilespmem:s29+$0x140] =	vst v9  }
0x63f: {  	v9 =	vld.idx.msk [tilespmem:v13+s3+$0x0], $0xffff  }
0x640: {  	v13 =	vadd.s32 v59, v63;
	_ =	sdelay $0x1  }
0x641: {  	[tilespmem:s4+$0x150] =	vst @p1 v21  }
0x642: {  	v21 =	vld.idx.msk @p1 [tilespmem:v22+s3+$0x0], $0xffff  }
0x643: {  	v20 =	vpsel p1, v20, v0;
	[tilespmem:s29+$0x150] =	vst v9  }
0x644: {  	v22 =	vadd.s32 @p1 v52, v20;
	v9 =	vld.idx.msk [tilespmem:v13+s3+$0x0], $0xffff;
	_ =	sdelay $0x2  }
0x645: {  	s0 =	smov.u32 @p1 s4;
	v21 =	vpsel p1, v21, v0  }
0x646: {  	v13 =	vadd.s32 v52, v27;
	[tilespmem:s0+$0x160] =	vst @p1 v21  }
0x647: {  	v21 =	vld.idx.msk @p1 [tilespmem:v22+s3+$0x0], $0xffff;
	[tilespmem:s29+$0x160] =	vst v9  }
0x648: {  	v5 =	vld [tilespmem:$0x1F220];
	_ =	sdelay $0x1  }
0x649: {  	v17 =	vpsel p1, v17, v0  }
0x64a: {  	v17 =	vadd.s32 @p1 v48, v17;
	v9 =	vld.idx.msk [tilespmem:v13+s3+$0x0], $0xffff  }
0x64b: {  	v13 =	vadd.s32 v48, v11;
	[tilespmem:s0+$0x170] =	vst @p1 v21  }
0x64c: {  	v14 =	vpsel p2, v5, v0;
	v5 =	vld [tilespmem:$0x1FCF0];
	_ =	sdelay $0x2  }
0x64d: {  	v17 =	vld.idx.msk @p1 [tilespmem:v17+s3+$0x0], $0xffff;
	[tilespmem:s29+$0x170] =	vst v9  }
0x64e: {  	v0 =	vpsel p1, v0, v0;
	v9 =	vld.idx.msk [tilespmem:v13+s3+$0x0], $0xffff  }
0x64f: {  	v14 =	vadd.s32 @p2 v5, v14;
	v0 =	vadd.s32 @p1 v5, v0;
	v13 =	vadd.s32 v5, v7;
	v5 =	vld [tilespmem:$0x1F230];
	_ =	sdelay $0x4  }
0x650: {  	[tilespmem:s0+$0x180] =	vst @p1 v17;
	v15 =	vpsel p2, v5, v0;
	v14 =	vld.idx.msk @p2 [tilespmem:v14+s3+$0x0], $0xffff  }
0x651: {  	v17 =	vpsel p1, v18, v0;
	v0 =	vld.idx.msk @p1 [tilespmem:v0+s3+$0x0], $0xffff;
	v15 =	vadd.s32 @p2 v45, v15;
	_ =	sdelay $0x1  }
0x652: {  	[tilespmem:s29+$0x180] =	vst v9  }
0x653: {  	v9 =	vld.idx.msk [tilespmem:v13+s3+$0x0], $0xffff  }
0x654: {  	v13 =	vadd.s32 v45, v39;
	[tilespmem:s11+$0x190] =	vst @p2 v14  }
0x655: {  	v17 =	vadd.s32 @p1 v45, v17;
	v14 =	vpsel p2, v16, v0;
	v15 =	vld.idx.msk @p2 [tilespmem:v15+s3+$0x0], $0xffff  }
0x656: {  	[tilespmem:s0+$0x190] =	vst @p1 v0;
	v0 =	vadd.s32 @p2 v62, v14;
	_ =	sdelay $0x1  }
0x657: {  	[tilespmem:s29+$0x190] =	vst v9  }
0x658: {  	v9 =	vld.idx.msk [tilespmem:v13+s3+$0x0], $0xffff  }
0x659: {  	v14 =	vld.idx.msk @p1 [tilespmem:v17+s3+$0x0], $0xffff;
	v13 =	vadd.s32 v62, v56;
	v3 =	vpsel p1, v3, v0;
	[tilespmem:s11+$0x1A0] =	vst @p2 v15  }
0x65a: {  	v10 =	vpsel p2, v10, v0;
	v3 =	vadd.s32 @p1 v62, v3;
	v0 =	vld.idx.msk @p2 [tilespmem:v0+s3+$0x0], $0xffff  }
0x65b: {  	v10 =	vadd.s32 @p2 v58, v10;
	_ =	sdelay $0x1  }
0x65c: {  	[tilespmem:s29+$0x1A0] =	vst v9  }
0x65d: {  	[tilespmem:s0+$0x1A0] =	vst @p1 v14;
	v9 =	vld.idx.msk [tilespmem:v13+s3+$0x0], $0xffff  }
0x65e: {  	v5 =	vadd.s32 v58, v37;
	v3 =	vld.idx.msk @p1 [tilespmem:v3+s3+$0x0], $0xffff;
	v2 =	vpsel p1, v2, v0;
	[tilespmem:s11+$0x1B0] =	vst @p2 v0  }
0x65f: {  	v0 =	vpsel p2, v12, v0;
	v2 =	vadd.s32 @p1 v58, v2;
	v10 =	vld.idx.msk @p2 [tilespmem:v10+s3+$0x0], $0xffff  }
0x660: {  	v0 =	vadd.s32 @p2 v57, v0;
	_ =	sdelay $0x1  }
0x661: {  	[tilespmem:s29+$0x1B0] =	vst v9  }
0x662: {  	[tilespmem:s0+$0x1B0] =	vst @p1 v3;
	v3 =	vpsel p1, v4, v0;
	v4 =	vld.idx.msk [tilespmem:v5+s3+$0x0], $0xffff  }
0x663: {  	v5 =	vadd.s32 v57, v46;
	v2 =	vld.idx.msk @p1 [tilespmem:v2+s3+$0x0], $0xffff;
	[tilespmem:s11+$0x1C0] =	vst @p2 v10  }
0x664: {  	v6 =	vpsel p2, v8, v0;
	v3 =	vadd.s32 @p1 v57, v3;
	v0 =	vld.idx.msk @p2 [tilespmem:v0+s3+$0x0], $0xffff;
	_ =	sdelay $0x2  }
0x665: {  	[tilespmem:s29+$0x1C0] =	vst v4  }
0x666: {  	v4 =	vld.idx.msk [tilespmem:v5+s3+$0x0], $0xffff;
	[tilespmem:s0+$0x1C0] =	vst @p1 v2;
	v2 =	vadd.s32 @p2 v43, v6  }
0x667: {  	v5 =	vadd.s32 v43, v63;
	v6 =	vpsel p1, v19, v0;
	v3 =	vld.idx.msk @p1 [tilespmem:v3+s3+$0x0], $0xffff  }
0x668: {  	v6 =	vadd.s32 @p1 v43, v6;
	_ =	sdelay $0x1  }
0x669: {  	[tilespmem:s11+$0x1D0] =	vst @p2 v0  }
0x66a: {  	[tilespmem:s29+$0x1D0] =	vst v4;
	v0 =	vld.idx.msk @p2 [tilespmem:v2+s3+$0x0], $0xffff  }
0x66b: {  	v1 =	vadd.s32 @p2 v35, v1;
	v4 =	vld.idx.msk [tilespmem:v5+s3+$0x0], $0xffff;
	[tilespmem:s0+$0x1D0] =	vst @p1 v3  }
0x66c: {  	v5 =	vadd.s32 v35, v27;
	v2 =	vld.idx.msk @p1 [tilespmem:v6+s3+$0x0], $0xffff  }
0x66d: {  	v3 =	vadd.s32 @p1 v35, v20;
	_ =	sdelay $0x1  }
0x66e: {  	[tilespmem:s11+$0x1E0] =	vst @p2 v0  }
0x66f: {  	[tilespmem:s29+$0x1E0] =	vst v4;
	v0 =	vld.idx.msk @p2 [tilespmem:v1+s3+$0x0], $0xffff  }
0x670: {  	[tilespmem:s0+$0x1E0] =	vst @p1 v2;
	v2 =	vld.idx.msk [tilespmem:v5+s3+$0x0], $0xffff  }
0x671: {  	v1 =	vld.idx.msk @p1 [tilespmem:v3+s3+$0x0], $0xffff;
	_ =	sdelay $0x2  }
0x672: {  	s1 =	smov.u32 @p2 s11;
	v0 =	vpsel p2, v0, v0  }
0x673: {  	[tilespmem:s1+$0x1F0] =	vst @p2 v0  }
0x674: {  	s9 =	sshll.u32 s20, $0x13;
	s0 =	smov.u32 @p1 s0;
	[tilespmem:s29+$0x1F0] =	vst v2;
	v0 =	vpsel p1, v1, v0  }
0x675: {  	s10 =	sor.u32 s6, s9;
	[tilespmem:s0+$0x1F0] =	vst @p1 v0  }
0x676: {  	s11 =	sshrl.u32 s10, $0x3;
	s22 =	sld [smem:$0x7FB]  }
0x677: {  	s0 =	sadd.s32 s2, s11  }
0x678: {  	[hbm4b:s0+s12] =	stream.strided.scatter [tilespmem:s14], [sflag:$0x1], $0x2000, s13, s12, $0x38;
	[tilespmem:$0x1A400] =	vst v63  }
0x679: {  	p0 =	seq.s32 s22, $0x1  }
0x67a: {  	s0 =	simm.s32 @!p0 $0x2  }
0x67b: {  	s21 =	sor.u32 $0x1, s21;
	_ =	swait.ge @!p0 [sflag:s0], $0x2000  }
0x67c: {  	s23 =	sshll.u32 s21, $0x7;
	[sflag:s0] =	ssyncset.done @!p0 $0x0  }
0x67d: {  	s24 =	sand.u32 $0x3FFFFF80, s23;
	[sflag:s0] =	ssyncadd.s32 @!p0 $0xFFFFE000  }
0x67e: {  	v25 =	vld [tilespmem:s24+$0x10000];
	_ =	sdelay $0x3  }
0x67f: {  	s25 =	simm.s32 $0x0  }
0x680: {  	v0 =	vadd.s32 s25, v25  }
0x681: {  	v35 =	vld [tilespmem:s24+$0x10010];
	_ =	sdelay $0x2  }
0x682: {  	v60 =	vld [tilespmem:s24+$0x10020]  }
0x683: {  	v1 =	vld.idx.msk [tilespmem:v0+s3+$0x0], $0xffff  }
0x684: {  	v59 =	vld [tilespmem:s24+$0x10030];
	v2 =	vadd.s32 s25, v35  }
0x685: {  	v14 =	vld [tilespmem:s24+$0x10040]  }
0x686: {  	v16 =	vld [tilespmem:s24+$0x10050]  }
0x687: {  	s22 =	simm.s32 $0x18600;
	v15 =	vld [tilespmem:s24+$0x10060]  }
0x688: {  	v18 =	vld [tilespmem:s24+$0x10070];
	[tilespmem:s22+$0xFFFFFE00] =	vst v1  }
0x689: {  	v1 =	vld.idx.msk [tilespmem:v2+s3+$0x0], $0xffff  }
0x68a: {  	v3 =	vadd.s32 s25, v60;
	_ =	sdelay $0x3  }
0x68b: {  	[tilespmem:s22+$0xFFFFFE10] =	vst v1  }
0x68c: {  	v1 =	vld.idx.msk [tilespmem:v3+s3+$0x0], $0xffff  }
0x68d: {  	v4 =	vadd.s32 s25, v59;
	_ =	sdelay $0x3  }
0x68e: {  	[tilespmem:s22+$0xFFFFFE20] =	vst v1  }
0x68f: {  	v1 =	vld.idx.msk [tilespmem:v4+s3+$0x0], $0xffff  }
0x690: {  	v8 =	vadd.s32 s25, v14;
	_ =	sdelay $0x3  }
0x691: {  	[tilespmem:s22+$0xFFFFFE30] =	vst v1  }
0x692: {  	v1 =	vld.idx.msk [tilespmem:v8+s3+$0x0], $0xffff  }
0x693: {  	v9 =	vadd.s32 s25, v16;
	_ =	sdelay $0x3  }
0x694: {  	[tilespmem:s22+$0xFFFFFE40] =	vst v1  }
0x695: {  	v1 =	vld.idx.msk [tilespmem:v9+s3+$0x0], $0xffff  }
0x696: {  	v10 =	vadd.s32 s25, v15;
	_ =	sdelay $0x3  }
0x697: {  	[tilespmem:s22+$0xFFFFFE50] =	vst v1  }
0x698: {  	v1 =	vld.idx.msk [tilespmem:v10+s3+$0x0], $0xffff  }
0x699: {  	v11 =	vadd.s32 s25, v18;
	_ =	sdelay $0x3  }
0x69a: {  	v20 =	vand.u32 $0x7F, v25;
	[tilespmem:s22+$0xFFFFFE60] =	vst v1  }
0x69b: {  	v23 =	vor.u32 $0x400, v20;
	v7 =	vand.u32 $0xFFFFFF80, v0;
	v0 =	vld.idx.msk [tilespmem:v11+s3+$0x0], $0xffff  }
0x69c: {  	v1 =	vadd.s32 v23, v7;
	_ =	sdelay $0x3  }
0x69d: {  	v37 =	vand.u32 $0x7F, v35;
	[tilespmem:s22+$0xFFFFFE70] =	vst v0  }
0x69e: {  	v46 =	vor.u32 $0x400, v37;
	v6 =	vand.u32 $0xFFFFFF80, v2;
	v0 =	vld.idx.msk [tilespmem:v1+s3+$0x0], $0xffff  }
0x69f: {  	v1 =	vadd.s32 v46, v6;
	_ =	sdelay $0x3  }
0x6a0: {  	s26 =	simm.s32 $0x2000;
	v62 =	vand.u32 $0x7F, v60;
	[tilespmem:s22+$0xFFFFFE80] =	vst v0  }
0x6a1: {  	v12 =	vadd.s32 s26, v25;
	v57 =	vor.u32 $0x400, v62;
	v5 =	vand.u32 $0xFFFFFF80, v3;
	v0 =	vld.idx.msk [tilespmem:v1+s3+$0x0], $0xffff  }
0x6a2: {  	v1 =	vadd.s32 v57, v5;
	_ =	sdelay $0x3  }
0x6a3: {  	v51 =	vand.u32 $0x7F, v59;
	[tilespmem:s22+$0xFFFFFE90] =	vst v0;
	v0 =	vld.idx.msk [tilespmem:v12+s3+$0x0], $0xffff  }
0x6a4: {  	v13 =	vadd.s32 s26, v35;
	v50 =	vor.u32 $0x400, v51;
	v4 =	vand.u32 $0xFFFFFF80, v4;
	v1 =	vld.idx.msk [tilespmem:v1+s3+$0x0], $0xffff  }
0x6a5: {  	v2 =	vadd.s32 v50, v4;
	_ =	sdelay $0x1  }
0x6a6: {  	s23 =	simm.s32 $0x18A00  }
0x6a7: {  	[tilespmem:s23+$0xFFFFFE00] =	vst v0  }
0x6a8: {  	v36 =	vand.u32 $0x7F, v14;
	[tilespmem:s22+$0xFFFFFEA0] =	vst v1;
	v0 =	vld.idx.msk [tilespmem:v13+s3+$0x0], $0xffff  }
0x6a9: {  	v61 =	vor.u32 $0x400, v36;
	v3 =	vand.u32 $0xFFFFFF80, v8;
	v8 =	vadd.s32 s26, v60;
	v1 =	vld.idx.msk [tilespmem:v2+s3+$0x0], $0xffff  }
0x6aa: {  	v17 =	vmov v14;
	v14 =	vadd.s32 v61, v3;
	_ =	sdelay $0x2  }
0x6ab: {  	[tilespmem:s23+$0xFFFFFE10] =	vst v0  }
0x6ac: {  	v29 =	vand.u32 $0x7F, v16;
	[tilespmem:s22+$0xFFFFFEB0] =	vst v1;
	v0 =	vld.idx.msk [tilespmem:v8+s3+$0x0], $0xffff  }
0x6ad: {  	v48 =	vor.u32 $0x400, v29;
	v2 =	vand.u32 $0xFFFFFF80, v9;
	v9 =	vadd.s32 s26, v59;
	v1 =	vld.idx.msk [tilespmem:v14+s3+$0x0], $0xffff  }
0x6ae: {  	v14 =	vadd.s32 v48, v2;
	_ =	sdelay $0x2  }
0x6af: {  	[tilespmem:s23+$0xFFFFFE20] =	vst v0  }
0x6b0: {  	v30 =	vand.u32 $0x7F, v15;
	[tilespmem:s22+$0xFFFFFEC0] =	vst v1;
	v0 =	vld.idx.msk [tilespmem:v9+s3+$0x0], $0xffff  }
0x6b1: {  	v19 =	vmovc v16;
	v39 =	vor.u32 $0x400, v30;
	v16 =	vadd.s32 s26, v17;
	v1 =	vand.u32 $0xFFFFFF80, v10;
	v10 =	vld.idx.msk [tilespmem:v14+s3+$0x0], $0xffff  }
0x6b2: {  	v14 =	vadd.s32 v39, v1  }
0x6b3: {  	[tilespmem:$0x1F3D0] =	vst v17  }
0x6b4: {  	s28 =	simm.s32 $0x4000;
	[tilespmem:$0x1F260] =	vst v25  }
0x6b5: {  	v40 =	vmov v17;
	v17 =	vadd.s32 s28, v25;
	[tilespmem:s23+$0xFFFFFE30] =	vst v0  }
0x6b6: {  	v34 =	vand.u32 $0x7F, v18;
	[tilespmem:s22+$0xFFFFFED0] =	vst v10;
	v10 =	vld.idx.msk [tilespmem:v16+s3+$0x0], $0xffff  }
0x6b7: {  	v53 =	vmovc v25;
	v45 =	vor.u32 $0x400, v34;
	v25 =	vmovc v18;
	v18 =	vadd.s32 s26, v19;
	v0 =	vand.u32 $0xFFFFFF80, v11;
	v14 =	vld.idx.msk [tilespmem:v14+s3+$0x0], $0xffff  }
0x6b8: {  	v11 =	vadd.s32 v45, v0  }
0x6b9: {  	[tilespmem:$0x1F430] =	vst v19  }
0x6ba: {  	v21 =	vmov v15;
	v15 =	vld.idx.msk [tilespmem:v17+s3+$0x0], $0xffff;
	[tilespmem:$0x1F2C0] =	vst v35  }
0x6bb: {  	v63 =	vmov v19;
	v19 =	vadd.s32 s28, v35;
	[tilespmem:s23+$0xFFFFFE40] =	vst v10  }
0x6bc: {  	[tilespmem:s22+$0xFFFFFEE0] =	vst v14;
	v10 =	vld.idx.msk [tilespmem:v18+s3+$0x0], $0xffff  }
0x6bd: {  	v58 =	vmovc v35;
	v44 =	vor.u32 $0x800, v20;
	v35 =	vmov v20;
	v20 =	vadd.s32 s26, v21;
	v11 =	vld.idx.msk [tilespmem:v11+s3+$0x0], $0xffff  }
0x6be: {  	s24 =	simm.s32 $0x18E00;
	v14 =	vadd.s32 v44, v7  }
0x6bf: {  	[tilespmem:s24+$0xFFFFFE00] =	vst v15  }
0x6c0: {  	v15 =	vld.idx.msk [tilespmem:v19+s3+$0x0], $0xffff  }
0x6c1: {  	v47 =	vmov v21;
	v21 =	vadd.s32 s28, v60;
	[tilespmem:s23+$0xFFFFFE50] =	vst v10  }
0x6c2: {  	[tilespmem:s22+$0xFFFFFEF0] =	vst v11;
	v10 =	vld.idx.msk [tilespmem:v20+s3+$0x0], $0xffff  }
0x6c3: {  	v42 =	vor.u32 $0x800, v37;
	v24 =	vadd.s32 s26, v25;
	v11 =	vld.idx.msk [tilespmem:v14+s3+$0x0], $0xffff  }
0x6c4: {  	v14 =	vadd.s32 v42, v6  }
0x6c5: {  	[tilespmem:s24+$0xFFFFFE10] =	vst v15  }
0x6c6: {  	v22 =	vld.idx.msk [tilespmem:v21+s3+$0x0], $0xffff  }
0x6c7: {  	[tilespmem:s23+$0xFFFFFE60] =	vst v10  }
0x6c8: {  	[tilespmem:s22+$0xFFFFFF00] =	vst v11;
	v10 =	vld.idx.msk [tilespmem:v24+s3+$0x0], $0xffff  }
0x6c9: {  	v41 =	vmov v25;
	v25 =	vadd.s32 s28, v59;
	v15 =	vand.u32 $0xFFFFFF80, v12;
	v11 =	vld.idx.msk [tilespmem:v14+s3+$0x0], $0xffff  }
0x6ca: {  	v54 =	vor.u32 $0x800, v62;
	v12 =	vadd.s32 v23, v15  }
0x6cb: {  	[tilespmem:s24+$0xFFFFFE20] =	vst v22;
	v22 =	vadd.s32 v54, v5;
	_ =	sdelay $0x1  }
0x6cc: {  	[tilespmem:s23+$0xFFFFFE70] =	vst v10  }
0x6cd: {  	v49 =	vmov v23;
	v14 =	vand.u32 $0xFFFFFF80, v13;
	v13 =	vor.u32 $0x800, v51;
	v23 =	vld.idx.msk [tilespmem:v25+s3+$0x0], $0xffff;
	[tilespmem:s22+$0xFFFFFF10] =	vst v11  }
0x6ce: {  	v26 =	vadd.s32 s28, v40;
	v10 =	vld.idx.msk [tilespmem:v12+s3+$0x0], $0xffff;
	[tilespmem:$0x1F5F0] =	vst v13  }
0x6cf: {  	v12 =	vadd.s32 v46, v14;
	v11 =	vld.idx.msk [tilespmem:v22+s3+$0x0], $0xffff;
	_ =	sdelay $0x1  }
0x6d0: {  	v22 =	vadd.s32 v13, v4  }
0x6d1: {  	[tilespmem:s24+$0xFFFFFE30] =	vst v23  }
0x6d2: {  	v23 =	vld.idx.msk [tilespmem:v26+s3+$0x0], $0xffff;
	[tilespmem:s23+$0xFFFFFE80] =	vst v10  }
0x6d3: {  	v27 =	vadd.s32 s28, v63;
	v13 =	vand.u32 $0xFFFFFF80, v8;
	v8 =	vld.idx.msk [tilespmem:v12+s3+$0x0], $0xffff;
	v12 =	vor.u32 $0x800, v36;
	[tilespmem:s22+$0xFFFFFF20] =	vst v11  }
0x6d4: {  	[tilespmem:$0x1F6E0] =	vst v12  }
0x6d5: {  	v11 =	vadd.s32 v57, v13;
	v10 =	vld.idx.msk [tilespmem:v22+s3+$0x0], $0xffff;
	_ =	sdelay $0x1  }
0x6d6: {  	[tilespmem:s24+$0xFFFFFE40] =	vst v23  }
0x6d7: {  	v22 =	vadd.s32 v12, v3;
	v23 =	vld.idx.msk [tilespmem:v27+s3+$0x0], $0xffff;
	[tilespmem:$0x1F490] =	vst v47  }
0x6d8: {  	[tilespmem:s23+$0xFFFFFE90] =	vst v8  }
0x6d9: {  	v8 =	vld.idx.msk [tilespmem:v11+s3+$0x0], $0xffff;
	v11 =	vor.u32 $0x800, v29;
	[tilespmem:s22+$0xFFFFFF30] =	vst v10  }
0x6da: {  	[tilespmem:$0x1F2A0] =	vst v11  }
0x6db: {  	v28 =	vadd.s32 s28, v47;
	v12 =	vand.u32 $0xFFFFFF80, v9;
	[tilespmem:$0x1F580] =	vst v29  }
0x6dc: {  	v10 =	vadd.s32 v50, v12;
	v9 =	vld.idx.msk [tilespmem:v22+s3+$0x0], $0xffff;
	_ =	sdelay $0x1  }
0x6dd: {  	[tilespmem:$0x1F2B0] =	vst v50  }
0x6de: {  	v22 =	vadd.s32 v11, v2;
	[tilespmem:s24+$0xFFFFFE50] =	vst v23  }
0x6df: {  	[tilespmem:s23+$0xFFFFFEA0] =	vst v8;
	v23 =	vld.idx.msk [tilespmem:v28+s3+$0x0], $0xffff  }
0x6e0: {  	v8 =	vld.idx.msk [tilespmem:v10+s3+$0x0], $0xffff;
	v10 =	vor.u32 $0x800, v30;
	[tilespmem:s22+$0xFFFFFF40] =	vst v9  }
0x6e1: {  	v63 =	vmov v47;
	v47 =	vmov v29;
	v29 =	vadd.s32 s28, v41;
	[tilespmem:$0x1F300] =	vst v10  }
0x6e2: {  	[tilespmem:$0x1F640] =	vst v30  }
0x6e3: {  	v11 =	vand.u32 $0xFFFFFF80, v16;
	v9 =	vld.idx.msk [tilespmem:v22+s3+$0x0], $0xffff  }
0x6e4: {  	v16 =	vadd.s32 v61, v11  }
0x6e5: {  	[tilespmem:s24+$0xFFFFFE60] =	vst v23  }
0x6e6: {  	v23 =	vand.u32 $0xFFFFFF80, v17;
	v17 =	vadd.s32 v10, v1;
	v22 =	vld.idx.msk [tilespmem:v29+s3+$0x0], $0xffff;
	[tilespmem:$0x1F560] =	vst v49  }
0x6e7: {  	[tilespmem:s23+$0xFFFFFEB0] =	vst v8  }
0x6e8: {  	[tilespmem:s22+$0xFFFFFF50] =	vst v9;
	v9 =	vor.u32 $0x800, v34  }
0x6e9: {  	v38 =	vmov v30;
	v30 =	vadd.s32 v49, v23;
	v8 =	vld.idx.msk [tilespmem:v16+s3+$0x0], $0xffff;
	[tilespmem:$0x1F350] =	vst v9  }
0x6ea: {  	[tilespmem:$0x1F660] =	vst v34  }
0x6eb: {  	v10 =	vand.u32 $0xFFFFFF80, v18;
	v16 =	vld.idx.msk [tilespmem:v17+s3+$0x0], $0xffff  }
0x6ec: {  	[tilespmem:$0x1F360] =	vst v48;
	v17 =	vadd.s32 v48, v10  }
0x6ed: {  	v18 =	vadd.s32 v9, v0;
	[tilespmem:s24+$0xFFFFFE70] =	vst v22  }
0x6ee: {  	v22 =	vand.u32 $0xFFFFFF80, v19;
	v19 =	vld.idx.msk [tilespmem:v30+s3+$0x0], $0xffff;
	[tilespmem:$0x1F620] =	vst v46  }
0x6ef: {  	[tilespmem:s23+$0xFFFFFEC0] =	vst v8  }
0x6f0: {  	v9 =	vand.u32 $0xFFFFFF80, v20;
	v20 =	vor.u32 $0xC00, v35;
	v30 =	vadd.s32 v46, v22;
	[tilespmem:s22+$0xFFFFFF60] =	vst v16  }
0x6f1: {  	v8 =	vld.idx.msk [tilespmem:v17+s3+$0x0], $0xffff;
	[tilespmem:$0x1F3B0] =	vst v20  }
0x6f2: {  	v16 =	vld.idx.msk [tilespmem:v18+s3+$0x0], $0xffff  }
0x6f3: {  	v17 =	vadd.s32 v39, v9;
	[tilespmem:$0x1F3C0] =	vst v39  }
0x6f4: {  	v18 =	vadd.s32 v20, v7;
	[tilespmem:s24+$0xFFFFFE80] =	vst v19  }
0x6f5: {  	v21 =	vand.u32 $0xFFFFFF80, v21;
	v19 =	vld.idx.msk [tilespmem:v30+s3+$0x0], $0xffff;
	[tilespmem:$0x1F6F0] =	vst v57  }
0x6f6: {  	v30 =	vadd.s32 v57, v21;
	[tilespmem:s23+$0xFFFFFED0] =	vst v8  }
0x6f7: {  	v8 =	vand.u32 $0xFFFFFF80, v24;
	v24 =	vor.u32 $0xC00, v37;
	[tilespmem:s22+$0xFFFFFF70] =	vst v16  }
0x6f8: {  	s29 =	simm.s32 $0x6000;
	v16 =	vld.idx.msk [tilespmem:v17+s3+$0x0], $0xffff;
	[tilespmem:$0x1F410] =	vst v24  }
0x6f9: {  	v31 =	vadd.s32 s29, v53;
	v17 =	vld.idx.msk [tilespmem:v18+s3+$0x0], $0xffff;
	[tilespmem:$0x1F420] =	vst v45  }
0x6fa: {  	[tilespmem:s24+$0xFFFFFE90] =	vst v19  }
0x6fb: {  	v18 =	vadd.s32 v45, v8;
	v19 =	vadd.s32 v24, v6;
	v24 =	vld.idx.msk [tilespmem:v30+s3+$0x0], $0xffff;
	_ =	sdelay $0x1  }
0x6fc: {  	v20 =	vand.u32 $0xFFFFFF80, v25  }
0x6fd: {  	v25 =	vld.idx.msk [tilespmem:v31+s3+$0x0], $0xffff;
	v30 =	vadd.s32 v50, v20;
	[tilespmem:s23+$0xFFFFFEE0] =	vst v16  }
0x6fe: {  	v33 =	vadd.s32 s29, v58;
	[tilespmem:s22+$0xFFFFFF80] =	vst v17  }
0x6ff: {  	v50 =	vor.u32 $0xC00, v62;
	v16 =	vld.idx.msk [tilespmem:v18+s3+$0x0], $0xffff;
	[tilespmem:s24+$0xFFFFFEA0] =	vst v24  }
0x700: {  	v17 =	vld.idx.msk [tilespmem:v19+s3+$0x0], $0xffff;
	[tilespmem:$0x1F470] =	vst v50  }
0x701: {  	s25 =	simm.s32 $0x19200;
	[tilespmem:$0x1F480] =	vst v44  }
0x702: {  	v18 =	vadd.s32 v44, v15;
	[tilespmem:s25+$0xFFFFFE00] =	vst v25;
	v24 =	vld.idx.msk [tilespmem:v30+s3+$0x0], $0xffff  }
0x703: {  	v19 =	vand.u32 $0xFFFFFF80, v26;
	v25 =	vadd.s32 v50, v5;
	v26 =	vld.idx.msk [tilespmem:v33+s3+$0x0], $0xffff;
	[tilespmem:$0x1F310] =	vst v61  }
0x704: {  	[tilespmem:$0x1F320] =	vst v60  }
0x705: {  	v30 =	vadd.s32 v61, v19;
	[tilespmem:s23+$0xFFFFFEF0] =	vst v16  }
0x706: {  	[tilespmem:s22+$0xFFFFFF90] =	vst v17  }
0x707: {  	v55 =	vmovc v44;
	v32 =	vmov v35;
	v35 =	vadd.s32 s29, v60;
	v44 =	vor.u32 $0xC00, v51;
	v16 =	vld.idx.msk [tilespmem:v18+s3+$0x0], $0xffff;
	[tilespmem:s24+$0xFFFFFEB0] =	vst v24  }
0x708: {  	v17 =	vld.idx.msk [tilespmem:v25+s3+$0x0], $0xffff;
	[tilespmem:$0x1F4D0] =	vst v44  }
0x709: {  	[tilespmem:$0x1F4E0] =	vst v42  }
0x70a: {  	v24 =	vadd.s32 v42, v14;
	v25 =	vld.idx.msk [tilespmem:v30+s3+$0x0], $0xffff  }
0x70b: {  	[tilespmem:s25+$0xFFFFFE10] =	vst v26;
	v26 =	vadd.s32 v44, v4  }
0x70c: {  	v18 =	vand.u32 $0xFFFFFF80, v27;
	v27 =	vld.idx.msk [tilespmem:v35+s3+$0x0], $0xffff;
	[tilespmem:$0x1F370] =	vst v59  }
0x70d: {  	v56 =	vmov v41;
	v41 =	vmov v48;
	[tilespmem:s23+$0xFFFFFF00] =	vst v16  }
0x70e: {  	v30 =	vadd.s32 v41, v18;
	[tilespmem:s22+$0xFFFFFFA0] =	vst v17  }
0x70f: {  	v16 =	vld.idx.msk [tilespmem:v24+s3+$0x0], $0xffff;
	[tilespmem:s24+$0xFFFFFEC0] =	vst v25  }
0x710: {  	v52 =	vmov v49;
	v49 =	vor.u32 $0xC00, v36;
	v24 =	vld.idx.msk [tilespmem:v26+s3+$0x0], $0xffff;
	[tilespmem:$0x1F500] =	vst v36  }
0x711: {  	[tilespmem:$0x1F530] =	vst v49  }
0x712: {  	v53 =	vmov v37;
	v37 =	vadd.s32 s29, v59;
	[tilespmem:$0x1F550] =	vst v54  }
0x713: {  	v26 =	vld.idx.msk [tilespmem:v30+s3+$0x0], $0xffff;
	_ =	sdelay $0x1  }
0x714: {  	v25 =	vadd.s32 v54, v13;
	[tilespmem:s25+$0xFFFFFE20] =	vst v27  }
0x715: {  	v40 =	vmovc v39;
	v39 =	vmov v51;
	v17 =	vand.u32 $0xFFFFFF80, v28;
	v27 =	vadd.s32 v49, v3;
	v51 =	vld [tilespmem:$0x1F3D0];
	[tilespmem:s23+$0xFFFFFF10] =	vst v16  }
0x716: {  	v30 =	vadd.s32 v40, v17;
	v28 =	vld.idx.msk [tilespmem:v37+s3+$0x0], $0xffff;
	[tilespmem:s22+$0xFFFFFFB0] =	vst v24  }
0x717: {  	[tilespmem:s24+$0xFFFFFED0] =	vst v26  }
0x718: {  	v44 =	vld [tilespmem:$0x1F5F0]  }
0x719: {  	v50 =	vor.u32 $0xC00, v47;
	v24 =	vld.idx.msk [tilespmem:v25+s3+$0x0], $0xffff  }
0x71a: {  	v25 =	vld.idx.msk [tilespmem:v27+s3+$0x0], $0xffff;
	v40 =	vadd.s32 s29, v51;
	[tilespmem:$0x1F5C0] =	vst v50  }
0x71b: {  	[tilespmem:s25+$0xFFFFFE30] =	vst v28;
	v27 =	vld.idx.msk [tilespmem:v30+s3+$0x0], $0xffff;
	v28 =	vadd.s32 v50, v2;
	_ =	sdelay $0x1  }
0x71c: {  	v48 =	vmov v45;
	v16 =	vand.u32 $0xFFFFFF80, v29;
	v26 =	vadd.s32 v44, v12  }
0x71d: {  	v41 =	vmov v59;
	v30 =	vadd.s32 v48, v16;
	v59 =	vld [tilespmem:$0x1F430];
	[tilespmem:s23+$0xFFFFFF20] =	vst v24  }
0x71e: {  	[tilespmem:s22+$0xFFFFFFC0] =	vst v25;
	v29 =	vld.idx.msk [tilespmem:v40+s3+$0x0], $0xffff  }
0x71f: {  	[tilespmem:s24+$0xFFFFFEE0] =	vst v27;
	v25 =	vld.idx.msk [tilespmem:v28+s3+$0x0], $0xffff  }
0x720: {  	v28 =	vor.u32 $0xC00, v38;
	v38 =	vld [tilespmem:$0x1F6E0]  }
0x721: {  	v24 =	vld.idx.msk [tilespmem:v26+s3+$0x0], $0xffff;
	[tilespmem:$0x1F6D0] =	vst v28  }
0x722: {  	v49 =	vadd.s32 s29, v59;
	v27 =	vld.idx.msk [tilespmem:v30+s3+$0x0], $0xffff;
	_ =	sdelay $0x1  }
0x723: {  	v28 =	vadd.s32 v28, v1;
	[tilespmem:s25+$0xFFFFFE40] =	vst v29  }
0x724: {  	[tilespmem:s22+$0xFFFFFFD0] =	vst v25;
	v26 =	vadd.s32 v38, v11  }
0x725: {  	v30 =	vadd.s32 v55, v23;
	[tilespmem:s23+$0xFFFFFF30] =	vst v24  }
0x726: {  	v29 =	vld.idx.msk [tilespmem:v49+s3+$0x0], $0xffff;
	[tilespmem:s24+$0xFFFFFEF0] =	vst v27  }
0x727: {  	v50 =	vadd.s32 s29, v63;
	v47 =	vld [tilespmem:$0x1F2A0]  }
0x728: {  	v43 =	vmov v34;
	v25 =	vld.idx.msk [tilespmem:v28+s3+$0x0], $0xffff  }
0x729: {  	v63 =	vor.u32 $0xC00, v43;
	v24 =	vld.idx.msk [tilespmem:v26+s3+$0x0], $0xffff  }
0x72a: {  	v28 =	vadd.s32 v63, v0;
	v27 =	vld.idx.msk [tilespmem:v30+s3+$0x0], $0xffff  }
0x72b: {  	[tilespmem:s25+$0xFFFFFE50] =	vst v29  }
0x72c: {  	v29 =	vld.idx.msk [tilespmem:v50+s3+$0x0], $0xffff;
	[tilespmem:$0x1F4F0] =	vst v56;
	v26 =	vadd.s32 v47, v10  }
0x72d: {  	v30 =	vadd.s32 v42, v22;
	[tilespmem:s22+$0xFFFFFFE0] =	vst v25  }
0x72e: {  	[tilespmem:s23+$0xFFFFFF40] =	vst v24  }
0x72f: {  	v25 =	vld.idx.msk [tilespmem:v28+s3+$0x0], $0xffff;
	[tilespmem:s24+$0xFFFFFF00] =	vst v27  }
0x730: {  	v34 =	vld [tilespmem:$0x1F300]  }
0x731: {  	v24 =	vld.idx.msk [tilespmem:v26+s3+$0x0], $0xffff;
	[tilespmem:$0x1F380] =	vst v32  }
0x732: {  	v27 =	vld.idx.msk [tilespmem:v30+s3+$0x0], $0xffff;
	_ =	sdelay $0x1  }
0x733: {  	v58 =	vor.u32 $0x1000, v32;
	v45 =	vadd.s32 s29, v56;
	[tilespmem:s25+$0xFFFFFE60] =	vst v29  }
0x734: {  	v28 =	vadd.s32 v58, v7;
	[tilespmem:s22+$0xFFFFFFF0] =	vst v25  }
0x735: {  	v26 =	vadd.s32 v34, v9;
	[tilespmem:s23+$0xFFFFFF50] =	vst v24  }
0x736: {  	[tilespmem:s24+$0xFFFFFF10] =	vst v27  }
0x737: {  	v30 =	vadd.s32 v54, v21;
	v42 =	vld [tilespmem:$0x1F350]  }
0x738: {  	v29 =	vld.idx.msk [tilespmem:v45+s3+$0x0], $0xffff  }
0x739: {  	v31 =	vand.u32 $0xFFFFFF80, v31;
	v25 =	vld.idx.msk [tilespmem:v28+s3+$0x0], $0xffff  }
0x73a: {  	v54 =	vadd.s32 v52, v31;
	v28 =	vor.u32 $0x1000, v53;
	v24 =	vld.idx.msk [tilespmem:v26+s3+$0x0], $0xffff;
	[tilespmem:$0x1F3E0] =	vst v53  }
0x73b: {  	[tilespmem:$0x1F240] =	vst v28;
	v28 =	vadd.s32 v28, v6  }
0x73c: {  	v27 =	vld.idx.msk [tilespmem:v30+s3+$0x0], $0xffff;
	v26 =	vadd.s32 v42, v8;
	_ =	sdelay $0x1  }
0x73d: {  	[tilespmem:s25+$0xFFFFFE70] =	vst v29  }
0x73e: {  	[tilespmem:s22+$0x0] =	vst v25;
	v29 =	vld.idx.msk [tilespmem:v54+s3+$0x0], $0xffff  }
0x73f: {  	[tilespmem:s23+$0xFFFFFF60] =	vst v24;
	v25 =	vld.idx.msk [tilespmem:v28+s3+$0x0], $0xffff  }
0x740: {  	v30 =	vand.u32 $0xFFFFFF80, v33;
	v33 =	vadd.s32 v44, v20;
	[tilespmem:s24+$0xFFFFFF20] =	vst v27;
	v24 =	vld.idx.msk [tilespmem:v26+s3+$0x0], $0xffff  }
0x741: {  	v54 =	vmov v62;
	v28 =	vor.u32 $0x1000, v62;
	[tilespmem:$0x1F440] =	vst v62;
	v62 =	vld [tilespmem:$0x1F3B0];
	_ =	sdelay $0x1  }
0x742: {  	[tilespmem:$0x1F250] =	vst v28  }
0x743: {  	[tilespmem:s25+$0xFFFFFE80] =	vst v29  }
0x744: {  	v48 =	vadd.s32 v46, v30;
	v27 =	vld.idx.msk [tilespmem:v33+s3+$0x0], $0xffff;
	[tilespmem:s23+$0xFFFFFF70] =	vst v24  }
0x745: {  	v26 =	vadd.s32 v62, v15;
	v24 =	vld [tilespmem:$0x1F260];
	_ =	sdelay $0x1  }
0x746: {  	v28 =	vadd.s32 v28, v5;
	_ =	sdelay $0x1  }
0x747: {  	s30 =	simm.s32 $0x8000;
	v38 =	vadd.s32 v38, v19;
	v52 =	vld.idx.msk [tilespmem:v48+s3+$0x0], $0xffff;
	[tilespmem:s22+$0x10] =	vst v25  }
0x748: {  	[tilespmem:s24+$0xFFFFFF30] =	vst v27;
	v43 =	vadd.s32 s30, v24;
	v24 =	vld.idx.msk [tilespmem:v26+s3+$0x0], $0xffff  }
0x749: {  	v55 =	vmov v56;
	v56 =	vmov v32;
	v27 =	vor.u32 $0x1000, v39;
	v32 =	vld [tilespmem:$0x1F410]  }
0x74a: {  	v29 =	vand.u32 $0xFFFFFF80, v35;
	v25 =	vld.idx.msk [tilespmem:v28+s3+$0x0], $0xffff;
	[tilespmem:$0x1F270] =	vst v27  }
0x74b: {  	v48 =	vadd.s32 v57, v29;
	[tilespmem:$0x1F4A0] =	vst v39  }
0x74c: {  	[tilespmem:s25+$0xFFFFFE90] =	vst v52;
	v28 =	vld.idx.msk [tilespmem:v38+s3+$0x0], $0xffff  }
0x74d: {  	v52 =	vadd.s32 v27, v4;
	v33 =	vld [tilespmem:$0x1F2B0];
	[tilespmem:s23+$0xFFFFFF80] =	vst v24  }
0x74e: {  	v26 =	vadd.s32 v32, v14;
	v24 =	vld [tilespmem:$0x1F2C0]  }
0x74f: {  	v44 =	vadd.s32 v47, v18  }
0x750: {  	v27 =	vand.u32 $0xFFFFFF80, v37;
	v37 =	vld.idx.msk [tilespmem:v48+s3+$0x0], $0xffff  }
0x751: {  	v46 =	vld.idx.msk [tilespmem:v43+s3+$0x0], $0xffff;
	[tilespmem:s22+$0x20] =	vst v25  }
0x752: {  	[tilespmem:s24+$0xFFFFFF40] =	vst v28;
	v28 =	vor.u32 $0x1000, v36;
	v25 =	vld.idx.msk [tilespmem:v52+s3+$0x0], $0xffff  }
0x753: {  	v38 =	vadd.s32 s30, v24;
	v24 =	vld.idx.msk [tilespmem:v26+s3+$0x0], $0xffff;
	[tilespmem:$0x1F2D0] =	vst v28  }
0x754: {  	v35 =	vld.idx.msk [tilespmem:v44+s3+$0x0], $0xffff  }
0x755: {  	s26 =	simm.s32 $0x19600;
	v52 =	vld [tilespmem:$0x1F470];
	[tilespmem:s25+$0xFFFFFEA0] =	vst v37  }
0x756: {  	v48 =	vadd.s32 v33, v27;
	[tilespmem:s26+$0xFFFFFE00] =	vst v46  }
0x757: {  	[tilespmem:s22+$0x30] =	vst v25  }
0x758: {  	[tilespmem:s23+$0xFFFFFF90] =	vst v24  }
0x759: {  	v33 =	vadd.s32 v28, v3;
	[tilespmem:s24+$0xFFFFFF50] =	vst v35  }
0x75a: {  	v28 =	vand.u32 $0xFFFFFF80, v40;
	v40 =	vadd.s32 v34, v17;
	v26 =	vadd.s32 v52, v13;
	v34 =	vld [tilespmem:$0x1F580]  }
0x75b: {  	v57 =	vmov v39;
	v39 =	vld.idx.msk [tilespmem:v48+s3+$0x0], $0xffff  }
0x75c: {  	v48 =	vadd.s32 v61, v28;
	v61 =	vld [tilespmem:$0x1F4D0]  }
0x75d: {  	v47 =	vld.idx.msk [tilespmem:v38+s3+$0x0], $0xffff;
	_ =	sdelay $0x1  }
0x75e: {  	v24 =	vld.idx.msk [tilespmem:v26+s3+$0x0], $0xffff;
	v26 =	vor.u32 $0x1000, v34  }
0x75f: {  	v25 =	vld.idx.msk [tilespmem:v33+s3+$0x0], $0xffff;
	[tilespmem:$0x1F330] =	vst v26  }
0x760: {  	v35 =	vadd.s32 v61, v12;
	[tilespmem:s25+$0xFFFFFEB0] =	vst v39  }
0x761: {  	v44 =	vadd.s32 s30, v60;
	v60 =	vadd.s32 v26, v2;
	v39 =	vld.idx.msk [tilespmem:v40+s3+$0x0], $0xffff;
	[tilespmem:s26+$0xFFFFFE10] =	vst v47  }
0x762: {  	v36 =	vld [tilespmem:$0x1F360];
	_ =	sdelay $0x1  }
0x763: {  	[tilespmem:s23+$0xFFFFFFA0] =	vst v24  }
0x764: {  	[tilespmem:s22+$0x40] =	vst v25;
	v24 =	vld.idx.msk [tilespmem:v35+s3+$0x0], $0xffff  }
0x765: {  	v26 =	vand.u32 $0xFFFFFF80, v49;
	v35 =	vld.idx.msk [tilespmem:v60+s3+$0x0], $0xffff;
	[tilespmem:s24+$0xFFFFFF60] =	vst v39  }
0x766: {  	v49 =	vadd.s32 v36, v26;
	v36 =	vld [tilespmem:$0x1F640]  }
0x767: {  	v60 =	vld [tilespmem:$0x1F530]  }
0x768: {  	v47 =	vadd.s32 v42, v16  }
0x769: {  	v40 =	vld.idx.msk [tilespmem:v48+s3+$0x0], $0xffff  }
0x76a: {  	v48 =	vld.idx.msk [tilespmem:v44+s3+$0x0], $0xffff  }
0x76b: {  	v25 =	vor.u32 $0x1000, v36  }
0x76c: {  	v39 =	vadd.s32 v60, v11;
	[tilespmem:$0x1F390] =	vst v25  }
0x76d: {  	v37 =	vadd.s32 v25, v1;
	v46 =	vld.idx.msk [tilespmem:v47+s3+$0x0], $0xffff  }
0x76e: {  	[tilespmem:s25+$0xFFFFFEC0] =	vst v40  }
0x76f: {  	[tilespmem:s26+$0xFFFFFE20] =	vst v48  }
0x770: {  	v25 =	vand.u32 $0xFFFFFF80, v50;
	v50 =	vld [tilespmem:$0x1F3C0];
	[tilespmem:s23+$0xFFFFFFB0] =	vst v24  }
0x771: {  	v42 =	vadd.s32 s30, v41;
	[tilespmem:s22+$0x50] =	vst v35;
	v35 =	vld.idx.msk [tilespmem:v39+s3+$0x0], $0xffff  }
0x772: {  	v39 =	vld.idx.msk [tilespmem:v37+s3+$0x0], $0xffff;
	[tilespmem:s24+$0xFFFFFF70] =	vst v46  }
0x773: {  	v37 =	vld [tilespmem:$0x1F660]  }
0x774: {  	v41 =	vld.idx.msk [tilespmem:v49+s3+$0x0], $0xffff  }
0x775: {  	v48 =	vadd.s32 v62, v23;
	v33 =	vld [tilespmem:$0x1F5C0]  }
0x776: {  	v49 =	vld.idx.msk [tilespmem:v42+s3+$0x0], $0xffff;
	v50 =	vadd.s32 v50, v25  }
0x777: {  	v62 =	vadd.s32 s30, v51  }
0x778: {  	v24 =	vor.u32 $0x1000, v37  }
0x779: {  	[tilespmem:$0x1F3F0] =	vst v24  }
0x77a: {  	v46 =	vadd.s32 v33, v10;
	[tilespmem:s25+$0xFFFFFED0] =	vst v41;
	v47 =	vld.idx.msk [tilespmem:v48+s3+$0x0], $0xffff  }
0x77b: {  	[tilespmem:s26+$0xFFFFFE30] =	vst v49;
	v49 =	vld.idx.msk [tilespmem:v50+s3+$0x0], $0xffff  }
0x77c: {  	v50 =	vld.idx.msk [tilespmem:v62+s3+$0x0], $0xffff  }
0x77d: {  	v48 =	vadd.s32 v24, v0;
	v51 =	vld [tilespmem:$0x1F420];
	[tilespmem:s23+$0xFFFFFFC0] =	vst v35  }
0x77e: {  	[tilespmem:s22+$0x60] =	vst v39  }
0x77f: {  	v24 =	vand.u32 $0xFFFFFF80, v45;
	v45 =	vadd.s32 v32, v22;
	v35 =	vld.idx.msk [tilespmem:v46+s3+$0x0], $0xffff;
	[tilespmem:s24+$0xFFFFFF80] =	vst v47  }
0x780: {  	v32 =	vld [tilespmem:$0x1F6D0]  }
0x781: {  	[tilespmem:s25+$0xFFFFFEE0] =	vst v49  }
0x782: {  	v46 =	vld.idx.msk [tilespmem:v48+s3+$0x0], $0xffff;
	v51 =	vadd.s32 v51, v24;
	[tilespmem:s26+$0xFFFFFE40] =	vst v50  }
0x783: {  	v40 =	vor.u32 $0x1400, v56;
	v41 =	vadd.s32 s30, v59;
	v39 =	vld [tilespmem:$0x1F480]  }
0x784: {  	v59 =	vadd.s32 v40, v7;
	v45 =	vld.idx.msk [tilespmem:v45+s3+$0x0], $0xffff;
	[tilespmem:s23+$0xFFFFFFD0] =	vst v35  }
0x785: {  	v35 =	vld [tilespmem:$0x1F490];
	v56 =	vadd.s32 v32, v9  }
0x786: {  	v50 =	vadd.s32 v52, v21  }
0x787: {  	v49 =	vld.idx.msk [tilespmem:v51+s3+$0x0], $0xffff  }
0x788: {  	[tilespmem:s22+$0x70] =	vst v46;
	v51 =	vld.idx.msk [tilespmem:v41+s3+$0x0], $0xffff;
	v52 =	vadd.s32 v39, v31  }
0x789: {  	[tilespmem:s24+$0xFFFFFF90] =	vst v45;
	v45 =	vld.idx.msk [tilespmem:v59+s3+$0x0], $0xffff  }
0x78a: {  	v39 =	vadd.s32 s30, v35;
	v35 =	vld.idx.msk [tilespmem:v56+s3+$0x0], $0xffff  }
0x78b: {  	v46 =	vadd.s32 v63, v8;
	v59 =	vor.u32 $0x1400, v53;
	v47 =	vld.idx.msk [tilespmem:v50+s3+$0x0], $0xffff  }
0x78c: {  	v48 =	vadd.s32 v59, v6;
	[tilespmem:s25+$0xFFFFFEF0] =	vst v49  }
0x78d: {  	[tilespmem:s26+$0xFFFFFE50] =	vst v51;
	v56 =	vadd.s32 v61, v20;
	v49 =	vld.idx.msk [tilespmem:v52+s3+$0x0], $0xffff  }
0x78e: {  	v61 =	vld [tilespmem:$0x1F4E0];
	[tilespmem:s22+$0x80] =	vst v45  }
0x78f: {  	v51 =	vld.idx.msk [tilespmem:v39+s3+$0x0], $0xffff;
	[tilespmem:s23+$0xFFFFFFE0] =	vst v35  }
0x790: {  	[tilespmem:s24+$0xFFFFFFA0] =	vst v47;
	v35 =	vadd.s32 s30, v55;
	v55 =	vor.u32 $0x1400, v54;
	v45 =	vld.idx.msk [tilespmem:v46+s3+$0x0], $0xffff  }
0x791: {  	v46 =	vld.idx.msk [tilespmem:v48+s3+$0x0], $0xffff;
	[tilespmem:$0x1F510] =	vst v55  }
0x792: {  	[tilespmem:s25+$0xFFFFFF00] =	vst v49;
	v49 =	vld.idx.msk [tilespmem:v56+s3+$0x0], $0xffff;
	_ =	sdelay $0x1  }
0x793: {  	v52 =	vadd.s32 v61, v30;
	[tilespmem:s26+$0xFFFFFE60] =	vst v51  }
0x794: {  	v61 =	vld [tilespmem:$0x1F550];
	[tilespmem:s23+$0xFFFFFFF0] =	vst v45  }
0x795: {  	v47 =	vadd.s32 v58, v15;
	v45 =	vld [tilespmem:$0x1F560];
	[tilespmem:s22+$0x90] =	vst v46  }
0x796: {  	[tilespmem:s24+$0xFFFFFFB0] =	vst v49  }
0x797: {  	v50 =	vadd.s32 v55, v5;
	v56 =	vadd.s32 v60, v19;
	v60 =	vld [tilespmem:$0x1F240]  }
0x798: {  	v51 =	vld.idx.msk [tilespmem:v52+s3+$0x0], $0xffff  }
0x799: {  	v48 =	vand.u32 $0xFFFFFF80, v43;
	v43 =	vld.idx.msk [tilespmem:v35+s3+$0x0], $0xffff  }
0x79a: {  	v47 =	vld.idx.msk [tilespmem:v47+s3+$0x0], $0xffff  }
0x79b: {  	v55 =	vor.u32 $0x1400, v57  }
0x79c: {  	v49 =	vld.idx.msk [tilespmem:v50+s3+$0x0], $0xffff;
	[tilespmem:$0x1F570] =	vst v55;
	v50 =	vadd.s32 v60, v14  }
0x79d: {  	[tilespmem:s25+$0xFFFFFF10] =	vst v51;
	v51 =	vld.idx.msk [tilespmem:v56+s3+$0x0], $0xffff;
	v56 =	vadd.s32 v55, v4  }
0x79e: {  	[tilespmem:s26+$0xFFFFFE70] =	vst v43  }
0x79f: {  	v54 =	vld [tilespmem:$0x1F5F0];
	[tilespmem:s23+$0x0] =	vst v47  }
0x7a0: {  	v53 =	vadd.s32 v61, v29;
	v55 =	vld [tilespmem:$0x1F620]  }
0x7a1: {  	v45 =	vadd.s32 v45, v48;
	[tilespmem:s22+$0xA0] =	vst v49;
	v49 =	vld.idx.msk [tilespmem:v50+s3+$0x0], $0xffff  }
0x7a2: {  	[tilespmem:s24+$0xFFFFFFC0] =	vst v51;
	v50 =	vld.idx.msk [tilespmem:v56+s3+$0x0], $0xffff  }
0x7a3: {  	v56 =	vld [tilespmem:$0x1F500];
	_ =	sdelay $0x1  }
0x7a4: {  	v57 =	vld.idx.msk [tilespmem:v53+s3+$0x0], $0xffff  }
0x7a5: {  	v46 =	vand.u32 $0xFFFFFF80, v38;
	v61 =	vadd.s32 v33, v18;
	v33 =	vld.idx.msk [tilespmem:v45+s3+$0x0], $0xffff;
	v45 =	vadd.s32 v54, v27  }
0x7a6: {  	v47 =	vadd.s32 v55, v46  }
0x7a7: {  	v38 =	vor.u32 $0x1400, v56  }
0x7a8: {  	[tilespmem:$0x1F6B0] =	vst v38  }
0x7a9: {  	v55 =	vld [tilespmem:$0x1F250];
	[tilespmem:s25+$0xFFFFFF20] =	vst v57  }
0x7aa: {  	[tilespmem:s26+$0xFFFFFE80] =	vst v33;
	v53 =	vld.idx.msk [tilespmem:v45+s3+$0x0], $0xffff  }
0x7ab: {  	v45 =	vand.u32 $0xFFFFFF80, v44;
	v44 =	vld.idx.msk [tilespmem:v47+s3+$0x0], $0xffff  }
0x7ac: {  	v47 =	vld [tilespmem:$0x1F6E0];
	[tilespmem:s23+$0x10] =	vst v49  }
0x7ad: {  	v49 =	vld [tilespmem:$0x1F6F0];
	[tilespmem:s22+$0xB0] =	vst v50  }
0x7ae: {  	v56 =	vld [tilespmem:$0x1F260]  }
0x7af: {  	v51 =	vadd.s32 v55, v13  }
0x7b0: {  	v57 =	vld.idx.msk [tilespmem:v61+s3+$0x0], $0xffff;
	v61 =	vadd.s32 v38, v3;
	_ =	sdelay $0x1  }
0x7b1: {  	s31 =	simm.s32 $0xA000  }
0x7b2: {  	v38 =	vadd.s32 s31, v56  }
0x7b3: {  	v50 =	vld.idx.msk [tilespmem:v51+s3+$0x0], $0xffff;
	[tilespmem:$0x1F540] =	vst v38  }
0x7b4: {  	[tilespmem:s24+$0xFFFFFFD0] =	vst v57;
	v43 =	vld.idx.msk [tilespmem:v61+s3+$0x0], $0xffff  }
0x7b5: {  	v54 =	vadd.s32 v32, v17;
	v61 =	vld [tilespmem:$0x1F270];
	_ =	sdelay $0x1  }
0x7b6: {  	v47 =	vadd.s32 v47, v28;
	_ =	sdelay $0x1  }
0x7b7: {  	v57 =	vor.u32 $0x1400, v34;
	[tilespmem:s25+$0xFFFFFF30] =	vst v53  }
0x7b8: {  	v52 =	vld.idx.msk [tilespmem:v54+s3+$0x0], $0xffff;
	[tilespmem:$0x1F280] =	vst v57;
	v51 =	vadd.s32 v61, v12  }
0x7b9: {  	[tilespmem:s26+$0xFFFFFE90] =	vst v44  }
0x7ba: {  	v44 =	vld.idx.msk [tilespmem:v47+s3+$0x0], $0xffff;
	[tilespmem:$0x1F290] =	vst v63  }
0x7bb: {  	v54 =	vadd.s32 v63, v16;
	v63 =	vld [tilespmem:$0x1F2A0];
	[tilespmem:s23+$0x20] =	vst v50  }
0x7bc: {  	v47 =	vand.u32 $0xFFFFFF80, v42;
	v42 =	vld [tilespmem:$0x1F2B0]  }
0x7bd: {  	[tilespmem:s22+$0xC0] =	vst v43;
	v43 =	vld.idx.msk [tilespmem:v51+s3+$0x0], $0xffff  }
0x7be: {  	v49 =	vadd.s32 v49, v45;
	v51 =	vld [tilespmem:$0x1F2C0];
	_ =	sdelay $0x1  }
0x7bf: {  	v53 =	vadd.s32 v57, v2;
	_ =	sdelay $0x2  }
0x7c0: {  	v49 =	vld.idx.msk [tilespmem:v49+s3+$0x0], $0xffff;
	v34 =	vadd.s32 s31, v51  }
0x7c1: {  	v50 =	vld.idx.msk [tilespmem:v38+s3+$0x0], $0xffff;
	v56 =	vadd.s32 v63, v26;
	[tilespmem:$0x1F5E0] =	vst v34  }
0x7c2: {  	[tilespmem:s24+$0xFFFFFFE0] =	vst v52;
	v51 =	vld.idx.msk [tilespmem:v53+s3+$0x0], $0xffff  }
0x7c3: {  	v63 =	vor.u32 $0x1400, v36;
	v36 =	vld [tilespmem:$0x1F2D0];
	[tilespmem:s25+$0xFFFFFF40] =	vst v44  }
0x7c4: {  	v44 =	vld.idx.msk [tilespmem:v54+s3+$0x0], $0xffff;
	[tilespmem:$0x1F2E0] =	vst v63  }
0x7c5: {  	[tilespmem:s26+$0xFFFFFEA0] =	vst v49  }
0x7c6: {  	s0 =	simm.s32 $0x19A00;
	v54 =	vld.idx.msk [tilespmem:v56+s3+$0x0], $0xffff;
	[tilespmem:$0x1F2F0] =	vst v58  }
0x7c7: {  	[tilespmem:s0+$0xFFFFFE00] =	vst v50  }
0x7c8: {  	v38 =	vld [tilespmem:$0x1F300];
	[tilespmem:s23+$0x30] =	vst v43  }
0x7c9: {  	v57 =	vadd.s32 v42, v47;
	v42 =	vld [tilespmem:$0x1F310];
	[tilespmem:s22+$0xD0] =	vst v51  }
0x7ca: {  	v51 =	vld [tilespmem:$0x1F320]  }
0x7cb: {  	v52 =	vadd.s32 v36, v11  }
0x7cc: {  	v63 =	vadd.s32 v63, v1;
	_ =	sdelay $0x1  }
0x7cd: {  	v56 =	vadd.s32 v58, v23;
	v50 =	vld.idx.msk [tilespmem:v57+s3+$0x0], $0xffff  }
0x7ce: {  	v49 =	vand.u32 $0xFFFFFF80, v62;
	v43 =	vld.idx.msk [tilespmem:v34+s3+$0x0], $0xffff;
	v62 =	vadd.s32 s31, v51  }
0x7cf: {  	v52 =	vld.idx.msk [tilespmem:v52+s3+$0x0], $0xffff;
	[tilespmem:$0x1F690] =	vst v62  }
0x7d0: {  	[tilespmem:s24+$0xFFFFFFF0] =	vst v44;
	v44 =	vld.idx.msk [tilespmem:v63+s3+$0x0], $0xffff  }
0x7d1: {  	v63 =	vor.u32 $0x1400, v37;
	v34 =	vld [tilespmem:$0x1F330];
	[tilespmem:s25+$0xFFFFFF50] =	vst v54  }
0x7d2: {  	v54 =	vld.idx.msk [tilespmem:v56+s3+$0x0], $0xffff;
	[tilespmem:$0x1F340] =	vst v63  }
0x7d3: {  	[tilespmem:s26+$0xFFFFFEB0] =	vst v50  }
0x7d4: {  	[tilespmem:s0+$0xFFFFFE10] =	vst v43  }
0x7d5: {  	v57 =	vadd.s32 v38, v25;
	v37 =	vld [tilespmem:$0x1F350];
	[tilespmem:s23+$0x40] =	vst v52  }
0x7d6: {  	v58 =	vadd.s32 v42, v49;
	v38 =	vld [tilespmem:$0x1F360];
	[tilespmem:s22+$0xE0] =	vst v44  }
0x7d7: {  	v42 =	vld [tilespmem:$0x1F370]  }
0x7d8: {  	v53 =	vadd.s32 v34, v10;
	_ =	sdelay $0x1  }
0x7d9: {  	v50 =	vld.idx.msk [tilespmem:v57+s3+$0x0], $0xffff  }
0x7da: {  	v51 =	vand.u32 $0xFFFFFF80, v41;
	v41 =	vld.idx.msk [tilespmem:v58+s3+$0x0], $0xffff  }
0x7db: {  	v52 =	vld.idx.msk [tilespmem:v62+s3+$0x0], $0xffff;
	v58 =	vadd.s32 v37, v24;
	v37 =	vadd.s32 s31, v42  }
0x7dc: {  	v44 =	vld.idx.msk [tilespmem:v53+s3+$0x0], $0xffff;
	[tilespmem:$0x1F6A0] =	vst v37  }
0x7dd: {  	v56 =	vadd.s32 v63, v0;
	[tilespmem:s24+$0x0] =	vst v54  }
0x7de: {  	v63 =	vld [tilespmem:$0x1F380]  }
0x7df: {  	v57 =	vadd.s32 v60, v22;
	_ =	sdelay $0x2  }
0x7e0: {  	v53 =	vld.idx.msk [tilespmem:v56+s3+$0x0], $0xffff  }
0x7e1: {  	v60 =	vadd.s32 v38, v51;
	v38 =	vld [tilespmem:$0x1F390];
	[tilespmem:s25+$0xFFFFFF60] =	vst v50;
	v43 =	vor.u32 $0x1800, v63  }
0x7e2: {  	v50 =	vld.idx.msk [tilespmem:v57+s3+$0x0], $0xffff;
	[tilespmem:$0x1F3A0] =	vst v43  }
0x7e3: {  	[tilespmem:s26+$0xFFFFFEC0] =	vst v41  }
0x7e4: {  	[tilespmem:s0+$0xFFFFFE20] =	vst v52  }
0x7e5: {  	v62 =	vld [tilespmem:$0x1F3B0];
	[tilespmem:s23+$0x50] =	vst v44  }
0x7e6: {  	v42 =	vld [tilespmem:$0x1F3C0];
	[tilespmem:s22+$0xF0] =	vst v53  }
0x7e7: {  	v56 =	vadd.s32 v43, v7;
	v43 =	vld [tilespmem:$0x1F3D0];
	_ =	sdelay $0x2  }
0x7e8: {  	v54 =	vadd.s32 v38, v9  }
0x7e9: {  	v41 =	vld.idx.msk [tilespmem:v58+s3+$0x0], $0xffff;
	[tilespmem:s24+$0x10] =	vst v50  }
0x7ea: {  	v57 =	vadd.s32 v55, v21;
	v55 =	vadd.s32 s31, v43;
	v43 =	vld [tilespmem:$0x1F3E0]  }
0x7eb: {  	v52 =	vand.u32 $0xFFFFFF80, v39;
	v39 =	vld.idx.msk [tilespmem:v60+s3+$0x0], $0xffff  }
0x7ec: {  	v44 =	vld.idx.msk [tilespmem:v37+s3+$0x0], $0xffff  }
0x7ed: {  	v54 =	vld.idx.msk [tilespmem:v54+s3+$0x0], $0xffff;
	v60 =	vadd.s32 v42, v52  }
0x7ee: {  	v50 =	vld.idx.msk [tilespmem:v56+s3+$0x0], $0xffff  }
0x7ef: {  	v42 =	vld [tilespmem:$0x1F3F0];
	[tilespmem:s25+$0xFFFFFF70] =	vst v41;
	v53 =	vor.u32 $0x1800, v43  }
0x7f0: {  	v41 =	vld.idx.msk [tilespmem:v57+s3+$0x0], $0xffff;
	[tilespmem:$0x1F400] =	vst v53  }
0x7f1: {  	[tilespmem:s26+$0xFFFFFED0] =	vst v39  }
0x7f2: {  	[tilespmem:s0+$0xFFFFFE30] =	vst v44;
	v44 =	vld.idx.msk [tilespmem:v60+s3+$0x0], $0xffff  }
0x7f3: {  	v58 =	vadd.s32 v62, v31;
	v62 =	vld [tilespmem:$0x1F410];
	[tilespmem:s23+$0x60] =	vst v54  }
0x7f4: {  	v56 =	vadd.s32 v42, v8;
	v37 =	vld [tilespmem:$0x1F420];
	[tilespmem:s22+$0x100] =	vst v50  }
0x7f5: {  	v60 =	vld [tilespmem:$0x1F430];
	_ =	sdelay $0x2  }
0x7f6: {  	v39 =	vld.idx.msk [tilespmem:v58+s3+$0x0], $0xffff  }
0x7f7: {  	v57 =	vadd.s32 v53, v6;
	v50 =	vld.idx.msk [tilespmem:v56+s3+$0x0], $0xffff;
	[tilespmem:s24+$0x20] =	vst v41  }
0x7f8: {  	v56 =	vadd.s32 s31, v60;
	v60 =	vld [tilespmem:$0x1F440]  }
0x7f9: {  	v58 =	vadd.s32 v61, v20  }
0x7fa: {  	v53 =	vand.u32 $0xFFFFFF80, v35  }
0x7fb: {  	v54 =	vld.idx.msk [tilespmem:v55+s3+$0x0], $0xffff;
	v61 =	vadd.s32 v37, v53  }
0x7fc: {  	v41 =	vld.idx.msk [tilespmem:v57+s3+$0x0], $0xffff;
	[tilespmem:$0x1F450] =	vst v40  }
0x7fd: {  	v35 =	vadd.s32 v62, v30;
	[tilespmem:s25+$0xFFFFFF80] =	vst v39;
	v62 =	vor.u32 $0x1800, v60  }
0x7fe: {  	v39 =	vld.idx.msk [tilespmem:v58+s3+$0x0], $0xffff;
	[tilespmem:$0x1F460] =	vst v62  }
0x7ff: {  	[tilespmem:s26+$0xFFFFFEE0] =	vst v44  }
0x800: {  	[tilespmem:s0+$0xFFFFFE40] =	vst v54;
	v54 =	vld.idx.msk [tilespmem:v61+s3+$0x0], $0xffff  }
0x801: {  	v57 =	vadd.s32 v40, v15;
	v40 =	vld [tilespmem:$0x1F470];
	[tilespmem:s23+$0x70] =	vst v50  }
0x802: {  	v61 =	vld [tilespmem:$0x1F480];
	_ =	sdelay $0x2  }
0x803: {  	v35 =	vld.idx.msk [tilespmem:v35+s3+$0x0], $0xffff;
	[tilespmem:s22+$0x110] =	vst v41  }
0x804: {  	v37 =	vadd.s32 v62, v5;
	v44 =	vadd.s32 v36, v19;
	v36 =	vld [tilespmem:$0x1F490];
	[tilespmem:s24+$0x30] =	vst v39  }
0x805: {  	v32 =	vadd.s32 v61, v48;
	v61 =	vld [tilespmem:$0x1F4A0];
	_ =	sdelay $0x1  }
0x806: {  	v50 =	vld.idx.msk [tilespmem:v56+s3+$0x0], $0xffff  }
0x807: {  	v41 =	vld.idx.msk [tilespmem:v57+s3+$0x0], $0xffff;
	v62 =	vadd.s32 v40, v29  }
0x808: {  	v39 =	vld.idx.msk [tilespmem:v37+s3+$0x0], $0xffff;
	[tilespmem:$0x1F4B0] =	vst v59  }
0x809: {  	[tilespmem:s25+$0xFFFFFF90] =	vst v35;
	v37 =	vor.u32 $0x1800, v61  }
0x80a: {  	v35 =	vld.idx.msk [tilespmem:v44+s3+$0x0], $0xffff;
	[tilespmem:$0x1F4C0] =	vst v37  }
0x80b: {  	[tilespmem:s26+$0xFFFFFEF0] =	vst v54  }
0x80c: {  	v54 =	vld.idx.msk [tilespmem:v62+s3+$0x0], $0xffff;
	[tilespmem:s0+$0xFFFFFE50] =	vst v50  }
0x80d: {  	v50 =	vld [tilespmem:$0x1F4D0];
	[tilespmem:s23+$0x80] =	vst v41  }
0x80e: {  	v40 =	vadd.s32 v59, v14;
	v59 =	vld [tilespmem:$0x1F4E0];
	[tilespmem:s22+$0x120] =	vst v39  }
0x80f: {  	v62 =	vld [tilespmem:$0x1F4F0];
	_ =	sdelay $0x1  }
0x810: {  	v57 =	vadd.s32 s31, v36;
	_ =	sdelay $0x1  }
0x811: {  	v44 =	vadd.s32 v37, v4;
	[tilespmem:s24+$0x40] =	vst v35  }
0x812: {  	v41 =	vadd.s32 s31, v62;
	v62 =	vld [tilespmem:$0x1F500]  }
0x813: {  	v33 =	vadd.s32 v34, v18;
	v32 =	vld.idx.msk [tilespmem:v32+s3+$0x0], $0xffff  }
0x814: {  	v37 =	vld.idx.msk [tilespmem:v57+s3+$0x0], $0xffff  }
0x815: {  	v39 =	vld.idx.msk [tilespmem:v40+s3+$0x0], $0xffff;
	v50 =	vadd.s32 v50, v27  }
0x816: {  	v44 =	vld.idx.msk [tilespmem:v44+s3+$0x0], $0xffff  }
0x817: {  	v35 =	vld [tilespmem:$0x1F510];
	[tilespmem:s25+$0xFFFFFFA0] =	vst v54;
	v40 =	vor.u32 $0x1800, v62  }
0x818: {  	v33 =	vld.idx.msk [tilespmem:v33+s3+$0x0], $0xffff;
	[tilespmem:$0x1F520] =	vst v40  }
0x819: {  	[tilespmem:s26+$0xFFFFFF00] =	vst v32  }
0x81a: {  	v36 =	vadd.s32 v59, v46;
	v32 =	vld.idx.msk [tilespmem:v50+s3+$0x0], $0xffff;
	[tilespmem:s0+$0xFFFFFE60] =	vst v37  }
0x81b: {  	v50 =	vadd.s32 v38, v17;
	v38 =	vld [tilespmem:$0x1F530];
	[tilespmem:s23+$0x90] =	vst v39  }
0x81c: {  	v39 =	vld [tilespmem:$0x1F540]  }
0x81d: {  	v59 =	vld [tilespmem:$0x1F550];
	_ =	sdelay $0x1  }
0x81e: {  	v54 =	vadd.s32 v40, v3;
	v40 =	vld.idx.msk [tilespmem:v36+s3+$0x0], $0xffff;
	[tilespmem:s22+$0x130] =	vst v44  }
0x81f: {  	v58 =	vadd.s32 v35, v13;
	v37 =	vld [tilespmem:$0x1F560];
	[tilespmem:s24+$0x50] =	vst v33  }
0x820: {  	v33 =	vld [tilespmem:$0x1F570];
	[tilespmem:s25+$0xFFFFFFB0] =	vst v32  }
0x821: {  	v35 =	vand.u32 $0xFFFFFF80, v39;
	v39 =	vadd.s32 v59, v45;
	v59 =	vld [tilespmem:$0x1F580]  }
0x822: {  	v36 =	vadd.s32 v38, v28  }
0x823: {  	v38 =	vld.idx.msk [tilespmem:v41+s3+$0x0], $0xffff  }
0x824: {  	v44 =	vld.idx.msk [tilespmem:v58+s3+$0x0], $0xffff  }
0x825: {  	v54 =	vld.idx.msk [tilespmem:v54+s3+$0x0], $0xffff  }
0x826: {  	v32 =	vld.idx.msk [tilespmem:v50+s3+$0x0], $0xffff;
	[tilespmem:s26+$0xFFFFFF10] =	vst v40;
	v50 =	vor.u32 $0x1800, v59  }
0x827: {  	v58 =	vadd.s32 v37, v35;
	v37 =	vadd.s32 v33, v12;
	v33 =	vld.idx.msk [tilespmem:v36+s3+$0x0], $0xffff;
	[tilespmem:$0x1F590] =	vst v50  }
0x828: {  	[tilespmem:s0+$0xFFFFFE70] =	vst v38  }
0x829: {  	v40 =	vor.u32 $0x1C00, v63;
	[tilespmem:s23+$0xA0] =	vst v44  }
0x82a: {  	v38 =	vld.idx.msk [tilespmem:v39+s3+$0x0], $0xffff;
	v44 =	vor.u32 $0x1C00, v43;
	[tilespmem:$0x1F5A0] =	vst v40  }
0x82b: {  	v36 =	vadd.s32 v50, v2;
	[tilespmem:$0x1F5B0] =	vst v44;
	v50 =	vld [tilespmem:$0x1F5C0]  }
0x82c: {  	v44 =	vld.idx.msk [tilespmem:v58+s3+$0x0], $0xffff;
	[tilespmem:s22+$0x140] =	vst v54  }
0x82d: {  	v54 =	vor.u32 $0x1C00, v60;
	v60 =	vld [tilespmem:$0x1F5E0]  }
0x82e: {  	[tilespmem:$0x1F5D0] =	vst v54;
	v63 =	vld [tilespmem:$0x1F5F0]  }
0x82f: {  	v54 =	vld.idx.msk [tilespmem:v37+s3+$0x0], $0xffff;
	[tilespmem:s24+$0x60] =	vst v32;
	v37 =	vor.u32 $0x1C00, v61  }
0x830: {  	v43 =	vor.u32 $0x1C00, v62;
	[tilespmem:$0x1F600] =	vst v37  }
0x831: {  	[tilespmem:$0x1F610] =	vst v43  }
0x832: {  	v58 =	vadd.s32 v50, v26;
	v50 =	vld [tilespmem:$0x1F620];
	[tilespmem:s25+$0xFFFFFFC0] =	vst v33  }
0x833: {  	v61 =	vld [tilespmem:$0x1F640];
	_ =	sdelay $0x3  }
0x834: {  	v39 =	vand.u32 $0xFFFFFF80, v60;
	v60 =	vor.u32 $0x1C00, v59  }
0x835: {  	[tilespmem:$0x1F630] =	vst v60;
	v32 =	vor.u32 $0x1C00, v61  }
0x836: {  	[tilespmem:$0x1F650] =	vst v32  }
0x837: {  	[tilespmem:s26+$0xFFFFFF20] =	vst v38  }
0x838: {  	v40 =	vadd.s32 v63, v47;
	v63 =	vld [tilespmem:$0x1F660];
	_ =	sdelay $0x2  }
0x839: {  	v42 =	vadd.s32 v42, v16;
	_ =	sdelay $0x1  }
0x83a: {  	v37 =	vor.u32 $0x1800, v63  }
0x83b: {  	v36 =	vld.idx.msk [tilespmem:v36+s3+$0x0], $0xffff;
	v38 =	vor.u32 $0x1C00, v63;
	[tilespmem:$0x1F670] =	vst v37  }
0x83c: {  	v43 =	vld [tilespmem:$0x1F690];
	[tilespmem:$0x1F680] =	vst v38  }
0x83d: {  	v37 =	vld.idx.msk [tilespmem:v42+s3+$0x0], $0xffff  }
0x83e: {  	[tilespmem:s0+$0xFFFFFE80] =	vst v44;
	v44 =	vld.idx.msk [tilespmem:v58+s3+$0x0], $0xffff  }
0x83f: {  	v59 =	vld [tilespmem:$0x1F6A0]  }
0x840: {  	[tilespmem:s23+$0xB0] =	vst v54;
	v54 =	vld.idx.msk [tilespmem:v40+s3+$0x0], $0xffff  }
0x841: {  	v60 =	vld [tilespmem:$0x1F6B0]  }
0x842: {  	v62 =	vor.u32 $0x1800, v61;
	v61 =	vld [tilespmem:$0x1F6D0]  }
0x843: {  	v50 =	vadd.s32 v50, v39;
	v40 =	vadd.s32 v62, v1;
	[tilespmem:$0x1F6C0] =	vst v62;
	v62 =	vld [tilespmem:$0x1F6E0]  }
0x844: {  	v63 =	vld [tilespmem:$0x1F6F0];
	_ =	sdelay $0x2  }
0x845: {  	v38 =	vand.u32 $0xFFFFFF80, v43;
	v42 =	vand.u32 $0xFFFFFF80, v57;
	v32 =	vand.u32 $0xFFFFFF80, v59  }
0x846: {  	v57 =	vld.idx.msk [tilespmem:v50+s3+$0x0], $0xffff;
	v59 =	vand.u32 $0xFFFFFF80, v55;
	v55 =	vand.u32 $0xFFFFFF80, v56;
	v43 =	vadd.s32 v60, v11  }
0x847: {  	s1 =	simm.s32 $0xC000;
	v50 =	vadd.s32 v61, v25;
	v56 =	vadd.s32 v62, v49;
	v34 =	vmovc v63;
	v58 =	vadd.s32 v63, v38  }
.LBB2_23:
0x848: {  	_ =	sdelay $0x2  }
0x849: {  	v43 =	vld.idx.msk [tilespmem:v43+s3+$0x0], $0xffff;
	[tilespmem:s22+$0x150] =	vst v36  }
0x84a: {  	v33 =	vld [tilespmem:$0x1F260];
	[tilespmem:s25+$0xFFFFFFD0] =	vst v44  }
0x84b: {  	s9 =	smov.u32 s25;
	s25 =	smov.u32 s26;
	v40 =	vld.idx.msk [tilespmem:v40+s3+$0x0], $0xffff  }
0x84c: {  	[tilespmem:s25+$0xFFFFFF30] =	vst v54;
	v54 =	vld [tilespmem:$0x1F280]  }
0x84d: {  	v44 =	vld.idx.msk [tilespmem:v50+s3+$0x0], $0xffff  }
0x84e: {  	[tilespmem:s0+$0xFFFFFE90] =	vst v57;
	v57 =	vld [tilespmem:$0x1F670]  }
0x84f: {  	v61 =	vld [tilespmem:$0x1F290]  }
0x850: {  	v60 =	vadd.s32 s1, v33  }
0x851: {  	v62 =	vld [tilespmem:$0x1F2A0];
	v50 =	vadd.s32 v54, v10;
	_ =	sdelay $0x1  }
0x852: {  	v54 =	vld.idx.msk [tilespmem:v56+s3+$0x0], $0xffff;
	v56 =	vadd.s32 v57, v0  }
0x853: {  	v57 =	vld.idx.msk [tilespmem:v58+s3+$0x0], $0xffff;
	v58 =	vadd.s32 v61, v24  }
0x854: {  	v36 =	vand.u32 $0xFFFFFF80, v60;
	v60 =	vld.idx.msk [tilespmem:v60+s3+$0x0], $0xffff;
	[tilespmem:s23+$0xC0] =	vst v43  }
0x855: {  	v61 =	vadd.s32 v62, v51;
	v50 =	vld.idx.msk [tilespmem:v50+s3+$0x0], $0xffff;
	[tilespmem:s22+$0x160] =	vst v40  }
0x856: {  	v63 =	vld [tilespmem:$0x1F2B0];
	[tilespmem:s9+$0xFFFFFFE0] =	vst v44  }
0x857: {  	v44 =	vld.idx.msk [tilespmem:v56+s3+$0x0], $0xffff;
	[tilespmem:s25+$0xFFFFFF40] =	vst v54  }
0x858: {  	s26 =	smov.u32 s0;
	v54 =	vld.idx.msk [tilespmem:v58+s3+$0x0], $0xffff  }
0x859: {  	v58 =	vld [tilespmem:$0x1F2E0];
	[tilespmem:s26+$0xFFFFFEA0] =	vst v57  }
0x85a: {  	v57 =	vld.idx.msk [tilespmem:v61+s3+$0x0], $0xffff  }
0x85b: {  	v61 =	vld [tilespmem:$0x1F5A0]  }
0x85c: {  	v43 =	vld [tilespmem:$0x1F2C0];
	_ =	sdelay $0x2  }
0x85d: {  	v62 =	vadd.s32 v63, v32  }
0x85e: {  	s10 =	smov.u32 s1;
	v56 =	vadd.s32 v58, v9;
	v58 =	vadd.s32 v61, v7;
	v7 =	vmovc v15;
	v15 =	vmovc v23;
	v23 =	vmov v31;
	v31 =	vld [tilespmem:$0x1F2F0]  }
0x85f: {  	v43 =	vadd.s32 s10, v43;
	_ =	sdelay $0x1  }
0x860: {  	s0 =	sadd.s32 $0x400, s0  }
0x861: {  	v63 =	vld [tilespmem:$0x1F310];
	[tilespmem:s0+$0xFFFFFE00] =	vst v60  }
0x862: {  	v60 =	vld.idx.msk [tilespmem:v62+s3+$0x0], $0xffff;
	v61 =	vadd.s32 v31, v23  }
0x863: {  	v31 =	vmov v48;
	v48 =	vmov v35;
	v35 =	vmov v36;
	v36 =	vld.idx.msk [tilespmem:v43+s3+$0x0], $0xffff;
	[tilespmem:s23+$0xD0] =	vst v50  }
0x864: {  	v56 =	vld.idx.msk [tilespmem:v56+s3+$0x0], $0xffff;
	[tilespmem:s22+$0x170] =	vst v44  }
0x865: {  	v62 =	vld [tilespmem:$0x1F300];
	[tilespmem:s9+$0xFFFFFFF0] =	vst v54  }
0x866: {  	v54 =	vld.idx.msk [tilespmem:v58+s3+$0x0], $0xffff;
	[tilespmem:s25+$0xFFFFFF50] =	vst v57  }
0x867: {  	v57 =	vld.idx.msk [tilespmem:v61+s3+$0x0], $0xffff  }
0x868: {  	v61 =	vld [tilespmem:$0x1F5B0]  }
0x869: {  	v50 =	vld [tilespmem:$0x1F320]  }
0x86a: {  	v58 =	vld [tilespmem:$0x1F340]  }
0x86b: {  	v40 =	vand.u32 $0xFFFFFF80, v43;
	v43 =	vadd.s32 v62, v52  }
0x86c: {  	v62 =	vadd.s32 v63, v59  }
0x86d: {  	[tilespmem:s26+$0xFFFFFEB0] =	vst v60;
	v60 =	vadd.s32 v61, v6;
	v6 =	vmovc v14;
	v14 =	vmov v22;
	v22 =	vmov v30;
	v30 =	vld [tilespmem:$0x1F240]  }
0x86e: {  	v50 =	vadd.s32 s10, v50  }
0x86f: {  	v63 =	vld [tilespmem:$0x1F360];
	v58 =	vadd.s32 v58, v8  }
0x870: {  	v43 =	vld.idx.msk [tilespmem:v43+s3+$0x0], $0xffff;
	[tilespmem:s0+$0xFFFFFE10] =	vst v36  }
0x871: {  	v36 =	vld.idx.msk [tilespmem:v62+s3+$0x0], $0xffff  }
0x872: {  	v62 =	vld [tilespmem:$0x1F350];
	v61 =	vadd.s32 v30, v22  }
0x873: {  	v30 =	vmov v46;
	v46 =	vmov v39;
	v39 =	vmov v40;
	v40 =	vld.idx.msk [tilespmem:v50+s3+$0x0], $0xffff;
	[tilespmem:s23+$0xE0] =	vst v56  }
0x874: {  	v58 =	vld.idx.msk [tilespmem:v58+s3+$0x0], $0xffff;
	[tilespmem:s22+$0x180] =	vst v54  }
0x875: {  	v56 =	vld [tilespmem:$0x1F370];
	[tilespmem:s9+$0x0] =	vst v57  }
0x876: {  	v57 =	vld.idx.msk [tilespmem:v60+s3+$0x0], $0xffff;
	[tilespmem:s25+$0xFFFFFF60] =	vst v43  }
0x877: {  	v44 =	vand.u32 $0xFFFFFF80, v50;
	v50 =	vadd.s32 v62, v53;
	v43 =	vld.idx.msk [tilespmem:v61+s3+$0x0], $0xffff  }
0x878: {  	v61 =	vld [tilespmem:$0x1F5D0]  }
0x879: {  	v60 =	vld [tilespmem:$0x1F3A0]  }
0x87a: {  	v62 =	vadd.s32 v63, v55  }
0x87b: {  	[tilespmem:s26+$0xFFFFFEC0] =	vst v36  }
0x87c: {  	v36 =	vld.idx.msk [tilespmem:v50+s3+$0x0], $0xffff  }
0x87d: {  	v56 =	vadd.s32 s10, v56;
	v50 =	vadd.s32 v61, v5;
	v5 =	vmovc v13;
	v13 =	vmovc v21;
	v21 =	vmov v29;
	v29 =	vld [tilespmem:$0x1F250]  }
0x87e: {  	[tilespmem:s0+$0xFFFFFE20] =	vst v40;
	v60 =	vadd.s32 v60, v7  }
0x87f: {  	v40 =	vld.idx.msk [tilespmem:v62+s3+$0x0], $0xffff  }
0x880: {  	v62 =	vld [tilespmem:$0x1F3B0]  }
0x881: {  	v63 =	vld [tilespmem:$0x1F3C0]  }
0x882: {  	v61 =	vadd.s32 v29, v21;
	v29 =	vmovc v45;
	v45 =	vmov v38;
	v38 =	vmov v44;
	v44 =	vld.idx.msk [tilespmem:v56+s3+$0x0], $0xffff;
	[tilespmem:s23+$0xF0] =	vst v58  }
0x883: {  	v60 =	vld.idx.msk [tilespmem:v60+s3+$0x0], $0xffff;
	[tilespmem:s22+$0x190] =	vst v57  }
0x884: {  	[tilespmem:s9+$0x10] =	vst v43  }
0x885: {  	v54 =	vand.u32 $0xFFFFFF80, v56;
	v56 =	vadd.s32 v62, v31;
	v43 =	vld.idx.msk [tilespmem:v50+s3+$0x0], $0xffff  }
0x886: {  	[tilespmem:s25+$0xFFFFFF70] =	vst v36;
	v36 =	vld [tilespmem:$0x1F600]  }
0x887: {  	v58 =	vld [tilespmem:$0x1F3D0]  }
0x888: {  	v62 =	vadd.s32 v63, v42;
	v63 =	vld [tilespmem:$0x1F400]  }
0x889: {  	v50 =	vld.idx.msk [tilespmem:v61+s3+$0x0], $0xffff;
	[tilespmem:s26+$0xFFFFFED0] =	vst v40  }
0x88a: {  	v40 =	vld.idx.msk [tilespmem:v56+s3+$0x0], $0xffff  }
0x88b: {  	v56 =	vadd.s32 v36, v4;
	v4 =	vmovc v12;
	v12 =	vmov v20;
	v20 =	vmov v27;
	v27 =	vld [tilespmem:$0x1F270]  }
0x88c: {  	v58 =	vadd.s32 s10, v58  }
0x88d: {  	v61 =	vadd.s32 v63, v6  }
0x88e: {  	v63 =	vld [tilespmem:$0x1F430];
	[tilespmem:s0+$0xFFFFFE30] =	vst v44  }
0x88f: {  	v44 =	vld.idx.msk [tilespmem:v62+s3+$0x0], $0xffff  }
0x890: {  	v36 =	vand.u32 $0xFFFFFF80, v41;
	v41 =	vld [tilespmem:$0x1F410];
	v62 =	vadd.s32 v27, v20  }
0x891: {  	v27 =	vmov v47;
	v47 =	vmov v32;
	v32 =	vmov v54;
	v54 =	vld.idx.msk [tilespmem:v58+s3+$0x0], $0xffff;
	[tilespmem:s23+$0x100] =	vst v60  }
0x892: {  	v61 =	vld.idx.msk [tilespmem:v61+s3+$0x0], $0xffff;
	[tilespmem:s22+$0x1A0] =	vst v43  }
0x893: {  	v57 =	vand.u32 $0xFFFFFF80, v58;
	v58 =	vld [tilespmem:$0x1F420];
	[tilespmem:s9+$0x20] =	vst v50  }
0x894: {  	v56 =	vld.idx.msk [tilespmem:v56+s3+$0x0], $0xffff;
	[tilespmem:s25+$0xFFFFFF80] =	vst v40  }
0x895: {  	v40 =	vld.idx.msk [tilespmem:v62+s3+$0x0], $0xffff  }
0x896: {  	[tilespmem:s26+$0xFFFFFEE0] =	vst v44;
	v44 =	vld [tilespmem:$0x1F610]  }
0x897: {  	v60 =	vadd.s32 s10, v63;
	v63 =	vld [tilespmem:$0x1F460]  }
0x898: {  	v50 =	vld [tilespmem:$0x1F450]  }
0x899: {  	v41 =	vadd.s32 v41, v30  }
0x89a: {  	v58 =	vadd.s32 v58, v36  }
0x89b: {  	v44 =	vadd.s32 v44, v3;
	v3 =	vmovc v11;
	v11 =	vmov v19;
	v19 =	vmov v28;
	v28 =	vld [tilespmem:$0x1F2D0];
	_ =	sdelay $0x1  }
0x89c: {  	v62 =	vadd.s32 v63, v5;
	v63 =	vld [tilespmem:$0x1F470];
	v50 =	vadd.s32 v50, v15  }
0x89d: {  	v41 =	vld.idx.msk [tilespmem:v41+s3+$0x0], $0xffff;
	[tilespmem:s0+$0xFFFFFE40] =	vst v54  }
0x89e: {  	v54 =	vld.idx.msk [tilespmem:v58+s3+$0x0], $0xffff  }
0x89f: {  	v58 =	vadd.s32 v28, v19;
	v28 =	vmovc v49;
	v49 =	vmov v59;
	v59 =	vmov v57;
	v57 =	vld.idx.msk [tilespmem:v60+s3+$0x0], $0xffff  }
0x8a0: {  	[tilespmem:s24+$0x70] =	vst v37;
	v37 =	vld [tilespmem:$0x1F480]  }
0x8a1: {  	v43 =	vand.u32 $0xFFFFFF80, v60;
	v60 =	vadd.s32 v63, v29;
	v50 =	vld.idx.msk [tilespmem:v50+s3+$0x0], $0xffff;
	[tilespmem:s23+$0x110] =	vst v61  }
0x8a2: {  	v62 =	vld.idx.msk [tilespmem:v62+s3+$0x0], $0xffff;
	[tilespmem:s22+$0x1B0] =	vst v56  }
0x8a3: {  	v63 =	vld [tilespmem:$0x1F490];
	[tilespmem:s9+$0x30] =	vst v40  }
0x8a4: {  	v44 =	vld.idx.msk [tilespmem:v44+s3+$0x0], $0xffff;
	[tilespmem:s25+$0xFFFFFF90] =	vst v41  }
0x8a5: {  	v58 =	vld.idx.msk [tilespmem:v58+s3+$0x0], $0xffff;
	[tilespmem:s26+$0xFFFFFEF0] =	vst v54  }
0x8a6: {  	v54 =	vld.idx.msk [tilespmem:v60+s3+$0x0], $0xffff  }
0x8a7: {  	v60 =	vld [tilespmem:$0x1F630]  }
0x8a8: {  	v40 =	vld [tilespmem:$0x1F4B0]  }
0x8a9: {  	v41 =	vld [tilespmem:$0x1F4C0];
	_ =	sdelay $0x1  }
0x8aa: {  	v37 =	vadd.s32 v37, v48  }
0x8ab: {  	v61 =	vadd.s32 s10, v63;
	v60 =	vadd.s32 v60, v2;
	v2 =	vmovc v10;
	v10 =	vmovc v18;
	v18 =	vmov v26;
	v26 =	vld [tilespmem:$0x1F330]  }
0x8ac: {  	v40 =	vadd.s32 v40, v14  }
0x8ad: {  	v63 =	vadd.s32 v41, v4  }
0x8ae: {  	[tilespmem:s0+$0xFFFFFE50] =	vst v57;
	v41 =	vld [tilespmem:$0x1F4D0]  }
0x8af: {  	v37 =	vld.idx.msk [tilespmem:v37+s3+$0x0], $0xffff  }
0x8b0: {  	v57 =	vadd.s32 v26, v18;
	v26 =	vmovc v51;
	v51 =	vmov v55;
	v55 =	vmov v43;
	v43 =	vld.idx.msk [tilespmem:v61+s3+$0x0], $0xffff;
	[tilespmem:s24+$0x80] =	vst v50  }
0x8b1: {  	v40 =	vld.idx.msk [tilespmem:v40+s3+$0x0], $0xffff;
	[tilespmem:s23+$0x120] =	vst v62  }
0x8b2: {  	v62 =	vld.idx.msk [tilespmem:v63+s3+$0x0], $0xffff  }
0x8b3: {  	[tilespmem:s9+$0x40] =	vst v58;
	v58 =	vld [tilespmem:$0x1F510];
	_ =	sdelay $0x2  }
0x8b4: {  	v56 =	vand.u32 $0xFFFFFF80, v61;
	v61 =	vadd.s32 v41, v27;
	v50 =	vld [tilespmem:$0x1F4E0]  }
0x8b5: {  	v41 =	vld [tilespmem:$0x1F4F0];
	[tilespmem:s22+$0x1C0] =	vst v44  }
0x8b6: {  	v44 =	vadd.s32 v58, v13;
	v58 =	vld.idx.msk [tilespmem:v60+s3+$0x0], $0xffff  }
0x8b7: {  	[tilespmem:s25+$0xFFFFFFA0] =	vst v54;
	v60 =	vld [tilespmem:$0x1F520]  }
0x8b8: {  	v54 =	vld.idx.msk [tilespmem:v57+s3+$0x0], $0xffff;
	[tilespmem:s26+$0xFFFFFF00] =	vst v37  }
0x8b9: {  	v37 =	vld.idx.msk [tilespmem:v61+s3+$0x0], $0xffff  }
0x8ba: {  	v61 =	vld [tilespmem:$0x1F650];
	_ =	sdelay $0x2  }
0x8bb: {  	v50 =	vadd.s32 v50, v46  }
0x8bc: {  	v63 =	vld [tilespmem:$0x1F530];
	v41 =	vadd.s32 s10, v41  }
0x8bd: {  	v57 =	vadd.s32 v60, v3;
	v60 =	vadd.s32 v61, v1;
	v1 =	vmovc v9;
	v9 =	vmovc v17;
	v17 =	vmov v25;
	v25 =	vld [tilespmem:$0x1F390];
	_ =	sdelay $0x1  }
0x8be: {  	[tilespmem:s0+$0xFFFFFE60] =	vst v43  }
0x8bf: {  	v43 =	vld.idx.msk [tilespmem:v50+s3+$0x0], $0xffff  }
0x8c0: {  	v61 =	vadd.s32 v63, v28;
	v63 =	vld [tilespmem:$0x1F560]  }
0x8c1: {  	v50 =	vadd.s32 v25, v17;
	v25 =	vmovc v52;
	v52 =	vmov v42;
	v42 =	vmov v56;
	v56 =	vld.idx.msk [tilespmem:v41+s3+$0x0], $0xffff;
	[tilespmem:s24+$0x90] =	vst v40  }
0x8c2: {  	v44 =	vld.idx.msk [tilespmem:v44+s3+$0x0], $0xffff;
	[tilespmem:s23+$0x130] =	vst v62  }
0x8c3: {  	v57 =	vld.idx.msk [tilespmem:v57+s3+$0x0], $0xffff  }
0x8c4: {  	[tilespmem:s22+$0x1D0] =	vst v58;
	v58 =	vld [tilespmem:$0x1F570];
	_ =	sdelay $0x3  }
0x8c5: {  	v62 =	vadd.s32 v63, v35;
	v63 =	vld [tilespmem:$0x1F680];
	[tilespmem:s9+$0x50] =	vst v54  }
0x8c6: {  	v54 =	vadd.s32 v58, v12;
	v58 =	vld.idx.msk [tilespmem:v60+s3+$0x0], $0xffff  }
0x8c7: {  	v60 =	vld [tilespmem:$0x1F590]  }
0x8c8: {  	v40 =	vld [tilespmem:$0x1F550];
	_ =	sdelay $0x1  }
0x8c9: {  	[tilespmem:s25+$0xFFFFFFB0] =	vst v37  }
0x8ca: {  	v37 =	vld.idx.msk [tilespmem:v50+s3+$0x0], $0xffff  }
0x8cb: {  	v50 =	vadd.s32 v60, v2;
	v60 =	vadd.s32 v63, v0;
	v0 =	vmovc v8;
	v8 =	vmovc v16;
	v16 =	vmov v24;
	v24 =	vld [tilespmem:$0x1F3F0]  }
0x8cc: {  	v40 =	vadd.s32 v40, v45;
	_ =	sdelay $0x1  }
0x8cd: {  	[tilespmem:s26+$0xFFFFFF10] =	vst v43  }
0x8ce: {  	v43 =	vld.idx.msk [tilespmem:v61+s3+$0x0], $0xffff  }
0x8cf: {  	[tilespmem:s0+$0xFFFFFE70] =	vst v56;
	v56 =	vadd.s32 v24, v16;
	v24 =	vmov v53;
	v53 =	vmov v36;
	v36 =	vld [tilespmem:$0x1F5C0]  }
0x8d0: {  	v40 =	vld.idx.msk [tilespmem:v40+s3+$0x0], $0xffff  }
0x8d1: {  	v61 =	vld.idx.msk [tilespmem:v62+s3+$0x0], $0xffff  }
0x8d2: {  	[tilespmem:s24+$0xA0] =	vst v44;
	v44 =	vld [tilespmem:$0x1F5F0]  }
0x8d3: {  	v33 =	vld.idx.msk [tilespmem:v54+s3+$0x0], $0xffff  }
0x8d4: {  	[tilespmem:s23+$0x140] =	vst v57;
	v57 =	vld [tilespmem:$0x1F620];
	v62 =	vadd.s32 v36, v26  }
0x8d5: {  	v36 =	vld.idx.msk [tilespmem:v50+s3+$0x0], $0xffff;
	[tilespmem:s22+$0x1E0] =	vst v58  }
0x8d6: {  	[tilespmem:s9+$0x60] =	vst v37;
	v58 =	vld [tilespmem:$0x1F6B0]  }
0x8d7: {  	v63 =	vadd.s32 v44, v47;
	v60 =	vld.idx.msk [tilespmem:v60+s3+$0x0], $0xffff;
	[tilespmem:s25+$0xFFFFFFC0] =	vst v43  }
0x8d8: {  	v37 =	vld.idx.msk [tilespmem:v56+s3+$0x0], $0xffff;
	[tilespmem:s26+$0xFFFFFF20] =	vst v40  }
0x8d9: {  	v44 =	vld.idx.msk [tilespmem:v62+s3+$0x0], $0xffff  }
0x8da: {  	[tilespmem:s0+$0xFFFFFE80] =	vst v61;
	v61 =	vld [tilespmem:$0x1F6C0]  }
0x8db: {  	v62 =	vld [tilespmem:$0x1F6D0]  }
0x8dc: {  	v57 =	vadd.s32 v57, v39;
	v54 =	vld.idx.msk [tilespmem:v63+s3+$0x0], $0xffff  }
0x8dd: {  	p0 =	sne.s32 s1, $0xE000;
	v63 =	vld [tilespmem:$0x1F6E0]  }
.Ltmp12:
0x8de: {  	_ = 	snop;
	(pc) =	sbr.rel @p0 .LBB2_23-.Ltmp12, $3  }
0x8df: {  	_ =	sdelay $0x1  }
0x8e0: {  	s1 =	sadd.s32 $0x2000, s1;
	v43 =	vadd.s32 v58, v11;
	v58 =	vadd.s32 v34, v38;
	v57 =	vld.idx.msk [tilespmem:v57+s3+$0x0], $0xffff;
	[tilespmem:s24+$0xB0] =	vst v33  }
0x8e1: {  	[tilespmem:s22+$0x1F0] =	vst v60;
	s22 =	smov.u32 s23;
	s23 =	smov.u32 s24;
	s24 =	smov.u32 s9;
	v40 =	vadd.s32 v61, v1;
	v50 =	vadd.s32 v62, v25;
	v56 =	vadd.s32 v63, v49  }
0x8e2: {  	_ =	sdelay $0x2  }
0x8e3: {  	[tilespmem:s0+$0xFFFFFE90] =	vst v57  }
0x8e4: {  	v34 =	vld [tilespmem:$0x1F2B0];
	_ =	sdelay $0x2  }
0x8e5: {  	v33 =	vld.idx.msk [tilespmem:v58+s3+$0x0], $0xffff;
	_ =	sdelay $0x1  }
0x8e6: {  	v60 =	vadd.s32 v34, v32;
	_ =	sdelay $0x2  }
0x8e7: {  	[tilespmem:s0+$0xFFFFFEA0] =	vst v33  }
0x8e8: {  	v61 =	vld [tilespmem:$0x1F310]  }
0x8e9: {  	v33 =	vld.idx.msk [tilespmem:v60+s3+$0x0], $0xffff;
	_ =	sdelay $0x3  }
0x8ea: {  	v62 =	vadd.s32 v61, v59  }
0x8eb: {  	[tilespmem:s0+$0xFFFFFEB0] =	vst v33  }
0x8ec: {  	v63 =	vld [tilespmem:$0x1F360];
	_ =	sdelay $0x2  }
0x8ed: {  	v33 =	vld.idx.msk [tilespmem:v62+s3+$0x0], $0xffff;
	_ =	sdelay $0x1  }
0x8ee: {  	v34 =	vadd.s32 v63, v55;
	_ =	sdelay $0x2  }
0x8ef: {  	[tilespmem:s0+$0xFFFFFEC0] =	vst v33  }
0x8f0: {  	v60 =	vld [tilespmem:$0x1F3C0]  }
0x8f1: {  	v33 =	vld.idx.msk [tilespmem:v34+s3+$0x0], $0xffff;
	_ =	sdelay $0x3  }
0x8f2: {  	v61 =	vadd.s32 v60, v42  }
0x8f3: {  	[tilespmem:s0+$0xFFFFFED0] =	vst v33  }
0x8f4: {  	v62 =	vld [tilespmem:$0x1F420];
	_ =	sdelay $0x2  }
0x8f5: {  	v33 =	vld.idx.msk [tilespmem:v61+s3+$0x0], $0xffff  }
0x8f6: {  	v58 =	vand.u32 $0xFFFFFF80, v41  }
0x8f7: {  	v41 =	vadd.s32 v62, v58;
	_ =	sdelay $0x2  }
0x8f8: {  	[tilespmem:s0+$0xFFFFFEE0] =	vst v33  }
0x8f9: {  	v63 =	vld [tilespmem:$0x1F480]  }
0x8fa: {  	v33 =	vld.idx.msk [tilespmem:v41+s3+$0x0], $0xffff;
	_ =	sdelay $0x3  }
0x8fb: {  	v34 =	vadd.s32 v63, v35  }
0x8fc: {  	[tilespmem:s0+$0xFFFFFEF0] =	vst v33  }
0x8fd: {  	v57 =	vld [tilespmem:$0x1F4E0];
	_ =	sdelay $0x2  }
0x8fe: {  	v33 =	vld.idx.msk [tilespmem:v34+s3+$0x0], $0xffff;
	_ =	sdelay $0x1  }
0x8ff: {  	v60 =	vadd.s32 v57, v39;
	_ =	sdelay $0x2  }
0x900: {  	[tilespmem:s0+$0xFFFFFF00] =	vst v33  }
0x901: {  	v61 =	vld [tilespmem:$0x1F550]  }
0x902: {  	v33 =	vld.idx.msk [tilespmem:v60+s3+$0x0], $0xffff;
	_ =	sdelay $0x3  }
0x903: {  	v62 =	vadd.s32 v61, v38  }
0x904: {  	[tilespmem:s0+$0xFFFFFF10] =	vst v33  }
0x905: {  	v63 =	vld [tilespmem:$0x1F5F0];
	_ =	sdelay $0x2  }
0x906: {  	v33 =	vld.idx.msk [tilespmem:v62+s3+$0x0], $0xffff;
	_ =	sdelay $0x1  }
0x907: {  	v34 =	vadd.s32 v63, v32;
	_ =	sdelay $0x2  }
0x908: {  	[tilespmem:s0+$0xFFFFFF20] =	vst v33  }
0x909: {  	v57 =	vld [tilespmem:$0x1F6E0]  }
0x90a: {  	v33 =	vld.idx.msk [tilespmem:v34+s3+$0x0], $0xffff;
	_ =	sdelay $0x3  }
0x90b: {  	[tilespmem:s26+$0xFFFFFF30] =	vst v54;
	v60 =	vadd.s32 v57, v59  }
0x90c: {  	[tilespmem:s0+$0xFFFFFF30] =	vst v33  }
0x90d: {  	v62 =	vld [tilespmem:$0x1F2A0];
	_ =	sdelay $0x1  }
0x90e: {  	v61 =	vld.idx.msk [tilespmem:v56+s3+$0x0], $0xffff  }
0x90f: {  	v41 =	vld.idx.msk [tilespmem:v60+s3+$0x0], $0xffff;
	_ =	sdelay $0x1  }
0x910: {  	v63 =	vadd.s32 v62, v51  }
0x911: {  	v60 =	vadd.s32 v62, v55  }
0x912: {  	[tilespmem:s26+$0xFFFFFF40] =	vst v61  }
0x913: {  	[tilespmem:s0+$0xFFFFFF40] =	vst v41  }
0x914: {  	v61 =	vld [tilespmem:$0x1F300]  }
0x915: {  	v33 =	vld.idx.msk [tilespmem:v63+s3+$0x0], $0xffff  }
0x916: {  	v41 =	vld.idx.msk [tilespmem:v60+s3+$0x0], $0xffff;
	_ =	sdelay $0x2  }
0x917: {  	v62 =	vadd.s32 v61, v52  }
0x918: {  	v63 =	vadd.s32 v61, v42;
	[tilespmem:s26+$0xFFFFFF50] =	vst v33  }
0x919: {  	[tilespmem:s0+$0xFFFFFF50] =	vst v41  }
0x91a: {  	v57 =	vld [tilespmem:$0x1F350];
	_ =	sdelay $0x1  }
0x91b: {  	v33 =	vld.idx.msk [tilespmem:v62+s3+$0x0], $0xffff  }
0x91c: {  	v41 =	vld.idx.msk [tilespmem:v63+s3+$0x0], $0xffff;
	_ =	sdelay $0x1  }
0x91d: {  	v60 =	vadd.s32 v57, v53  }
0x91e: {  	v61 =	vadd.s32 v57, v58  }
0x91f: {  	[tilespmem:s26+$0xFFFFFF60] =	vst v33  }
0x920: {  	[tilespmem:s0+$0xFFFFFF60] =	vst v41  }
0x921: {  	v62 =	vld [tilespmem:$0x1F3B0]  }
0x922: {  	v33 =	vld.idx.msk [tilespmem:v60+s3+$0x0], $0xffff  }
0x923: {  	v41 =	vld.idx.msk [tilespmem:v61+s3+$0x0], $0xffff;
	_ =	sdelay $0x2  }
0x924: {  	v63 =	vadd.s32 v62, v48  }
0x925: {  	v60 =	vadd.s32 v62, v35;
	[tilespmem:s26+$0xFFFFFF70] =	vst v33  }
0x926: {  	[tilespmem:s0+$0xFFFFFF70] =	vst v41  }
0x927: {  	v61 =	vld [tilespmem:$0x1F410];
	_ =	sdelay $0x1  }
0x928: {  	v33 =	vld.idx.msk [tilespmem:v63+s3+$0x0], $0xffff  }
0x929: {  	v41 =	vld.idx.msk [tilespmem:v60+s3+$0x0], $0xffff;
	_ =	sdelay $0x1  }
0x92a: {  	v62 =	vadd.s32 v61, v46  }
0x92b: {  	v63 =	vadd.s32 v61, v39  }
0x92c: {  	[tilespmem:s26+$0xFFFFFF80] =	vst v33  }
0x92d: {  	[tilespmem:s0+$0xFFFFFF80] =	vst v41  }
0x92e: {  	v57 =	vld [tilespmem:$0x1F470]  }
0x92f: {  	v33 =	vld.idx.msk [tilespmem:v62+s3+$0x0], $0xffff  }
0x930: {  	v41 =	vld.idx.msk [tilespmem:v63+s3+$0x0], $0xffff;
	_ =	sdelay $0x2  }
0x931: {  	v60 =	vadd.s32 v57, v45  }
0x932: {  	v61 =	vadd.s32 v57, v38;
	[tilespmem:s26+$0xFFFFFF90] =	vst v33  }
0x933: {  	[tilespmem:s0+$0xFFFFFF90] =	vst v41  }
0x934: {  	v62 =	vld [tilespmem:$0x1F4D0];
	_ =	sdelay $0x1  }
0x935: {  	v33 =	vld.idx.msk [tilespmem:v60+s3+$0x0], $0xffff  }
0x936: {  	v41 =	vld.idx.msk [tilespmem:v61+s3+$0x0], $0xffff;
	_ =	sdelay $0x1  }
0x937: {  	v63 =	vadd.s32 v62, v47  }
0x938: {  	v60 =	vadd.s32 v62, v32  }
0x939: {  	[tilespmem:s26+$0xFFFFFFA0] =	vst v33  }
0x93a: {  	[tilespmem:s0+$0xFFFFFFA0] =	vst v41  }
0x93b: {  	v61 =	vld [tilespmem:$0x1F530]  }
0x93c: {  	v33 =	vld.idx.msk [tilespmem:v63+s3+$0x0], $0xffff  }
0x93d: {  	v41 =	vld.idx.msk [tilespmem:v60+s3+$0x0], $0xffff;
	_ =	sdelay $0x3  }
0x93e: {  	[tilespmem:s26+$0xFFFFFFB0] =	vst v33  }
0x93f: {  	v62 =	vadd.s32 v61, v49;
	[tilespmem:s0+$0xFFFFFFB0] =	vst v41  }
0x940: {  	v63 =	vadd.s32 v61, v59;
	v57 =	vld [tilespmem:$0x1F5C0];
	_ =	sdelay $0x3  }
0x941: {  	v33 =	vld.idx.msk [tilespmem:v62+s3+$0x0], $0xffff  }
0x942: {  	v41 =	vld.idx.msk [tilespmem:v63+s3+$0x0], $0xffff;
	v60 =	vadd.s32 v57, v51  }
0x943: {  	v61 =	vadd.s32 v57, v55;
	_ =	sdelay $0x2  }
0x944: {  	[tilespmem:s26+$0xFFFFFFC0] =	vst v33  }
0x945: {  	[tilespmem:s0+$0xFFFFFFC0] =	vst v41;
	v33 =	vld.idx.msk [tilespmem:v60+s3+$0x0], $0xffff  }
0x946: {  	v41 =	vld.idx.msk [tilespmem:v61+s3+$0x0], $0xffff  }
0x947: {  	v62 =	vld [tilespmem:$0x1F6D0];
	_ =	sdelay $0x1  }
0x948: {  	[tilespmem:s25+$0xFFFFFFD0] =	vst v44  }
0x949: {  	[tilespmem:s26+$0xFFFFFFD0] =	vst v33  }
0x94a: {  	[tilespmem:s0+$0xFFFFFFD0] =	vst v41  }
0x94b: {  	v63 =	vadd.s32 v62, v52;
	v61 =	vld [tilespmem:$0x1F290]  }
0x94c: {  	v60 =	vadd.s32 v62, v42;
	_ =	sdelay $0x2  }
0x94d: {  	v33 =	vld.idx.msk [tilespmem:v50+s3+$0x0], $0xffff  }
0x94e: {  	v41 =	vld.idx.msk [tilespmem:v63+s3+$0x0], $0xffff;
	v62 =	vadd.s32 v61, v24  }
0x94f: {  	v63 =	vld.idx.msk [tilespmem:v60+s3+$0x0], $0xffff;
	v60 =	vadd.s32 v61, v53;
	_ =	sdelay $0x1  }
0x950: {  	v61 =	vadd.s32 v61, v58  }
0x951: {  	[tilespmem:s25+$0xFFFFFFE0] =	vst v33  }
0x952: {  	[tilespmem:s26+$0xFFFFFFE0] =	vst v41;
	v33 =	vld.idx.msk [tilespmem:v62+s3+$0x0], $0xffff  }
0x953: {  	[tilespmem:s0+$0xFFFFFFE0] =	vst v63;
	v41 =	vld.idx.msk [tilespmem:v60+s3+$0x0], $0xffff  }
0x954: {  	v62 =	vld [tilespmem:$0x1F2F0]  }
0x955: {  	v50 =	vld.idx.msk [tilespmem:v61+s3+$0x0], $0xffff;
	_ =	sdelay $0x2  }
0x956: {  	[tilespmem:s25+$0xFFFFFFF0] =	vst v33  }
0x957: {  	[tilespmem:s26+$0xFFFFFFF0] =	vst v41  }
0x958: {  	v63 =	vadd.s32 v62, v31;
	[tilespmem:s0+$0xFFFFFFF0] =	vst v50  }
0x959: {  	v60 =	vadd.s32 v62, v48;
	v61 =	vadd.s32 v62, v35;
	v62 =	vld [tilespmem:$0x1F240];
	_ =	sdelay $0x3  }
0x95a: {  	v33 =	vld.idx.msk [tilespmem:v63+s3+$0x0], $0xffff  }
0x95b: {  	v41 =	vld.idx.msk [tilespmem:v60+s3+$0x0], $0xffff;
	v63 =	vadd.s32 v62, v30  }
0x95c: {  	v50 =	vld.idx.msk [tilespmem:v61+s3+$0x0], $0xffff;
	v60 =	vadd.s32 v62, v46;
	_ =	sdelay $0x1  }
0x95d: {  	v61 =	vadd.s32 v62, v39  }
0x95e: {  	[tilespmem:s25+$0x0] =	vst v33  }
0x95f: {  	[tilespmem:s26+$0x0] =	vst v41;
	v33 =	vld.idx.msk [tilespmem:v63+s3+$0x0], $0xffff  }
0x960: {  	[tilespmem:s0+$0x0] =	vst v50;
	v41 =	vld.idx.msk [tilespmem:v60+s3+$0x0], $0xffff  }
0x961: {  	v62 =	vld [tilespmem:$0x1F250]  }
0x962: {  	v50 =	vld.idx.msk [tilespmem:v61+s3+$0x0], $0xffff;
	_ =	sdelay $0x2  }
0x963: {  	[tilespmem:s25+$0x10] =	vst v33  }
0x964: {  	[tilespmem:s26+$0x10] =	vst v41  }
0x965: {  	v63 =	vadd.s32 v62, v29;
	[tilespmem:s0+$0x10] =	vst v50  }
0x966: {  	v60 =	vadd.s32 v62, v45;
	v61 =	vadd.s32 v62, v38;
	v62 =	vld [tilespmem:$0x1F270];
	_ =	sdelay $0x3  }
0x967: {  	v33 =	vld.idx.msk [tilespmem:v63+s3+$0x0], $0xffff  }
0x968: {  	v41 =	vld.idx.msk [tilespmem:v60+s3+$0x0], $0xffff;
	v63 =	vadd.s32 v62, v27  }
0x969: {  	v50 =	vld.idx.msk [tilespmem:v61+s3+$0x0], $0xffff;
	v60 =	vadd.s32 v62, v47;
	_ =	sdelay $0x1  }
0x96a: {  	v61 =	vadd.s32 v62, v32  }
0x96b: {  	[tilespmem:s25+$0x20] =	vst v33  }
0x96c: {  	[tilespmem:s26+$0x20] =	vst v41;
	v33 =	vld.idx.msk [tilespmem:v63+s3+$0x0], $0xffff  }
0x96d: {  	[tilespmem:s0+$0x20] =	vst v50;
	v41 =	vld.idx.msk [tilespmem:v60+s3+$0x0], $0xffff  }
0x96e: {  	v62 =	vld [tilespmem:$0x1F2D0]  }
0x96f: {  	v50 =	vld.idx.msk [tilespmem:v61+s3+$0x0], $0xffff;
	_ =	sdelay $0x2  }
0x970: {  	[tilespmem:s25+$0x30] =	vst v33  }
0x971: {  	[tilespmem:s26+$0x30] =	vst v41  }
0x972: {  	v63 =	vadd.s32 v62, v28;
	[tilespmem:s0+$0x30] =	vst v50  }
0x973: {  	v60 =	vadd.s32 v62, v49;
	v61 =	vadd.s32 v62, v59;
	v62 =	vld [tilespmem:$0x1F330];
	_ =	sdelay $0x3  }
0x974: {  	v33 =	vld.idx.msk [tilespmem:v63+s3+$0x0], $0xffff  }
0x975: {  	v41 =	vld.idx.msk [tilespmem:v60+s3+$0x0], $0xffff;
	v63 =	vadd.s32 v62, v26  }
0x976: {  	v50 =	vld.idx.msk [tilespmem:v61+s3+$0x0], $0xffff;
	v60 =	vadd.s32 v62, v51;
	_ =	sdelay $0x1  }
0x977: {  	v61 =	vadd.s32 v62, v55  }
0x978: {  	[tilespmem:s25+$0x40] =	vst v33  }
0x979: {  	[tilespmem:s26+$0x40] =	vst v41;
	v33 =	vld.idx.msk [tilespmem:v63+s3+$0x0], $0xffff  }
0x97a: {  	[tilespmem:s0+$0x40] =	vst v50;
	v41 =	vld.idx.msk [tilespmem:v60+s3+$0x0], $0xffff  }
0x97b: {  	v62 =	vld [tilespmem:$0x1F390]  }
0x97c: {  	v50 =	vld.idx.msk [tilespmem:v61+s3+$0x0], $0xffff;
	_ =	sdelay $0x2  }
0x97d: {  	[tilespmem:s25+$0x50] =	vst v33  }
0x97e: {  	[tilespmem:s26+$0x50] =	vst v41  }
0x97f: {  	v63 =	vadd.s32 v62, v25;
	[tilespmem:s0+$0x50] =	vst v50  }
0x980: {  	v60 =	vadd.s32 v62, v52;
	v61 =	vadd.s32 v62, v42;
	v62 =	vld [tilespmem:$0x1F3F0];
	_ =	sdelay $0x3  }
0x981: {  	v33 =	vld.idx.msk [tilespmem:v63+s3+$0x0], $0xffff  }
0x982: {  	v41 =	vld.idx.msk [tilespmem:v60+s3+$0x0], $0xffff;
	v63 =	vadd.s32 v62, v24;
	_ =	sdelay $0x1  }
0x983: {  	v60 =	vadd.s32 v62, v53;
	_ =	sdelay $0x1  }
0x984: {  	v50 =	vld.idx.msk [tilespmem:v61+s3+$0x0], $0xffff;
	[tilespmem:s25+$0x60] =	vst v33  }
0x985: {  	[tilespmem:s26+$0x60] =	vst v41;
	v33 =	vld.idx.msk [tilespmem:v63+s3+$0x0], $0xffff  }
0x986: {  	v61 =	vadd.s32 v62, v58;
	v62 =	vld [tilespmem:$0x1F450]  }
0x987: {  	v63 =	vld.idx.msk [tilespmem:v60+s3+$0x0], $0xffff;
	_ =	sdelay $0x1  }
0x988: {  	[tilespmem:s0+$0x60] =	vst v50  }
0x989: {  	[tilespmem:s24+$0x70] =	vst v37  }
0x98a: {  	v41 =	vadd.s32 v62, v23;
	[tilespmem:s25+$0x70] =	vst v33  }
0x98b: {  	v54 =	vld.idx.msk [tilespmem:v61+s3+$0x0], $0xffff;
	v60 =	vadd.s32 v62, v31;
	[tilespmem:s26+$0x70] =	vst v63  }
0x98c: {  	v61 =	vadd.s32 v62, v48;
	v63 =	vld [tilespmem:$0x1F4B0];
	_ =	sdelay $0x2  }
0x98d: {  	v33 =	vld.idx.msk [tilespmem:v41+s3+$0x0], $0xffff  }
0x98e: {  	v62 =	vadd.s32 v62, v35;
	v37 =	vld.idx.msk [tilespmem:v60+s3+$0x0], $0xffff  }
0x98f: {  	v44 =	vld.idx.msk [tilespmem:v61+s3+$0x0], $0xffff;
	v60 =	vadd.s32 v63, v22;
	_ =	sdelay $0x1  }
0x990: {  	[tilespmem:s0+$0x70] =	vst v54  }
0x991: {  	[tilespmem:s24+$0x80] =	vst v33  }
0x992: {  	v54 =	vld.idx.msk [tilespmem:v62+s3+$0x0], $0xffff;
	[tilespmem:s25+$0x80] =	vst v37  }
0x993: {  	v61 =	vadd.s32 v63, v30;
	[tilespmem:s26+$0x80] =	vst v44;
	v33 =	vld.idx.msk [tilespmem:v60+s3+$0x0], $0xffff  }
0x994: {  	v62 =	vadd.s32 v63, v46;
	v60 =	vld [tilespmem:$0x1F510];
	_ =	sdelay $0x3  }
0x995: {  	v63 =	vadd.s32 v63, v39;
	v37 =	vld.idx.msk [tilespmem:v61+s3+$0x0], $0xffff  }
0x996: {  	v44 =	vld.idx.msk [tilespmem:v62+s3+$0x0], $0xffff;
	v61 =	vadd.s32 v60, v21;
	_ =	sdelay $0x1  }
0x997: {  	[tilespmem:s0+$0x80] =	vst v54  }
0x998: {  	[tilespmem:s24+$0x90] =	vst v33  }
0x999: {  	v54 =	vld.idx.msk [tilespmem:v63+s3+$0x0], $0xffff;
	[tilespmem:s25+$0x90] =	vst v37  }
0x99a: {  	v62 =	vadd.s32 v60, v29;
	[tilespmem:s26+$0x90] =	vst v44;
	v33 =	vld.idx.msk [tilespmem:v61+s3+$0x0], $0xffff  }
0x99b: {  	v63 =	vadd.s32 v60, v45;
	v61 =	vld [tilespmem:$0x1F570];
	_ =	sdelay $0x3  }
0x99c: {  	v37 =	vld.idx.msk [tilespmem:v62+s3+$0x0], $0xffff  }
0x99d: {  	v44 =	vld.idx.msk [tilespmem:v63+s3+$0x0], $0xffff;
	v62 =	vadd.s32 v61, v20;
	_ =	sdelay $0x1  }
0x99e: {  	[tilespmem:s0+$0x90] =	vst v54  }
0x99f: {  	[tilespmem:s24+$0xA0] =	vst v33  }
0x9a0: {  	v60 =	vadd.s32 v60, v38;
	[tilespmem:s25+$0xA0] =	vst v37  }
0x9a1: {  	[tilespmem:s26+$0xA0] =	vst v44;
	v33 =	vld.idx.msk [tilespmem:v62+s3+$0x0], $0xffff  }
0x9a2: {  	v63 =	vadd.s32 v61, v27;
	v62 =	vld [tilespmem:$0x1F6B0];
	_ =	sdelay $0x2  }
0x9a3: {  	v54 =	vld.idx.msk [tilespmem:v60+s3+$0x0], $0xffff;
	_ =	sdelay $0x1  }
0x9a4: {  	v37 =	vld.idx.msk [tilespmem:v63+s3+$0x0], $0xffff;
	v63 =	vadd.s32 v62, v19;
	_ =	sdelay $0x1  }
0x9a5: {  	v60 =	vadd.s32 v61, v47  }
0x9a6: {  	[tilespmem:s0+$0xA0] =	vst v54  }
0x9a7: {  	v61 =	vadd.s32 v61, v32;
	[tilespmem:s24+$0xB0] =	vst v33  }
0x9a8: {  	[tilespmem:s25+$0xB0] =	vst v37;
	v37 =	vld.idx.msk [tilespmem:v63+s3+$0x0], $0xffff  }
0x9a9: {  	v63 =	vld [tilespmem:$0x1F280]  }
0x9aa: {  	v44 =	vld.idx.msk [tilespmem:v60+s3+$0x0], $0xffff;
	v60 =	vadd.s32 v62, v28;
	_ =	sdelay $0x1  }
0x9ab: {  	v54 =	vld.idx.msk [tilespmem:v61+s3+$0x0], $0xffff  }
0x9ac: {  	v33 =	vld.idx.msk [tilespmem:v43+s3+$0x0], $0xffff  }
0x9ad: {  	v41 =	vadd.s32 v63, v10  }
0x9ae: {  	v43 =	vld.idx.msk [tilespmem:v60+s3+$0x0], $0xffff;
	v60 =	vadd.s32 v63, v18  }
0x9af: {  	[tilespmem:s26+$0xB0] =	vst v44  }
0x9b0: {  	v61 =	vadd.s32 v62, v49;
	[tilespmem:s0+$0xB0] =	vst v54  }
0x9b1: {  	[tilespmem:s23+$0xC0] =	vst v33  }
0x9b2: {  	v62 =	vadd.s32 v62, v59;
	[tilespmem:s24+$0xC0] =	vst v37;
	v37 =	vld.idx.msk [tilespmem:v41+s3+$0x0], $0xffff  }
0x9b3: {  	[tilespmem:s25+$0xC0] =	vst v43;
	v41 =	vld.idx.msk [tilespmem:v60+s3+$0x0], $0xffff  }
0x9b4: {  	v60 =	vld [tilespmem:$0x1F2E0]  }
0x9b5: {  	v50 =	vld.idx.msk [tilespmem:v61+s3+$0x0], $0xffff;
	v61 =	vadd.s32 v63, v26;
	_ =	sdelay $0x1  }
0x9b6: {  	v56 =	vld.idx.msk [tilespmem:v62+s3+$0x0], $0xffff;
	_ =	sdelay $0x1  }
0x9b7: {  	v43 =	vadd.s32 v60, v9  }
0x9b8: {  	v44 =	vld.idx.msk [tilespmem:v61+s3+$0x0], $0xffff;
	v61 =	vadd.s32 v60, v17  }
0x9b9: {  	[tilespmem:s26+$0xC0] =	vst v50  }
0x9ba: {  	v62 =	vadd.s32 v63, v51;
	[tilespmem:s0+$0xC0] =	vst v56  }
0x9bb: {  	[tilespmem:s23+$0xD0] =	vst v37  }
0x9bc: {  	v63 =	vadd.s32 v63, v55;
	[tilespmem:s24+$0xD0] =	vst v41;
	v41 =	vld.idx.msk [tilespmem:v43+s3+$0x0], $0xffff  }
0x9bd: {  	[tilespmem:s25+$0xD0] =	vst v44;
	v43 =	vld.idx.msk [tilespmem:v61+s3+$0x0], $0xffff  }
0x9be: {  	v61 =	vld [tilespmem:$0x1F340]  }
0x9bf: {  	v54 =	vld.idx.msk [tilespmem:v62+s3+$0x0], $0xffff;
	v62 =	vadd.s32 v60, v25;
	_ =	sdelay $0x1  }
0x9c0: {  	v33 =	vld.idx.msk [tilespmem:v63+s3+$0x0], $0xffff  }
0x9c1: {  	v63 =	vadd.s32 v60, v52  }
0x9c2: {  	v44 =	vadd.s32 v61, v8  }
0x9c3: {  	v50 =	vld.idx.msk [tilespmem:v62+s3+$0x0], $0xffff;
	v62 =	vadd.s32 v61, v16  }
0x9c4: {  	[tilespmem:s26+$0xD0] =	vst v54  }
0x9c5: {  	[tilespmem:s0+$0xD0] =	vst v33  }
0x9c6: {  	v60 =	vadd.s32 v60, v42;
	v33 =	vld.idx.msk [tilespmem:v63+s3+$0x0], $0xffff;
	[tilespmem:s23+$0xE0] =	vst v41  }
0x9c7: {  	[tilespmem:s24+$0xE0] =	vst v43;
	v43 =	vld.idx.msk [tilespmem:v44+s3+$0x0], $0xffff  }
0x9c8: {  	[tilespmem:s25+$0xE0] =	vst v50;
	v44 =	vld.idx.msk [tilespmem:v62+s3+$0x0], $0xffff  }
0x9c9: {  	v63 =	vadd.s32 v61, v24;
	v62 =	vld [tilespmem:$0x1F3A0];
	_ =	sdelay $0x1  }
0x9ca: {  	v37 =	vld.idx.msk [tilespmem:v60+s3+$0x0], $0xffff;
	_ =	sdelay $0x1  }
0x9cb: {  	v60 =	vadd.s32 v61, v53  }
0x9cc: {  	[tilespmem:s26+$0xE0] =	vst v33;
	v33 =	vld.idx.msk [tilespmem:v63+s3+$0x0], $0xffff;
	v63 =	vadd.s32 v62, v23;
	_ =	sdelay $0x1  }
0x9cd: {  	[tilespmem:s0+$0xE0] =	vst v37  }
0x9ce: {  	v61 =	vadd.s32 v61, v58;
	[tilespmem:s23+$0xF0] =	vst v43  }
0x9cf: {  	v37 =	vld.idx.msk [tilespmem:v60+s3+$0x0], $0xffff;
	v50 =	vadd.s32 v62, v15;
	[tilespmem:s24+$0xF0] =	vst v44  }
0x9d0: {  	[tilespmem:s25+$0xF0] =	vst v33;
	v33 =	vld.idx.msk [tilespmem:v63+s3+$0x0], $0xffff  }
0x9d1: {  	v60 =	vadd.s32 v62, v31;
	v63 =	vld [tilespmem:$0x1F400];
	_ =	sdelay $0x1  }
0x9d2: {  	v41 =	vld.idx.msk [tilespmem:v61+s3+$0x0], $0xffff  }
0x9d3: {  	v44 =	vld.idx.msk [tilespmem:v50+s3+$0x0], $0xffff  }
0x9d4: {  	v61 =	vadd.s32 v62, v48  }
0x9d5: {  	[tilespmem:s26+$0xF0] =	vst v37;
	v37 =	vld.idx.msk [tilespmem:v60+s3+$0x0], $0xffff;
	v60 =	vadd.s32 v63, v22;
	_ =	sdelay $0x1  }
0x9d6: {  	[tilespmem:s0+$0xF0] =	vst v41  }
0x9d7: {  	v62 =	vadd.s32 v62, v35;
	[tilespmem:s23+$0x100] =	vst v44  }
0x9d8: {  	v41 =	vld.idx.msk [tilespmem:v61+s3+$0x0], $0xffff;
	v50 =	vadd.s32 v63, v14;
	[tilespmem:s24+$0x100] =	vst v33  }
0x9d9: {  	[tilespmem:s25+$0x100] =	vst v37;
	v37 =	vld.idx.msk [tilespmem:v60+s3+$0x0], $0xffff  }
0x9da: {  	v61 =	vadd.s32 v63, v30;
	v60 =	vld [tilespmem:$0x1F460];
	_ =	sdelay $0x1  }
0x9db: {  	v43 =	vld.idx.msk [tilespmem:v62+s3+$0x0], $0xffff  }
0x9dc: {  	v33 =	vld.idx.msk [tilespmem:v50+s3+$0x0], $0xffff  }
0x9dd: {  	v62 =	vadd.s32 v63, v46  }
0x9de: {  	[tilespmem:s26+$0x100] =	vst v41;
	v41 =	vld.idx.msk [tilespmem:v61+s3+$0x0], $0xffff;
	v61 =	vadd.s32 v60, v21;
	_ =	sdelay $0x1  }
0x9df: {  	[tilespmem:s0+$0x100] =	vst v43  }
0x9e0: {  	v63 =	vadd.s32 v63, v39;
	[tilespmem:s23+$0x110] =	vst v33  }
0x9e1: {  	v43 =	vld.idx.msk [tilespmem:v62+s3+$0x0], $0xffff;
	v50 =	vadd.s32 v60, v13;
	[tilespmem:s24+$0x110] =	vst v37  }
0x9e2: {  	[tilespmem:s25+$0x110] =	vst v41;
	v41 =	vld.idx.msk [tilespmem:v61+s3+$0x0], $0xffff  }
0x9e3: {  	v62 =	vadd.s32 v60, v29;
	v61 =	vld [tilespmem:$0x1F4C0];
	_ =	sdelay $0x1  }
0x9e4: {  	v44 =	vld.idx.msk [tilespmem:v63+s3+$0x0], $0xffff  }
0x9e5: {  	v37 =	vld.idx.msk [tilespmem:v50+s3+$0x0], $0xffff  }
0x9e6: {  	v63 =	vadd.s32 v60, v45  }
0x9e7: {  	[tilespmem:s26+$0x110] =	vst v43;
	v43 =	vld.idx.msk [tilespmem:v62+s3+$0x0], $0xffff;
	v62 =	vadd.s32 v61, v20;
	_ =	sdelay $0x1  }
0x9e8: {  	[tilespmem:s0+$0x110] =	vst v44  }
0x9e9: {  	v60 =	vadd.s32 v60, v38;
	[tilespmem:s23+$0x120] =	vst v37  }
0x9ea: {  	v44 =	vld.idx.msk [tilespmem:v63+s3+$0x0], $0xffff;
	v50 =	vadd.s32 v61, v12;
	[tilespmem:s24+$0x120] =	vst v41  }
0x9eb: {  	[tilespmem:s25+$0x120] =	vst v43;
	v43 =	vld.idx.msk [tilespmem:v62+s3+$0x0], $0xffff  }
0x9ec: {  	v63 =	vadd.s32 v61, v27;
	v62 =	vld [tilespmem:$0x1F520];
	_ =	sdelay $0x1  }
0x9ed: {  	v33 =	vld.idx.msk [tilespmem:v60+s3+$0x0], $0xffff  }
0x9ee: {  	v60 =	vadd.s32 v61, v47;
	v41 =	vld.idx.msk [tilespmem:v50+s3+$0x0], $0xffff  }
0x9ef: {  	v61 =	vadd.s32 v61, v32  }
0x9f0: {  	[tilespmem:s26+$0x120] =	vst v44;
	v44 =	vld.idx.msk [tilespmem:v63+s3+$0x0], $0xffff;
	v63 =	vadd.s32 v62, v19;
	_ =	sdelay $0x1  }
0x9f1: {  	[tilespmem:s0+$0x120] =	vst v33;
	v50 =	vadd.s32 v62, v11  }
0x9f2: {  	v33 =	vld.idx.msk [tilespmem:v60+s3+$0x0], $0xffff;
	[tilespmem:s23+$0x130] =	vst v41  }
0x9f3: {  	v37 =	vld.idx.msk [tilespmem:v61+s3+$0x0], $0xffff;
	v60 =	vadd.s32 v62, v28;
	[tilespmem:s24+$0x130] =	vst v43  }
0x9f4: {  	[tilespmem:s25+$0x130] =	vst v44;
	v44 =	vld.idx.msk [tilespmem:v63+s3+$0x0], $0xffff  }
0x9f5: {  	v63 =	vld [tilespmem:$0x1F590]  }
0x9f6: {  	v43 =	vld.idx.msk [tilespmem:v50+s3+$0x0], $0xffff  }
0x9f7: {  	v61 =	vadd.s32 v62, v49  }
0x9f8: {  	v62 =	vadd.s32 v62, v59;
	[tilespmem:s26+$0x130] =	vst v33;
	v33 =	vld.idx.msk [tilespmem:v60+s3+$0x0], $0xffff;
	_ =	sdelay $0x1  }
0x9f9: {  	[tilespmem:s0+$0x130] =	vst v37;
	v50 =	vadd.s32 v63, v10  }
0x9fa: {  	v54 =	vadd.s32 v63, v18;
	[tilespmem:s23+$0x140] =	vst v43  }
0x9fb: {  	v60 =	vld.idx.msk [tilespmem:v61+s3+$0x0], $0xffff;
	[tilespmem:s24+$0x140] =	vst v44  }
0x9fc: {  	v41 =	vld.idx.msk [tilespmem:v62+s3+$0x0], $0xffff;
	[tilespmem:s25+$0x140] =	vst v33  }
0x9fd: {  	v61 =	vadd.s32 v63, v26;
	v34 =	vld [tilespmem:$0x1F6C0]  }
0x9fe: {  	v62 =	vadd.s32 v63, v51;
	v44 =	vld.idx.msk [tilespmem:v50+s3+$0x0], $0xffff  }
0x9ff: {  	v63 =	vadd.s32 v63, v55;
	v33 =	vld.idx.msk [tilespmem:v54+s3+$0x0], $0xffff  }
0xa00: {  	[tilespmem:s26+$0x140] =	vst v60  }
0xa01: {  	[tilespmem:s0+$0x140] =	vst v41  }
0xa02: {  	[tilespmem:s22+$0x150] =	vst v36;
	v37 =	vld.idx.msk [tilespmem:v61+s3+$0x0], $0xffff;
	v50 =	vadd.s32 v34, v9  }
0xa03: {  	v41 =	vld.idx.msk [tilespmem:v62+s3+$0x0], $0xffff;
	v60 =	vadd.s32 v34, v17;
	[tilespmem:s23+$0x150] =	vst v44  }
0xa04: {  	v62 =	vld.idx.msk [tilespmem:v63+s3+$0x0], $0xffff;
	[tilespmem:s24+$0x150] =	vst v33  }
0xa05: {  	v57 =	vld [tilespmem:$0x1F670]  }
0xa06: {  	v40 =	vld.idx.msk [tilespmem:v40+s3+$0x0], $0xffff;
	v61 =	vadd.s32 v34, v25  }
0xa07: {  	v63 =	vadd.s32 v34, v52;
	v33 =	vld.idx.msk [tilespmem:v50+s3+$0x0], $0xffff  }
0xa08: {  	v34 =	vadd.s32 v34, v42;
	[tilespmem:s25+$0x150] =	vst v37;
	v37 =	vld.idx.msk [tilespmem:v60+s3+$0x0], $0xffff  }
0xa09: {  	[tilespmem:s26+$0x150] =	vst v41  }
0xa0a: {  	[tilespmem:s0+$0x150] =	vst v62;
	v44 =	vadd.s32 v57, v0  }
0xa0b: {  	[tilespmem:s22+$0x160] =	vst v40;
	v41 =	vld.idx.msk [tilespmem:v61+s3+$0x0], $0xffff;
	v60 =	vadd.s32 v57, v8  }
0xa0c: {  	v62 =	vld.idx.msk [tilespmem:v63+s3+$0x0], $0xffff;
	v61 =	vadd.s32 v57, v16;
	[tilespmem:s23+$0x160] =	vst v33  }
0xa0d: {  	v34 =	vld.idx.msk [tilespmem:v34+s3+$0x0], $0xffff;
	[tilespmem:s24+$0x160] =	vst v37  }
0xa0e: {  	v56 =	vld [tilespmem:$0x1F5A0]  }
0xa0f: {  	v63 =	vadd.s32 v57, v24;
	v33 =	vld.idx.msk [tilespmem:v44+s3+$0x0], $0xffff  }
0xa10: {  	v40 =	vadd.s32 v57, v53;
	v60 =	vld.idx.msk [tilespmem:v60+s3+$0x0], $0xffff  }
0xa11: {  	[tilespmem:s25+$0x160] =	vst v41;
	v44 =	vadd.s32 v57, v58;
	v61 =	vld.idx.msk [tilespmem:v61+s3+$0x0], $0xffff  }
0xa12: {  	[tilespmem:s26+$0x160] =	vst v62  }
0xa13: {  	[tilespmem:s0+$0x160] =	vst v34;
	v7 =	vadd.s32 v56, v7  }
0xa14: {  	v62 =	vld.idx.msk [tilespmem:v63+s3+$0x0], $0xffff;
	v15 =	vadd.s32 v56, v15;
	[tilespmem:s22+$0x170] =	vst v33  }
0xa15: {  	v50 =	vld.idx.msk [tilespmem:v40+s3+$0x0], $0xffff;
	v23 =	vadd.s32 v56, v23;
	[tilespmem:s23+$0x170] =	vst v60  }
0xa16: {  	v57 =	vld.idx.msk [tilespmem:v44+s3+$0x0], $0xffff;
	[tilespmem:s24+$0x170] =	vst v61  }
0xa17: {  	v37 =	vld [tilespmem:$0x1F5B0]  }
0xa18: {  	v63 =	vadd.s32 v56, v31;
	v7 =	vld.idx.msk [tilespmem:v7+s3+$0x0], $0xffff  }
0xa19: {  	v54 =	vadd.s32 v56, v48;
	v15 =	vld.idx.msk [tilespmem:v15+s3+$0x0], $0xffff  }
0xa1a: {  	v60 =	vadd.s32 v56, v35;
	[tilespmem:s25+$0x170] =	vst v62;
	v23 =	vld.idx.msk [tilespmem:v23+s3+$0x0], $0xffff  }
0xa1b: {  	[tilespmem:s26+$0x170] =	vst v50  }
0xa1c: {  	[tilespmem:s0+$0x170] =	vst v57;
	v6 =	vadd.s32 v37, v6  }
0xa1d: {  	v31 =	vld.idx.msk [tilespmem:v63+s3+$0x0], $0xffff;
	v61 =	vadd.s32 v37, v14;
	[tilespmem:s22+$0x180] =	vst v7  }
0xa1e: {  	v33 =	vld.idx.msk [tilespmem:v54+s3+$0x0], $0xffff;
	v62 =	vadd.s32 v37, v22;
	[tilespmem:s23+$0x180] =	vst v15  }
0xa1f: {  	v40 =	vld.idx.msk [tilespmem:v60+s3+$0x0], $0xffff;
	[tilespmem:s24+$0x180] =	vst v23  }
0xa20: {  	v43 =	vld [tilespmem:$0x1F5D0]  }
0xa21: {  	v63 =	vadd.s32 v37, v30;
	v6 =	vld.idx.msk [tilespmem:v6+s3+$0x0], $0xffff  }
0xa22: {  	v36 =	vadd.s32 v37, v46;
	v14 =	vld.idx.msk [tilespmem:v61+s3+$0x0], $0xffff  }
0xa23: {  	v41 =	vadd.s32 v37, v39;
	[tilespmem:s25+$0x180] =	vst v31;
	v22 =	vld.idx.msk [tilespmem:v62+s3+$0x0], $0xffff  }
0xa24: {  	[tilespmem:s26+$0x180] =	vst v33  }
0xa25: {  	[tilespmem:s0+$0x180] =	vst v40;
	v5 =	vadd.s32 v43, v5  }
0xa26: {  	v48 =	vld.idx.msk [tilespmem:v63+s3+$0x0], $0xffff;
	v44 =	vadd.s32 v43, v13;
	[tilespmem:s22+$0x190] =	vst v6  }
0xa27: {  	v7 =	vld.idx.msk [tilespmem:v36+s3+$0x0], $0xffff;
	v46 =	vadd.s32 v43, v21;
	[tilespmem:s23+$0x190] =	vst v14  }
0xa28: {  	v15 =	vld.idx.msk [tilespmem:v41+s3+$0x0], $0xffff;
	[tilespmem:s24+$0x190] =	vst v22  }
0xa29: {  	v22 =	vld [tilespmem:$0x1F600]  }
0xa2a: {  	v50 =	vadd.s32 v43, v29;
	v5 =	vld.idx.msk [tilespmem:v5+s3+$0x0], $0xffff  }
0xa2b: {  	v54 =	vadd.s32 v43, v45;
	v13 =	vld.idx.msk [tilespmem:v44+s3+$0x0], $0xffff  }
0xa2c: {  	v56 =	vadd.s32 v43, v38;
	[tilespmem:s25+$0x190] =	vst v48;
	v21 =	vld.idx.msk [tilespmem:v46+s3+$0x0], $0xffff  }
0xa2d: {  	[tilespmem:s26+$0x190] =	vst v7  }
0xa2e: {  	[tilespmem:s0+$0x190] =	vst v15;
	v4 =	vadd.s32 v22, v4  }
0xa2f: {  	v61 =	vld.idx.msk [tilespmem:v50+s3+$0x0], $0xffff;
	v57 =	vadd.s32 v22, v12;
	[tilespmem:s22+$0x1A0] =	vst v5  }
0xa30: {  	v6 =	vld.idx.msk [tilespmem:v54+s3+$0x0], $0xffff;
	v60 =	vadd.s32 v22, v20;
	[tilespmem:s23+$0x1A0] =	vst v13  }
0xa31: {  	v14 =	vld.idx.msk [tilespmem:v56+s3+$0x0], $0xffff;
	[tilespmem:s24+$0x1A0] =	vst v21  }
0xa32: {  	v21 =	vld [tilespmem:$0x1F610]  }
0xa33: {  	v62 =	vadd.s32 v22, v27;
	v4 =	vld.idx.msk [tilespmem:v4+s3+$0x0], $0xffff  }
0xa34: {  	v63 =	vadd.s32 v22, v47;
	v12 =	vld.idx.msk [tilespmem:v57+s3+$0x0], $0xffff  }
0xa35: {  	v27 =	vadd.s32 v22, v32;
	[tilespmem:s25+$0x1A0] =	vst v61;
	v7 =	vld.idx.msk [tilespmem:v60+s3+$0x0], $0xffff  }
0xa36: {  	[tilespmem:s26+$0x1A0] =	vst v6  }
0xa37: {  	[tilespmem:s0+$0x1A0] =	vst v14;
	v3 =	vadd.s32 v21, v3  }
0xa38: {  	v15 =	vld.idx.msk [tilespmem:v62+s3+$0x0], $0xffff;
	v29 =	vadd.s32 v21, v11;
	[tilespmem:s22+$0x1B0] =	vst v4  }
0xa39: {  	v5 =	vld.idx.msk [tilespmem:v63+s3+$0x0], $0xffff;
	v30 =	vadd.s32 v21, v19;
	[tilespmem:s23+$0x1B0] =	vst v12  }
0xa3a: {  	v13 =	vld.idx.msk [tilespmem:v27+s3+$0x0], $0xffff;
	[tilespmem:s24+$0x1B0] =	vst v7  }
0xa3b: {  	v34 =	vld [tilespmem:$0x1F630]  }
0xa3c: {  	v31 =	vadd.s32 v21, v28;
	v3 =	vld.idx.msk [tilespmem:v3+s3+$0x0], $0xffff  }
0xa3d: {  	v32 =	vadd.s32 v21, v49;
	v35 =	vld.idx.msk [tilespmem:v29+s3+$0x0], $0xffff  }
0xa3e: {  	v33 =	vadd.s32 v21, v59;
	[tilespmem:s25+$0x1B0] =	vst v15;
	v6 =	vld.idx.msk [tilespmem:v30+s3+$0x0], $0xffff  }
0xa3f: {  	[tilespmem:s26+$0x1B0] =	vst v5  }
0xa40: {  	[tilespmem:s0+$0x1B0] =	vst v13;
	v2 =	vadd.s32 v34, v2  }
0xa41: {  	v38 =	vld.idx.msk [tilespmem:v31+s3+$0x0], $0xffff;
	v36 =	vadd.s32 v34, v10;
	[tilespmem:s22+$0x1C0] =	vst v3  }
0xa42: {  	v4 =	vld.idx.msk [tilespmem:v32+s3+$0x0], $0xffff;
	v37 =	vadd.s32 v34, v18;
	[tilespmem:s23+$0x1C0] =	vst v35  }
0xa43: {  	v12 =	vld.idx.msk [tilespmem:v33+s3+$0x0], $0xffff;
	[tilespmem:s24+$0x1C0] =	vst v6  }
0xa44: {  	v43 =	vld [tilespmem:$0x1F650]  }
0xa45: {  	v2 =	vld.idx.msk [tilespmem:v2+s3+$0x0], $0xffff  }
0xa46: {  	v44 =	vld.idx.msk [tilespmem:v36+s3+$0x0], $0xffff  }
0xa47: {  	[tilespmem:s25+$0x1C0] =	vst v38;
	v5 =	vld.idx.msk [tilespmem:v37+s3+$0x0], $0xffff  }
0xa48: {  	[tilespmem:s26+$0x1C0] =	vst v4  }
0xa49: {  	v39 =	vadd.s32 v34, v26;
	[tilespmem:s0+$0x1C0] =	vst v12  }
0xa4a: {  	v40 =	vadd.s32 v34, v51;
	[tilespmem:s22+$0x1D0] =	vst v2  }
0xa4b: {  	v41 =	vadd.s32 v34, v55;
	[tilespmem:s23+$0x1D0] =	vst v44  }
0xa4c: {  	v1 =	vadd.s32 v43, v1;
	[tilespmem:s24+$0x1D0] =	vst v5  }
0xa4d: {  	v45 =	vadd.s32 v43, v9;
	v12 =	vld [tilespmem:$0x1F680]  }
0xa4e: {  	v47 =	vld.idx.msk [tilespmem:v39+s3+$0x0], $0xffff;
	v46 =	vadd.s32 v43, v17  }
0xa4f: {  	v3 =	vld.idx.msk [tilespmem:v40+s3+$0x0], $0xffff;
	v48 =	vadd.s32 v43, v25  }
0xa50: {  	v7 =	vld.idx.msk [tilespmem:v41+s3+$0x0], $0xffff;
	v49 =	vadd.s32 v43, v52  }
0xa51: {  	v50 =	vadd.s32 v43, v42;
	v1 =	vld.idx.msk [tilespmem:v1+s3+$0x0], $0xffff  }
0xa52: {  	v52 =	vld.idx.msk [tilespmem:v45+s3+$0x0], $0xffff;
	v51 =	vadd.s32 v12, v0  }
0xa53: {  	[tilespmem:s25+$0x1D0] =	vst v47;
	v4 =	vld.idx.msk [tilespmem:v46+s3+$0x0], $0xffff;
	v54 =	vadd.s32 v12, v8  }
0xa54: {  	[tilespmem:s26+$0x1D0] =	vst v3;
	v56 =	vld.idx.msk [tilespmem:v48+s3+$0x0], $0xffff;
	v55 =	vadd.s32 v12, v16  }
0xa55: {  	[tilespmem:s0+$0x1D0] =	vst v7;
	v2 =	vld.idx.msk [tilespmem:v49+s3+$0x0], $0xffff;
	v57 =	vadd.s32 v12, v24  }
0xa56: {  	v6 =	vld.idx.msk [tilespmem:v50+s3+$0x0], $0xffff;
	[tilespmem:s22+$0x1E0] =	vst v1;
	v59 =	vadd.s32 v12, v53  }
0xa57: {  	[tilespmem:s23+$0x1E0] =	vst v52;
	v60 =	vadd.s32 v12, v58;
	v0 =	vld.idx.msk [tilespmem:v51+s3+$0x0], $0xffff  }
0xa58: {  	[tilespmem:s24+$0x1E0] =	vst v4;
	v61 =	vld.idx.msk [tilespmem:v54+s3+$0x0], $0xffff  }
0xa59: {  	[tilespmem:s25+$0x1E0] =	vst v56;
	v3 =	vld.idx.msk [tilespmem:v55+s3+$0x0], $0xffff  }
0xa5a: {  	[tilespmem:s26+$0x1E0] =	vst v2;
	v62 =	vld.idx.msk [tilespmem:v57+s3+$0x0], $0xffff  }
0xa5b: {  	[tilespmem:s0+$0x1E0] =	vst v6;
	v1 =	vld.idx.msk [tilespmem:v59+s3+$0x0], $0xffff  }
0xa5c: {  	s20 =	sadd.s32 $0x1, s20;
	v63 =	vld.idx.msk [tilespmem:v60+s3+$0x0], $0xffff;
	[tilespmem:s22+$0x1F0] =	vst v0  }
0xa5d: {  	p0 =	sne.s32 s20, $0x64;
	[tilespmem:s23+$0x1F0] =	vst v61  }
.Ltmp13:
0xa5e: {  	s1 =	sshll.u32 s21, $0x12;
	[tilespmem:s24+$0x1F0] =	vst v3;
	(pc) =	sbr.rel @p0 .LBB2_4-.Ltmp13, $4  }
.Ltmp14:
0xa5f: {  	s1 =	sor.u32 s6, s1;
	[tilespmem:s25+$0x1F0] =	vst v62;
	(pc) =	sbr.rel @!p0 .LBB2_25-.Ltmp14, $4  }
0xa60: {  	s1 =	sshrl.u32 s1, $0x3;
	[tilespmem:s26+$0x1F0] =	vst v1  }
0xa61: {  	s31 =	sadd.s32 s2, s1;
	[tilespmem:s0+$0x1F0] =	vst v63  }
0xa62: {  	[hbm4b:s31+s12] =	stream.strided.scatter [tilespmem:s15], [sflag:$0x2], $0x2000, s13, s12, $0x38;
	[tilespmem:$0x1A400] =	vst v63  }
0xa63: {  	_ = 	snop  }
.LBB2_5:
0xa64: {  	_ = 	snop  }
0xa65: {  	_ = 	snop  }
0xa66: {  	_ = 	snop  }
0xa67: {  	_ = 	snop  }
0xa68: {  	_ = 	snop  }
0xa69: {  	_ = 	snop  }
0xa6a: {  	_ = 	snop  }
0xa6b: {  	_ = 	snop  }
0xa6c: {  	_ = 	snop  }
0xa6d: {  	_ = 	snop  }
0xa6e: {  	_ = 	snop  }
0xa6f: {  	_ = 	snop  }
0xa70: {  	_ = 	snop  }
0xa71: {  	_ = 	snop  }
0xa72: {  	_ = 	snop  }
0xa73: {  	_ = 	snop  }
0xa74: {  	_ = 	snop  }
0xa75: {  	_ = 	snop  }
0xa76: {  	_ = 	snop  }
0xa77: {  	_ = 	snop  }
0xa78: {  	_ = 	snop  }
0xa79: {  	_ = 	snop  }
0xa7a: {  	_ = 	snop  }
0xa7b: {  	_ = 	snop  }
0xa7c: {  	_ = 	snop  }
0xa7d: {  	_ = 	snop  }
0xa7e: {  	_ = 	snop  }
0xa7f: {  	_ = 	snop  }
0xa80: {  	_ = 	snop  }
0xa81: {  	_ = 	snop  }
0xa82: {  	_ = 	snop  }
0xa83: {  	_ = 	snop  }
0xa84: {  	_ = 	snop  }
0xa85: {  	_ = 	snop  }
0xa86: {  	_ = 	snop  }
0xa87: {  	_ = 	snop  }
0xa88: {  	_ = 	snop  }
0xa89: {  	_ = 	snop  }
0xa8a: {  	_ = 	snop  }
0xa8b: {  	_ = 	snop  }
0xa8c: {  	_ = 	snop  }
0xa8d: {  	_ = 	snop  }
0xa8e: {  	_ = 	snop  }
0xa8f: {  	_ = 	snop  }
0xa90: {  	_ = 	snop  }
0xa91: {  	_ = 	snop  }
0xa92: {  	_ = 	snop  }
0xa93: {  	_ = 	snop  }
0xa94: {  	_ = 	snop  }
0xa95: {  	_ = 	snop  }
0xa96: {  	_ = 	snop  }
0xa97: {  	_ = 	snop  }
0xa98: {  	_ = 	snop  }
0xa99: {  	_ = 	snop  }
0xa9a: {  	_ = 	snop  }
0xa9b: {  	_ = 	snop  }
0xa9c: {  	_ = 	snop  }
0xa9d: {  	_ = 	snop  }
0xa9e: {  	_ = 	snop  }
0xa9f: {  	_ = 	snop  }
0xaa0: {  	_ = 	snop  }
0xaa1: {  	_ = 	snop  }
0xaa2: {  	_ = 	snop  }
0xaa3: {  	_ = 	snop  }
0xaa4: {  	_ = 	snop  }
0xaa5: {  	_ = 	snop  }
0xaa6: {  	_ = 	snop  }
0xaa7: {  	_ = 	snop  }
.Ltmp15:
0xaa8: {  	(pc) =	sbr.rel .LBB2_22-.Ltmp15, $4  }
0xaa9: {  	_ = 	snop  }
0xaaa: {  	_ = 	snop  }
0xaab: {  	_ = 	snop  }
0xaac: {  	v2 =	vmov v27;
	s10 =	simm.s32 $0x16600;
	s25 =	simm.s32 $0x0  }
.LBB2_7:
0xaad: {  	_ = 	snop  }
0xaae: {  	_ = 	snop  }
0xaaf: {  	_ = 	snop  }
0xab0: {  	_ = 	snop  }
0xab1: {  	_ = 	snop  }
0xab2: {  	_ = 	snop  }
0xab3: {  	_ = 	snop  }
0xab4: {  	_ = 	snop  }
0xab5: {  	_ = 	snop  }
0xab6: {  	_ = 	snop  }
0xab7: {  	_ = 	snop  }
0xab8: {  	_ = 	snop  }
0xab9: {  	_ = 	snop  }
0xaba: {  	_ = 	snop  }
0xabb: {  	_ = 	snop  }
0xabc: {  	_ = 	snop  }
0xabd: {  	_ = 	snop  }
0xabe: {  	_ = 	snop  }
0xabf: {  	_ = 	snop  }
0xac0: {  	_ = 	snop  }
0xac1: {  	_ = 	snop  }
0xac2: {  	_ = 	snop  }
0xac3: {  	_ = 	snop  }
0xac4: {  	_ = 	snop  }
0xac5: {  	_ = 	snop  }
0xac6: {  	_ = 	snop  }
0xac7: {  	_ = 	snop  }
0xac8: {  	_ = 	snop  }
0xac9: {  	_ = 	snop  }
0xaca: {  	_ = 	snop  }
0xacb: {  	_ = 	snop  }
0xacc: {  	_ = 	snop  }
0xacd: {  	_ = 	snop  }
0xace: {  	_ = 	snop  }
0xacf: {  	_ = 	snop  }
0xad0: {  	_ = 	snop  }
0xad1: {  	_ = 	snop  }
0xad2: {  	_ = 	snop  }
0xad3: {  	_ = 	snop  }
0xad4: {  	_ = 	snop  }
0xad5: {  	_ = 	snop  }
0xad6: {  	_ = 	snop  }
0xad7: {  	_ = 	snop  }
0xad8: {  	_ = 	snop  }
0xad9: {  	_ = 	snop  }
0xada: {  	_ = 	snop  }
0xadb: {  	_ = 	snop  }
0xadc: {  	_ = 	snop  }
0xadd: {  	_ = 	snop  }
0xade: {  	_ = 	snop  }
0xadf: {  	_ = 	snop  }
0xae0: {  	_ = 	snop  }
0xae1: {  	_ = 	snop  }
0xae2: {  	_ = 	snop  }
0xae3: {  	_ = 	snop  }
0xae4: {  	_ = 	snop  }
0xae5: {  	_ = 	snop  }
0xae6: {  	_ = 	snop  }
0xae7: {  	_ = 	snop  }
0xae8: {  	_ = 	snop  }
0xae9: {  	_ = 	snop  }
0xaea: {  	_ = 	snop  }
0xaeb: {  	_ = 	snop  }
0xaec: {  	_ = 	snop  }
0xaed: {  	_ = 	snop  }
0xaee: {  	_ = 	snop  }
0xaef: {  	_ = 	snop  }
.Ltmp16:
0xaf0: {  	(pc) =	sbr.rel .LBB2_22-.Ltmp16, $4  }
0xaf1: {  	_ = 	snop  }
0xaf2: {  	_ = 	snop  }
0xaf3: {  	_ = 	snop  }
0xaf4: {  	[tilespmem:$0x1FBF0] =	vst v2;
	v2 =	vmov v27;
	v50 =	vmov v32;
	v28 =	vmov v38;
	s10 =	simm.s32 $0x16600  }
.LBB2_9:
0xaf5: {  	_ = 	snop  }
0xaf6: {  	_ = 	snop  }
0xaf7: {  	_ = 	snop  }
0xaf8: {  	_ = 	snop  }
0xaf9: {  	_ = 	snop  }
0xafa: {  	_ = 	snop  }
0xafb: {  	_ = 	snop  }
0xafc: {  	_ = 	snop  }
0xafd: {  	_ = 	snop  }
0xafe: {  	_ = 	snop  }
0xaff: {  	_ = 	snop  }
0xb00: {  	_ = 	snop  }
0xb01: {  	_ = 	snop  }
0xb02: {  	_ = 	snop  }
0xb03: {  	_ = 	snop  }
0xb04: {  	_ = 	snop  }
0xb05: {  	_ = 	snop  }
0xb06: {  	_ = 	snop  }
0xb07: {  	_ = 	snop  }
0xb08: {  	_ = 	snop  }
0xb09: {  	_ = 	snop  }
0xb0a: {  	_ = 	snop  }
0xb0b: {  	_ = 	snop  }
0xb0c: {  	_ = 	snop  }
0xb0d: {  	_ = 	snop  }
0xb0e: {  	_ = 	snop  }
0xb0f: {  	_ = 	snop  }
0xb10: {  	_ = 	snop  }
0xb11: {  	_ = 	snop  }
0xb12: {  	_ = 	snop  }
0xb13: {  	_ = 	snop  }
0xb14: {  	_ = 	snop  }
0xb15: {  	_ = 	snop  }
0xb16: {  	_ = 	snop  }
0xb17: {  	_ = 	snop  }
0xb18: {  	_ = 	snop  }
0xb19: {  	_ = 	snop  }
0xb1a: {  	_ = 	snop  }
0xb1b: {  	_ = 	snop  }
0xb1c: {  	_ = 	snop  }
0xb1d: {  	_ = 	snop  }
0xb1e: {  	_ = 	snop  }
0xb1f: {  	_ = 	snop  }
0xb20: {  	_ = 	snop  }
0xb21: {  	_ = 	snop  }
0xb22: {  	_ = 	snop  }
0xb23: {  	_ = 	snop  }
0xb24: {  	_ = 	snop  }
0xb25: {  	_ = 	snop  }
0xb26: {  	_ = 	snop  }
0xb27: {  	_ = 	snop  }
0xb28: {  	_ = 	snop  }
0xb29: {  	_ = 	snop  }
0xb2a: {  	_ = 	snop  }
0xb2b: {  	_ = 	snop  }
0xb2c: {  	_ = 	snop  }
0xb2d: {  	_ = 	snop  }
0xb2e: {  	_ = 	snop  }
0xb2f: {  	_ = 	snop  }
0xb30: {  	_ = 	snop  }
0xb31: {  	_ = 	snop  }
0xb32: {  	_ = 	snop  }
0xb33: {  	_ = 	snop  }
0xb34: {  	_ = 	snop  }
0xb35: {  	_ = 	snop  }
0xb36: {  	_ = 	snop  }
0xb37: {  	_ = 	snop  }
.Ltmp17:
0xb38: {  	(pc) =	sbr.rel .LBB2_22-.Ltmp17, $4  }
0xb39: {  	_ = 	snop  }
0xb3a: {  	_ = 	snop  }
0xb3b: {  	[tilespmem:$0x1FBF0] =	vst v2;
	v2 =	vmovc v27;
	v25 =	vmovc v30;
	v16 =	vmov v42;
	v57 =	vmov v32;
	v50 =	vmov v23  }
0xb3c: {  	v26 =	vmovc v44;
	v8 =	vmovc v38;
	v28 =	vld [tilespmem:$0x1FBE0];
	v18 =	vmov v52;
	v12 =	vmov v40;
	v24 =	vmov v55;
	s11 =	simm.s32 $0x16600;
	s10 =	simm.s32 $0x16A00;
	s25 =	simm.s32 $0x4000  }
.LBB2_11:
0xb3d: {  	v1 =	vld [tilespmem:$0x1FBC0];
	_ =	sdelay $0x4  }
0xb3e: {  	v57 =	vmov v23;
	v23 =	vmov v1  }
0xb3f: {  	_ = 	snop  }
0xb40: {  	_ = 	snop  }
0xb41: {  	_ = 	snop  }
0xb42: {  	_ = 	snop  }
0xb43: {  	_ = 	snop  }
0xb44: {  	_ = 	snop  }
0xb45: {  	_ = 	snop  }
0xb46: {  	_ = 	snop  }
0xb47: {  	_ = 	snop  }
0xb48: {  	_ = 	snop  }
0xb49: {  	_ = 	snop  }
0xb4a: {  	_ = 	snop  }
0xb4b: {  	_ = 	snop  }
0xb4c: {  	_ = 	snop  }
0xb4d: {  	_ = 	snop  }
0xb4e: {  	_ = 	snop  }
0xb4f: {  	_ = 	snop  }
0xb50: {  	_ = 	snop  }
0xb51: {  	_ = 	snop  }
0xb52: {  	_ = 	snop  }
0xb53: {  	_ = 	snop  }
0xb54: {  	_ = 	snop  }
0xb55: {  	_ = 	snop  }
0xb56: {  	_ = 	snop  }
0xb57: {  	_ = 	snop  }
0xb58: {  	_ = 	snop  }
0xb59: {  	_ = 	snop  }
0xb5a: {  	_ = 	snop  }
0xb5b: {  	_ = 	snop  }
0xb5c: {  	_ = 	snop  }
0xb5d: {  	_ = 	snop  }
0xb5e: {  	_ = 	snop  }
0xb5f: {  	_ = 	snop  }
0xb60: {  	_ = 	snop  }
0xb61: {  	_ = 	snop  }
0xb62: {  	_ = 	snop  }
0xb63: {  	_ = 	snop  }
0xb64: {  	_ = 	snop  }
0xb65: {  	_ = 	snop  }
0xb66: {  	_ = 	snop  }
0xb67: {  	_ = 	snop  }
0xb68: {  	_ = 	snop  }
0xb69: {  	_ = 	snop  }
0xb6a: {  	_ = 	snop  }
0xb6b: {  	_ = 	snop  }
0xb6c: {  	_ = 	snop  }
0xb6d: {  	_ = 	snop  }
0xb6e: {  	_ = 	snop  }
0xb6f: {  	_ = 	snop  }
0xb70: {  	_ = 	snop  }
0xb71: {  	_ = 	snop  }
0xb72: {  	_ = 	snop  }
0xb73: {  	_ = 	snop  }
0xb74: {  	_ = 	snop  }
0xb75: {  	_ = 	snop  }
0xb76: {  	_ = 	snop  }
0xb77: {  	_ = 	snop  }
0xb78: {  	_ = 	snop  }
0xb79: {  	_ = 	snop  }
0xb7a: {  	_ = 	snop  }
0xb7b: {  	_ = 	snop  }
0xb7c: {  	_ = 	snop  }
0xb7d: {  	_ = 	snop  }
0xb7e: {  	_ = 	snop  }
0xb7f: {  	_ = 	snop  }
0xb80: {  	_ = 	snop  }
.Ltmp18:
0xb81: {  	v58 =	vld [tilespmem:$0x1FBA0];
	(pc) =	sbr.rel .LBB2_22-.Ltmp18, $4  }
0xb82: {  	v8 =	vld [tilespmem:$0x1FBE0]  }
0xb83: {  	v44 =	vmov v30;
	v30 =	vld [tilespmem:$0x1FB90]  }
0xb84: {  	[tilespmem:$0x1FBF0] =	vst v2;
	v2 =	vmovc v27;
	v21 =	vmovc v32;
	v45 =	vmov v38;
	v16 =	vmov v59;
	v26 =	vmov v36;
	v14 =	vld [tilespmem:$0x1FBB0]  }
0xb85: {  	v28 =	vmovc v51;
	v25 =	vmovc v39;
	v18 =	vmov v43;
	v12 =	vmov v11;
	v24 =	vmov v31;
	v59 =	vld [tilespmem:$0x1FBD0];
	s31 =	simm.s32 $0x16600;
	s11 =	simm.s32 $0x16A00;
	s10 =	simm.s32 $0x16E00  }
.LBB2_13:
0xb86: {  	_ = 	snop  }
0xb87: {  	_ = 	snop  }
0xb88: {  	v1 =	vld [tilespmem:$0x1FBA0];
	_ =	sdelay $0x4  }
0xb89: {  	[tilespmem:$0x1FAD0] =	vst v1  }
0xb8a: {  	_ = 	snop  }
0xb8b: {  	v1 =	vld [tilespmem:$0x1FB90];
	_ =	sdelay $0x4  }
0xb8c: {  	[tilespmem:$0x1FAE0] =	vst v1  }
0xb8d: {  	_ = 	snop  }
0xb8e: {  	v1 =	vld [tilespmem:$0x1FB50];
	_ =	sdelay $0x4  }
0xb8f: {  	[tilespmem:$0x1FAF0] =	vst v1  }
0xb90: {  	_ = 	snop  }
0xb91: {  	_ = 	snop  }
0xb92: {  	_ = 	snop  }
0xb93: {  	v1 =	vld [tilespmem:$0x1FBD0];
	_ =	sdelay $0x4  }
0xb94: {  	[tilespmem:$0x1FB20] =	vst v1  }
0xb95: {  	_ = 	snop  }
0xb96: {  	_ = 	snop  }
0xb97: {  	_ = 	snop  }
0xb98: {  	_ = 	snop  }
0xb99: {  	_ = 	snop  }
0xb9a: {  	_ = 	snop  }
0xb9b: {  	_ = 	snop  }
0xb9c: {  	_ = 	snop  }
0xb9d: {  	_ = 	snop  }
0xb9e: {  	_ = 	snop  }
0xb9f: {  	_ = 	snop  }
0xba0: {  	_ = 	snop  }
0xba1: {  	_ = 	snop  }
0xba2: {  	_ = 	snop  }
0xba3: {  	_ = 	snop  }
0xba4: {  	_ = 	snop  }
0xba5: {  	_ = 	snop  }
0xba6: {  	_ = 	snop  }
0xba7: {  	_ = 	snop  }
0xba8: {  	_ = 	snop  }
0xba9: {  	_ = 	snop  }
0xbaa: {  	_ = 	snop  }
0xbab: {  	_ = 	snop  }
0xbac: {  	_ = 	snop  }
0xbad: {  	_ = 	snop  }
0xbae: {  	_ = 	snop  }
0xbaf: {  	_ = 	snop  }
0xbb0: {  	_ = 	snop  }
0xbb1: {  	_ = 	snop  }
0xbb2: {  	_ = 	snop  }
0xbb3: {  	_ = 	snop  }
0xbb4: {  	_ = 	snop  }
0xbb5: {  	_ = 	snop  }
0xbb6: {  	_ = 	snop  }
0xbb7: {  	_ = 	snop  }
0xbb8: {  	_ = 	snop  }
0xbb9: {  	_ = 	snop  }
0xbba: {  	[tilespmem:$0x1FBF0] =	vst v2;
	v2 =	vmov v27;
	v27 =	vld [tilespmem:$0x1FB40]  }
0xbbb: {  	v40 =	vld [tilespmem:$0x1FBB0]  }
0xbbc: {  	v36 =	vld [tilespmem:$0x1FBC0]  }
.Ltmp19:
0xbbd: {  	(pc) =	sbr.rel .LBB2_22-.Ltmp19, $4  }
0xbbe: {  	v16 =	vmovc v20;
	v58 =	vmov v43;
	v21 =	vmov v23;
	v8 =	vmov v50  }
0xbbf: {  	v23 =	vmovc v54;
	v50 =	vmovc v29;
	v26 =	vmov v52;
	v9 =	vmov v51;
	v28 =	vmov v30;
	[tilespmem:$0x1FB00] =	vst v27  }
0xbc0: {  	s31 =	simm.s32 $0x16A00;
	s11 =	simm.s32 $0x16E00;
	v45 =	vld [tilespmem:$0x1FBE0];
	v44 =	vmovc v39;
	v30 =	vmovc v31;
	v18 =	vmov v42;
	v12 =	vmov v37;
	v24 =	vmov v22;
	[tilespmem:$0x1FB10] =	vst v40  }
0xbc1: {  	v14 =	vld [tilespmem:$0x1FB60];
	v25 =	vmovc v55;
	v51 =	vmovc v3;
	s10 =	simm.s32 $0x17200;
	s9 =	simm.s32 $0x16600;
	s25 =	simm.s32 $0x8000;
	v3 =	vmov v41;
	v57 =	vmov v8;
	v8 =	vmov v9;
	[tilespmem:$0x1FB30] =	vst v36  }
.LBB2_15:
0xbc2: {  	_ = 	snop  }
0xbc3: {  	v8 =	vld [tilespmem:$0x1FB90];
	_ =	sdelay $0x3  }
0xbc4: {  	v63 =	vmov v1  }
0xbc5: {  	[tilespmem:$0x1F920] =	vst v8;
	v8 =	vld [tilespmem:$0x1F9A0]  }
0xbc6: {  	v1 =	vld [tilespmem:$0x1FBA0];
	_ =	sdelay $0x3  }
0xbc7: {  	[tilespmem:$0x1FAD0] =	vst v8  }
0xbc8: {  	[tilespmem:$0x1F980] =	vst v1;
	v8 =	vld [tilespmem:$0x1FB50]  }
0xbc9: {  	_ = 	snop  }
0xbca: {  	_ = 	snop  }
0xbcb: {  	_ = 	snop  }
0xbcc: {  	_ = 	snop  }
0xbcd: {  	[tilespmem:$0x1F950] =	vst v8  }
0xbce: {  	v8 =	vld [tilespmem:$0x1FBB0]  }
0xbcf: {  	_ = 	snop  }
0xbd0: {  	_ = 	snop  }
0xbd1: {  	_ = 	snop  }
0xbd2: {  	_ = 	snop  }
0xbd3: {  	[tilespmem:$0x1F960] =	vst v8;
	v8 =	vld [tilespmem:$0x1FB60]  }
0xbd4: {  	_ = 	snop  }
0xbd5: {  	[tilespmem:$0x1FBF0] =	vst v2  }
0xbd6: {  	[tilespmem:$0x1F930] =	vst v32;
	v11 =	vld [tilespmem:$0x1FB40]  }
0xbd7: {  	[tilespmem:$0x1FAE0] =	vst v31;
	v38 =	vld [tilespmem:$0x1FBE0]  }
0xbd8: {  	v26 =	vmov v44;
	v44 =	vmov v55;
	v55 =	vld [tilespmem:$0x1F9C0];
	[tilespmem:$0x1FB10] =	vst v8  }
0xbd9: {  	[tilespmem:$0x1FB00] =	vst v39;
	v8 =	vld [tilespmem:$0x1FBD0]  }
.Ltmp20:
0xbda: {  	[tilespmem:$0x1FB20] =	vst v59;
	(pc) =	sbr.rel .LBB2_22-.Ltmp20, $4  }
0xbdb: {  	v2 =	vmov v27;
	v16 =	vmov v19;
	v57 =	vld [tilespmem:$0x1F9D0];
	[tilespmem:$0x1F940] =	vst v11  }
0xbdc: {  	v45 =	vmovc v51;
	v17 =	vmovc v48;
	v28 =	vmov v36;
	v18 =	vmov v33;
	v24 =	vld [tilespmem:$0x1F990];
	v25 =	vmov v50;
	[tilespmem:$0x1FAF0] =	vst v38  }
0xbdd: {  	s31 =	simm.s32 $0x16E00;
	s11 =	simm.s32 $0x17200;
	v12 =	vmovc v47;
	v51 =	vmovc v54;
	v48 =	vmov v13;
	v32 =	vmov v23;
	v23 =	vmov v52;
	v21 =	vld [tilespmem:$0x1F9B0];
	[tilespmem:$0x1FB30] =	vst v55  }
0xbde: {  	s10 =	simm.s32 $0x17600;
	s30 =	simm.s32 $0x16600;
	s9 =	simm.s32 $0x16A00;
	v58 =	vmovc v42;
	v50 =	vmovc v41;
	v14 =	vmov v37;
	v59 =	vmov v20;
	v31 =	vld [tilespmem:$0x1FBC0];
	[tilespmem:$0x1F970] =	vst v8;
	v8 =	vmov v17  }
.LBB2_17:
0xbdf: {  	v1 =	vld [tilespmem:$0x1FB40]  }
0xbe0: {  	[tilespmem:$0x1FBF0] =	vst v2;
	v9 =	vld [tilespmem:$0x1F9F0]  }
0xbe1: {  	[tilespmem:$0x1FAD0] =	vst v30;
	v8 =	vld [tilespmem:$0x1FBC0]  }
0xbe2: {  	v15 =	vld [tilespmem:$0x1F7C0];
	[tilespmem:$0x1F930] =	vst v47  }
0xbe3: {  	v33 =	vld [tilespmem:$0x1FB70];
	[tilespmem:$0x1F940] =	vst v39  }
0xbe4: {  	v32 =	vld [tilespmem:$0x1F9B0];
	[tilespmem:$0x1FAE0] =	vst v35  }
0xbe5: {  	v21 =	vld [tilespmem:$0x1F9D0];
	[tilespmem:$0x1F950] =	vst v38  }
0xbe6: {  	[tilespmem:$0x1F790] =	vst v8;
	v8 =	vld [tilespmem:$0x1FBA0]  }
0xbe7: {  	v13 =	vld [tilespmem:$0x1FA00];
	[tilespmem:$0x1FAF0] =	vst v34  }
0xbe8: {  	v48 =	vmov v26;
	v26 =	vld [tilespmem:$0x1F7D0];
	[tilespmem:$0x1FB00] =	vst v55  }
0xbe9: {  	v45 =	vld [tilespmem:$0x1F810];
	[tilespmem:$0x1FB10] =	vst v37  }
0xbea: {  	[tilespmem:$0x1F920] =	vst v9;
	v9 =	vld [tilespmem:$0x1FB50]  }
0xbeb: {  	[tilespmem:$0x1F7A0] =	vst v8;
	v8 =	vld [tilespmem:$0x1F9A0]  }
0xbec: {  	v59 =	vld [tilespmem:$0x1FBB0];
	[tilespmem:$0x1FB20] =	vst v20  }
0xbed: {  	v61 =	vmov v11;
	v11 =	vld [tilespmem:$0x1FBD0];
	[tilespmem:$0x1FB30] =	vst v52  }
0xbee: {  	[tilespmem:$0x1F750] =	vst v1;
	v1 =	vld [tilespmem:$0x1FB60]  }
0xbef: {  	[tilespmem:$0x1F760] =	vst v9;
	v9 =	vld [tilespmem:$0x1F820]  }
0xbf0: {  	[tilespmem:$0x1F980] =	vst v8;
	v8 =	vld [tilespmem:$0x1FB90]  }
.Ltmp21:
0xbf1: {  	v30 =	vld [tilespmem:$0x1F990];
	[tilespmem:$0x1F770] =	vst v59;
	(pc) =	sbr.rel .LBB2_22-.Ltmp21, $4  }
0xbf2: {  	v63 =	vmov v18;
	v18 =	vld [tilespmem:$0x1F7E0];
	[tilespmem:$0x1F780] =	vst v11  }
0xbf3: {  	v2 =	vmovc v23;
	v60 =	vmovc v16;
	v56 =	vmov v22;
	v23 =	vmov v44;
	v49 =	vmov v17;
	v24 =	vld [tilespmem:$0x1F7F0];
	[tilespmem:$0x1F970] =	vst v13  }
0xbf4: {  	s31 =	simm.s32 $0x17200;
	s11 =	simm.s32 $0x17600;
	s1 =	simm.s32 $0x16600;
	v57 =	vmovc v41;
	v58 =	vmovc v25;
	v12 =	vmov v31;
	v44 =	vmov v50;
	v25 =	vld [tilespmem:$0x1F800];
	v31 =	vmov v54;
	[tilespmem:$0x1F960] =	vst v1  }
0xbf5: {  	s30 =	simm.s32 $0x16A00;
	s9 =	simm.s32 $0x16E00;
	s25 =	simm.s32 $0xC000;
	v50 =	vmovc v27;
	v28 =	vld [tilespmem:$0x1F830];
	v16 =	vmovc v15;
	v59 =	vmov v19;
	v35 =	vmov v15;
	[tilespmem:$0x1F7B0] =	vst v8;
	v8 =	vmov v9  }
.LBB2_19:
0xbf6: {  	v1 =	vld [tilespmem:$0x1FA20];
	_ =	sdelay $0x3  }
0xbf7: {  	v3 =	vld [tilespmem:$0x1F8A0]  }
0xbf8: {  	[tilespmem:$0x1F750] =	vst v1;
	v1 =	vld [tilespmem:$0x1FA60];
	_ =	sdelay $0x3  }
0xbf9: {  	[tilespmem:$0x1FAD0] =	vst v3;
	v3 =	vld [tilespmem:$0x1F9B0]  }
0xbfa: {  	[tilespmem:$0x1F920] =	vst v1;
	v1 =	vld [tilespmem:$0x1F990];
	_ =	sdelay $0x3  }
0xbfb: {  	[tilespmem:$0x1F930] =	vst v3;
	v3 =	vld [tilespmem:$0x1FA70]  }
0xbfc: {  	[tilespmem:$0x1FAE0] =	vst v1;
	v1 =	vld [tilespmem:$0x1FBE0];
	_ =	sdelay $0x3  }
0xbfd: {  	[tilespmem:$0x1F940] =	vst v3;
	v3 =	vld [tilespmem:$0x1FA10]  }
0xbfe: {  	[tilespmem:$0x1F760] =	vst v1;
	v1 =	vld [tilespmem:$0x1F810];
	_ =	sdelay $0x3  }
0xbff: {  	[tilespmem:$0x1F950] =	vst v3;
	v3 =	vld [tilespmem:$0x1FA30]  }
0xc00: {  	[tilespmem:$0x1FAF0] =	vst v1;
	v1 =	vld [tilespmem:$0x1F8C0];
	_ =	sdelay $0x3  }
0xc01: {  	[tilespmem:$0x1F960] =	vst v3;
	v3 =	vld [tilespmem:$0x1FA40]  }
0xc02: {  	[tilespmem:$0x1FB00] =	vst v1;
	v1 =	vld [tilespmem:$0x1FB60]  }
0xc03: {  	v2 =	vld [tilespmem:$0x1FFF0]  }
0xc04: {  	[tilespmem:$0x1FBF0] =	vst v8;
	v8 =	vld [tilespmem:$0x1F830]  }
0xc05: {  	v23 =	vld [tilespmem:$0x1F7D0]  }
0xc06: {  	[tilespmem:$0x1F970] =	vst v3;
	v3 =	vld [tilespmem:$0x1F9C0]  }
0xc07: {  	[tilespmem:$0x1F770] =	vst v1;
	v1 =	vld [tilespmem:$0x1F850]  }
0xc08: {  	v33 =	vld [tilespmem:$0x1F9E0]  }
0xc09: {  	v32 =	vld [tilespmem:$0x1F9D0]  }
0xc0a: {  	v21 =	vld [tilespmem:$0x1F870]  }
0xc0b: {  	[tilespmem:$0x1F790] =	vst v3;
	v3 =	vld [tilespmem:$0x1F9A0]  }
0xc0c: {  	[tilespmem:$0x1FB10] =	vst v1;
	v1 =	vld [tilespmem:$0x1FA00]  }
0xc0d: {  	v58 =	vld [tilespmem:$0x1F7E0]  }
0xc0e: {  	v45 =	vld [tilespmem:$0x1F820]  }
0xc0f: {  	v30 =	vld [tilespmem:$0x1F7F0]  }
0xc10: {  	[tilespmem:$0x1F7A0] =	vst v3;
	v3 =	vld [tilespmem:$0x1FA50]  }
0xc11: {  	[tilespmem:$0x1F780] =	vst v1;
	v1 =	vld [tilespmem:$0x1F860]  }
0xc12: {  	v14 =	vld [tilespmem:$0x1F8B0]  }
0xc13: {  	v44 =	vld [tilespmem:$0x1F800]  }
0xc14: {  	v35 =	vld [tilespmem:$0x1F7C0]  }
0xc15: {  	[tilespmem:$0x1F980] =	vst v3;
	v3 =	vld [tilespmem:$0x1F9F0]  }
0xc16: {  	[tilespmem:$0x1FB20] =	vst v1;
	v1 =	vld [tilespmem:$0x1F880]  }
.Ltmp22:
0xc17: {  	v31 =	vld [tilespmem:$0x1FA80];
	(pc) =	sbr.rel .LBB2_22-.Ltmp22, $4  }
0xc18: {  	v16 =	vld [tilespmem:$0x1F710]  }
0xc19: {  	s31 =	simm.s32 $0x17600;
	v57 =	vmov v26;
	v26 =	vld [tilespmem:$0x1F720]  }
0xc1a: {  	s11 =	simm.s32 $0x17A00;
	s10 =	simm.s32 $0x17E00;
	s0 =	simm.s32 $0x16600;
	v18 =	vld [tilespmem:$0x1F730];
	[tilespmem:$0x1F7B0] =	vst v3  }
0xc1b: {  	s1 =	simm.s32 $0x16A00;
	s30 =	simm.s32 $0x16E00;
	s9 =	simm.s32 $0x17200;
	v50 =	vmovc v11;
	v28 =	vmovc v13;
	v24 =	vld [tilespmem:$0x1F740];
	v12 =	vmov v15;
	v59 =	vmov v35;
	v3 =	vmov v19;
	[tilespmem:$0x1FB30] =	vst v1  }
.LBB2_26:
0xc1c: {  	_ =	sfence.sel $0x180000  }
0xc1d: {  	[bflag:$0x0] =	sbarrier.arrive $0xFFFF  }
0xc1e: {  	_ =	strace $0x90000047  }
0xc1f: {  	s0 =	stileid.u32;
	[bflag:$0x2] =	sbarrier.arrive $0xFFFF  }
0xc20: {  	p0 =	sne.s32 s0, $0x0;
	s0 =	rddreg [dreg:$0x2]  }
0xc21: {  	s0 =	sadd.s32 @!p0 $0x100000, s0  }
0xc22: {  	[sflag:s0] =	ssyncadd.tile.s32 @!p0 $0x1;
	_ =	shalt  }
.Lfunc_end2:
_tile_overlayer_lowered:
.L_overlay_start_2:
0xc23: {  	(tag) =	ssettag $0x2  }
0xc24: {  	s0 =	rddreg [dreg:$0x0];
	s2 =	stileid.u32  }
0xc25: {  	s1 =	rddreg [dreg:$0x1];
	p0 =	sne.s32 s2, $0x0  }
0xc26: {  	s3 =	rddreg [dreg:$0x2];
	[bflag:$0x3] =	sbarrier.arrive $0xFFFF;
	s2 =	simm.s32 @!p0 $0x1C03  }
0xc27: {  	[timem:s3], [sflag:s2] =	dma.local @!p0 [hbm:s0], s1  }
0xc28: {  	s0 =	simm.s32 @!p0 $0x3  }
0xc29: {  	_ =	swait.ge @!p0 [sflag:s0], s1  }
0xc2a: {  	s1 =	ssub.s32 @!p0 $0x0, s1;
	[sflag:s0] =	ssyncset.done @!p0 $0x0  }
0xc2b: {  	[sflag:s0] =	ssyncadd.s32 @!p0 s1  }
0xc2c: {  	[bflag:$0x3] =	sbarrier.arrive $0xFFFF  }
0xc2d: {  	_ =	shalt  }

</sc_bundles>
